<compile_context>
chip_gen: v7x
topology: tpu7x:2x2x1
jax: 0.10.2.dev20260603
libtpu: 0.0.44.dev20260713+nightly
codegen_flags: <defaults>
</compile_context>

<pallas_src>
import functools

import numpy as np
import jax
import jax.numpy as jnp
from jax import lax
from jax.experimental import pallas as pl
from jax.experimental.pallas import tpu as pltpu

H = 90
W = 180
NG = H * W
NM = 10242
K_NBR = 16
D = 256
COND = 32
N_FREQ = 32
BASE_PERIOD = 16.0
N_HEADS = 8
DH = D // N_HEADS
FFW = 512


def _silu(x):
    return x / (1.0 + jnp.exp(-x))


def _ceil_to(n, m):
    return ((n + m - 1) // m) * m


def _pad_rows(x, m, value=0.0):
    n = x.shape[0]
    npad = _ceil_to(n, m)
    if npad == n:
        return x
    pad = [(0, npad - n)] + [(0, 0)] * (x.ndim - 1)
    return jnp.pad(x, pad, constant_values=value)


def _full_spec(shape):
    nd = len(shape)
    return pl.BlockSpec(shape, lambda i: (0,) * nd)


def _mlp_chain(x, layers, blk=512):
    n, din = x.shape
    xp = _pad_rows(x, blk)
    npad = xp.shape[0]
    grid = npad // blk
    acts = tuple(a for _, _, a in layers)
    dout = layers[-1][0].shape[1]

    wbs = []
    in_specs = [pl.BlockSpec((blk, din), lambda i: (i, 0))]
    for w, b, _ in layers:
        b2 = jnp.zeros((1, w.shape[1]), jnp.float32) if b is None else b.reshape(1, -1)
        wbs.extend([w, b2])
        in_specs.append(_full_spec(w.shape))
        in_specs.append(_full_spec(b2.shape))

    def body(x_ref, *refs):
        out_ref = refs[-1]
        h = x_ref[...]
        for i, act in enumerate(acts):
            h = jnp.dot(h, refs[2 * i][...], preferred_element_type=jnp.float32)
            h = h + refs[2 * i + 1][...]
            if act:
                h = _silu(h)
        out_ref[...] = h

    out = pl.pallas_call(
        body,
        grid=(grid,),
        in_specs=in_specs,
        out_specs=pl.BlockSpec((blk, dout), lambda i: (i, 0)),
        out_shape=jax.ShapeDtypeStruct((npad, dout), jnp.float32),
    )(xp, *wbs)
    return out[:n]


def _edge_mlp(sA, rB, ef, w0e, w1, b1, w2, b2, blk=512):
    n = sA.shape[0]
    grid = n // blk

    def body(sa_ref, rb_ref, ef_ref, w0_ref, w1_ref, b1_ref, w2_ref, b2_ref, out_ref):
        h0 = sa_ref[...] + rb_ref[...] + jnp.dot(
            ef_ref[...], w0_ref[...], preferred_element_type=jnp.float32)
        h0 = _silu(h0)
        h1 = _silu(jnp.dot(h0, w1_ref[...], preferred_element_type=jnp.float32) + b1_ref[...])
        out_ref[...] = jnp.dot(h1, w2_ref[...], preferred_element_type=jnp.float32) + b2_ref[...]

    de = ef.shape[1]
    return pl.pallas_call(
        body,
        grid=(grid,),
        in_specs=[
            pl.BlockSpec((blk, D), lambda i: (i, 0)),
            pl.BlockSpec((blk, D), lambda i: (i, 0)),
            pl.BlockSpec((blk, de), lambda i: (i, 0)),
            _full_spec(w0e.shape),
            _full_spec(w1.shape),
            _full_spec((1, D)),
            _full_spec(w2.shape),
            _full_spec((1, D)),
        ],
        out_specs=pl.BlockSpec((blk, D), lambda i: (i, 0)),
        out_shape=jax.ShapeDtypeStruct((n, D), jnp.float32),
    )(sA, rB, ef, w0e, w1, b1.reshape(1, -1), w2, b2.reshape(1, -1))


def _node_update(lat, agg, w0a, w0b, b0, w1, b1, w2, b2, fw, fb, cond8, blk=512):
    n = lat.shape[0]
    latp = _pad_rows(lat, blk)
    aggp = _pad_rows(agg, blk)
    npad = latp.shape[0]
    grid = npad // blk

    def body(lat_ref, agg_ref, cond_ref, w0a_ref, w0b_ref, b0_ref, w1_ref, b1_ref,
             w2_ref, b2_ref, fw_ref, fb_ref, out_ref):
        film = jnp.dot(cond_ref[...], fw_ref[...], preferred_element_type=jnp.float32) + fb_ref[...]
        scale = film[0:1, :D]
        shift = film[0:1, D:]
        latv = lat_ref[...]
        h = jnp.dot(latv, w0a_ref[...], preferred_element_type=jnp.float32)
        h = h + jnp.dot(agg_ref[...], w0b_ref[...], preferred_element_type=jnp.float32)
        h = _silu(h + b0_ref[...])
        h = _silu(jnp.dot(h, w1_ref[...], preferred_element_type=jnp.float32) + b1_ref[...])
        upd = jnp.dot(h, w2_ref[...], preferred_element_type=jnp.float32) + b2_ref[...]
        out_ref[...] = latv + upd * (1.0 + scale) + shift

    out = pl.pallas_call(
        body,
        grid=(grid,),
        in_specs=[
            pl.BlockSpec((blk, D), lambda i: (i, 0)),
            pl.BlockSpec((blk, D), lambda i: (i, 0)),
            _full_spec((8, COND)),
            _full_spec((D, D)),
            _full_spec((D, D)),
            _full_spec((1, D)),
            _full_spec((D, D)),
            _full_spec((1, D)),
            _full_spec((D, D)),
            _full_spec((1, D)),
            _full_spec((COND, 2 * D)),
            _full_spec((1, 2 * D)),
        ],
        out_specs=pl.BlockSpec((blk, D), lambda i: (i, 0)),
        out_shape=jax.ShapeDtypeStruct((npad, D), jnp.float32),
    )(latp, aggp, cond8, w0a, w0b, b0.reshape(1, -1), w1, b1.reshape(1, -1),
      w2, b2.reshape(1, -1), fw, fb.reshape(1, -1))
    return out[:n]


def _qkv(x, cond8, f1w, f1b, wq, bq, wk, bk, wv, bv, blk=512):
    n = x.shape[0]
    grid = n // blk

    def body(x_ref, cond_ref, f1w_ref, f1b_ref, wq_ref, bq_ref, wk_ref, bk_ref,
             wv_ref, bv_ref, q_ref, k_ref, v_ref):
        film = jnp.dot(cond_ref[...], f1w_ref[...], preferred_element_type=jnp.float32) + f1b_ref[...]
        s1 = film[0:1, :D]
        t1 = film[0:1, D:]
        xv = x_ref[...]
        mu = jnp.mean(xv, axis=-1, keepdims=True)
        var = jnp.mean((xv - mu) ** 2, axis=-1, keepdims=True)
        hv = (xv - mu) / jnp.sqrt(var + 1e-5) * (1.0 + s1) + t1
        q_ref[...] = jnp.dot(hv, wq_ref[...], preferred_element_type=jnp.float32) + bq_ref[...]
        k_ref[...] = jnp.dot(hv, wk_ref[...], preferred_element_type=jnp.float32) + bk_ref[...]
        v_ref[...] = jnp.dot(hv, wv_ref[...], preferred_element_type=jnp.float32) + bv_ref[...]

    row = pl.BlockSpec((blk, D), lambda i: (i, 0))
    outs = pl.pallas_call(
        body,
        grid=(grid,),
        in_specs=[
            row,
            _full_spec((8, COND)),
            _full_spec((COND, 2 * D)),
            _full_spec((1, 2 * D)),
            _full_spec((D, D)), _full_spec((1, D)),
            _full_spec((D, D)), _full_spec((1, D)),
            _full_spec((D, D)), _full_spec((1, D)),
        ],
        out_specs=[row, row, row],
        out_shape=[jax.ShapeDtypeStruct((n, D), jnp.float32)] * 3,
    )(x, cond8, f1w, f1b.reshape(1, -1), wq, bq.reshape(1, -1), wk, bk.reshape(1, -1),
      wv, bv.reshape(1, -1))
    return outs


def _attn_ffw(x, q, kn3, vn3, cond8, f2w, f2b, wo, bo, ff1w, ff1b, ff2w, ff2b, blk=256):
    n = x.shape[0]
    grid = n // blk

    def body(x_ref, q_ref, kn_ref, vn_ref, cond_ref, f2w_ref, f2b_ref, wo_ref, bo_ref,
             w1_ref, b1_ref, w2_ref, b2_ref, out_ref):
        r = lax.broadcasted_iota(jnp.int32, (D, N_HEADS), 0)
        c = lax.broadcasted_iota(jnp.int32, (D, N_HEADS), 1)
        hs = (r // DH == c).astype(jnp.float32)
        rt = lax.broadcasted_iota(jnp.int32, (N_HEADS, D), 0)
        ct = lax.broadcasted_iota(jnp.int32, (N_HEADS, D), 1)
        hst = (ct // DH == rt).astype(jnp.float32)

        qb = q_ref[...]
        scale = np.float32(1.0 / np.sqrt(DH))
        logits = []
        for kk in range(K_NBR):
            knk = kn_ref[:, kk, :]
            logits.append(jnp.dot(qb * knk, hs, preferred_element_type=jnp.float32) * scale)
        m = logits[0]
        for kk in range(1, K_NBR):
            m = jnp.maximum(m, logits[kk])
        exps = [jnp.exp(l - m) for l in logits]
        denom = exps[0]
        for kk in range(1, K_NBR):
            denom = denom + exps[kk]
        o = jnp.zeros((blk, D), jnp.float32)
        for kk in range(K_NBR):
            a = exps[kk] / denom
            o = o + jnp.dot(a, hst, preferred_element_type=jnp.float32) * vn_ref[:, kk, :]

        x1 = x_ref[...] + jnp.dot(o, wo_ref[...], preferred_element_type=jnp.float32) + bo_ref[...]

        film = jnp.dot(cond_ref[...], f2w_ref[...], preferred_element_type=jnp.float32) + f2b_ref[...]
        s2 = film[0:1, :D]
        t2 = film[0:1, D:]
        mu = jnp.mean(x1, axis=-1, keepdims=True)
        var = jnp.mean((x1 - mu) ** 2, axis=-1, keepdims=True)
        h2 = (x1 - mu) / jnp.sqrt(var + 1e-5) * (1.0 + s2) + t2
        ff = _silu(jnp.dot(h2, w1_ref[...], preferred_element_type=jnp.float32) + b1_ref[...])
        ff = jnp.dot(ff, w2_ref[...], preferred_element_type=jnp.float32) + b2_ref[...]
        out_ref[...] = x1 + ff

    row = pl.BlockSpec((blk, D), lambda i: (i, 0))
    out = pl.pallas_call(
        body,
        grid=(grid,),
        in_specs=[
            row,
            row,
            pl.BlockSpec((blk, K_NBR, D), lambda i: (i, 0, 0)),
            pl.BlockSpec((blk, K_NBR, D), lambda i: (i, 0, 0)),
            _full_spec((8, COND)),
            _full_spec((COND, 2 * D)),
            _full_spec((1, 2 * D)),
            _full_spec((D, D)), _full_spec((1, D)),
            _full_spec((D, FFW)), _full_spec((1, FFW)),
            _full_spec((FFW, D)), _full_spec((1, D)),
        ],
        out_specs=row,
        out_shape=jax.ShapeDtypeStruct((n, D), jnp.float32),
    )(x, q, kn3, vn3, cond8, f2w, f2b.reshape(1, -1), wo, bo.reshape(1, -1),
      ff1w, ff1b.reshape(1, -1), ff2w, ff2b.reshape(1, -1))
    return out


def _bipartite(p, sender_lat, receiver_lat, edge_feat, senders, receivers, cond8, n_recv):
    w0 = p['edge_mlp']['l0']['w']
    b0 = p['edge_mlp']['l0']['b']
    w0s, w0r, w0e = w0[:D], w0[D:2 * D], w0[2 * D:]

    A = _mlp_chain(sender_lat, [(w0s, None, False)])
    Br = _mlp_chain(receiver_lat, [(w0r, b0, False)])

    e = senders.shape[0]
    ep = _ceil_to(e, 512)
    senders_p = jnp.pad(senders, (0, ep - e))
    receivers_p = jnp.pad(receivers, (0, ep - e), constant_values=n_recv)
    ef_p = _pad_rows(edge_feat, 512)

    sA = jnp.take(A, senders_p, axis=0)
    rB = jnp.take(Br, jnp.where(receivers_p >= n_recv, 0, receivers_p), axis=0)

    em = p['edge_mlp']
    msg = _edge_mlp(sA, rB, ef_p, w0e,
                    em['l1']['w'], em['l1']['b'], em['l2']['w'], em['l2']['b'])

    agg = jax.ops.segment_sum(msg, receivers_p, num_segments=n_recv)

    nm = p['node_mlp']
    w0n = nm['l0']['w']
    return _node_update(receiver_lat, agg, w0n[:D], w0n[D:], nm['l0']['b'],
                        nm['l1']['w'], nm['l1']['b'], nm['l2']['w'], nm['l2']['b'],
                        p['film']['w'], p['film']['b'], cond8)


def _proc_layer(p, x, cond8, nbr_flat_p):
    q, k, v = _qkv(x, cond8, p['film1']['w'], p['film1']['b'],
                   p['wq']['w'], p['wq']['b'], p['wk']['w'], p['wk']['b'],
                   p['wv']['w'], p['wv']['b'])
    npad = x.shape[0]
    kn3 = jnp.take(k, nbr_flat_p, axis=0).reshape(npad, K_NBR, D)
    vn3 = jnp.take(v, nbr_flat_p, axis=0).reshape(npad, K_NBR, D)
    return _attn_ffw(x, q, kn3, vn3, cond8, p['film2']['w'], p['film2']['b'],
                     p['wo']['w'], p['wo']['b'], p['ff1']['w'], p['ff1']['b'],
                     p['ff2']['w'], p['ff2']['b'])


def kernel(conditioning_states, forcings, scaled_noisy_target, sigmas, grid_positions,
           mesh_positions, g2m_senders, g2m_receivers, g2m_features, m2g_senders,
           m2g_receivers, m2g_features, mesh_neighbors, params):
    b, s, c, h, w = conditioning_states.shape
    cond_flat = conditioning_states.reshape(s * c, h * w)
    grid_in = jnp.concatenate([cond_flat,
                               scaled_noisy_target.reshape(c, h * w),
                               forcings.reshape(-1, h * w)], 0)
    grid_nodes = jnp.concatenate([grid_in.T, grid_positions], -1)

    freqs = (2.0 * jnp.pi / BASE_PERIOD) * (2.0 ** jnp.arange(N_FREQ, dtype=jnp.float32))
    xf = jnp.log(sigmas)[:, None] * freqs[None, :]
    feats = jnp.concatenate([jnp.sin(xf), jnp.cos(xf)], -1)
    pn = params['noise']
    noise_emb = _mlp_chain(_pad_rows(feats, 8),
                           [(pn['l0']['w'], pn['l0']['b'], True),
                            (pn['l1']['w'], pn['l1']['b'], False)], blk=8)[:1]
    cond8 = _pad_rows(noise_emb, 8)

    ge = params['grid_embed']
    grid_lat = _mlp_chain(grid_nodes,
                          [(ge['l0']['w'], ge['l0']['b'], True),
                           (ge['l1']['w'], ge['l1']['b'], True),
                           (ge['l2']['w'], ge['l2']['b'], False)])
    me = params['mesh_embed']
    mesh_lat = _mlp_chain(mesh_positions,
                          [(me['l0']['w'], me['l0']['b'], True),
                           (me['l1']['w'], me['l1']['b'], True),
                           (me['l2']['w'], me['l2']['b'], False)])

    mesh_lat = _bipartite(params['g2m'], grid_lat, mesh_lat, g2m_features,
                          g2m_senders, g2m_receivers, cond8, NM)

    nmp = _ceil_to(NM, 512)
    xm = _pad_rows(mesh_lat, 512)
    nbr_flat = mesh_neighbors.reshape(-1).astype(jnp.int32)
    nbr_flat_p = jnp.pad(nbr_flat, (0, nmp * K_NBR - nbr_flat.shape[0]))
    for lp in params['proc']:
        xm = _proc_layer(lp, xm, cond8, nbr_flat_p)
    mesh_lat = xm[:NM]

    grid_lat = _bipartite(params['m2g'], mesh_lat, grid_lat, m2g_features,
                          m2g_senders, m2g_receivers, cond8, NG)

    oh = params['out_head']
    out = _mlp_chain(grid_lat,
                     [(oh['l0']['w'], oh['l0']['b'], True),
                      (oh['l1']['w'], oh['l1']['b'], True),
                      (oh['l2']['w'], oh['l2']['b'], False)])

    return out.T.reshape(1, c, h, w)

# --- scband reference (transcript-rebuilt; emitter-appended) ---
"""Pipeline reference for scband-gen-cast-core-12781822673003 (READ-ONLY COPY).

The authoritative reference and input builder live on the scoring server;
editing this copy changes nothing except your own understanding.
"""

import jax, jax.numpy as jnp
import numpy as np

B = 1; INPUT_STEPS = 2; C_STATE = 32; C_FORCE = 8; H = 90; W = 180
NG = H * W; NM = 10242; E_G2M = 65536; E_M2G = 48600; EDGE_DIM = 4; K_NBR = 16
D = 256; COND = 32; N_FREQ = 32; BASE_PERIOD = 16.0; N_LAYERS = 2; N_HEADS = 8; FFW = 512
GRID_IN = INPUT_STEPS * C_STATE + C_STATE + C_FORCE + 5


def _dense(key, din, dout):
    return {'w': (jax.random.normal(key, (din, dout), jnp.float32) / np.sqrt(din)).astype(jnp.float32),
            'b': jnp.zeros((dout,), jnp.float32)}


def _mlp(key, din, dh, dout):
    k0, k1, k2 = jax.random.split(key, 3)
    return {'l0': _dense(k0, din, dh), 'l1': _dense(k1, dh, dh), 'l2': _dense(k2, dh, dout)}


def mlp_f(p, x):
    h = jax.nn.silu(x @ p['l0']['w'] + p['l0']['b'])
    h = jax.nn.silu(h @ p['l1']['w'] + p['l1']['b'])
    return h @ p['l2']['w'] + p['l2']['b']


def _ln(x):
    m = jnp.mean(x, -1, keepdims=True)
    v = jnp.var(x, -1, keepdims=True)
    return (x - m) / jnp.sqrt(v + 1e-5)


def noise_enc_f(p, sigmas):
    freqs = (2.0 * jnp.pi / BASE_PERIOD) * (2.0 ** jnp.arange(N_FREQ, dtype=jnp.float32))
    x = jnp.log(sigmas)[:, None] * freqs[None, :]
    feats = jnp.concatenate([jnp.sin(x), jnp.cos(x)], -1)
    h = jax.nn.silu(feats @ p['l0']['w'] + p['l0']['b'])
    return h @ p['l1']['w'] + p['l1']['b']


def bipartite_f(p, sender, receiver, edge_feat, senders, receivers, cond):
    b = sender.shape[0]; nr = receiver.shape[1]
    s = sender[:, senders]
    r = receiver[:, receivers]
    e = jnp.broadcast_to(edge_feat[None], (b,) + edge_feat.shape)
    msg = mlp_f(p['edge_mlp'], jnp.concatenate([s, r, e], -1))
    agg = jax.vmap(lambda m: jax.ops.segment_sum(m, receivers, num_segments=nr))(msg)
    upd = mlp_f(p['node_mlp'], jnp.concatenate([receiver, agg], -1))
    film = cond @ p['film']['w'] + p['film']['b']
    scale, shift = jnp.split(film, 2, -1)
    upd = upd * (1.0 + scale[:, None, :]) + shift[:, None, :]
    return receiver + upd


def proc_layer_f(p, x, cond, neighbors):
    b, m, d = x.shape
    dh = d // N_HEADS
    f1 = cond @ p['film1']['w'] + p['film1']['b']
    s1, t1 = jnp.split(f1, 2, -1)
    h = _ln(x) * (1.0 + s1[:, None, :]) + t1[:, None, :]
    q = (h @ p['wq']['w'] + p['wq']['b']).reshape(b, m, N_HEADS, dh)
    k = h @ p['wk']['w'] + p['wk']['b']
    v = h @ p['wv']['w'] + p['wv']['b']
    kn = k[:, neighbors].reshape(b, m, K_NBR, N_HEADS, dh)
    vn = v[:, neighbors].reshape(b, m, K_NBR, N_HEADS, dh)
    logits = jnp.einsum('bmhd,bmkhd->bmhk', q, kn) / np.sqrt(dh)
    attn = jax.nn.softmax(logits, -1)
    o = jnp.einsum('bmhk,bmkhd->bmhd', attn, vn).reshape(b, m, d)
    x = x + (o @ p['wo']['w'] + p['wo']['b'])
    f2 = cond @ p['film2']['w'] + p['film2']['b']
    s2, t2 = jnp.split(f2, 2, -1)
    h2 = _ln(x) * (1.0 + s2[:, None, :]) + t2[:, None, :]
    ff = jax.nn.silu(h2 @ p['ff1']['w'] + p['ff1']['b']) @ p['ff2']['w'] + p['ff2']['b']
    return x + ff


def init_params(key):
    ks = [jax.random.fold_in(key, i) for i in range(10)]
    noise_hid = max(D // 2, COND)
    p = {}
    kn0, kn1 = jax.random.split(ks[0])
    p['noise'] = {'l0': _dense(kn0, 2 * N_FREQ, noise_hid), 'l1': _dense(kn1, noise_hid, COND)}
    p['grid_embed'] = _mlp(ks[1], GRID_IN, D, D)
    p['mesh_embed'] = _mlp(ks[2], 5, D, D)

    def bip(k):
        ka, kb, kc = jax.random.split(k, 3)
        return {'edge_mlp': _mlp(ka, 2 * D + EDGE_DIM, D, D),
                'node_mlp': _mlp(kb, 2 * D, D, D),
                'film': _dense(kc, COND, 2 * D)}

    p['g2m'] = bip(ks[3])
    p['m2g'] = bip(ks[4])
    layers = []
    for i in range(N_LAYERS):
        kl = jax.random.fold_in(ks[5], i)
        kk = jax.random.split(kl, 8)
        layers.append({'film1': _dense(kk[0], COND, 2 * D), 'wq': _dense(kk[1], D, D),
                       'wk': _dense(kk[2], D, D), 'wv': _dense(kk[3], D, D),
                       'wo': _dense(kk[4], D, D), 'film2': _dense(kk[5], COND, 2 * D),
                       'ff1': _dense(kk[6], D, FFW), 'ff2': _dense(kk[7], FFW, D)})
    p['proc'] = layers
    p['out_head'] = _mlp(ks[6], D, D, C_STATE)
    return p


def setup_inputs(seed: int = 0):
    key = jax.random.key(seed)
    ks = [jax.random.fold_in(key, 100 + i) for i in range(12)]
    inp = {}
    inp['conditioning_states'] = jax.random.normal(ks[0], (B, INPUT_STEPS, C_STATE, H, W), jnp.float32)
    inp['forcings'] = jax.random.normal(ks[1], (B, C_FORCE, H, W), jnp.float32)
    inp['scaled_noisy_target'] = jax.random.normal(ks[2], (B, C_STATE, H, W), jnp.float32)
    inp['sigmas'] = jax.random.uniform(ks[3], (B,), jnp.float32, 0.02, 1.0)
    inp['grid_positions'] = jax.random.uniform(ks[4], (NG, 5), jnp.float32, -1.0, 1.0)
    inp['mesh_positions'] = jax.random.uniform(ks[5], (NM, 5), jnp.float32, -1.0, 1.0)
    inp['g2m_senders'] = jax.random.randint(ks[6], (E_G2M,), 0, NG)
    inp['g2m_receivers'] = jax.random.randint(ks[7], (E_G2M,), 0, NM)
    inp['g2m_features'] = jax.random.normal(ks[8], (E_G2M, EDGE_DIM), jnp.float32)
    inp['m2g_senders'] = jax.random.randint(ks[9], (E_M2G,), 0, NM)
    inp['m2g_receivers'] = jax.random.randint(ks[10], (E_M2G,), 0, NG)
    inp['m2g_features'] = jax.random.normal(ks[11], (E_M2G, EDGE_DIM), jnp.float32)
    inp['mesh_neighbors'] = jax.random.randint(jax.random.fold_in(key, 200), (NM, K_NBR), 0, NM)
    inp['params'] = init_params(jax.random.fold_in(key, 300))
    return inp


def reference(conditioning_states, forcings, scaled_noisy_target, sigmas, grid_positions, mesh_positions, g2m_senders, g2m_receivers, g2m_features, m2g_senders, m2g_receivers, m2g_features, mesh_neighbors, params):
    b, s, c, h, w = conditioning_states.shape
    cond_flat = conditioning_states.reshape(b, s * c, h, w)
    grid_in = jnp.concatenate([cond_flat, scaled_noisy_target, forcings], 1)
    grid_nodes = grid_in.reshape(b, grid_in.shape[1], h * w).transpose(0, 2, 1)
    grid_nodes = jnp.concatenate([grid_nodes, jnp.broadcast_to(grid_positions[None], (b,) + grid_positions.shape)], -1)
    mesh_nodes = jnp.broadcast_to(mesh_positions[None], (b,) + mesh_positions.shape)
    noise_emb = noise_enc_f(params['noise'], sigmas)
    grid_lat = mlp_f(params['grid_embed'], grid_nodes)
    mesh_lat = mlp_f(params['mesh_embed'], mesh_nodes)
    mesh_lat = bipartite_f(params['g2m'], grid_lat, mesh_lat, g2m_features, g2m_senders, g2m_receivers, noise_emb)
    for lp in params['proc']:
        mesh_lat = proc_layer_f(lp, mesh_lat, noise_emb, mesh_neighbors)
    grid_lat = bipartite_f(params['m2g'], mesh_lat, grid_lat, m2g_features, m2g_senders, m2g_receivers, noise_emb)
    out = mlp_f(params['out_head'], grid_lat)
    return out.transpose(0, 2, 1).reshape(b, c, h, w)

if __name__ == "__main__":
    import jax
    _d = setup_inputs()
    print(jax.jit(kernel)(*tuple(_d.values())))

</pallas_src>

<mosaic_0001>
module attributes {stable_mosaic.version = 14 : i64} {
  func.func @body(%arg0: i32, %arg1: memref<512x109xf32, #tpu.memory_space<vmem>>, %arg2: memref<109x256xf32, #tpu.memory_space<vmem>>, %arg3: memref<1x256xf32, #tpu.memory_space<vmem>>, %arg4: memref<256x256xf32, #tpu.memory_space<vmem>>, %arg5: memref<1x256xf32, #tpu.memory_space<vmem>>, %arg6: memref<256x256xf32, #tpu.memory_space<vmem>>, %arg7: memref<1x256xf32, #tpu.memory_space<vmem>>, %arg8: memref<512x256xf32, #tpu.memory_space<vmem>>) attributes {dimension_semantics = [#tpu.dimension_semantics<arbitrary>], iteration_bounds = array<i64: 32>, scalar_prefetch = 0 : i64, scratch_operands = 0 : i64, tpu.core_type = #tpu.core_type<tc>, window_params = [{transform_indices = @transform_0, window_bounds = array<i64: 512, 109>}, {pipeline_mode = #tpu.pipeline_mode<synchronous>, transform_indices = @transform_1, window_bounds = array<i64: 109, 256>}, {pipeline_mode = #tpu.pipeline_mode<synchronous>, transform_indices = @transform_2, window_bounds = array<i64: 1, 256>}, {pipeline_mode = #tpu.pipeline_mode<synchronous>, transform_indices = @transform_3, window_bounds = array<i64: 256, 256>}, {pipeline_mode = #tpu.pipeline_mode<synchronous>, transform_indices = @transform_4, window_bounds = array<i64: 1, 256>}, {pipeline_mode = #tpu.pipeline_mode<synchronous>, transform_indices = @transform_5, window_bounds = array<i64: 256, 256>}, {pipeline_mode = #tpu.pipeline_mode<synchronous>, transform_indices = @transform_6, window_bounds = array<i64: 1, 256>}, {transform_indices = @transform_7, window_bounds = array<i64: 512, 256>}]} {
    %get3A = arith.constant 0 : index
    %get3A_0 = arith.constant 0 : index
    %get3A_1 = vector.load %arg1[%get3A, %get3A_0] : memref<512x109xf32, #tpu.memory_space<vmem>>, vector<512x109xf32>
    %get3A_2 = arith.constant 0 : index
    %get3A_3 = arith.constant 0 : index
    %get3A_4 = vector.load %arg2[%get3A_2, %get3A_3] : memref<109x256xf32, #tpu.memory_space<vmem>>, vector<109x256xf32>
    %dot_general3A = arith.constant dense<0.000000e+00> : vector<512x256xf32>
    %dot_general3A_5 = tpu.matmul %get3A_1, %get3A_4, %dot_general3A {dimension_numbers = #tpu.dot_dimension_numbers<[1], [0], [0], [1], [0, 0, 1, 1], [], []>, transpose_lhs_hint = false} : vector<512x109xf32>, vector<109x256xf32>, vector<512x256xf32> -> vector<512x256xf32>
    %get3A_6 = arith.constant 0 : index
    %get3A_7 = arith.constant 0 : index
    %get3A_8 = vector.load %arg3[%get3A_6, %get3A_7] : memref<1x256xf32, #tpu.memory_space<vmem>>, vector<1x256xf32>
    %add3A = vector.broadcast %get3A_8 : vector<1x256xf32> to vector<512x256xf32>
    %add3A_9 = arith.addf %dot_general3A_5, %add3A : vector<512x256xf32>
    %neg3A = arith.constant 0.000000e+00 : f32
    %neg3A_10 = vector.broadcast %neg3A : f32 to vector<512x256xf32>
    %neg3A_11 = arith.subf %neg3A_10, %add3A_9 : vector<512x256xf32>
    %exp3A = math.exp %neg3A_11 : vector<512x256xf32>
    %add3A_12 = arith.constant 1.000000e+00 : f32
    %add3A_13 = vector.broadcast %add3A_12 : f32 to vector<512x256xf32>
    %add3A_14 = arith.addf %add3A_13, %exp3A : vector<512x256xf32>
    %div3A = arith.divf %add3A_9, %add3A_14 : vector<512x256xf32>
    %get3A_15 = arith.constant 0 : index
    %get3A_16 = arith.constant 0 : index
    %get3A_17 = vector.load %arg4[%get3A_15, %get3A_16] : memref<256x256xf32, #tpu.memory_space<vmem>>, vector<256x256xf32>
    %dot_general3A_18 = arith.constant dense<0.000000e+00> : vector<512x256xf32>
    %dot_general3A_19 = tpu.matmul %div3A, %get3A_17, %dot_general3A_18 {dimension_numbers = #tpu.dot_dimension_numbers<[1], [0], [0], [1], [0, 0, 1, 1], [], []>, transpose_lhs_hint = false} : vector<512x256xf32>, vector<256x256xf32>, vector<512x256xf32> -> vector<512x256xf32>
    %get3A_20 = arith.constant 0 : index
    %get3A_21 = arith.constant 0 : index
    %get3A_22 = vector.load %arg5[%get3A_20, %get3A_21] : memref<1x256xf32, #tpu.memory_space<vmem>>, vector<1x256xf32>
    %add3A_23 = vector.broadcast %get3A_22 : vector<1x256xf32> to vector<512x256xf32>
    %add3A_24 = arith.addf %dot_general3A_19, %add3A_23 : vector<512x256xf32>
    %neg3A_25 = arith.constant 0.000000e+00 : f32
    %neg3A_26 = vector.broadcast %neg3A_25 : f32 to vector<512x256xf32>
    %neg3A_27 = arith.subf %neg3A_26, %add3A_24 : vector<512x256xf32>
    %exp3A_28 = math.exp %neg3A_27 : vector<512x256xf32>
    %add3A_29 = arith.constant 1.000000e+00 : f32
    %add3A_30 = vector.broadcast %add3A_29 : f32 to vector<512x256xf32>
    %add3A_31 = arith.addf %add3A_30, %exp3A_28 : vector<512x256xf32>
    %div3A_32 = arith.divf %add3A_24, %add3A_31 : vector<512x256xf32>
    %get3A_33 = arith.constant 0 : index
    %get3A_34 = arith.constant 0 : index
    %get3A_35 = vector.load %arg6[%get3A_33, %get3A_34] : memref<256x256xf32, #tpu.memory_space<vmem>>, vector<256x256xf32>
    %dot_general3A_36 = arith.constant dense<0.000000e+00> : vector<512x256xf32>
    %dot_general3A_37 = tpu.matmul %div3A_32, %get3A_35, %dot_general3A_36 {dimension_numbers = #tpu.dot_dimension_numbers<[1], [0], [0], [1], [0, 0, 1, 1], [], []>, transpose_lhs_hint = false} : vector<512x256xf32>, vector<256x256xf32>, vector<512x256xf32> -> vector<512x256xf32>
    %get3A_38 = arith.constant 0 : index
    %get3A_39 = arith.constant 0 : index
    %get3A_40 = vector.load %arg7[%get3A_38, %get3A_39] : memref<1x256xf32, #tpu.memory_space<vmem>>, vector<1x256xf32>
    %add3A_41 = vector.broadcast %get3A_40 : vector<1x256xf32> to vector<512x256xf32>
    %add3A_42 = arith.addf %dot_general3A_37, %add3A_41 : vector<512x256xf32>
    %swap3A = arith.constant 0 : index
    %swap3A_43 = arith.constant 0 : index
    %swap3A_44 = vector.load %arg8[%swap3A, %swap3A_43] : memref<512x256xf32, #tpu.memory_space<vmem>>, vector<512x256xf32>
    tpu.vector_store %arg8[%swap3A, %swap3A_43], %add3A_42 {strides = array<i32>} : memref<512x256xf32, #tpu.memory_space<vmem>>, vector<512x256xf32>,
    return
  }
  func.func @transform_0(%arg0: i32) -> (i32, i32) {
    %c0_i32 = arith.constant 0 : i32
    %c0_i32_0 = arith.constant 0 : i32
    return %arg0, %c0_i32 : i32, i32
  }
  func.func @transform_1(%arg0: i32) -> (i32, i32) {
    %c0_i32 = arith.constant 0 : i32
    %c0_i32_0 = arith.constant 0 : i32
    %c0_i32_1 = arith.constant 0 : i32
    return %c0_i32, %c0_i32_0 : i32, i32
  }
  func.func @transform_2(%arg0: i32) -> (i32, i32) {
    %c0_i32 = arith.constant 0 : i32
    %c0_i32_0 = arith.constant 0 : i32
    %c0_i32_1 = arith.constant 0 : i32
    return %c0_i32, %c0_i32_0 : i32, i32
  }
  func.func @transform_3(%arg0: i32) -> (i32, i32) {
    %c0_i32 = arith.constant 0 : i32
    %c0_i32_0 = arith.constant 0 : i32
    %c0_i32_1 = arith.constant 0 : i32
    return %c0_i32, %c0_i32_0 : i32, i32
  }
  func.func @transform_4(%arg0: i32) -> (i32, i32) {
    %c0_i32 = arith.constant 0 : i32
    %c0_i32_0 = arith.constant 0 : i32
    %c0_i32_1 = arith.constant 0 : i32
    return %c0_i32, %c0_i32_0 : i32, i32
  }
  func.func @transform_5(%arg0: i32) -> (i32, i32) {
    %c0_i32 = arith.constant 0 : i32
    %c0_i32_0 = arith.constant 0 : i32
    %c0_i32_1 = arith.constant 0 : i32
    return %c0_i32, %c0_i32_0 : i32, i32
  }
  func.func @transform_6(%arg0: i32) -> (i32, i32) {
    %c0_i32 = arith.constant 0 : i32
    %c0_i32_0 = arith.constant 0 : i32
    %c0_i32_1 = arith.constant 0 : i32
    return %c0_i32, %c0_i32_0 : i32, i32
  }
  func.func @transform_7(%arg0: i32) -> (i32, i32) {
    %c0_i32 = arith.constant 0 : i32
    %c0_i32_0 = arith.constant 0 : i32
    return %arg0, %c0_i32 : i32, i32
  }
}

module attributes {stable_mosaic.version = 14 : i64} {
  func.func @body(%arg0: i32, %arg1: memref<512x256xf32, #tpu.memory_space<vmem>>, %arg2: memref<256x256xf32, #tpu.memory_space<vmem>>, %arg3: memref<1x256xf32, #tpu.memory_space<vmem>>, %arg4: memref<512x256xf32, #tpu.memory_space<vmem>>) attributes {dimension_semantics = [#tpu.dimension_semantics<arbitrary>], iteration_bounds = array<i64: 32>, scalar_prefetch = 0 : i64, scratch_operands = 0 : i64, tpu.core_type = #tpu.core_type<tc>, window_params = [{transform_indices = @transform_0, window_bounds = array<i64: 512, 256>}, {pipeline_mode = #tpu.pipeline_mode<synchronous>, transform_indices = @transform_1, window_bounds = array<i64: 256, 256>}, {pipeline_mode = #tpu.pipeline_mode<synchronous>, transform_indices = @transform_2, window_bounds = array<i64: 1, 256>}, {transform_indices = @transform_3, window_bounds = array<i64: 512, 256>}]} {
    %get3A = arith.constant 0 : index
    %get3A_0 = arith.constant 0 : index
    %get3A_1 = vector.load %arg1[%get3A, %get3A_0] : memref<512x256xf32, #tpu.memory_space<vmem>>, vector<512x256xf32>
    %get3A_2 = arith.constant 0 : index
    %get3A_3 = arith.constant 0 : index
    %get3A_4 = vector.load %arg2[%get3A_2, %get3A_3] : memref<256x256xf32, #tpu.memory_space<vmem>>, vector<256x256xf32>
    %dot_general3A = arith.constant dense<0.000000e+00> : vector<512x256xf32>
    %dot_general3A_5 = tpu.matmul %get3A_1, %get3A_4, %dot_general3A {dimension_numbers = #tpu.dot_dimension_numbers<[1], [0], [0], [1], [0, 0, 1, 1], [], []>, transpose_lhs_hint = false} : vector<512x256xf32>, vector<256x256xf32>, vector<512x256xf32> -> vector<512x256xf32>
    %get3A_6 = arith.constant 0 : index
    %get3A_7 = arith.constant 0 : index
    %get3A_8 = vector.load %arg3[%get3A_6, %get3A_7] : memref<1x256xf32, #tpu.memory_space<vmem>>, vector<1x256xf32>
    %add3A = vector.broadcast %get3A_8 : vector<1x256xf32> to vector<512x256xf32>
    %add3A_9 = arith.addf %dot_general3A_5, %add3A : vector<512x256xf32>
    %swap3A = arith.constant 0 : index
    %swap3A_10 = arith.constant 0 : index
    %swap3A_11 = vector.load %arg4[%swap3A, %swap3A_10] : memref<512x256xf32, #tpu.memory_space<vmem>>, vector<512x256xf32>
    tpu.vector_store %arg4[%swap3A, %swap3A_10], %add3A_9 {strides = array<i32>} : memref<512x256xf32, #tpu.memory_space<vmem>>, vector<512x256xf32>,
    return
  }
  func.func @transform_0(%arg0: i32) -> (i32, i32) {
    %c0_i32 = arith.constant 0 : i32
    %c0_i32_0 = arith.constant 0 : i32
    return %arg0, %c0_i32 : i32, i32
  }
  func.func @transform_1(%arg0: i32) -> (i32, i32) {
    %c0_i32 = arith.constant 0 : i32
    %c0_i32_0 = arith.constant 0 : i32
    %c0_i32_1 = arith.constant 0 : i32
    return %c0_i32, %c0_i32_0 : i32, i32
  }
  func.func @transform_2(%arg0: i32) -> (i32, i32) {
    %c0_i32 = arith.constant 0 : i32
    %c0_i32_0 = arith.constant 0 : i32
    %c0_i32_1 = arith.constant 0 : i32
    return %c0_i32, %c0_i32_0 : i32, i32
  }
  func.func @transform_3(%arg0: i32) -> (i32, i32) {
    %c0_i32 = arith.constant 0 : i32
    %c0_i32_0 = arith.constant 0 : i32
    return %arg0, %c0_i32 : i32, i32
  }
}

module attributes {stable_mosaic.version = 14 : i64} {
  func.func @body(%arg0: i32, %arg1: memref<512x5xf32, #tpu.memory_space<vmem>>, %arg2: memref<5x256xf32, #tpu.memory_space<vmem>>, %arg3: memref<1x256xf32, #tpu.memory_space<vmem>>, %arg4: memref<256x256xf32, #tpu.memory_space<vmem>>, %arg5: memref<1x256xf32, #tpu.memory_space<vmem>>, %arg6: memref<256x256xf32, #tpu.memory_space<vmem>>, %arg7: memref<1x256xf32, #tpu.memory_space<vmem>>, %arg8: memref<512x256xf32, #tpu.memory_space<vmem>>) attributes {dimension_semantics = [#tpu.dimension_semantics<arbitrary>], iteration_bounds = array<i64: 21>, scalar_prefetch = 0 : i64, scratch_operands = 0 : i64, tpu.core_type = #tpu.core_type<tc>, window_params = [{transform_indices = @transform_0, window_bounds = array<i64: 512, 5>}, {pipeline_mode = #tpu.pipeline_mode<synchronous>, transform_indices = @transform_1, window_bounds = array<i64: 5, 256>}, {pipeline_mode = #tpu.pipeline_mode<synchronous>, transform_indices = @transform_2, window_bounds = array<i64: 1, 256>}, {pipeline_mode = #tpu.pipeline_mode<synchronous>, transform_indices = @transform_3, window_bounds = array<i64: 256, 256>}, {pipeline_mode = #tpu.pipeline_mode<synchronous>, transform_indices = @transform_4, window_bounds = array<i64: 1, 256>}, {pipeline_mode = #tpu.pipeline_mode<synchronous>, transform_indices = @transform_5, window_bounds = array<i64: 256, 256>}, {pipeline_mode = #tpu.pipeline_mode<synchronous>, transform_indices = @transform_6, window_bounds = array<i64: 1, 256>}, {transform_indices = @transform_7, window_bounds = array<i64: 512, 256>}]} {
    %get3A = arith.constant 0 : index
    %get3A_0 = arith.constant 0 : index
    %get3A_1 = vector.load %arg1[%get3A, %get3A_0] : memref<512x5xf32, #tpu.memory_space<vmem>>, vector<512x5xf32>
    %get3A_2 = arith.constant 0 : index
    %get3A_3 = arith.constant 0 : index
    %get3A_4 = vector.load %arg2[%get3A_2, %get3A_3] : memref<5x256xf32, #tpu.memory_space<vmem>>, vector<5x256xf32>
    %dot_general3A = arith.constant dense<0.000000e+00> : vector<512x256xf32>
    %dot_general3A_5 = tpu.matmul %get3A_1, %get3A_4, %dot_general3A {dimension_numbers = #tpu.dot_dimension_numbers<[1], [0], [0], [1], [0, 0, 1, 1], [], []>, transpose_lhs_hint = false} : vector<512x5xf32>, vector<5x256xf32>, vector<512x256xf32> -> vector<512x256xf32>
    %get3A_6 = arith.constant 0 : index
    %get3A_7 = arith.constant 0 : index
    %get3A_8 = vector.load %arg3[%get3A_6, %get3A_7] : memref<1x256xf32, #tpu.memory_space<vmem>>, vector<1x256xf32>
    %add3A = vector.broadcast %get3A_8 : vector<1x256xf32> to vector<512x256xf32>
    %add3A_9 = arith.addf %dot_general3A_5, %add3A : vector<512x256xf32>
    %neg3A = arith.constant 0.000000e+00 : f32
    %neg3A_10 = vector.broadcast %neg3A : f32 to vector<512x256xf32>
    %neg3A_11 = arith.subf %neg3A_10, %add3A_9 : vector<512x256xf32>
    %exp3A = math.exp %neg3A_11 : vector<512x256xf32>
    %add3A_12 = arith.constant 1.000000e+00 : f32
    %add3A_13 = vector.broadcast %add3A_12 : f32 to vector<512x256xf32>
    %add3A_14 = arith.addf %add3A_13, %exp3A : vector<512x256xf32>
    %div3A = arith.divf %add3A_9, %add3A_14 : vector<512x256xf32>
    %get3A_15 = arith.constant 0 : index
    %get3A_16 = arith.constant 0 : index
    %get3A_17 = vector.load %arg4[%get3A_15, %get3A_16] : memref<256x256xf32, #tpu.memory_space<vmem>>, vector<256x256xf32>
    %dot_general3A_18 = arith.constant dense<0.000000e+00> : vector<512x256xf32>
    %dot_general3A_19 = tpu.matmul %div3A, %get3A_17, %dot_general3A_18 {dimension_numbers = #tpu.dot_dimension_numbers<[1], [0], [0], [1], [0, 0, 1, 1], [], []>, transpose_lhs_hint = false} : vector<512x256xf32>, vector<256x256xf32>, vector<512x256xf32> -> vector<512x256xf32>
    %get3A_20 = arith.constant 0 : index
    %get3A_21 = arith.constant 0 : index
    %get3A_22 = vector.load %arg5[%get3A_20, %get3A_21] : memref<1x256xf32, #tpu.memory_space<vmem>>, vector<1x256xf32>
    %add3A_23 = vector.broadcast %get3A_22 : vector<1x256xf32> to vector<512x256xf32>
    %add3A_24 = arith.addf %dot_general3A_19, %add3A_23 : vector<512x256xf32>
    %neg3A_25 = arith.constant 0.000000e+00 : f32
    %neg3A_26 = vector.broadcast %neg3A_25 : f32 to vector<512x256xf32>
    %neg3A_27 = arith.subf %neg3A_26, %add3A_24 : vector<512x256xf32>
    %exp3A_28 = math.exp %neg3A_27 : vector<512x256xf32>
    %add3A_29 = arith.constant 1.000000e+00 : f32
    %add3A_30 = vector.broadcast %add3A_29 : f32 to vector<512x256xf32>
    %add3A_31 = arith.addf %add3A_30, %exp3A_28 : vector<512x256xf32>
    %div3A_32 = arith.divf %add3A_24, %add3A_31 : vector<512x256xf32>
    %get3A_33 = arith.constant 0 : index
    %get3A_34 = arith.constant 0 : index
    %get3A_35 = vector.load %arg6[%get3A_33, %get3A_34] : memref<256x256xf32, #tpu.memory_space<vmem>>, vector<256x256xf32>
    %dot_general3A_36 = arith.constant dense<0.000000e+00> : vector<512x256xf32>
    %dot_general3A_37 = tpu.matmul %div3A_32, %get3A_35, %dot_general3A_36 {dimension_numbers = #tpu.dot_dimension_numbers<[1], [0], [0], [1], [0, 0, 1, 1], [], []>, transpose_lhs_hint = false} : vector<512x256xf32>, vector<256x256xf32>, vector<512x256xf32> -> vector<512x256xf32>
    %get3A_38 = arith.constant 0 : index
    %get3A_39 = arith.constant 0 : index
    %get3A_40 = vector.load %arg7[%get3A_38, %get3A_39] : memref<1x256xf32, #tpu.memory_space<vmem>>, vector<1x256xf32>
    %add3A_41 = vector.broadcast %get3A_40 : vector<1x256xf32> to vector<512x256xf32>
    %add3A_42 = arith.addf %dot_general3A_37, %add3A_41 : vector<512x256xf32>
    %swap3A = arith.constant 0 : index
    %swap3A_43 = arith.constant 0 : index
    %swap3A_44 = vector.load %arg8[%swap3A, %swap3A_43] : memref<512x256xf32, #tpu.memory_space<vmem>>, vector<512x256xf32>
    tpu.vector_store %arg8[%swap3A, %swap3A_43], %add3A_42 {strides = array<i32>} : memref<512x256xf32, #tpu.memory_space<vmem>>, vector<512x256xf32>,
    return
  }
  func.func @transform_0(%arg0: i32) -> (i32, i32) {
    %c0_i32 = arith.constant 0 : i32
    %c0_i32_0 = arith.constant 0 : i32
    return %arg0, %c0_i32 : i32, i32
  }
  func.func @transform_1(%arg0: i32) -> (i32, i32) {
    %c0_i32 = arith.constant 0 : i32
    %c0_i32_0 = arith.constant 0 : i32
    %c0_i32_1 = arith.constant 0 : i32
    return %c0_i32, %c0_i32_0 : i32, i32
  }
  func.func @transform_2(%arg0: i32) -> (i32, i32) {
    %c0_i32 = arith.constant 0 : i32
    %c0_i32_0 = arith.constant 0 : i32
    %c0_i32_1 = arith.constant 0 : i32
    return %c0_i32, %c0_i32_0 : i32, i32
  }
  func.func @transform_3(%arg0: i32) -> (i32, i32) {
    %c0_i32 = arith.constant 0 : i32
    %c0_i32_0 = arith.constant 0 : i32
    %c0_i32_1 = arith.constant 0 : i32
    return %c0_i32, %c0_i32_0 : i32, i32
  }
  func.func @transform_4(%arg0: i32) -> (i32, i32) {
    %c0_i32 = arith.constant 0 : i32
    %c0_i32_0 = arith.constant 0 : i32
    %c0_i32_1 = arith.constant 0 : i32
    return %c0_i32, %c0_i32_0 : i32, i32
  }
  func.func @transform_5(%arg0: i32) -> (i32, i32) {
    %c0_i32 = arith.constant 0 : i32
    %c0_i32_0 = arith.constant 0 : i32
    %c0_i32_1 = arith.constant 0 : i32
    return %c0_i32, %c0_i32_0 : i32, i32
  }
  func.func @transform_6(%arg0: i32) -> (i32, i32) {
    %c0_i32 = arith.constant 0 : i32
    %c0_i32_0 = arith.constant 0 : i32
    %c0_i32_1 = arith.constant 0 : i32
    return %c0_i32, %c0_i32_0 : i32, i32
  }
  func.func @transform_7(%arg0: i32) -> (i32, i32) {
    %c0_i32 = arith.constant 0 : i32
    %c0_i32_0 = arith.constant 0 : i32
    return %arg0, %c0_i32 : i32, i32
  }
}

module attributes {stable_mosaic.version = 14 : i64} {
  func.func @body(%arg0: i32, %arg1: memref<512x256xf32, #tpu.memory_space<vmem>>, %arg2: memref<256x256xf32, #tpu.memory_space<vmem>>, %arg3: memref<1x256xf32, #tpu.memory_space<vmem>>, %arg4: memref<512x256xf32, #tpu.memory_space<vmem>>) attributes {dimension_semantics = [#tpu.dimension_semantics<arbitrary>], iteration_bounds = array<i64: 21>, scalar_prefetch = 0 : i64, scratch_operands = 0 : i64, tpu.core_type = #tpu.core_type<tc>, window_params = [{transform_indices = @transform_0, window_bounds = array<i64: 512, 256>}, {pipeline_mode = #tpu.pipeline_mode<synchronous>, transform_indices = @transform_1, window_bounds = array<i64: 256, 256>}, {pipeline_mode = #tpu.pipeline_mode<synchronous>, transform_indices = @transform_2, window_bounds = array<i64: 1, 256>}, {transform_indices = @transform_3, window_bounds = array<i64: 512, 256>}]} {
    %get3A = arith.constant 0 : index
    %get3A_0 = arith.constant 0 : index
    %get3A_1 = vector.load %arg1[%get3A, %get3A_0] : memref<512x256xf32, #tpu.memory_space<vmem>>, vector<512x256xf32>
    %get3A_2 = arith.constant 0 : index
    %get3A_3 = arith.constant 0 : index
    %get3A_4 = vector.load %arg2[%get3A_2, %get3A_3] : memref<256x256xf32, #tpu.memory_space<vmem>>, vector<256x256xf32>
    %dot_general3A = arith.constant dense<0.000000e+00> : vector<512x256xf32>
    %dot_general3A_5 = tpu.matmul %get3A_1, %get3A_4, %dot_general3A {dimension_numbers = #tpu.dot_dimension_numbers<[1], [0], [0], [1], [0, 0, 1, 1], [], []>, transpose_lhs_hint = false} : vector<512x256xf32>, vector<256x256xf32>, vector<512x256xf32> -> vector<512x256xf32>
    %get3A_6 = arith.constant 0 : index
    %get3A_7 = arith.constant 0 : index
    %get3A_8 = vector.load %arg3[%get3A_6, %get3A_7] : memref<1x256xf32, #tpu.memory_space<vmem>>, vector<1x256xf32>
    %add3A = vector.broadcast %get3A_8 : vector<1x256xf32> to vector<512x256xf32>
    %add3A_9 = arith.addf %dot_general3A_5, %add3A : vector<512x256xf32>
    %swap3A = arith.constant 0 : index
    %swap3A_10 = arith.constant 0 : index
    %swap3A_11 = vector.load %arg4[%swap3A, %swap3A_10] : memref<512x256xf32, #tpu.memory_space<vmem>>, vector<512x256xf32>
    tpu.vector_store %arg4[%swap3A, %swap3A_10], %add3A_9 {strides = array<i32>} : memref<512x256xf32, #tpu.memory_space<vmem>>, vector<512x256xf32>,
    return
  }
  func.func @transform_0(%arg0: i32) -> (i32, i32) {
    %c0_i32 = arith.constant 0 : i32
    %c0_i32_0 = arith.constant 0 : i32
    return %arg0, %c0_i32 : i32, i32
  }
  func.func @transform_1(%arg0: i32) -> (i32, i32) {
    %c0_i32 = arith.constant 0 : i32
    %c0_i32_0 = arith.constant 0 : i32
    %c0_i32_1 = arith.constant 0 : i32
    return %c0_i32, %c0_i32_0 : i32, i32
  }
  func.func @transform_2(%arg0: i32) -> (i32, i32) {
    %c0_i32 = arith.constant 0 : i32
    %c0_i32_0 = arith.constant 0 : i32
    %c0_i32_1 = arith.constant 0 : i32
    return %c0_i32, %c0_i32_0 : i32, i32
  }
  func.func @transform_3(%arg0: i32) -> (i32, i32) {
    %c0_i32 = arith.constant 0 : i32
    %c0_i32_0 = arith.constant 0 : i32
    return %arg0, %c0_i32 : i32, i32
  }
}

module attributes {stable_mosaic.version = 14 : i64} {
  func.func @body(%arg0: i32, %arg1: memref<512x256xf32, #tpu.memory_space<vmem>>, %arg2: memref<512x256xf32, #tpu.memory_space<vmem>>, %arg3: memref<512x4xf32, #tpu.memory_space<vmem>>, %arg4: memref<4x256xf32, #tpu.memory_space<vmem>>, %arg5: memref<256x256xf32, #tpu.memory_space<vmem>>, %arg6: memref<1x256xf32, #tpu.memory_space<vmem>>, %arg7: memref<256x256xf32, #tpu.memory_space<vmem>>, %arg8: memref<1x256xf32, #tpu.memory_space<vmem>>, %arg9: memref<512x256xf32, #tpu.memory_space<vmem>>) attributes {dimension_semantics = [#tpu.dimension_semantics<arbitrary>], iteration_bounds = array<i64: 128>, scalar_prefetch = 0 : i64, scratch_operands = 0 : i64, tpu.core_type = #tpu.core_type<tc>, window_params = [{transform_indices = @transform_0, window_bounds = array<i64: 512, 256>}, {transform_indices = @transform_1, window_bounds = array<i64: 512, 256>}, {transform_indices = @transform_2, window_bounds = array<i64: 512, 4>}, {pipeline_mode = #tpu.pipeline_mode<synchronous>, transform_indices = @transform_3, window_bounds = array<i64: 4, 256>}, {pipeline_mode = #tpu.pipeline_mode<synchronous>, transform_indices = @transform_4, window_bounds = array<i64: 256, 256>}, {pipeline_mode = #tpu.pipeline_mode<synchronous>, transform_indices = @transform_5, window_bounds = array<i64: 1, 256>}, {pipeline_mode = #tpu.pipeline_mode<synchronous>, transform_indices = @transform_6, window_bounds = array<i64: 256, 256>}, {pipeline_mode = #tpu.pipeline_mode<synchronous>, transform_indices = @transform_7, window_bounds = array<i64: 1, 256>}, {transform_indices = @transform_8, window_bounds = array<i64: 512, 256>}]} {
    %get3A = arith.constant 0 : index
    %get3A_0 = arith.constant 0 : index
    %get3A_1 = vector.load %arg1[%get3A, %get3A_0] : memref<512x256xf32, #tpu.memory_space<vmem>>, vector<512x256xf32>
    %get3A_2 = arith.constant 0 : index
    %get3A_3 = arith.constant 0 : index
    %get3A_4 = vector.load %arg2[%get3A_2, %get3A_3] : memref<512x256xf32, #tpu.memory_space<vmem>>, vector<512x256xf32>
    %add3A = arith.addf %get3A_1, %get3A_4 : vector<512x256xf32>
    %get3A_5 = arith.constant 0 : index
    %get3A_6 = arith.constant 0 : index
    %get3A_7 = vector.load %arg3[%get3A_5, %get3A_6] : memref<512x4xf32, #tpu.memory_space<vmem>>, vector<512x4xf32>
    %get3A_8 = arith.constant 0 : index
    %get3A_9 = arith.constant 0 : index
    %get3A_10 = vector.load %arg4[%get3A_8, %get3A_9] : memref<4x256xf32, #tpu.memory_space<vmem>>, vector<4x256xf32>
    %dot_general3A = arith.constant dense<0.000000e+00> : vector<512x256xf32>
    %dot_general3A_11 = tpu.matmul %get3A_7, %get3A_10, %dot_general3A {dimension_numbers = #tpu.dot_dimension_numbers<[1], [0], [0], [1], [0, 0, 1, 1], [], []>, transpose_lhs_hint = false} : vector<512x4xf32>, vector<4x256xf32>, vector<512x256xf32> -> vector<512x256xf32>
    %add3A_12 = arith.addf %add3A, %dot_general3A_11 : vector<512x256xf32>
    %neg3A = arith.constant 0.000000e+00 : f32
    %neg3A_13 = vector.broadcast %neg3A : f32 to vector<512x256xf32>
    %neg3A_14 = arith.subf %neg3A_13, %add3A_12 : vector<512x256xf32>
    %exp3A = math.exp %neg3A_14 : vector<512x256xf32>
    %add3A_15 = arith.constant 1.000000e+00 : f32
    %add3A_16 = vector.broadcast %add3A_15 : f32 to vector<512x256xf32>
    %add3A_17 = arith.addf %add3A_16, %exp3A : vector<512x256xf32>
    %div3A = arith.divf %add3A_12, %add3A_17 : vector<512x256xf32>
    %get3A_18 = arith.constant 0 : index
    %get3A_19 = arith.constant 0 : index
    %get3A_20 = vector.load %arg5[%get3A_18, %get3A_19] : memref<256x256xf32, #tpu.memory_space<vmem>>, vector<256x256xf32>
    %dot_general3A_21 = arith.constant dense<0.000000e+00> : vector<512x256xf32>
    %dot_general3A_22 = tpu.matmul %div3A, %get3A_20, %dot_general3A_21 {dimension_numbers = #tpu.dot_dimension_numbers<[1], [0], [0], [1], [0, 0, 1, 1], [], []>, transpose_lhs_hint = false} : vector<512x256xf32>, vector<256x256xf32>, vector<512x256xf32> -> vector<512x256xf32>
    %get3A_23 = arith.constant 0 : index
    %get3A_24 = arith.constant 0 : index
    %get3A_25 = vector.load %arg6[%get3A_23, %get3A_24] : memref<1x256xf32, #tpu.memory_space<vmem>>, vector<1x256xf32>
    %add3A_26 = vector.broadcast %get3A_25 : vector<1x256xf32> to vector<512x256xf32>
    %add3A_27 = arith.addf %dot_general3A_22, %add3A_26 : vector<512x256xf32>
    %neg3A_28 = arith.constant 0.000000e+00 : f32
    %neg3A_29 = vector.broadcast %neg3A_28 : f32 to vector<512x256xf32>
    %neg3A_30 = arith.subf %neg3A_29, %add3A_27 : vector<512x256xf32>
    %exp3A_31 = math.exp %neg3A_30 : vector<512x256xf32>
    %add3A_32 = arith.constant 1.000000e+00 : f32
    %add3A_33 = vector.broadcast %add3A_32 : f32 to vector<512x256xf32>
    %add3A_34 = arith.addf %add3A_33, %exp3A_31 : vector<512x256xf32>
    %div3A_35 = arith.divf %add3A_27, %add3A_34 : vector<512x256xf32>
    %get3A_36 = arith.constant 0 : index
    %get3A_37 = arith.constant 0 : index
    %get3A_38 = vector.load %arg7[%get3A_36, %get3A_37] : memref<256x256xf32, #tpu.memory_space<vmem>>, vector<256x256xf32>
    %dot_general3A_39 = arith.constant dense<0.000000e+00> : vector<512x256xf32>
    %dot_general3A_40 = tpu.matmul %div3A_35, %get3A_38, %dot_general3A_39 {dimension_numbers = #tpu.dot_dimension_numbers<[1], [0], [0], [1], [0, 0, 1, 1], [], []>, transpose_lhs_hint = false} : vector<512x256xf32>, vector<256x256xf32>, vector<512x256xf32> -> vector<512x256xf32>
    %get3A_41 = arith.constant 0 : index
    %get3A_42 = arith.constant 0 : index
    %get3A_43 = vector.load %arg8[%get3A_41, %get3A_42] : memref<1x256xf32, #tpu.memory_space<vmem>>, vector<1x256xf32>
    %add3A_44 = vector.broadcast %get3A_43 : vector<1x256xf32> to vector<512x256xf32>
    %add3A_45 = arith.addf %dot_general3A_40, %add3A_44 : vector<512x256xf32>
    %swap3A = arith.constant 0 : index
    %swap3A_46 = arith.constant 0 : index
    %swap3A_47 = vector.load %arg9[%swap3A, %swap3A_46] : memref<512x256xf32, #tpu.memory_space<vmem>>, vector<512x256xf32>
    tpu.vector_store %arg9[%swap3A, %swap3A_46], %add3A_45 {strides = array<i32>} : memref<512x256xf32, #tpu.memory_space<vmem>>, vector<512x256xf32>,
    return
  }
  func.func @transform_0(%arg0: i32) -> (i32, i32) {
    %c0_i32 = arith.constant 0 : i32
    %c0_i32_0 = arith.constant 0 : i32
    return %arg0, %c0_i32 : i32, i32
  }
  func.func @transform_1(%arg0: i32) -> (i32, i32) {
    %c0_i32 = arith.constant 0 : i32
    %c0_i32_0 = arith.constant 0 : i32
    return %arg0, %c0_i32 : i32, i32
  }
  func.func @transform_2(%arg0: i32) -> (i32, i32) {
    %c0_i32 = arith.constant 0 : i32
    %c0_i32_0 = arith.constant 0 : i32
    return %arg0, %c0_i32 : i32, i32
  }
  func.func @transform_3(%arg0: i32) -> (i32, i32) {
    %c0_i32 = arith.constant 0 : i32
    %c0_i32_0 = arith.constant 0 : i32
    %c0_i32_1 = arith.constant 0 : i32
    return %c0_i32, %c0_i32_0 : i32, i32
  }
  func.func @transform_4(%arg0: i32) -> (i32, i32) {
    %c0_i32 = arith.constant 0 : i32
    %c0_i32_0 = arith.constant 0 : i32
    %c0_i32_1 = arith.constant 0 : i32
    return %c0_i32, %c0_i32_0 : i32, i32
  }
  func.func @transform_5(%arg0: i32) -> (i32, i32) {
    %c0_i32 = arith.constant 0 : i32
    %c0_i32_0 = arith.constant 0 : i32
    %c0_i32_1 = arith.constant 0 : i32
    return %c0_i32, %c0_i32_0 : i32, i32
  }
  func.func @transform_6(%arg0: i32) -> (i32, i32) {
    %c0_i32 = arith.constant 0 : i32
    %c0_i32_0 = arith.constant 0 : i32
    %c0_i32_1 = arith.constant 0 : i32
    return %c0_i32, %c0_i32_0 : i32, i32
  }
  func.func @transform_7(%arg0: i32) -> (i32, i32) {
    %c0_i32 = arith.constant 0 : i32
    %c0_i32_0 = arith.constant 0 : i32
    %c0_i32_1 = arith.constant 0 : i32
    return %c0_i32, %c0_i32_0 : i32, i32
  }
  func.func @transform_8(%arg0: i32) -> (i32, i32) {
    %c0_i32 = arith.constant 0 : i32
    %c0_i32_0 = arith.constant 0 : i32
    return %arg0, %c0_i32 : i32, i32
  }
}

module attributes {stable_mosaic.version = 14 : i64} {
  func.func @body(%arg0: i32, %arg1: memref<8x64xf32, #tpu.memory_space<vmem>>, %arg2: memref<64x128xf32, #tpu.memory_space<vmem>>, %arg3: memref<1x128xf32, #tpu.memory_space<vmem>>, %arg4: memref<128x32xf32, #tpu.memory_space<vmem>>, %arg5: memref<1x32xf32, #tpu.memory_space<vmem>>, %arg6: memref<8x32xf32, #tpu.memory_space<vmem>>) attributes {dimension_semantics = [#tpu.dimension_semantics<arbitrary>], iteration_bounds = array<i64: 1>, scalar_prefetch = 0 : i64, scratch_operands = 0 : i64, tpu.core_type = #tpu.core_type<tc>, window_params = [{transform_indices = @transform_0, window_bounds = array<i64: 8, 64>}, {pipeline_mode = #tpu.pipeline_mode<synchronous>, transform_indices = @transform_1, window_bounds = array<i64: 64, 128>}, {pipeline_mode = #tpu.pipeline_mode<synchronous>, transform_indices = @transform_2, window_bounds = array<i64: 1, 128>}, {pipeline_mode = #tpu.pipeline_mode<synchronous>, transform_indices = @transform_3, window_bounds = array<i64: 128, 32>}, {pipeline_mode = #tpu.pipeline_mode<synchronous>, transform_indices = @transform_4, window_bounds = array<i64: 1, 32>}, {transform_indices = @transform_5, window_bounds = array<i64: 8, 32>}]} {
    %get3A = arith.constant 0 : index
    %get3A_0 = arith.constant 0 : index
    %get3A_1 = vector.load %arg1[%get3A, %get3A_0] : memref<8x64xf32, #tpu.memory_space<vmem>>, vector<8x64xf32>
    %get3A_2 = arith.constant 0 : index
    %get3A_3 = arith.constant 0 : index
    %get3A_4 = vector.load %arg2[%get3A_2, %get3A_3] : memref<64x128xf32, #tpu.memory_space<vmem>>, vector<64x128xf32>
    %dot_general3A = arith.constant dense<0.000000e+00> : vector<8x128xf32>
    %dot_general3A_5 = tpu.matmul %get3A_1, %get3A_4, %dot_general3A {dimension_numbers = #tpu.dot_dimension_numbers<[1], [0], [0], [1], [0, 0, 1, 1], [], []>, transpose_lhs_hint = false} : vector<8x64xf32>, vector<64x128xf32>, vector<8x128xf32> -> vector<8x128xf32>
    %get3A_6 = arith.constant 0 : index
    %get3A_7 = arith.constant 0 : index
    %get3A_8 = vector.load %arg3[%get3A_6, %get3A_7] : memref<1x128xf32, #tpu.memory_space<vmem>>, vector<1x128xf32>
    %add3A = vector.broadcast %get3A_8 : vector<1x128xf32> to vector<8x128xf32>
    %add3A_9 = arith.addf %dot_general3A_5, %add3A : vector<8x128xf32>
    %neg3A = arith.constant 0.000000e+00 : f32
    %neg3A_10 = vector.broadcast %neg3A : f32 to vector<8x128xf32>
    %neg3A_11 = arith.subf %neg3A_10, %add3A_9 : vector<8x128xf32>
    %exp3A = math.exp %neg3A_11 : vector<8x128xf32>
    %add3A_12 = arith.constant 1.000000e+00 : f32
    %add3A_13 = vector.broadcast %add3A_12 : f32 to vector<8x128xf32>
    %add3A_14 = arith.addf %add3A_13, %exp3A : vector<8x128xf32>
    %div3A = arith.divf %add3A_9, %add3A_14 : vector<8x128xf32>
    %get3A_15 = arith.constant 0 : index
    %get3A_16 = arith.constant 0 : index
    %get3A_17 = vector.load %arg4[%get3A_15, %get3A_16] : memref<128x32xf32, #tpu.memory_space<vmem>>, vector<128x32xf32>
    %dot_general3A_18 = arith.constant dense<0.000000e+00> : vector<8x32xf32>
    %dot_general3A_19 = tpu.matmul %div3A, %get3A_17, %dot_general3A_18 {dimension_numbers = #tpu.dot_dimension_numbers<[1], [0], [0], [1], [0, 0, 1, 1], [], []>, transpose_lhs_hint = false} : vector<8x128xf32>, vector<128x32xf32>, vector<8x32xf32> -> vector<8x32xf32>
    %get3A_20 = arith.constant 0 : index
    %get3A_21 = arith.constant 0 : index
    %get3A_22 = vector.load %arg5[%get3A_20, %get3A_21] : memref<1x32xf32, #tpu.memory_space<vmem>>, vector<1x32xf32>
    %add3A_23 = vector.broadcast %get3A_22 : vector<1x32xf32> to vector<8x32xf32>
    %add3A_24 = arith.addf %dot_general3A_19, %add3A_23 : vector<8x32xf32>
    %swap3A = arith.constant 0 : index
    %swap3A_25 = arith.constant 0 : index
    %swap3A_26 = vector.load %arg6[%swap3A, %swap3A_25] : memref<8x32xf32, #tpu.memory_space<vmem>>, vector<8x32xf32>
    tpu.vector_store %arg6[%swap3A, %swap3A_25], %add3A_24 {strides = array<i32>} : memref<8x32xf32, #tpu.memory_space<vmem>>, vector<8x32xf32>,
    return
  }
  func.func @transform_0(%arg0: i32) -> (i32, i32) {
    %c0_i32 = arith.constant 0 : i32
    %c0_i32_0 = arith.constant 0 : i32
    return %arg0, %c0_i32 : i32, i32
  }
  func.func @transform_1(%arg0: i32) -> (i32, i32) {
    %c0_i32 = arith.constant 0 : i32
    %c0_i32_0 = arith.constant 0 : i32
    %c0_i32_1 = arith.constant 0 : i32
    return %c0_i32, %c0_i32_0 : i32, i32
  }
  func.func @transform_2(%arg0: i32) -> (i32, i32) {
    %c0_i32 = arith.constant 0 : i32
    %c0_i32_0 = arith.constant 0 : i32
    %c0_i32_1 = arith.constant 0 : i32
    return %c0_i32, %c0_i32_0 : i32, i32
  }
  func.func @transform_3(%arg0: i32) -> (i32, i32) {
    %c0_i32 = arith.constant 0 : i32
    %c0_i32_0 = arith.constant 0 : i32
    %c0_i32_1 = arith.constant 0 : i32
    return %c0_i32, %c0_i32_0 : i32, i32
  }
  func.func @transform_4(%arg0: i32) -> (i32, i32) {
    %c0_i32 = arith.constant 0 : i32
    %c0_i32_0 = arith.constant 0 : i32
    %c0_i32_1 = arith.constant 0 : i32
    return %c0_i32, %c0_i32_0 : i32, i32
  }
  func.func @transform_5(%arg0: i32) -> (i32, i32) {
    %c0_i32 = arith.constant 0 : i32
    %c0_i32_0 = arith.constant 0 : i32
    return %arg0, %c0_i32 : i32, i32
  }
}

module attributes {stable_mosaic.version = 14 : i64} {
  func.func @body(%arg0: i32, %arg1: memref<512x256xf32, #tpu.memory_space<vmem>>, %arg2: memref<512x256xf32, #tpu.memory_space<vmem>>, %arg3: memref<8x32xf32, #tpu.memory_space<vmem>>, %arg4: memref<256x256xf32, #tpu.memory_space<vmem>>, %arg5: memref<256x256xf32, #tpu.memory_space<vmem>>, %arg6: memref<1x256xf32, #tpu.memory_space<vmem>>, %arg7: memref<256x256xf32, #tpu.memory_space<vmem>>, %arg8: memref<1x256xf32, #tpu.memory_space<vmem>>, %arg9: memref<256x256xf32, #tpu.memory_space<vmem>>, %arg10: memref<1x256xf32, #tpu.memory_space<vmem>>, %arg11: memref<32x512xf32, #tpu.memory_space<vmem>>, %arg12: memref<1x512xf32, #tpu.memory_space<vmem>>, %arg13: memref<512x256xf32, #tpu.memory_space<vmem>>) attributes {dimension_semantics = [#tpu.dimension_semantics<arbitrary>], iteration_bounds = array<i64: 21>, scalar_prefetch = 0 : i64, scratch_operands = 0 : i64, tpu.core_type = #tpu.core_type<tc>, window_params = [{transform_indices = @transform_0, window_bounds = array<i64: 512, 256>}, {transform_indices = @transform_1, window_bounds = array<i64: 512, 256>}, {pipeline_mode = #tpu.pipeline_mode<synchronous>, transform_indices = @transform_2, window_bounds = array<i64: 8, 32>}, {pipeline_mode = #tpu.pipeline_mode<synchronous>, transform_indices = @transform_3, window_bounds = array<i64: 256, 256>}, {pipeline_mode = #tpu.pipeline_mode<synchronous>, transform_indices = @transform_4, window_bounds = array<i64: 256, 256>}, {pipeline_mode = #tpu.pipeline_mode<synchronous>, transform_indices = @transform_5, window_bounds = array<i64: 1, 256>}, {pipeline_mode = #tpu.pipeline_mode<synchronous>, transform_indices = @transform_6, window_bounds = array<i64: 256, 256>}, {pipeline_mode = #tpu.pipeline_mode<synchronous>, transform_indices = @transform_7, window_bounds = array<i64: 1, 256>}, {pipeline_mode = #tpu.pipeline_mode<synchronous>, transform_indices = @transform_8, window_bounds = array<i64: 256, 256>}, {pipeline_mode = #tpu.pipeline_mode<synchronous>, transform_indices = @transform_9, window_bounds = array<i64: 1, 256>}, {pipeline_mode = #tpu.pipeline_mode<synchronous>, transform_indices = @transform_10, window_bounds = array<i64: 32, 512>}, {pipeline_mode = #tpu.pipeline_mode<synchronous>, transform_indices = @transform_11, window_bounds = array<i64: 1, 512>}, {transform_indices = @transform_12, window_bounds = array<i64: 512, 256>}]} {
    %get3A = arith.constant 0 : index
    %get3A_0 = arith.constant 0 : index
    %get3A_1 = vector.load %arg3[%get3A, %get3A_0] : memref<8x32xf32, #tpu.memory_space<vmem>>, vector<8x32xf32>
    %get3A_2 = arith.constant 0 : index
    %get3A_3 = arith.constant 0 : index
    %get3A_4 = vector.load %arg11[%get3A_2, %get3A_3] : memref<32x512xf32, #tpu.memory_space<vmem>>, vector<32x512xf32>
    %dot_general3A = arith.constant dense<0.000000e+00> : vector<8x512xf32>
    %dot_general3A_5 = tpu.matmul %get3A_1, %get3A_4, %dot_general3A {dimension_numbers = #tpu.dot_dimension_numbers<[1], [0], [0], [1], [0, 0, 1, 1], [], []>, transpose_lhs_hint = false} : vector<8x32xf32>, vector<32x512xf32>, vector<8x512xf32> -> vector<8x512xf32>
    %get3A_6 = arith.constant 0 : index
    %get3A_7 = arith.constant 0 : index
    %get3A_8 = vector.load %arg12[%get3A_6, %get3A_7] : memref<1x512xf32, #tpu.memory_space<vmem>>, vector<1x512xf32>
    %add3A = vector.broadcast %get3A_8 : vector<1x512xf32> to vector<8x512xf32>
    %add3A_9 = arith.addf %dot_general3A_5, %add3A : vector<8x512xf32>
    %slice3A = vector.extract_strided_slice %add3A_9 {offsets = [0, 0], sizes = [1, 256], strides = [1, 1]} : vector<8x512xf32> to vector<1x256xf32>
    %slice3A_10 = vector.extract_strided_slice %add3A_9 {offsets = [0, 256], sizes = [1, 256], strides = [1, 1]} : vector<8x512xf32> to vector<1x256xf32>
    %get3A_11 = arith.constant 0 : index
    %get3A_12 = arith.constant 0 : index
    %get3A_13 = vector.load %arg1[%get3A_11, %get3A_12] : memref<512x256xf32, #tpu.memory_space<vmem>>, vector<512x256xf32>
    %get3A_14 = arith.constant 0 : index
    %get3A_15 = arith.constant 0 : index
    %get3A_16 = vector.load %arg4[%get3A_14, %get3A_15] : memref<256x256xf32, #tpu.memory_space<vmem>>, vector<256x256xf32>
    %dot_general3A_17 = arith.constant dense<0.000000e+00> : vector<512x256xf32>
    %dot_general3A_18 = tpu.matmul %get3A_13, %get3A_16, %dot_general3A_17 {dimension_numbers = #tpu.dot_dimension_numbers<[1], [0], [0], [1], [0, 0, 1, 1], [], []>, transpose_lhs_hint = false} : vector<512x256xf32>, vector<256x256xf32>, vector<512x256xf32> -> vector<512x256xf32>
    %get3A_19 = arith.constant 0 : index
    %get3A_20 = arith.constant 0 : index
    %get3A_21 = vector.load %arg2[%get3A_19, %get3A_20] : memref<512x256xf32, #tpu.memory_space<vmem>>, vector<512x256xf32>
    %get3A_22 = arith.constant 0 : index
    %get3A_23 = arith.constant 0 : index
    %get3A_24 = vector.load %arg5[%get3A_22, %get3A_23] : memref<256x256xf32, #tpu.memory_space<vmem>>, vector<256x256xf32>
    %dot_general3A_25 = arith.constant dense<0.000000e+00> : vector<512x256xf32>
    %dot_general3A_26 = tpu.matmul %get3A_21, %get3A_24, %dot_general3A_25 {dimension_numbers = #tpu.dot_dimension_numbers<[1], [0], [0], [1], [0, 0, 1, 1], [], []>, transpose_lhs_hint = false} : vector<512x256xf32>, vector<256x256xf32>, vector<512x256xf32> -> vector<512x256xf32>
    %add3A_27 = arith.addf %dot_general3A_18, %dot_general3A_26 : vector<512x256xf32>
    %get3A_28 = arith.constant 0 : index
    %get3A_29 = arith.constant 0 : index
    %get3A_30 = vector.load %arg6[%get3A_28, %get3A_29] : memref<1x256xf32, #tpu.memory_space<vmem>>, vector<1x256xf32>
    %add3A_31 = vector.broadcast %get3A_30 : vector<1x256xf32> to vector<512x256xf32>
    %add3A_32 = arith.addf %add3A_27, %add3A_31 : vector<512x256xf32>
    %neg3A = arith.constant 0.000000e+00 : f32
    %neg3A_33 = vector.broadcast %neg3A : f32 to vector<512x256xf32>
    %neg3A_34 = arith.subf %neg3A_33, %add3A_32 : vector<512x256xf32>
    %exp3A = math.exp %neg3A_34 : vector<512x256xf32>
    %add3A_35 = arith.constant 1.000000e+00 : f32
    %add3A_36 = vector.broadcast %add3A_35 : f32 to vector<512x256xf32>
    %add3A_37 = arith.addf %add3A_36, %exp3A : vector<512x256xf32>
    %div3A = arith.divf %add3A_32, %add3A_37 : vector<512x256xf32>
    %get3A_38 = arith.constant 0 : index
    %get3A_39 = arith.constant 0 : index
    %get3A_40 = vector.load %arg7[%get3A_38, %get3A_39] : memref<256x256xf32, #tpu.memory_space<vmem>>, vector<256x256xf32>
    %dot_general3A_41 = arith.constant dense<0.000000e+00> : vector<512x256xf32>
    %dot_general3A_42 = tpu.matmul %div3A, %get3A_40, %dot_general3A_41 {dimension_numbers = #tpu.dot_dimension_numbers<[1], [0], [0], [1], [0, 0, 1, 1], [], []>, transpose_lhs_hint = false} : vector<512x256xf32>, vector<256x256xf32>, vector<512x256xf32> -> vector<512x256xf32>
    %get3A_43 = arith.constant 0 : index
    %get3A_44 = arith.constant 0 : index
    %get3A_45 = vector.load %arg8[%get3A_43, %get3A_44] : memref<1x256xf32, #tpu.memory_space<vmem>>, vector<1x256xf32>
    %add3A_46 = vector.broadcast %get3A_45 : vector<1x256xf32> to vector<512x256xf32>
    %add3A_47 = arith.addf %dot_general3A_42, %add3A_46 : vector<512x256xf32>
    %neg3A_48 = arith.constant 0.000000e+00 : f32
    %neg3A_49 = vector.broadcast %neg3A_48 : f32 to vector<512x256xf32>
    %neg3A_50 = arith.subf %neg3A_49, %add3A_47 : vector<512x256xf32>
    %exp3A_51 = math.exp %neg3A_50 : vector<512x256xf32>
    %add3A_52 = arith.constant 1.000000e+00 : f32
    %add3A_53 = vector.broadcast %add3A_52 : f32 to vector<512x256xf32>
    %add3A_54 = arith.addf %add3A_53, %exp3A_51 : vector<512x256xf32>
    %div3A_55 = arith.divf %add3A_47, %add3A_54 : vector<512x256xf32>
    %get3A_56 = arith.constant 0 : index
    %get3A_57 = arith.constant 0 : index
    %get3A_58 = vector.load %arg9[%get3A_56, %get3A_57] : memref<256x256xf32, #tpu.memory_space<vmem>>, vector<256x256xf32>
    %dot_general3A_59 = arith.constant dense<0.000000e+00> : vector<512x256xf32>
    %dot_general3A_60 = tpu.matmul %div3A_55, %get3A_58, %dot_general3A_59 {dimension_numbers = #tpu.dot_dimension_numbers<[1], [0], [0], [1], [0, 0, 1, 1], [], []>, transpose_lhs_hint = false} : vector<512x256xf32>, vector<256x256xf32>, vector<512x256xf32> -> vector<512x256xf32>
    %get3A_61 = arith.constant 0 : index
    %get3A_62 = arith.constant 0 : index
    %get3A_63 = vector.load %arg10[%get3A_61, %get3A_62] : memref<1x256xf32, #tpu.memory_space<vmem>>, vector<1x256xf32>
    %add3A_64 = vector.broadcast %get3A_63 : vector<1x256xf32> to vector<512x256xf32>
    %add3A_65 = arith.addf %dot_general3A_60, %add3A_64 : vector<512x256xf32>
    %add3A_66 = arith.constant 1.000000e+00 : f32
    %add3A_67 = vector.broadcast %add3A_66 : f32 to vector<1x256xf32>
    %add3A_68 = arith.addf %add3A_67, %slice3A : vector<1x256xf32>
    %mul3A = vector.broadcast %add3A_68 : vector<1x256xf32> to vector<512x256xf32>
    %mul3A_69 = arith.mulf %add3A_65, %mul3A : vector<512x256xf32>
    %add3A_70 = arith.addf %get3A_13, %mul3A_69 : vector<512x256xf32>
    %add3A_71 = vector.broadcast %slice3A_10 : vector<1x256xf32> to vector<512x256xf32>
    %add3A_72 = arith.addf %add3A_70, %add3A_71 : vector<512x256xf32>
    %swap3A = arith.constant 0 : index
    %swap3A_73 = arith.constant 0 : index
    %swap3A_74 = vector.load %arg13[%swap3A, %swap3A_73] : memref<512x256xf32, #tpu.memory_space<vmem>>, vector<512x256xf32>
    tpu.vector_store %arg13[%swap3A, %swap3A_73], %add3A_72 {strides = array<i32>} : memref<512x256xf32, #tpu.memory_space<vmem>>, vector<512x256xf32>,
    return
  }
  func.func @transform_0(%arg0: i32) -> (i32, i32) {
    %c0_i32 = arith.constant 0 : i32
    %c0_i32_0 = arith.constant 0 : i32
    return %arg0, %c0_i32 : i32, i32
  }
  func.func @transform_1(%arg0: i32) -> (i32, i32) {
    %c0_i32 = arith.constant 0 : i32
    %c0_i32_0 = arith.constant 0 : i32
    return %arg0, %c0_i32 : i32, i32
  }
  func.func @transform_2(%arg0: i32) -> (i32, i32) {
    %c0_i32 = arith.constant 0 : i32
    %c0_i32_0 = arith.constant 0 : i32
    %c0_i32_1 = arith.constant 0 : i32
    return %c0_i32, %c0_i32_0 : i32, i32
  }
  func.func @transform_3(%arg0: i32) -> (i32, i32) {
    %c0_i32 = arith.constant 0 : i32
    %c0_i32_0 = arith.constant 0 : i32
    %c0_i32_1 = arith.constant 0 : i32
    return %c0_i32, %c0_i32_0 : i32, i32
  }
  func.func @transform_4(%arg0: i32) -> (i32, i32) {
    %c0_i32 = arith.constant 0 : i32
    %c0_i32_0 = arith.constant 0 : i32
    %c0_i32_1 = arith.constant 0 : i32
    return %c0_i32, %c0_i32_0 : i32, i32
  }
  func.func @transform_5(%arg0: i32) -> (i32, i32) {
    %c0_i32 = arith.constant 0 : i32
    %c0_i32_0 = arith.constant 0 : i32
    %c0_i32_1 = arith.constant 0 : i32
    return %c0_i32, %c0_i32_0 : i32, i32
  }
  func.func @transform_6(%arg0: i32) -> (i32, i32) {
    %c0_i32 = arith.constant 0 : i32
    %c0_i32_0 = arith.constant 0 : i32
    %c0_i32_1 = arith.constant 0 : i32
    return %c0_i32, %c0_i32_0 : i32, i32
  }
  func.func @transform_7(%arg0: i32) -> (i32, i32) {
    %c0_i32 = arith.constant 0 : i32
    %c0_i32_0 = arith.constant 0 : i32
    %c0_i32_1 = arith.constant 0 : i32
    return %c0_i32, %c0_i32_0 : i32, i32
  }
  func.func @transform_8(%arg0: i32) -> (i32, i32) {
    %c0_i32 = arith.constant 0 : i32
    %c0_i32_0 = arith.constant 0 : i32
    %c0_i32_1 = arith.constant 0 : i32
    return %c0_i32, %c0_i32_0 : i32, i32
  }
  func.func @transform_9(%arg0: i32) -> (i32, i32) {
    %c0_i32 = arith.constant 0 : i32
    %c0_i32_0 = arith.constant 0 : i32
    %c0_i32_1 = arith.constant 0 : i32
    return %c0_i32, %c0_i32_0 : i32, i32
  }
  func.func @transform_10(%arg0: i32) -> (i32, i32) {
    %c0_i32 = arith.constant 0 : i32
    %c0_i32_0 = arith.constant 0 : i32
    %c0_i32_1 = arith.constant 0 : i32
    return %c0_i32, %c0_i32_0 : i32, i32
  }
  func.func @transform_11(%arg0: i32) -> (i32, i32) {
    %c0_i32 = arith.constant 0 : i32
    %c0_i32_0 = arith.constant 0 : i32
    %c0_i32_1 = arith.constant 0 : i32
    return %c0_i32, %c0_i32_0 : i32, i32
  }
  func.func @transform_12(%arg0: i32) -> (i32, i32) {
    %c0_i32 = arith.constant 0 : i32
    %c0_i32_0 = arith.constant 0 : i32
    return %arg0, %c0_i32 : i32, i32
  }
}

module attributes {stable_mosaic.version = 14 : i64} {
  func.func @body(%arg0: i32, %arg1: memref<512x256xf32, #tpu.memory_space<vmem>>, %arg2: memref<8x32xf32, #tpu.memory_space<vmem>>, %arg3: memref<32x512xf32, #tpu.memory_space<vmem>>, %arg4: memref<1x512xf32, #tpu.memory_space<vmem>>, %arg5: memref<256x256xf32, #tpu.memory_space<vmem>>, %arg6: memref<1x256xf32, #tpu.memory_space<vmem>>, %arg7: memref<256x256xf32, #tpu.memory_space<vmem>>, %arg8: memref<1x256xf32, #tpu.memory_space<vmem>>, %arg9: memref<256x256xf32, #tpu.memory_space<vmem>>, %arg10: memref<1x256xf32, #tpu.memory_space<vmem>>, %arg11: memref<512x256xf32, #tpu.memory_space<vmem>>, %arg12: memref<512x256xf32, #tpu.memory_space<vmem>>, %arg13: memref<512x256xf32, #tpu.memory_space<vmem>>) attributes {dimension_semantics = [#tpu.dimension_semantics<arbitrary>], iteration_bounds = array<i64: 21>, scalar_prefetch = 0 : i64, scratch_operands = 0 : i64, tpu.core_type = #tpu.core_type<tc>, window_params = [{transform_indices = @transform_0, window_bounds = array<i64: 512, 256>}, {pipeline_mode = #tpu.pipeline_mode<synchronous>, transform_indices = @transform_1, window_bounds = array<i64: 8, 32>}, {pipeline_mode = #tpu.pipeline_mode<synchronous>, transform_indices = @transform_2, window_bounds = array<i64: 32, 512>}, {pipeline_mode = #tpu.pipeline_mode<synchronous>, transform_indices = @transform_3, window_bounds = array<i64: 1, 512>}, {pipeline_mode = #tpu.pipeline_mode<synchronous>, transform_indices = @transform_4, window_bounds = array<i64: 256, 256>}, {pipeline_mode = #tpu.pipeline_mode<synchronous>, transform_indices = @transform_5, window_bounds = array<i64: 1, 256>}, {pipeline_mode = #tpu.pipeline_mode<synchronous>, transform_indices = @transform_6, window_bounds = array<i64: 256, 256>}, {pipeline_mode = #tpu.pipeline_mode<synchronous>, transform_indices = @transform_7, window_bounds = array<i64: 1, 256>}, {pipeline_mode = #tpu.pipeline_mode<synchronous>, transform_indices = @transform_8, window_bounds = array<i64: 256, 256>}, {pipeline_mode = #tpu.pipeline_mode<synchronous>, transform_indices = @transform_9, window_bounds = array<i64: 1, 256>}, {transform_indices = @transform_10, window_bounds = array<i64: 512, 256>}, {transform_indices = @transform_11, window_bounds = array<i64: 512, 256>}, {transform_indices = @transform_12, window_bounds = array<i64: 512, 256>}]} {
    %get3A = arith.constant 0 : index
    %get3A_0 = arith.constant 0 : index
    %get3A_1 = vector.load %arg2[%get3A, %get3A_0] : memref<8x32xf32, #tpu.memory_space<vmem>>, vector<8x32xf32>
    %get3A_2 = arith.constant 0 : index
    %get3A_3 = arith.constant 0 : index
    %get3A_4 = vector.load %arg3[%get3A_2, %get3A_3] : memref<32x512xf32, #tpu.memory_space<vmem>>, vector<32x512xf32>
    %dot_general3A = arith.constant dense<0.000000e+00> : vector<8x512xf32>
    %dot_general3A_5 = tpu.matmul %get3A_1, %get3A_4, %dot_general3A {dimension_numbers = #tpu.dot_dimension_numbers<[1], [0], [0], [1], [0, 0, 1, 1], [], []>, transpose_lhs_hint = false} : vector<8x32xf32>, vector<32x512xf32>, vector<8x512xf32> -> vector<8x512xf32>
    %get3A_6 = arith.constant 0 : index
    %get3A_7 = arith.constant 0 : index
    %get3A_8 = vector.load %arg4[%get3A_6, %get3A_7] : memref<1x512xf32, #tpu.memory_space<vmem>>, vector<1x512xf32>
    %add3A = vector.broadcast %get3A_8 : vector<1x512xf32> to vector<8x512xf32>
    %add3A_9 = arith.addf %dot_general3A_5, %add3A : vector<8x512xf32>
    %slice3A = vector.extract_strided_slice %add3A_9 {offsets = [0, 0], sizes = [1, 256], strides = [1, 1]} : vector<8x512xf32> to vector<1x256xf32>
    %slice3A_10 = vector.extract_strided_slice %add3A_9 {offsets = [0, 256], sizes = [1, 256], strides = [1, 1]} : vector<8x512xf32> to vector<1x256xf32>
    %get3A_11 = arith.constant 0 : index
    %get3A_12 = arith.constant 0 : index
    %get3A_13 = vector.load %arg1[%get3A_11, %get3A_12] : memref<512x256xf32, #tpu.memory_space<vmem>>, vector<512x256xf32>
    %reduce_sum3A = arith.constant dense<0.000000e+00> : vector<512xf32>
    %reduce_sum3A_14 = vector.multi_reduction <add>, %get3A_13, %reduce_sum3A [1] : vector<512x256xf32> to vector<512xf32>
    %broadcast_in_dim3A = vector.shape_cast %reduce_sum3A_14 : vector<512xf32> to vector<512x1xf32>
    %div3A = arith.constant 2.560000e+02 : f32
    %div3A_15 = vector.broadcast %div3A : f32 to vector<512x1xf32>
    %div3A_16 = arith.divf %broadcast_in_dim3A, %div3A_15 : vector<512x1xf32>
    %sub3A = vector.broadcast %div3A_16 : vector<512x1xf32> to vector<512x256xf32>
    %sub3A_17 = arith.subf %get3A_13, %sub3A : vector<512x256xf32>
    %integer_pow3A = arith.mulf %sub3A_17, %sub3A_17 : vector<512x256xf32>
    %reduce_sum3A_18 = arith.constant dense<0.000000e+00> : vector<512xf32>
    %reduce_sum3A_19 = vector.multi_reduction <add>, %integer_pow3A, %reduce_sum3A_18 [1] : vector<512x256xf32> to vector<512xf32>
    %broadcast_in_dim3A_20 = vector.shape_cast %reduce_sum3A_19 : vector<512xf32> to vector<512x1xf32>
    %div3A_21 = arith.constant 2.560000e+02 : f32
    %div3A_22 = vector.broadcast %div3A_21 : f32 to vector<512x1xf32>
    %div3A_23 = arith.divf %broadcast_in_dim3A_20, %div3A_22 : vector<512x1xf32>
    %sub3A_24 = vector.broadcast %div3A_16 : vector<512x1xf32> to vector<512x256xf32>
    %sub3A_25 = arith.subf %get3A_13, %sub3A_24 : vector<512x256xf32>
    %add3A_26 = arith.constant 9.99999974E-6 : f32
    %add3A_27 = vector.broadcast %add3A_26 : f32 to vector<512x1xf32>
    %add3A_28 = arith.addf %div3A_23, %add3A_27 : vector<512x1xf32>
    %sqrt3A = math.sqrt %add3A_28 : vector<512x1xf32>
    %div3A_29 = vector.broadcast %sqrt3A : vector<512x1xf32> to vector<512x256xf32>
    %div3A_30 = arith.divf %sub3A_25, %div3A_29 : vector<512x256xf32>
    %add3A_31 = arith.constant 1.000000e+00 : f32
    %add3A_32 = vector.broadcast %add3A_31 : f32 to vector<1x256xf32>
    %add3A_33 = arith.addf %add3A_32, %slice3A : vector<1x256xf32>
    %mul3A = vector.broadcast %add3A_33 : vector<1x256xf32> to vector<512x256xf32>
    %mul3A_34 = arith.mulf %div3A_30, %mul3A : vector<512x256xf32>
    %add3A_35 = vector.broadcast %slice3A_10 : vector<1x256xf32> to vector<512x256xf32>
    %add3A_36 = arith.addf %mul3A_34, %add3A_35 : vector<512x256xf32>
    %get3A_37 = arith.constant 0 : index
    %get3A_38 = arith.constant 0 : index
    %get3A_39 = vector.load %arg5[%get3A_37, %get3A_38] : memref<256x256xf32, #tpu.memory_space<vmem>>, vector<256x256xf32>
    %dot_general3A_40 = arith.constant dense<0.000000e+00> : vector<512x256xf32>
    %dot_general3A_41 = tpu.matmul %add3A_36, %get3A_39, %dot_general3A_40 {dimension_numbers = #tpu.dot_dimension_numbers<[1], [0], [0], [1], [0, 0, 1, 1], [], []>, transpose_lhs_hint = false} : vector<512x256xf32>, vector<256x256xf32>, vector<512x256xf32> -> vector<512x256xf32>
    %get3A_42 = arith.constant 0 : index
    %get3A_43 = arith.constant 0 : index
    %get3A_44 = vector.load %arg6[%get3A_42, %get3A_43] : memref<1x256xf32, #tpu.memory_space<vmem>>, vector<1x256xf32>
    %add3A_45 = vector.broadcast %get3A_44 : vector<1x256xf32> to vector<512x256xf32>
    %add3A_46 = arith.addf %dot_general3A_41, %add3A_45 : vector<512x256xf32>
    %swap3A = arith.constant 0 : index
    %swap3A_47 = arith.constant 0 : index
    %swap3A_48 = vector.load %arg11[%swap3A, %swap3A_47] : memref<512x256xf32, #tpu.memory_space<vmem>>, vector<512x256xf32>
    tpu.vector_store %arg11[%swap3A, %swap3A_47], %add3A_46 {strides = array<i32>} : memref<512x256xf32, #tpu.memory_space<vmem>>, vector<512x256xf32>,
    %get3A_49 = arith.constant 0 : index
    %get3A_50 = arith.constant 0 : index
    %get3A_51 = vector.load %arg7[%get3A_49, %get3A_50] : memref<256x256xf32, #tpu.memory_space<vmem>>, vector<256x256xf32>
    %dot_general3A_52 = arith.constant dense<0.000000e+00> : vector<512x256xf32>
    %dot_general3A_53 = tpu.matmul %add3A_36, %get3A_51, %dot_general3A_52 {dimension_numbers = #tpu.dot_dimension_numbers<[1], [0], [0], [1], [0, 0, 1, 1], [], []>, transpose_lhs_hint = false} : vector<512x256xf32>, vector<256x256xf32>, vector<512x256xf32> -> vector<512x256xf32>
    %get3A_54 = arith.constant 0 : index
    %get3A_55 = arith.constant 0 : index
    %get3A_56 = vector.load %arg8[%get3A_54, %get3A_55] : memref<1x256xf32, #tpu.memory_space<vmem>>, vector<1x256xf32>
    %add3A_57 = vector.broadcast %get3A_56 : vector<1x256xf32> to vector<512x256xf32>
    %add3A_58 = arith.addf %dot_general3A_53, %add3A_57 : vector<512x256xf32>
    %swap3A_59 = arith.constant 0 : index
    %swap3A_60 = arith.constant 0 : index
    %swap3A_61 = vector.load %arg12[%swap3A_59, %swap3A_60] : memref<512x256xf32, #tpu.memory_space<vmem>>, vector<512x256xf32>
    tpu.vector_store %arg12[%swap3A_59, %swap3A_60], %add3A_58 {strides = array<i32>} : memref<512x256xf32, #tpu.memory_space<vmem>>, vector<512x256xf32>,
    %get3A_62 = arith.constant 0 : index
    %get3A_63 = arith.constant 0 : index
    %get3A_64 = vector.load %arg9[%get3A_62, %get3A_63] : memref<256x256xf32, #tpu.memory_space<vmem>>, vector<256x256xf32>
    %dot_general3A_65 = arith.constant dense<0.000000e+00> : vector<512x256xf32>
    %dot_general3A_66 = tpu.matmul %add3A_36, %get3A_64, %dot_general3A_65 {dimension_numbers = #tpu.dot_dimension_numbers<[1], [0], [0], [1], [0, 0, 1, 1], [], []>, transpose_lhs_hint = false} : vector<512x256xf32>, vector<256x256xf32>, vector<512x256xf32> -> vector<512x256xf32>
    %get3A_67 = arith.constant 0 : index
    %get3A_68 = arith.constant 0 : index
    %get3A_69 = vector.load %arg10[%get3A_67, %get3A_68] : memref<1x256xf32, #tpu.memory_space<vmem>>, vector<1x256xf32>
    %add3A_70 = vector.broadcast %get3A_69 : vector<1x256xf32> to vector<512x256xf32>
    %add3A_71 = arith.addf %dot_general3A_66, %add3A_70 : vector<512x256xf32>
    %swap3A_72 = arith.constant 0 : index
    %swap3A_73 = arith.constant 0 : index
    %swap3A_74 = vector.load %arg13[%swap3A_72, %swap3A_73] : memref<512x256xf32, #tpu.memory_space<vmem>>, vector<512x256xf32>
    tpu.vector_store %arg13[%swap3A_72, %swap3A_73], %add3A_71 {strides = array<i32>} : memref<512x256xf32, #tpu.memory_space<vmem>>, vector<512x256xf32>,
    return
  }
  func.func @transform_0(%arg0: i32) -> (i32, i32) {
    %c0_i32 = arith.constant 0 : i32
    %c0_i32_0 = arith.constant 0 : i32
    return %arg0, %c0_i32 : i32, i32
  }
  func.func @transform_1(%arg0: i32) -> (i32, i32) {
    %c0_i32 = arith.constant 0 : i32
    %c0_i32_0 = arith.constant 0 : i32
    %c0_i32_1 = arith.constant 0 : i32
    return %c0_i32, %c0_i32_0 : i32, i32
  }
  func.func @transform_2(%arg0: i32) -> (i32, i32) {
    %c0_i32 = arith.constant 0 : i32
    %c0_i32_0 = arith.constant 0 : i32
    %c0_i32_1 = arith.constant 0 : i32
    return %c0_i32, %c0_i32_0 : i32, i32
  }
  func.func @transform_3(%arg0: i32) -> (i32, i32) {
    %c0_i32 = arith.constant 0 : i32
    %c0_i32_0 = arith.constant 0 : i32
    %c0_i32_1 = arith.constant 0 : i32
    return %c0_i32, %c0_i32_0 : i32, i32
  }
  func.func @transform_4(%arg0: i32) -> (i32, i32) {
    %c0_i32 = arith.constant 0 : i32
    %c0_i32_0 = arith.constant 0 : i32
    %c0_i32_1 = arith.constant 0 : i32
    return %c0_i32, %c0_i32_0 : i32, i32
  }
  func.func @transform_5(%arg0: i32) -> (i32, i32) {
    %c0_i32 = arith.constant 0 : i32
    %c0_i32_0 = arith.constant 0 : i32
    %c0_i32_1 = arith.constant 0 : i32
    return %c0_i32, %c0_i32_0 : i32, i32
  }
  func.func @transform_6(%arg0: i32) -> (i32, i32) {
    %c0_i32 = arith.constant 0 : i32
    %c0_i32_0 = arith.constant 0 : i32
    %c0_i32_1 = arith.constant 0 : i32
    return %c0_i32, %c0_i32_0 : i32, i32
  }
  func.func @transform_7(%arg0: i32) -> (i32, i32) {
    %c0_i32 = arith.constant 0 : i32
    %c0_i32_0 = arith.constant 0 : i32
    %c0_i32_1 = arith.constant 0 : i32
    return %c0_i32, %c0_i32_0 : i32, i32
  }
  func.func @transform_8(%arg0: i32) -> (i32, i32) {
    %c0_i32 = arith.constant 0 : i32
    %c0_i32_0 = arith.constant 0 : i32
    %c0_i32_1 = arith.constant 0 : i32
    return %c0_i32, %c0_i32_0 : i32, i32
  }
  func.func @transform_9(%arg0: i32) -> (i32, i32) {
    %c0_i32 = arith.constant 0 : i32
    %c0_i32_0 = arith.constant 0 : i32
    %c0_i32_1 = arith.constant 0 : i32
    return %c0_i32, %c0_i32_0 : i32, i32
  }
  func.func @transform_10(%arg0: i32) -> (i32, i32) {
    %c0_i32 = arith.constant 0 : i32
    %c0_i32_0 = arith.constant 0 : i32
    return %arg0, %c0_i32 : i32, i32
  }
  func.func @transform_11(%arg0: i32) -> (i32, i32) {
    %c0_i32 = arith.constant 0 : i32
    %c0_i32_0 = arith.constant 0 : i32
    return %arg0, %c0_i32 : i32, i32
  }
  func.func @transform_12(%arg0: i32) -> (i32, i32) {
    %c0_i32 = arith.constant 0 : i32
    %c0_i32_0 = arith.constant 0 : i32
    return %arg0, %c0_i32 : i32, i32
  }
}

module attributes {stable_mosaic.version = 14 : i64} {
  func.func @body(%arg0: i32, %arg1: memref<256x256xf32, #tpu.memory_space<vmem>>, %arg2: memref<256x256xf32, #tpu.memory_space<vmem>>, %arg3: memref<256x16x256xf32, #tpu.memory_space<vmem>>, %arg4: memref<256x16x256xf32, #tpu.memory_space<vmem>>, %arg5: memref<8x32xf32, #tpu.memory_space<vmem>>, %arg6: memref<32x512xf32, #tpu.memory_space<vmem>>, %arg7: memref<1x512xf32, #tpu.memory_space<vmem>>, %arg8: memref<256x256xf32, #tpu.memory_space<vmem>>, %arg9: memref<1x256xf32, #tpu.memory_space<vmem>>, %arg10: memref<256x512xf32, #tpu.memory_space<vmem>>, %arg11: memref<1x512xf32, #tpu.memory_space<vmem>>, %arg12: memref<512x256xf32, #tpu.memory_space<vmem>>, %arg13: memref<1x256xf32, #tpu.memory_space<vmem>>, %arg14: memref<256x256xf32, #tpu.memory_space<vmem>>) attributes {dimension_semantics = [#tpu.dimension_semantics<arbitrary>], iteration_bounds = array<i64: 42>, scalar_prefetch = 0 : i64, scratch_operands = 0 : i64, tpu.core_type = #tpu.core_type<tc>, window_params = [{transform_indices = @transform_0, window_bounds = array<i64: 256, 256>}, {transform_indices = @transform_1, window_bounds = array<i64: 256, 256>}, {transform_indices = @transform_2, window_bounds = array<i64: 256, 16, 256>}, {transform_indices = @transform_3, window_bounds = array<i64: 256, 16, 256>}, {pipeline_mode = #tpu.pipeline_mode<synchronous>, transform_indices = @transform_4, window_bounds = array<i64: 8, 32>}, {pipeline_mode = #tpu.pipeline_mode<synchronous>, transform_indices = @transform_5, window_bounds = array<i64: 32, 512>}, {pipeline_mode = #tpu.pipeline_mode<synchronous>, transform_indices = @transform_6, window_bounds = array<i64: 1, 512>}, {pipeline_mode = #tpu.pipeline_mode<synchronous>, transform_indices = @transform_7, window_bounds = array<i64: 256, 256>}, {pipeline_mode = #tpu.pipeline_mode<synchronous>, transform_indices = @transform_8, window_bounds = array<i64: 1, 256>}, {pipeline_mode = #tpu.pipeline_mode<synchronous>, transform_indices = @transform_9, window_bounds = array<i64: 256, 512>}, {pipeline_mode = #tpu.pipeline_mode<synchronous>, transform_indices = @transform_10, window_bounds = array<i64: 1, 512>}, {pipeline_mode = #tpu.pipeline_mode<synchronous>, transform_indices = @transform_11, window_bounds = array<i64: 512, 256>}, {pipeline_mode = #tpu.pipeline_mode<synchronous>, transform_indices = @transform_12, window_bounds = array<i64: 1, 256>}, {transform_indices = @transform_13, window_bounds = array<i64: 256, 256>}]} {
    %iota3A = tpu.iota {dimensions = array<i32: 0>} : vector<256x8xi32>
    %iota3A_0 = tpu.iota {dimensions = array<i32: 1>} : vector<256x8xi32>
    %jit3A = arith.constant 32 : i32
    %div3A = vector.broadcast %jit3A : i32 to vector<256x8xi32>
    %div3A_1 = arith.divsi %iota3A, %div3A : vector<256x8xi32>
    %sign3A = arith.constant 0 : i32
    %sign3A_2 = vector.broadcast %sign3A : i32 to vector<256x8xi32>
    %sign3A_3 = arith.cmpi sgt, %iota3A, %sign3A_2 : vector<256x8xi32>
    %sign3A_4 = arith.extui %sign3A_3 : vector<256x8xi1> to vector<256x8xi32>
    %sign3A_5 = arith.constant 0 : i32
    %sign3A_6 = vector.broadcast %sign3A_5 : i32 to vector<256x8xi32>
    %sign3A_7 = arith.cmpi slt, %iota3A, %sign3A_6 : vector<256x8xi32>
    %sign3A_8 = arith.extui %sign3A_7 : vector<256x8xi1> to vector<256x8xi32>
    %sign3A_9 = arith.subi %sign3A_4, %sign3A_8 : vector<256x8xi32>
    %sign3A_10 = arith.constant 0 : i32
    %sign3A_11 = arith.cmpi sgt, %jit3A, %sign3A_10 : i32
    %sign3A_12 = arith.extui %sign3A_11 : i1 to i32
    %sign3A_13 = arith.constant 0 : i32
    %sign3A_14 = arith.cmpi slt, %jit3A, %sign3A_13 : i32
    %sign3A_15 = arith.extui %sign3A_14 : i1 to i32
    %sign3A_16 = arith.subi %sign3A_12, %sign3A_15 : i32
    %ne3A = vector.broadcast %sign3A_16 : i32 to vector<256x8xi32>
    %ne3A_17 = arith.cmpi ne, %sign3A_9, %ne3A : vector<256x8xi32>
    %rem3A = vector.broadcast %jit3A : i32 to vector<256x8xi32>
    %rem3A_18 = arith.remsi %iota3A, %rem3A : vector<256x8xi32>
    %ne3A_19 = arith.constant 0 : i32
    %ne3A_20 = vector.broadcast %ne3A_19 : i32 to vector<256x8xi32>
    %ne3A_21 = arith.cmpi ne, %rem3A_18, %ne3A_20 : vector<256x8xi32>
    %and3A = arith.andi %ne3A_17, %ne3A_21 : vector<256x8xi1>
    %sub3A = arith.constant 1 : i32
    %sub3A_22 = vector.broadcast %sub3A : i32 to vector<256x8xi32>
    %sub3A_23 = arith.subi %div3A_1, %sub3A_22 : vector<256x8xi32>
    %select_n3A = arith.select %and3A, %sub3A_23, %div3A_1 : vector<256x8xi1>, vector<256x8xi32>
    %eq3A = arith.cmpi eq, %select_n3A, %iota3A_0 : vector<256x8xi32>
    %convert_element_type3A = arith.extui %eq3A : vector<256x8xi1> to vector<256x8xi32>
    %convert_element_type3A_24 = arith.sitofp %convert_element_type3A : vector<256x8xi32> to vector<256x8xf32>
    %iota3A_25 = tpu.iota {dimensions = array<i32: 0>} : vector<8x256xi32>
    %iota3A_26 = tpu.iota {dimensions = array<i32: 1>} : vector<8x256xi32>
    %jit3A_27 = arith.constant 32 : i32
    %div3A_28 = vector.broadcast %jit3A_27 : i32 to vector<8x256xi32>
    %div3A_29 = arith.divsi %iota3A_26, %div3A_28 : vector<8x256xi32>
    %sign3A_30 = arith.constant 0 : i32
    %sign3A_31 = vector.broadcast %sign3A_30 : i32 to vector<8x256xi32>
    %sign3A_32 = arith.cmpi sgt, %iota3A_26, %sign3A_31 : vector<8x256xi32>
    %sign3A_33 = arith.extui %sign3A_32 : vector<8x256xi1> to vector<8x256xi32>
    %sign3A_34 = arith.constant 0 : i32
    %sign3A_35 = vector.broadcast %sign3A_34 : i32 to vector<8x256xi32>
    %sign3A_36 = arith.cmpi slt, %iota3A_26, %sign3A_35 : vector<8x256xi32>
    %sign3A_37 = arith.extui %sign3A_36 : vector<8x256xi1> to vector<8x256xi32>
    %sign3A_38 = arith.subi %sign3A_33, %sign3A_37 : vector<8x256xi32>
    %sign3A_39 = arith.constant 0 : i32
    %sign3A_40 = arith.cmpi sgt, %jit3A_27, %sign3A_39 : i32
    %sign3A_41 = arith.extui %sign3A_40 : i1 to i32
    %sign3A_42 = arith.constant 0 : i32
    %sign3A_43 = arith.cmpi slt, %jit3A_27, %sign3A_42 : i32
    %sign3A_44 = arith.extui %sign3A_43 : i1 to i32
    %sign3A_45 = arith.subi %sign3A_41, %sign3A_44 : i32
    %ne3A_46 = vector.broadcast %sign3A_45 : i32 to vector<8x256xi32>
    %ne3A_47 = arith.cmpi ne, %sign3A_38, %ne3A_46 : vector<8x256xi32>
    %rem3A_48 = vector.broadcast %jit3A_27 : i32 to vector<8x256xi32>
    %rem3A_49 = arith.remsi %iota3A_26, %rem3A_48 : vector<8x256xi32>
    %ne3A_50 = arith.constant 0 : i32
    %ne3A_51 = vector.broadcast %ne3A_50 : i32 to vector<8x256xi32>
    %ne3A_52 = arith.cmpi ne, %rem3A_49, %ne3A_51 : vector<8x256xi32>
    %and3A_53 = arith.andi %ne3A_47, %ne3A_52 : vector<8x256xi1>
    %sub3A_54 = arith.constant 1 : i32
    %sub3A_55 = vector.broadcast %sub3A_54 : i32 to vector<8x256xi32>
    %sub3A_56 = arith.subi %div3A_29, %sub3A_55 : vector<8x256xi32>
    %select_n3A_57 = arith.select %and3A_53, %sub3A_56, %div3A_29 : vector<8x256xi1>, vector<8x256xi32>
    %eq3A_58 = arith.cmpi eq, %select_n3A_57, %iota3A_25 : vector<8x256xi32>
    %convert_element_type3A_59 = arith.extui %eq3A_58 : vector<8x256xi1> to vector<8x256xi32>
    %convert_element_type3A_60 = arith.sitofp %convert_element_type3A_59 : vector<8x256xi32> to vector<8x256xf32>
    %get3A = arith.constant 0 : index
    %get3A_61 = arith.constant 0 : index
    %get3A_62 = vector.load %arg2[%get3A, %get3A_61] : memref<256x256xf32, #tpu.memory_space<vmem>>, vector<256x256xf32>
    %get3A_63 = arith.constant 0 : index
    %get3A_64 = arith.constant 0 : index
    %get3A_65 = arith.constant 0 : index
    %get3A_66 = vector.load %arg3[%get3A_63, %get3A_64, %get3A_65] : memref<256x16x256xf32, #tpu.memory_space<vmem>>, vector<256x1x256xf32>
    %get3A_67 = vector.shape_cast %get3A_66 : vector<256x1x256xf32> to vector<256x256xf32>
    %mul3A = arith.mulf %get3A_62, %get3A_67 : vector<256x256xf32>
    %dot_general3A = arith.constant dense<0.000000e+00> : vector<256x8xf32>
    %dot_general3A_68 = tpu.matmul %mul3A, %convert_element_type3A_24, %dot_general3A {dimension_numbers = #tpu.dot_dimension_numbers<[1], [0], [0], [1], [0, 0, 1, 1], [], []>, transpose_lhs_hint = false} : vector<256x256xf32>, vector<256x8xf32>, vector<256x8xf32> -> vector<256x8xf32>
    %mul3A_69 = arith.constant 0.176776692 : f32
    %mul3A_70 = vector.broadcast %mul3A_69 : f32 to vector<256x8xf32>
    %mul3A_71 = arith.mulf %dot_general3A_68, %mul3A_70 : vector<256x8xf32>
    %get3A_72 = arith.constant 0 : index
    %get3A_73 = arith.constant 1 : index
    %get3A_74 = arith.constant 0 : index
    %get3A_75 = vector.load %arg3[%get3A_72, %get3A_73, %get3A_74] : memref<256x16x256xf32, #tpu.memory_space<vmem>>, vector<256x1x256xf32>
    %get3A_76 = vector.shape_cast %get3A_75 : vector<256x1x256xf32> to vector<256x256xf32>
    %mul3A_77 = arith.mulf %get3A_62, %get3A_76 : vector<256x256xf32>
    %dot_general3A_78 = arith.constant dense<0.000000e+00> : vector<256x8xf32>
    %dot_general3A_79 = tpu.matmul %mul3A_77, %convert_element_type3A_24, %dot_general3A_78 {dimension_numbers = #tpu.dot_dimension_numbers<[1], [0], [0], [1], [0, 0, 1, 1], [], []>, transpose_lhs_hint = false} : vector<256x256xf32>, vector<256x8xf32>, vector<256x8xf32> -> vector<256x8xf32>
    %mul3A_80 = arith.constant 0.176776692 : f32
    %mul3A_81 = vector.broadcast %mul3A_80 : f32 to vector<256x8xf32>
    %mul3A_82 = arith.mulf %dot_general3A_79, %mul3A_81 : vector<256x8xf32>
    %get3A_83 = arith.constant 0 : index
    %get3A_84 = arith.constant 2 : index
    %get3A_85 = arith.constant 0 : index
    %get3A_86 = vector.load %arg3[%get3A_83, %get3A_84, %get3A_85] : memref<256x16x256xf32, #tpu.memory_space<vmem>>, vector<256x1x256xf32>
    %get3A_87 = vector.shape_cast %get3A_86 : vector<256x1x256xf32> to vector<256x256xf32>
    %mul3A_88 = arith.mulf %get3A_62, %get3A_87 : vector<256x256xf32>
    %dot_general3A_89 = arith.constant dense<0.000000e+00> : vector<256x8xf32>
    %dot_general3A_90 = tpu.matmul %mul3A_88, %convert_element_type3A_24, %dot_general3A_89 {dimension_numbers = #tpu.dot_dimension_numbers<[1], [0], [0], [1], [0, 0, 1, 1], [], []>, transpose_lhs_hint = false} : vector<256x256xf32>, vector<256x8xf32>, vector<256x8xf32> -> vector<256x8xf32>
    %mul3A_91 = arith.constant 0.176776692 : f32
    %mul3A_92 = vector.broadcast %mul3A_91 : f32 to vector<256x8xf32>
    %mul3A_93 = arith.mulf %dot_general3A_90, %mul3A_92 : vector<256x8xf32>
    %get3A_94 = arith.constant 0 : index
    %get3A_95 = arith.constant 3 : index
    %get3A_96 = arith.constant 0 : index
    %get3A_97 = vector.load %arg3[%get3A_94, %get3A_95, %get3A_96] : memref<256x16x256xf32, #tpu.memory_space<vmem>>, vector<256x1x256xf32>
    %get3A_98 = vector.shape_cast %get3A_97 : vector<256x1x256xf32> to vector<256x256xf32>
    %mul3A_99 = arith.mulf %get3A_62, %get3A_98 : vector<256x256xf32>
    %dot_general3A_100 = arith.constant dense<0.000000e+00> : vector<256x8xf32>
    %dot_general3A_101 = tpu.matmul %mul3A_99, %convert_element_type3A_24, %dot_general3A_100 {dimension_numbers = #tpu.dot_dimension_numbers<[1], [0], [0], [1], [0, 0, 1, 1], [], []>, transpose_lhs_hint = false} : vector<256x256xf32>, vector<256x8xf32>, vector<256x8xf32> -> vector<256x8xf32>
    %mul3A_102 = arith.constant 0.176776692 : f32
    %mul3A_103 = vector.broadcast %mul3A_102 : f32 to vector<256x8xf32>
    %mul3A_104 = arith.mulf %dot_general3A_101, %mul3A_103 : vector<256x8xf32>
    %get3A_105 = arith.constant 0 : index
    %get3A_106 = arith.constant 4 : index
    %get3A_107 = arith.constant 0 : index
    %get3A_108 = vector.load %arg3[%get3A_105, %get3A_106, %get3A_107] : memref<256x16x256xf32, #tpu.memory_space<vmem>>, vector<256x1x256xf32>
    %get3A_109 = vector.shape_cast %get3A_108 : vector<256x1x256xf32> to vector<256x256xf32>
    %mul3A_110 = arith.mulf %get3A_62, %get3A_109 : vector<256x256xf32>
    %dot_general3A_111 = arith.constant dense<0.000000e+00> : vector<256x8xf32>
    %dot_general3A_112 = tpu.matmul %mul3A_110, %convert_element_type3A_24, %dot_general3A_111 {dimension_numbers = #tpu.dot_dimension_numbers<[1], [0], [0], [1], [0, 0, 1, 1], [], []>, transpose_lhs_hint = false} : vector<256x256xf32>, vector<256x8xf32>, vector<256x8xf32> -> vector<256x8xf32>
    %mul3A_113 = arith.constant 0.176776692 : f32
    %mul3A_114 = vector.broadcast %mul3A_113 : f32 to vector<256x8xf32>
    %mul3A_115 = arith.mulf %dot_general3A_112, %mul3A_114 : vector<256x8xf32>
    %get3A_116 = arith.constant 0 : index
    %get3A_117 = arith.constant 5 : index
    %get3A_118 = arith.constant 0 : index
    %get3A_119 = vector.load %arg3[%get3A_116, %get3A_117, %get3A_118] : memref<256x16x256xf32, #tpu.memory_space<vmem>>, vector<256x1x256xf32>
    %get3A_120 = vector.shape_cast %get3A_119 : vector<256x1x256xf32> to vector<256x256xf32>
    %mul3A_121 = arith.mulf %get3A_62, %get3A_120 : vector<256x256xf32>
    %dot_general3A_122 = arith.constant dense<0.000000e+00> : vector<256x8xf32>
    %dot_general3A_123 = tpu.matmul %mul3A_121, %convert_element_type3A_24, %dot_general3A_122 {dimension_numbers = #tpu.dot_dimension_numbers<[1], [0], [0], [1], [0, 0, 1, 1], [], []>, transpose_lhs_hint = false} : vector<256x256xf32>, vector<256x8xf32>, vector<256x8xf32> -> vector<256x8xf32>
    %mul3A_124 = arith.constant 0.176776692 : f32
    %mul3A_125 = vector.broadcast %mul3A_124 : f32 to vector<256x8xf32>
    %mul3A_126 = arith.mulf %dot_general3A_123, %mul3A_125 : vector<256x8xf32>
    %get3A_127 = arith.constant 0 : index
    %get3A_128 = arith.constant 6 : index
    %get3A_129 = arith.constant 0 : index
    %get3A_130 = vector.load %arg3[%get3A_127, %get3A_128, %get3A_129] : memref<256x16x256xf32, #tpu.memory_space<vmem>>, vector<256x1x256xf32>
    %get3A_131 = vector.shape_cast %get3A_130 : vector<256x1x256xf32> to vector<256x256xf32>
    %mul3A_132 = arith.mulf %get3A_62, %get3A_131 : vector<256x256xf32>
    %dot_general3A_133 = arith.constant dense<0.000000e+00> : vector<256x8xf32>
    %dot_general3A_134 = tpu.matmul %mul3A_132, %convert_element_type3A_24, %dot_general3A_133 {dimension_numbers = #tpu.dot_dimension_numbers<[1], [0], [0], [1], [0, 0, 1, 1], [], []>, transpose_lhs_hint = false} : vector<256x256xf32>, vector<256x8xf32>, vector<256x8xf32> -> vector<256x8xf32>
    %mul3A_135 = arith.constant 0.176776692 : f32
    %mul3A_136 = vector.broadcast %mul3A_135 : f32 to vector<256x8xf32>
    %mul3A_137 = arith.mulf %dot_general3A_134, %mul3A_136 : vector<256x8xf32>
    %get3A_138 = arith.constant 0 : index
    %get3A_139 = arith.constant 7 : index
    %get3A_140 = arith.constant 0 : index
    %get3A_141 = vector.load %arg3[%get3A_138, %get3A_139, %get3A_140] : memref<256x16x256xf32, #tpu.memory_space<vmem>>, vector<256x1x256xf32>
    %get3A_142 = vector.shape_cast %get3A_141 : vector<256x1x256xf32> to vector<256x256xf32>
    %mul3A_143 = arith.mulf %get3A_62, %get3A_142 : vector<256x256xf32>
    %dot_general3A_144 = arith.constant dense<0.000000e+00> : vector<256x8xf32>
    %dot_general3A_145 = tpu.matmul %mul3A_143, %convert_element_type3A_24, %dot_general3A_144 {dimension_numbers = #tpu.dot_dimension_numbers<[1], [0], [0], [1], [0, 0, 1, 1], [], []>, transpose_lhs_hint = false} : vector<256x256xf32>, vector<256x8xf32>, vector<256x8xf32> -> vector<256x8xf32>
    %mul3A_146 = arith.constant 0.176776692 : f32
    %mul3A_147 = vector.broadcast %mul3A_146 : f32 to vector<256x8xf32>
    %mul3A_148 = arith.mulf %dot_general3A_145, %mul3A_147 : vector<256x8xf32>
    %get3A_149 = arith.constant 0 : index
    %get3A_150 = arith.constant 8 : index
    %get3A_151 = arith.constant 0 : index
    %get3A_152 = vector.load %arg3[%get3A_149, %get3A_150, %get3A_151] : memref<256x16x256xf32, #tpu.memory_space<vmem>>, vector<256x1x256xf32>
    %get3A_153 = vector.shape_cast %get3A_152 : vector<256x1x256xf32> to vector<256x256xf32>
    %mul3A_154 = arith.mulf %get3A_62, %get3A_153 : vector<256x256xf32>
    %dot_general3A_155 = arith.constant dense<0.000000e+00> : vector<256x8xf32>
    %dot_general3A_156 = tpu.matmul %mul3A_154, %convert_element_type3A_24, %dot_general3A_155 {dimension_numbers = #tpu.dot_dimension_numbers<[1], [0], [0], [1], [0, 0, 1, 1], [], []>, transpose_lhs_hint = false} : vector<256x256xf32>, vector<256x8xf32>, vector<256x8xf32> -> vector<256x8xf32>
    %mul3A_157 = arith.constant 0.176776692 : f32
    %mul3A_158 = vector.broadcast %mul3A_157 : f32 to vector<256x8xf32>
    %mul3A_159 = arith.mulf %dot_general3A_156, %mul3A_158 : vector<256x8xf32>
    %get3A_160 = arith.constant 0 : index
    %get3A_161 = arith.constant 9 : index
    %get3A_162 = arith.constant 0 : index
    %get3A_163 = vector.load %arg3[%get3A_160, %get3A_161, %get3A_162] : memref<256x16x256xf32, #tpu.memory_space<vmem>>, vector<256x1x256xf32>
    %get3A_164 = vector.shape_cast %get3A_163 : vector<256x1x256xf32> to vector<256x256xf32>
    %mul3A_165 = arith.mulf %get3A_62, %get3A_164 : vector<256x256xf32>
    %dot_general3A_166 = arith.constant dense<0.000000e+00> : vector<256x8xf32>
    %dot_general3A_167 = tpu.matmul %mul3A_165, %convert_element_type3A_24, %dot_general3A_166 {dimension_numbers = #tpu.dot_dimension_numbers<[1], [0], [0], [1], [0, 0, 1, 1], [], []>, transpose_lhs_hint = false} : vector<256x256xf32>, vector<256x8xf32>, vector<256x8xf32> -> vector<256x8xf32>
    %mul3A_168 = arith.constant 0.176776692 : f32
    %mul3A_169 = vector.broadcast %mul3A_168 : f32 to vector<256x8xf32>
    %mul3A_170 = arith.mulf %dot_general3A_167, %mul3A_169 : vector<256x8xf32>
    %get3A_171 = arith.constant 0 : index
    %get3A_172 = arith.constant 10 : index
    %get3A_173 = arith.constant 0 : index
    %get3A_174 = vector.load %arg3[%get3A_171, %get3A_172, %get3A_173] : memref<256x16x256xf32, #tpu.memory_space<vmem>>, vector<256x1x256xf32>
    %get3A_175 = vector.shape_cast %get3A_174 : vector<256x1x256xf32> to vector<256x256xf32>
    %mul3A_176 = arith.mulf %get3A_62, %get3A_175 : vector<256x256xf32>
    %dot_general3A_177 = arith.constant dense<0.000000e+00> : vector<256x8xf32>
    %dot_general3A_178 = tpu.matmul %mul3A_176, %convert_element_type3A_24, %dot_general3A_177 {dimension_numbers = #tpu.dot_dimension_numbers<[1], [0], [0], [1], [0, 0, 1, 1], [], []>, transpose_lhs_hint = false} : vector<256x256xf32>, vector<256x8xf32>, vector<256x8xf32> -> vector<256x8xf32>
    %mul3A_179 = arith.constant 0.176776692 : f32
    %mul3A_180 = vector.broadcast %mul3A_179 : f32 to vector<256x8xf32>
    %mul3A_181 = arith.mulf %dot_general3A_178, %mul3A_180 : vector<256x8xf32>
    %get3A_182 = arith.constant 0 : index
    %get3A_183 = arith.constant 11 : index
    %get3A_184 = arith.constant 0 : index
    %get3A_185 = vector.load %arg3[%get3A_182, %get3A_183, %get3A_184] : memref<256x16x256xf32, #tpu.memory_space<vmem>>, vector<256x1x256xf32>
    %get3A_186 = vector.shape_cast %get3A_185 : vector<256x1x256xf32> to vector<256x256xf32>
    %mul3A_187 = arith.mulf %get3A_62, %get3A_186 : vector<256x256xf32>
    %dot_general3A_188 = arith.constant dense<0.000000e+00> : vector<256x8xf32>
    %dot_general3A_189 = tpu.matmul %mul3A_187, %convert_element_type3A_24, %dot_general3A_188 {dimension_numbers = #tpu.dot_dimension_numbers<[1], [0], [0], [1], [0, 0, 1, 1], [], []>, transpose_lhs_hint = false} : vector<256x256xf32>, vector<256x8xf32>, vector<256x8xf32> -> vector<256x8xf32>
    %mul3A_190 = arith.constant 0.176776692 : f32
    %mul3A_191 = vector.broadcast %mul3A_190 : f32 to vector<256x8xf32>
    %mul3A_192 = arith.mulf %dot_general3A_189, %mul3A_191 : vector<256x8xf32>
    %get3A_193 = arith.constant 0 : index
    %get3A_194 = arith.constant 12 : index
    %get3A_195 = arith.constant 0 : index
    %get3A_196 = vector.load %arg3[%get3A_193, %get3A_194, %get3A_195] : memref<256x16x256xf32, #tpu.memory_space<vmem>>, vector<256x1x256xf32>
    %get3A_197 = vector.shape_cast %get3A_196 : vector<256x1x256xf32> to vector<256x256xf32>
    %mul3A_198 = arith.mulf %get3A_62, %get3A_197 : vector<256x256xf32>
    %dot_general3A_199 = arith.constant dense<0.000000e+00> : vector<256x8xf32>
    %dot_general3A_200 = tpu.matmul %mul3A_198, %convert_element_type3A_24, %dot_general3A_199 {dimension_numbers = #tpu.dot_dimension_numbers<[1], [0], [0], [1], [0, 0, 1, 1], [], []>, transpose_lhs_hint = false} : vector<256x256xf32>, vector<256x8xf32>, vector<256x8xf32> -> vector<256x8xf32>
    %mul3A_201 = arith.constant 0.176776692 : f32
    %mul3A_202 = vector.broadcast %mul3A_201 : f32 to vector<256x8xf32>
    %mul3A_203 = arith.mulf %dot_general3A_200, %mul3A_202 : vector<256x8xf32>
    %get3A_204 = arith.constant 0 : index
    %get3A_205 = arith.constant 13 : index
    %get3A_206 = arith.constant 0 : index
    %get3A_207 = vector.load %arg3[%get3A_204, %get3A_205, %get3A_206] : memref<256x16x256xf32, #tpu.memory_space<vmem>>, vector<256x1x256xf32>
    %get3A_208 = vector.shape_cast %get3A_207 : vector<256x1x256xf32> to vector<256x256xf32>
    %mul3A_209 = arith.mulf %get3A_62, %get3A_208 : vector<256x256xf32>
    %dot_general3A_210 = arith.constant dense<0.000000e+00> : vector<256x8xf32>
    %dot_general3A_211 = tpu.matmul %mul3A_209, %convert_element_type3A_24, %dot_general3A_210 {dimension_numbers = #tpu.dot_dimension_numbers<[1], [0], [0], [1], [0, 0, 1, 1], [], []>, transpose_lhs_hint = false} : vector<256x256xf32>, vector<256x8xf32>, vector<256x8xf32> -> vector<256x8xf32>
    %mul3A_212 = arith.constant 0.176776692 : f32
    %mul3A_213 = vector.broadcast %mul3A_212 : f32 to vector<256x8xf32>
    %mul3A_214 = arith.mulf %dot_general3A_211, %mul3A_213 : vector<256x8xf32>
    %get3A_215 = arith.constant 0 : index
    %get3A_216 = arith.constant 14 : index
    %get3A_217 = arith.constant 0 : index
    %get3A_218 = vector.load %arg3[%get3A_215, %get3A_216, %get3A_217] : memref<256x16x256xf32, #tpu.memory_space<vmem>>, vector<256x1x256xf32>
    %get3A_219 = vector.shape_cast %get3A_218 : vector<256x1x256xf32> to vector<256x256xf32>
    %mul3A_220 = arith.mulf %get3A_62, %get3A_219 : vector<256x256xf32>
    %dot_general3A_221 = arith.constant dense<0.000000e+00> : vector<256x8xf32>
    %dot_general3A_222 = tpu.matmul %mul3A_220, %convert_element_type3A_24, %dot_general3A_221 {dimension_numbers = #tpu.dot_dimension_numbers<[1], [0], [0], [1], [0, 0, 1, 1], [], []>, transpose_lhs_hint = false} : vector<256x256xf32>, vector<256x8xf32>, vector<256x8xf32> -> vector<256x8xf32>
    %mul3A_223 = arith.constant 0.176776692 : f32
    %mul3A_224 = vector.broadcast %mul3A_223 : f32 to vector<256x8xf32>
    %mul3A_225 = arith.mulf %dot_general3A_222, %mul3A_224 : vector<256x8xf32>
    %get3A_226 = arith.constant 0 : index
    %get3A_227 = arith.constant 15 : index
    %get3A_228 = arith.constant 0 : index
    %get3A_229 = vector.load %arg3[%get3A_226, %get3A_227, %get3A_228] : memref<256x16x256xf32, #tpu.memory_space<vmem>>, vector<256x1x256xf32>
    %get3A_230 = vector.shape_cast %get3A_229 : vector<256x1x256xf32> to vector<256x256xf32>
    %mul3A_231 = arith.mulf %get3A_62, %get3A_230 : vector<256x256xf32>
    %dot_general3A_232 = arith.constant dense<0.000000e+00> : vector<256x8xf32>
    %dot_general3A_233 = tpu.matmul %mul3A_231, %convert_element_type3A_24, %dot_general3A_232 {dimension_numbers = #tpu.dot_dimension_numbers<[1], [0], [0], [1], [0, 0, 1, 1], [], []>, transpose_lhs_hint = false} : vector<256x256xf32>, vector<256x8xf32>, vector<256x8xf32> -> vector<256x8xf32>
    %mul3A_234 = arith.constant 0.176776692 : f32
    %mul3A_235 = vector.broadcast %mul3A_234 : f32 to vector<256x8xf32>
    %mul3A_236 = arith.mulf %dot_general3A_233, %mul3A_235 : vector<256x8xf32>
    %max3A = arith.maximumf %mul3A_71, %mul3A_82 : vector<256x8xf32>
    %max3A_237 = arith.maximumf %max3A, %mul3A_93 : vector<256x8xf32>
    %max3A_238 = arith.maximumf %max3A_237, %mul3A_104 : vector<256x8xf32>
    %max3A_239 = arith.maximumf %max3A_238, %mul3A_115 : vector<256x8xf32>
    %max3A_240 = arith.maximumf %max3A_239, %mul3A_126 : vector<256x8xf32>
    %max3A_241 = arith.maximumf %max3A_240, %mul3A_137 : vector<256x8xf32>
    %max3A_242 = arith.maximumf %max3A_241, %mul3A_148 : vector<256x8xf32>
    %max3A_243 = arith.maximumf %max3A_242, %mul3A_159 : vector<256x8xf32>
    %max3A_244 = arith.maximumf %max3A_243, %mul3A_170 : vector<256x8xf32>
    %max3A_245 = arith.maximumf %max3A_244, %mul3A_181 : vector<256x8xf32>
    %max3A_246 = arith.maximumf %max3A_245, %mul3A_192 : vector<256x8xf32>
    %max3A_247 = arith.maximumf %max3A_246, %mul3A_203 : vector<256x8xf32>
    %max3A_248 = arith.maximumf %max3A_247, %mul3A_214 : vector<256x8xf32>
    %max3A_249 = arith.maximumf %max3A_248, %mul3A_225 : vector<256x8xf32>
    %max3A_250 = arith.maximumf %max3A_249, %mul3A_236 : vector<256x8xf32>
    %sub3A_251 = arith.subf %mul3A_71, %max3A_250 : vector<256x8xf32>
    %exp3A = math.exp %sub3A_251 : vector<256x8xf32>
    %sub3A_252 = arith.subf %mul3A_82, %max3A_250 : vector<256x8xf32>
    %exp3A_253 = math.exp %sub3A_252 : vector<256x8xf32>
    %sub3A_254 = arith.subf %mul3A_93, %max3A_250 : vector<256x8xf32>
    %exp3A_255 = math.exp %sub3A_254 : vector<256x8xf32>
    %sub3A_256 = arith.subf %mul3A_104, %max3A_250 : vector<256x8xf32>
    %exp3A_257 = math.exp %sub3A_256 : vector<256x8xf32>
    %sub3A_258 = arith.subf %mul3A_115, %max3A_250 : vector<256x8xf32>
    %exp3A_259 = math.exp %sub3A_258 : vector<256x8xf32>
    %sub3A_260 = arith.subf %mul3A_126, %max3A_250 : vector<256x8xf32>
    %exp3A_261 = math.exp %sub3A_260 : vector<256x8xf32>
    %sub3A_262 = arith.subf %mul3A_137, %max3A_250 : vector<256x8xf32>
    %exp3A_263 = math.exp %sub3A_262 : vector<256x8xf32>
    %sub3A_264 = arith.subf %mul3A_148, %max3A_250 : vector<256x8xf32>
    %exp3A_265 = math.exp %sub3A_264 : vector<256x8xf32>
    %sub3A_266 = arith.subf %mul3A_159, %max3A_250 : vector<256x8xf32>
    %exp3A_267 = math.exp %sub3A_266 : vector<256x8xf32>
    %sub3A_268 = arith.subf %mul3A_170, %max3A_250 : vector<256x8xf32>
    %exp3A_269 = math.exp %sub3A_268 : vector<256x8xf32>
    %sub3A_270 = arith.subf %mul3A_181, %max3A_250 : vector<256x8xf32>
    %exp3A_271 = math.exp %sub3A_270 : vector<256x8xf32>
    %sub3A_272 = arith.subf %mul3A_192, %max3A_250 : vector<256x8xf32>
    %exp3A_273 = math.exp %sub3A_272 : vector<256x8xf32>
    %sub3A_274 = arith.subf %mul3A_203, %max3A_250 : vector<256x8xf32>
    %exp3A_275 = math.exp %sub3A_274 : vector<256x8xf32>
    %sub3A_276 = arith.subf %mul3A_214, %max3A_250 : vector<256x8xf32>
    %exp3A_277 = math.exp %sub3A_276 : vector<256x8xf32>
    %sub3A_278 = arith.subf %mul3A_225, %max3A_250 : vector<256x8xf32>
    %exp3A_279 = math.exp %sub3A_278 : vector<256x8xf32>
    %sub3A_280 = arith.subf %mul3A_236, %max3A_250 : vector<256x8xf32>
    %exp3A_281 = math.exp %sub3A_280 : vector<256x8xf32>
    %add3A = arith.addf %exp3A, %exp3A_253 : vector<256x8xf32>
    %add3A_282 = arith.addf %add3A, %exp3A_255 : vector<256x8xf32>
    %add3A_283 = arith.addf %add3A_282, %exp3A_257 : vector<256x8xf32>
    %add3A_284 = arith.addf %add3A_283, %exp3A_259 : vector<256x8xf32>
    %add3A_285 = arith.addf %add3A_284, %exp3A_261 : vector<256x8xf32>
    %add3A_286 = arith.addf %add3A_285, %exp3A_263 : vector<256x8xf32>
    %add3A_287 = arith.addf %add3A_286, %exp3A_265 : vector<256x8xf32>
    %add3A_288 = arith.addf %add3A_287, %exp3A_267 : vector<256x8xf32>
    %add3A_289 = arith.addf %add3A_288, %exp3A_269 : vector<256x8xf32>
    %add3A_290 = arith.addf %add3A_289, %exp3A_271 : vector<256x8xf32>
    %add3A_291 = arith.addf %add3A_290, %exp3A_273 : vector<256x8xf32>
    %add3A_292 = arith.addf %add3A_291, %exp3A_275 : vector<256x8xf32>
    %add3A_293 = arith.addf %add3A_292, %exp3A_277 : vector<256x8xf32>
    %add3A_294 = arith.addf %add3A_293, %exp3A_279 : vector<256x8xf32>
    %add3A_295 = arith.addf %add3A_294, %exp3A_281 : vector<256x8xf32>
    %broadcast_in_dim3A = arith.constant 0.000000e+00 : f32
    %broadcast_in_dim3A_296 = vector.broadcast %broadcast_in_dim3A : f32 to vector<256x256xf32>
    %div3A_297 = arith.divf %exp3A, %add3A_295 : vector<256x8xf32>
    %dot_general3A_298 = arith.constant dense<0.000000e+00> : vector<256x256xf32>
    %dot_general3A_299 = tpu.matmul %div3A_297, %convert_element_type3A_60, %dot_general3A_298 {dimension_numbers = #tpu.dot_dimension_numbers<[1], [0], [0], [1], [0, 0, 1, 1], [], []>, transpose_lhs_hint = false} : vector<256x8xf32>, vector<8x256xf32>, vector<256x256xf32> -> vector<256x256xf32>
    %get3A_300 = arith.constant 0 : index
    %get3A_301 = arith.constant 0 : index
    %get3A_302 = arith.constant 0 : index
    %get3A_303 = vector.load %arg4[%get3A_300, %get3A_301, %get3A_302] : memref<256x16x256xf32, #tpu.memory_space<vmem>>, vector<256x1x256xf32>
    %get3A_304 = vector.shape_cast %get3A_303 : vector<256x1x256xf32> to vector<256x256xf32>
    %mul3A_305 = arith.mulf %dot_general3A_299, %get3A_304 : vector<256x256xf32>
    %add3A_306 = arith.addf %broadcast_in_dim3A_296, %mul3A_305 : vector<256x256xf32>
    %div3A_307 = arith.divf %exp3A_253, %add3A_295 : vector<256x8xf32>
    %dot_general3A_308 = arith.constant dense<0.000000e+00> : vector<256x256xf32>
    %dot_general3A_309 = tpu.matmul %div3A_307, %convert_element_type3A_60, %dot_general3A_308 {dimension_numbers = #tpu.dot_dimension_numbers<[1], [0], [0], [1], [0, 0, 1, 1], [], []>, transpose_lhs_hint = false} : vector<256x8xf32>, vector<8x256xf32>, vector<256x256xf32> -> vector<256x256xf32>
    %get3A_310 = arith.constant 0 : index
    %get3A_311 = arith.constant 1 : index
    %get3A_312 = arith.constant 0 : index
    %get3A_313 = vector.load %arg4[%get3A_310, %get3A_311, %get3A_312] : memref<256x16x256xf32, #tpu.memory_space<vmem>>, vector<256x1x256xf32>
    %get3A_314 = vector.shape_cast %get3A_313 : vector<256x1x256xf32> to vector<256x256xf32>
    %mul3A_315 = arith.mulf %dot_general3A_309, %get3A_314 : vector<256x256xf32>
    %add3A_316 = arith.addf %add3A_306, %mul3A_315 : vector<256x256xf32>
    %div3A_317 = arith.divf %exp3A_255, %add3A_295 : vector<256x8xf32>
    %dot_general3A_318 = arith.constant dense<0.000000e+00> : vector<256x256xf32>
    %dot_general3A_319 = tpu.matmul %div3A_317, %convert_element_type3A_60, %dot_general3A_318 {dimension_numbers = #tpu.dot_dimension_numbers<[1], [0], [0], [1], [0, 0, 1, 1], [], []>, transpose_lhs_hint = false} : vector<256x8xf32>, vector<8x256xf32>, vector<256x256xf32> -> vector<256x256xf32>
    %get3A_320 = arith.constant 0 : index
    %get3A_321 = arith.constant 2 : index
    %get3A_322 = arith.constant 0 : index
    %get3A_323 = vector.load %arg4[%get3A_320, %get3A_321, %get3A_322] : memref<256x16x256xf32, #tpu.memory_space<vmem>>, vector<256x1x256xf32>
    %get3A_324 = vector.shape_cast %get3A_323 : vector<256x1x256xf32> to vector<256x256xf32>
    %mul3A_325 = arith.mulf %dot_general3A_319, %get3A_324 : vector<256x256xf32>
    %add3A_326 = arith.addf %add3A_316, %mul3A_325 : vector<256x256xf32>
    %div3A_327 = arith.divf %exp3A_257, %add3A_295 : vector<256x8xf32>
    %dot_general3A_328 = arith.constant dense<0.000000e+00> : vector<256x256xf32>
    %dot_general3A_329 = tpu.matmul %div3A_327, %convert_element_type3A_60, %dot_general3A_328 {dimension_numbers = #tpu.dot_dimension_numbers<[1], [0], [0], [1], [0, 0, 1, 1], [], []>, transpose_lhs_hint = false} : vector<256x8xf32>, vector<8x256xf32>, vector<256x256xf32> -> vector<256x256xf32>
    %get3A_330 = arith.constant 0 : index
    %get3A_331 = arith.constant 3 : index
    %get3A_332 = arith.constant 0 : index
    %get3A_333 = vector.load %arg4[%get3A_330, %get3A_331, %get3A_332] : memref<256x16x256xf32, #tpu.memory_space<vmem>>, vector<256x1x256xf32>
    %get3A_334 = vector.shape_cast %get3A_333 : vector<256x1x256xf32> to vector<256x256xf32>
    %mul3A_335 = arith.mulf %dot_general3A_329, %get3A_334 : vector<256x256xf32>
    %add3A_336 = arith.addf %add3A_326, %mul3A_335 : vector<256x256xf32>
    %div3A_337 = arith.divf %exp3A_259, %add3A_295 : vector<256x8xf32>
    %dot_general3A_338 = arith.constant dense<0.000000e+00> : vector<256x256xf32>
    %dot_general3A_339 = tpu.matmul %div3A_337, %convert_element_type3A_60, %dot_general3A_338 {dimension_numbers = #tpu.dot_dimension_numbers<[1], [0], [0], [1], [0, 0, 1, 1], [], []>, transpose_lhs_hint = false} : vector<256x8xf32>, vector<8x256xf32>, vector<256x256xf32> -> vector<256x256xf32>
    %get3A_340 = arith.constant 0 : index
    %get3A_341 = arith.constant 4 : index
    %get3A_342 = arith.constant 0 : index
    %get3A_343 = vector.load %arg4[%get3A_340, %get3A_341, %get3A_342] : memref<256x16x256xf32, #tpu.memory_space<vmem>>, vector<256x1x256xf32>
    %get3A_344 = vector.shape_cast %get3A_343 : vector<256x1x256xf32> to vector<256x256xf32>
    %mul3A_345 = arith.mulf %dot_general3A_339, %get3A_344 : vector<256x256xf32>
    %add3A_346 = arith.addf %add3A_336, %mul3A_345 : vector<256x256xf32>
    %div3A_347 = arith.divf %exp3A_261, %add3A_295 : vector<256x8xf32>
    %dot_general3A_348 = arith.constant dense<0.000000e+00> : vector<256x256xf32>
    %dot_general3A_349 = tpu.matmul %div3A_347, %convert_element_type3A_60, %dot_general3A_348 {dimension_numbers = #tpu.dot_dimension_numbers<[1], [0], [0], [1], [0, 0, 1, 1], [], []>, transpose_lhs_hint = false} : vector<256x8xf32>, vector<8x256xf32>, vector<256x256xf32> -> vector<256x256xf32>
    %get3A_350 = arith.constant 0 : index
    %get3A_351 = arith.constant 5 : index
    %get3A_352 = arith.constant 0 : index
    %get3A_353 = vector.load %arg4[%get3A_350, %get3A_351, %get3A_352] : memref<256x16x256xf32, #tpu.memory_space<vmem>>, vector<256x1x256xf32>
    %get3A_354 = vector.shape_cast %get3A_353 : vector<256x1x256xf32> to vector<256x256xf32>
    %mul3A_355 = arith.mulf %dot_general3A_349, %get3A_354 : vector<256x256xf32>
    %add3A_356 = arith.addf %add3A_346, %mul3A_355 : vector<256x256xf32>
    %div3A_357 = arith.divf %exp3A_263, %add3A_295 : vector<256x8xf32>
    %dot_general3A_358 = arith.constant dense<0.000000e+00> : vector<256x256xf32>
    %dot_general3A_359 = tpu.matmul %div3A_357, %convert_element_type3A_60, %dot_general3A_358 {dimension_numbers = #tpu.dot_dimension_numbers<[1], [0], [0], [1], [0, 0, 1, 1], [], []>, transpose_lhs_hint = false} : vector<256x8xf32>, vector<8x256xf32>, vector<256x256xf32> -> vector<256x256xf32>
    %get3A_360 = arith.constant 0 : index
    %get3A_361 = arith.constant 6 : index
    %get3A_362 = arith.constant 0 : index
    %get3A_363 = vector.load %arg4[%get3A_360, %get3A_361, %get3A_362] : memref<256x16x256xf32, #tpu.memory_space<vmem>>, vector<256x1x256xf32>
    %get3A_364 = vector.shape_cast %get3A_363 : vector<256x1x256xf32> to vector<256x256xf32>
    %mul3A_365 = arith.mulf %dot_general3A_359, %get3A_364 : vector<256x256xf32>
    %add3A_366 = arith.addf %add3A_356, %mul3A_365 : vector<256x256xf32>
    %div3A_367 = arith.divf %exp3A_265, %add3A_295 : vector<256x8xf32>
    %dot_general3A_368 = arith.constant dense<0.000000e+00> : vector<256x256xf32>
    %dot_general3A_369 = tpu.matmul %div3A_367, %convert_element_type3A_60, %dot_general3A_368 {dimension_numbers = #tpu.dot_dimension_numbers<[1], [0], [0], [1], [0, 0, 1, 1], [], []>, transpose_lhs_hint = false} : vector<256x8xf32>, vector<8x256xf32>, vector<256x256xf32> -> vector<256x256xf32>
    %get3A_370 = arith.constant 0 : index
    %get3A_371 = arith.constant 7 : index
    %get3A_372 = arith.constant 0 : index
    %get3A_373 = vector.load %arg4[%get3A_370, %get3A_371, %get3A_372] : memref<256x16x256xf32, #tpu.memory_space<vmem>>, vector<256x1x256xf32>
    %get3A_374 = vector.shape_cast %get3A_373 : vector<256x1x256xf32> to vector<256x256xf32>
    %mul3A_375 = arith.mulf %dot_general3A_369, %get3A_374 : vector<256x256xf32>
    %add3A_376 = arith.addf %add3A_366, %mul3A_375 : vector<256x256xf32>
    %div3A_377 = arith.divf %exp3A_267, %add3A_295 : vector<256x8xf32>
    %dot_general3A_378 = arith.constant dense<0.000000e+00> : vector<256x256xf32>
    %dot_general3A_379 = tpu.matmul %div3A_377, %convert_element_type3A_60, %dot_general3A_378 {dimension_numbers = #tpu.dot_dimension_numbers<[1], [0], [0], [1], [0, 0, 1, 1], [], []>, transpose_lhs_hint = false} : vector<256x8xf32>, vector<8x256xf32>, vector<256x256xf32> -> vector<256x256xf32>
    %get3A_380 = arith.constant 0 : index
    %get3A_381 = arith.constant 8 : index
    %get3A_382 = arith.constant 0 : index
    %get3A_383 = vector.load %arg4[%get3A_380, %get3A_381, %get3A_382] : memref<256x16x256xf32, #tpu.memory_space<vmem>>, vector<256x1x256xf32>
    %get3A_384 = vector.shape_cast %get3A_383 : vector<256x1x256xf32> to vector<256x256xf32>
    %mul3A_385 = arith.mulf %dot_general3A_379, %get3A_384 : vector<256x256xf32>
    %add3A_386 = arith.addf %add3A_376, %mul3A_385 : vector<256x256xf32>
    %div3A_387 = arith.divf %exp3A_269, %add3A_295 : vector<256x8xf32>
    %dot_general3A_388 = arith.constant dense<0.000000e+00> : vector<256x256xf32>
    %dot_general3A_389 = tpu.matmul %div3A_387, %convert_element_type3A_60, %dot_general3A_388 {dimension_numbers = #tpu.dot_dimension_numbers<[1], [0], [0], [1], [0, 0, 1, 1], [], []>, transpose_lhs_hint = false} : vector<256x8xf32>, vector<8x256xf32>, vector<256x256xf32> -> vector<256x256xf32>
    %get3A_390 = arith.constant 0 : index
    %get3A_391 = arith.constant 9 : index
    %get3A_392 = arith.constant 0 : index
    %get3A_393 = vector.load %arg4[%get3A_390, %get3A_391, %get3A_392] : memref<256x16x256xf32, #tpu.memory_space<vmem>>, vector<256x1x256xf32>
    %get3A_394 = vector.shape_cast %get3A_393 : vector<256x1x256xf32> to vector<256x256xf32>
    %mul3A_395 = arith.mulf %dot_general3A_389, %get3A_394 : vector<256x256xf32>
    %add3A_396 = arith.addf %add3A_386, %mul3A_395 : vector<256x256xf32>
    %div3A_397 = arith.divf %exp3A_271, %add3A_295 : vector<256x8xf32>
    %dot_general3A_398 = arith.constant dense<0.000000e+00> : vector<256x256xf32>
    %dot_general3A_399 = tpu.matmul %div3A_397, %convert_element_type3A_60, %dot_general3A_398 {dimension_numbers = #tpu.dot_dimension_numbers<[1], [0], [0], [1], [0, 0, 1, 1], [], []>, transpose_lhs_hint = false} : vector<256x8xf32>, vector<8x256xf32>, vector<256x256xf32> -> vector<256x256xf32>
    %get3A_400 = arith.constant 0 : index
    %get3A_401 = arith.constant 10 : index
    %get3A_402 = arith.constant 0 : index
    %get3A_403 = vector.load %arg4[%get3A_400, %get3A_401, %get3A_402] : memref<256x16x256xf32, #tpu.memory_space<vmem>>, vector<256x1x256xf32>
    %get3A_404 = vector.shape_cast %get3A_403 : vector<256x1x256xf32> to vector<256x256xf32>
    %mul3A_405 = arith.mulf %dot_general3A_399, %get3A_404 : vector<256x256xf32>
    %add3A_406 = arith.addf %add3A_396, %mul3A_405 : vector<256x256xf32>
    %div3A_407 = arith.divf %exp3A_273, %add3A_295 : vector<256x8xf32>
    %dot_general3A_408 = arith.constant dense<0.000000e+00> : vector<256x256xf32>
    %dot_general3A_409 = tpu.matmul %div3A_407, %convert_element_type3A_60, %dot_general3A_408 {dimension_numbers = #tpu.dot_dimension_numbers<[1], [0], [0], [1], [0, 0, 1, 1], [], []>, transpose_lhs_hint = false} : vector<256x8xf32>, vector<8x256xf32>, vector<256x256xf32> -> vector<256x256xf32>
    %get3A_410 = arith.constant 0 : index
    %get3A_411 = arith.constant 11 : index
    %get3A_412 = arith.constant 0 : index
    %get3A_413 = vector.load %arg4[%get3A_410, %get3A_411, %get3A_412] : memref<256x16x256xf32, #tpu.memory_space<vmem>>, vector<256x1x256xf32>
    %get3A_414 = vector.shape_cast %get3A_413 : vector<256x1x256xf32> to vector<256x256xf32>
    %mul3A_415 = arith.mulf %dot_general3A_409, %get3A_414 : vector<256x256xf32>
    %add3A_416 = arith.addf %add3A_406, %mul3A_415 : vector<256x256xf32>
    %div3A_417 = arith.divf %exp3A_275, %add3A_295 : vector<256x8xf32>
    %dot_general3A_418 = arith.constant dense<0.000000e+00> : vector<256x256xf32>
    %dot_general3A_419 = tpu.matmul %div3A_417, %convert_element_type3A_60, %dot_general3A_418 {dimension_numbers = #tpu.dot_dimension_numbers<[1], [0], [0], [1], [0, 0, 1, 1], [], []>, transpose_lhs_hint = false} : vector<256x8xf32>, vector<8x256xf32>, vector<256x256xf32> -> vector<256x256xf32>
    %get3A_420 = arith.constant 0 : index
    %get3A_421 = arith.constant 12 : index
    %get3A_422 = arith.constant 0 : index
    %get3A_423 = vector.load %arg4[%get3A_420, %get3A_421, %get3A_422] : memref<256x16x256xf32, #tpu.memory_space<vmem>>, vector<256x1x256xf32>
    %get3A_424 = vector.shape_cast %get3A_423 : vector<256x1x256xf32> to vector<256x256xf32>
    %mul3A_425 = arith.mulf %dot_general3A_419, %get3A_424 : vector<256x256xf32>
    %add3A_426 = arith.addf %add3A_416, %mul3A_425 : vector<256x256xf32>
    %div3A_427 = arith.divf %exp3A_277, %add3A_295 : vector<256x8xf32>
    %dot_general3A_428 = arith.constant dense<0.000000e+00> : vector<256x256xf32>
    %dot_general3A_429 = tpu.matmul %div3A_427, %convert_element_type3A_60, %dot_general3A_428 {dimension_numbers = #tpu.dot_dimension_numbers<[1], [0], [0], [1], [0, 0, 1, 1], [], []>, transpose_lhs_hint = false} : vector<256x8xf32>, vector<8x256xf32>, vector<256x256xf32> -> vector<256x256xf32>
    %get3A_430 = arith.constant 0 : index
    %get3A_431 = arith.constant 13 : index
    %get3A_432 = arith.constant 0 : index
    %get3A_433 = vector.load %arg4[%get3A_430, %get3A_431, %get3A_432] : memref<256x16x256xf32, #tpu.memory_space<vmem>>, vector<256x1x256xf32>
    %get3A_434 = vector.shape_cast %get3A_433 : vector<256x1x256xf32> to vector<256x256xf32>
    %mul3A_435 = arith.mulf %dot_general3A_429, %get3A_434 : vector<256x256xf32>
    %add3A_436 = arith.addf %add3A_426, %mul3A_435 : vector<256x256xf32>
    %div3A_437 = arith.divf %exp3A_279, %add3A_295 : vector<256x8xf32>
    %dot_general3A_438 = arith.constant dense<0.000000e+00> : vector<256x256xf32>
    %dot_general3A_439 = tpu.matmul %div3A_437, %convert_element_type3A_60, %dot_general3A_438 {dimension_numbers = #tpu.dot_dimension_numbers<[1], [0], [0], [1], [0, 0, 1, 1], [], []>, transpose_lhs_hint = false} : vector<256x8xf32>, vector<8x256xf32>, vector<256x256xf32> -> vector<256x256xf32>
    %get3A_440 = arith.constant 0 : index
    %get3A_441 = arith.constant 14 : index
    %get3A_442 = arith.constant 0 : index
    %get3A_443 = vector.load %arg4[%get3A_440, %get3A_441, %get3A_442] : memref<256x16x256xf32, #tpu.memory_space<vmem>>, vector<256x1x256xf32>
    %get3A_444 = vector.shape_cast %get3A_443 : vector<256x1x256xf32> to vector<256x256xf32>
    %mul3A_445 = arith.mulf %dot_general3A_439, %get3A_444 : vector<256x256xf32>
    %add3A_446 = arith.addf %add3A_436, %mul3A_445 : vector<256x256xf32>
    %div3A_447 = arith.divf %exp3A_281, %add3A_295 : vector<256x8xf32>
    %dot_general3A_448 = arith.constant dense<0.000000e+00> : vector<256x256xf32>
    %dot_general3A_449 = tpu.matmul %div3A_447, %convert_element_type3A_60, %dot_general3A_448 {dimension_numbers = #tpu.dot_dimension_numbers<[1], [0], [0], [1], [0, 0, 1, 1], [], []>, transpose_lhs_hint = false} : vector<256x8xf32>, vector<8x256xf32>, vector<256x256xf32> -> vector<256x256xf32>
    %get3A_450 = arith.constant 0 : index
    %get3A_451 = arith.constant 15 : index
    %get3A_452 = arith.constant 0 : index
    %get3A_453 = vector.load %arg4[%get3A_450, %get3A_451, %get3A_452] : memref<256x16x256xf32, #tpu.memory_space<vmem>>, vector<256x1x256xf32>
    %get3A_454 = vector.shape_cast %get3A_453 : vector<256x1x256xf32> to vector<256x256xf32>
    %mul3A_455 = arith.mulf %dot_general3A_449, %get3A_454 : vector<256x256xf32>
    %add3A_456 = arith.addf %add3A_446, %mul3A_455 : vector<256x256xf32>
    %get3A_457 = arith.constant 0 : index
    %get3A_458 = arith.constant 0 : index
    %get3A_459 = vector.load %arg1[%get3A_457, %get3A_458] : memref<256x256xf32, #tpu.memory_space<vmem>>, vector<256x256xf32>
    %get3A_460 = arith.constant 0 : index
    %get3A_461 = arith.constant 0 : index
    %get3A_462 = vector.load %arg8[%get3A_460, %get3A_461] : memref<256x256xf32, #tpu.memory_space<vmem>>, vector<256x256xf32>
    %dot_general3A_463 = arith.constant dense<0.000000e+00> : vector<256x256xf32>
    %dot_general3A_464 = tpu.matmul %add3A_456, %get3A_462, %dot_general3A_463 {dimension_numbers = #tpu.dot_dimension_numbers<[1], [0], [0], [1], [0, 0, 1, 1], [], []>, transpose_lhs_hint = false} : vector<256x256xf32>, vector<256x256xf32>, vector<256x256xf32> -> vector<256x256xf32>
    %add3A_465 = arith.addf %get3A_459, %dot_general3A_464 : vector<256x256xf32>
    %get3A_466 = arith.constant 0 : index
    %get3A_467 = arith.constant 0 : index
    %get3A_468 = vector.load %arg9[%get3A_466, %get3A_467] : memref<1x256xf32, #tpu.memory_space<vmem>>, vector<1x256xf32>
    %add3A_469 = vector.broadcast %get3A_468 : vector<1x256xf32> to vector<256x256xf32>
    %add3A_470 = arith.addf %add3A_465, %add3A_469 : vector<256x256xf32>
    %get3A_471 = arith.constant 0 : index
    %get3A_472 = arith.constant 0 : index
    %get3A_473 = vector.load %arg5[%get3A_471, %get3A_472] : memref<8x32xf32, #tpu.memory_space<vmem>>, vector<8x32xf32>
    %get3A_474 = arith.constant 0 : index
    %get3A_475 = arith.constant 0 : index
    %get3A_476 = vector.load %arg6[%get3A_474, %get3A_475] : memref<32x512xf32, #tpu.memory_space<vmem>>, vector<32x512xf32>
    %dot_general3A_477 = arith.constant dense<0.000000e+00> : vector<8x512xf32>
    %dot_general3A_478 = tpu.matmul %get3A_473, %get3A_476, %dot_general3A_477 {dimension_numbers = #tpu.dot_dimension_numbers<[1], [0], [0], [1], [0, 0, 1, 1], [], []>, transpose_lhs_hint = false} : vector<8x32xf32>, vector<32x512xf32>, vector<8x512xf32> -> vector<8x512xf32>
    %get3A_479 = arith.constant 0 : index
    %get3A_480 = arith.constant 0 : index
    %get3A_481 = vector.load %arg7[%get3A_479, %get3A_480] : memref<1x512xf32, #tpu.memory_space<vmem>>, vector<1x512xf32>
    %add3A_482 = vector.broadcast %get3A_481 : vector<1x512xf32> to vector<8x512xf32>
    %add3A_483 = arith.addf %dot_general3A_478, %add3A_482 : vector<8x512xf32>
    %slice3A = vector.extract_strided_slice %add3A_483 {offsets = [0, 0], sizes = [1, 256], strides = [1, 1]} : vector<8x512xf32> to vector<1x256xf32>
    %slice3A_484 = vector.extract_strided_slice %add3A_483 {offsets = [0, 256], sizes = [1, 256], strides = [1, 1]} : vector<8x512xf32> to vector<1x256xf32>
    %reduce_sum3A = arith.constant dense<0.000000e+00> : vector<256xf32>
    %reduce_sum3A_485 = vector.multi_reduction <add>, %add3A_470, %reduce_sum3A [1] : vector<256x256xf32> to vector<256xf32>
    %broadcast_in_dim3A_486 = vector.shape_cast %reduce_sum3A_485 : vector<256xf32> to vector<256x1xf32>
    %div3A_487 = arith.constant 2.560000e+02 : f32
    %div3A_488 = vector.broadcast %div3A_487 : f32 to vector<256x1xf32>
    %div3A_489 = arith.divf %broadcast_in_dim3A_486, %div3A_488 : vector<256x1xf32>
    %sub3A_490 = vector.broadcast %div3A_489 : vector<256x1xf32> to vector<256x256xf32>
    %sub3A_491 = arith.subf %add3A_470, %sub3A_490 : vector<256x256xf32>
    %integer_pow3A = arith.mulf %sub3A_491, %sub3A_491 : vector<256x256xf32>
    %reduce_sum3A_492 = arith.constant dense<0.000000e+00> : vector<256xf32>
    %reduce_sum3A_493 = vector.multi_reduction <add>, %integer_pow3A, %reduce_sum3A_492 [1] : vector<256x256xf32> to vector<256xf32>
    %broadcast_in_dim3A_494 = vector.shape_cast %reduce_sum3A_493 : vector<256xf32> to vector<256x1xf32>
    %div3A_495 = arith.constant 2.560000e+02 : f32
    %div3A_496 = vector.broadcast %div3A_495 : f32 to vector<256x1xf32>
    %div3A_497 = arith.divf %broadcast_in_dim3A_494, %div3A_496 : vector<256x1xf32>
    %sub3A_498 = vector.broadcast %div3A_489 : vector<256x1xf32> to vector<256x256xf32>
    %sub3A_499 = arith.subf %add3A_470, %sub3A_498 : vector<256x256xf32>
    %add3A_500 = arith.constant 9.99999974E-6 : f32
    %add3A_501 = vector.broadcast %add3A_500 : f32 to vector<256x1xf32>
    %add3A_502 = arith.addf %div3A_497, %add3A_501 : vector<256x1xf32>
    %sqrt3A = math.sqrt %add3A_502 : vector<256x1xf32>
    %div3A_503 = vector.broadcast %sqrt3A : vector<256x1xf32> to vector<256x256xf32>
    %div3A_504 = arith.divf %sub3A_499, %div3A_503 : vector<256x256xf32>
    %add3A_505 = arith.constant 1.000000e+00 : f32
    %add3A_506 = vector.broadcast %add3A_505 : f32 to vector<1x256xf32>
    %add3A_507 = arith.addf %add3A_506, %slice3A : vector<1x256xf32>
    %mul3A_508 = vector.broadcast %add3A_507 : vector<1x256xf32> to vector<256x256xf32>
    %mul3A_509 = arith.mulf %div3A_504, %mul3A_508 : vector<256x256xf32>
    %add3A_510 = vector.broadcast %slice3A_484 : vector<1x256xf32> to vector<256x256xf32>
    %add3A_511 = arith.addf %mul3A_509, %add3A_510 : vector<256x256xf32>
    %get3A_512 = arith.constant 0 : index
    %get3A_513 = arith.constant 0 : index
    %get3A_514 = vector.load %arg10[%get3A_512, %get3A_513] : memref<256x512xf32, #tpu.memory_space<vmem>>, vector<256x512xf32>
    %dot_general3A_515 = arith.constant dense<0.000000e+00> : vector<256x512xf32>
    %dot_general3A_516 = tpu.matmul %add3A_511, %get3A_514, %dot_general3A_515 {dimension_numbers = #tpu.dot_dimension_numbers<[1], [0], [0], [1], [0, 0, 1, 1], [], []>, transpose_lhs_hint = false} : vector<256x256xf32>, vector<256x512xf32>, vector<256x512xf32> -> vector<256x512xf32>
    %get3A_517 = arith.constant 0 : index
    %get3A_518 = arith.constant 0 : index
    %get3A_519 = vector.load %arg11[%get3A_517, %get3A_518] : memref<1x512xf32, #tpu.memory_space<vmem>>, vector<1x512xf32>
    %add3A_520 = vector.broadcast %get3A_519 : vector<1x512xf32> to vector<256x512xf32>
    %add3A_521 = arith.addf %dot_general3A_516, %add3A_520 : vector<256x512xf32>
    %neg3A = arith.constant 0.000000e+00 : f32
    %neg3A_522 = vector.broadcast %neg3A : f32 to vector<256x512xf32>
    %neg3A_523 = arith.subf %neg3A_522, %add3A_521 : vector<256x512xf32>
    %exp3A_524 = math.exp %neg3A_523 : vector<256x512xf32>
    %add3A_525 = arith.constant 1.000000e+00 : f32
    %add3A_526 = vector.broadcast %add3A_525 : f32 to vector<256x512xf32>
    %add3A_527 = arith.addf %add3A_526, %exp3A_524 : vector<256x512xf32>
    %div3A_528 = arith.divf %add3A_521, %add3A_527 : vector<256x512xf32>
    %get3A_529 = arith.constant 0 : index
    %get3A_530 = arith.constant 0 : index
    %get3A_531 = vector.load %arg12[%get3A_529, %get3A_530] : memref<512x256xf32, #tpu.memory_space<vmem>>, vector<512x256xf32>
    %dot_general3A_532 = arith.constant dense<0.000000e+00> : vector<256x256xf32>
    %dot_general3A_533 = tpu.matmul %div3A_528, %get3A_531, %dot_general3A_532 {dimension_numbers = #tpu.dot_dimension_numbers<[1], [0], [0], [1], [0, 0, 1, 1], [], []>, transpose_lhs_hint = false} : vector<256x512xf32>, vector<512x256xf32>, vector<256x256xf32> -> vector<256x256xf32>
    %get3A_534 = arith.constant 0 : index
    %get3A_535 = arith.constant 0 : index
    %get3A_536 = vector.load %arg13[%get3A_534, %get3A_535] : memref<1x256xf32, #tpu.memory_space<vmem>>, vector<1x256xf32>
    %add3A_537 = vector.broadcast %get3A_536 : vector<1x256xf32> to vector<256x256xf32>
    %add3A_538 = arith.addf %dot_general3A_533, %add3A_537 : vector<256x256xf32>
    %add3A_539 = arith.addf %add3A_470, %add3A_538 : vector<256x256xf32>
    %swap3A = arith.constant 0 : index
    %swap3A_540 = arith.constant 0 : index
    %swap3A_541 = vector.load %arg14[%swap3A, %swap3A_540] : memref<256x256xf32, #tpu.memory_space<vmem>>, vector<256x256xf32>
    tpu.vector_store %arg14[%swap3A, %swap3A_540], %add3A_539 {strides = array<i32>} : memref<256x256xf32, #tpu.memory_space<vmem>>, vector<256x256xf32>,
    return
  }
  func.func @transform_0(%arg0: i32) -> (i32, i32) {
    %c0_i32 = arith.constant 0 : i32
    %c0_i32_0 = arith.constant 0 : i32
    return %arg0, %c0_i32 : i32, i32
  }
  func.func @transform_1(%arg0: i32) -> (i32, i32) {
    %c0_i32 = arith.constant 0 : i32
    %c0_i32_0 = arith.constant 0 : i32
    return %arg0, %c0_i32 : i32, i32
  }
  func.func @transform_2(%arg0: i32) -> (i32, i32, i32) {
    %c0_i32 = arith.constant 0 : i32
    %c0_i32_0 = arith.constant 0 : i32
    %c0_i32_1 = arith.constant 0 : i32
    return %arg0, %c0_i32, %c0_i32_0 : i32, i32, i32
  }
  func.func @transform_3(%arg0: i32) -> (i32, i32, i32) {
    %c0_i32 = arith.constant 0 : i32
    %c0_i32_0 = arith.constant 0 : i32
    %c0_i32_1 = arith.constant 0 : i32
    return %arg0, %c0_i32, %c0_i32_0 : i32, i32, i32
  }
  func.func @transform_4(%arg0: i32) -> (i32, i32) {
    %c0_i32 = arith.constant 0 : i32
    %c0_i32_0 = arith.constant 0 : i32
    %c0_i32_1 = arith.constant 0 : i32
    return %c0_i32, %c0_i32_0 : i32, i32
  }
  func.func @transform_5(%arg0: i32) -> (i32, i32) {
    %c0_i32 = arith.constant 0 : i32
    %c0_i32_0 = arith.constant 0 : i32
    %c0_i32_1 = arith.constant 0 : i32
    return %c0_i32, %c0_i32_0 : i32, i32
  }
  func.func @transform_6(%arg0: i32) -> (i32, i32) {
    %c0_i32 = arith.constant 0 : i32
    %c0_i32_0 = arith.constant 0 : i32
    %c0_i32_1 = arith.constant 0 : i32
    return %c0_i32, %c0_i32_0 : i32, i32
  }
  func.func @transform_7(%arg0: i32) -> (i32, i32) {
    %c0_i32 = arith.constant 0 : i32
    %c0_i32_0 = arith.constant 0 : i32
    %c0_i32_1 = arith.constant 0 : i32
    return %c0_i32, %c0_i32_0 : i32, i32
  }
  func.func @transform_8(%arg0: i32) -> (i32, i32) {
    %c0_i32 = arith.constant 0 : i32
    %c0_i32_0 = arith.constant 0 : i32
    %c0_i32_1 = arith.constant 0 : i32
    return %c0_i32, %c0_i32_0 : i32, i32
  }
  func.func @transform_9(%arg0: i32) -> (i32, i32) {
    %c0_i32 = arith.constant 0 : i32
    %c0_i32_0 = arith.constant 0 : i32
    %c0_i32_1 = arith.constant 0 : i32
    return %c0_i32, %c0_i32_0 : i32, i32
  }
  func.func @transform_10(%arg0: i32) -> (i32, i32) {
    %c0_i32 = arith.constant 0 : i32
    %c0_i32_0 = arith.constant 0 : i32
    %c0_i32_1 = arith.constant 0 : i32
    return %c0_i32, %c0_i32_0 : i32, i32
  }
  func.func @transform_11(%arg0: i32) -> (i32, i32) {
    %c0_i32 = arith.constant 0 : i32
    %c0_i32_0 = arith.constant 0 : i32
    %c0_i32_1 = arith.constant 0 : i32
    return %c0_i32, %c0_i32_0 : i32, i32
  }
  func.func @transform_12(%arg0: i32) -> (i32, i32) {
    %c0_i32 = arith.constant 0 : i32
    %c0_i32_0 = arith.constant 0 : i32
    %c0_i32_1 = arith.constant 0 : i32
    return %c0_i32, %c0_i32_0 : i32, i32
  }
  func.func @transform_13(%arg0: i32) -> (i32, i32) {
    %c0_i32 = arith.constant 0 : i32
    %c0_i32_0 = arith.constant 0 : i32
    return %arg0, %c0_i32 : i32, i32
  }
}

module attributes {stable_mosaic.version = 14 : i64} {
  func.func @body(%arg0: i32, %arg1: memref<512x256xf32, #tpu.memory_space<vmem>>, %arg2: memref<512x256xf32, #tpu.memory_space<vmem>>, %arg3: memref<512x4xf32, #tpu.memory_space<vmem>>, %arg4: memref<4x256xf32, #tpu.memory_space<vmem>>, %arg5: memref<256x256xf32, #tpu.memory_space<vmem>>, %arg6: memref<1x256xf32, #tpu.memory_space<vmem>>, %arg7: memref<256x256xf32, #tpu.memory_space<vmem>>, %arg8: memref<1x256xf32, #tpu.memory_space<vmem>>, %arg9: memref<512x256xf32, #tpu.memory_space<vmem>>) attributes {dimension_semantics = [#tpu.dimension_semantics<arbitrary>], iteration_bounds = array<i64: 95>, scalar_prefetch = 0 : i64, scratch_operands = 0 : i64, tpu.core_type = #tpu.core_type<tc>, window_params = [{transform_indices = @transform_0, window_bounds = array<i64: 512, 256>}, {transform_indices = @transform_1, window_bounds = array<i64: 512, 256>}, {transform_indices = @transform_2, window_bounds = array<i64: 512, 4>}, {pipeline_mode = #tpu.pipeline_mode<synchronous>, transform_indices = @transform_3, window_bounds = array<i64: 4, 256>}, {pipeline_mode = #tpu.pipeline_mode<synchronous>, transform_indices = @transform_4, window_bounds = array<i64: 256, 256>}, {pipeline_mode = #tpu.pipeline_mode<synchronous>, transform_indices = @transform_5, window_bounds = array<i64: 1, 256>}, {pipeline_mode = #tpu.pipeline_mode<synchronous>, transform_indices = @transform_6, window_bounds = array<i64: 256, 256>}, {pipeline_mode = #tpu.pipeline_mode<synchronous>, transform_indices = @transform_7, window_bounds = array<i64: 1, 256>}, {transform_indices = @transform_8, window_bounds = array<i64: 512, 256>}]} {
    %get3A = arith.constant 0 : index
    %get3A_0 = arith.constant 0 : index
    %get3A_1 = vector.load %arg1[%get3A, %get3A_0] : memref<512x256xf32, #tpu.memory_space<vmem>>, vector<512x256xf32>
    %get3A_2 = arith.constant 0 : index
    %get3A_3 = arith.constant 0 : index
    %get3A_4 = vector.load %arg2[%get3A_2, %get3A_3] : memref<512x256xf32, #tpu.memory_space<vmem>>, vector<512x256xf32>
    %add3A = arith.addf %get3A_1, %get3A_4 : vector<512x256xf32>
    %get3A_5 = arith.constant 0 : index
    %get3A_6 = arith.constant 0 : index
    %get3A_7 = vector.load %arg3[%get3A_5, %get3A_6] : memref<512x4xf32, #tpu.memory_space<vmem>>, vector<512x4xf32>
    %get3A_8 = arith.constant 0 : index
    %get3A_9 = arith.constant 0 : index
    %get3A_10 = vector.load %arg4[%get3A_8, %get3A_9] : memref<4x256xf32, #tpu.memory_space<vmem>>, vector<4x256xf32>
    %dot_general3A = arith.constant dense<0.000000e+00> : vector<512x256xf32>
    %dot_general3A_11 = tpu.matmul %get3A_7, %get3A_10, %dot_general3A {dimension_numbers = #tpu.dot_dimension_numbers<[1], [0], [0], [1], [0, 0, 1, 1], [], []>, transpose_lhs_hint = false} : vector<512x4xf32>, vector<4x256xf32>, vector<512x256xf32> -> vector<512x256xf32>
    %add3A_12 = arith.addf %add3A, %dot_general3A_11 : vector<512x256xf32>
    %neg3A = arith.constant 0.000000e+00 : f32
    %neg3A_13 = vector.broadcast %neg3A : f32 to vector<512x256xf32>
    %neg3A_14 = arith.subf %neg3A_13, %add3A_12 : vector<512x256xf32>
    %exp3A = math.exp %neg3A_14 : vector<512x256xf32>
    %add3A_15 = arith.constant 1.000000e+00 : f32
    %add3A_16 = vector.broadcast %add3A_15 : f32 to vector<512x256xf32>
    %add3A_17 = arith.addf %add3A_16, %exp3A : vector<512x256xf32>
    %div3A = arith.divf %add3A_12, %add3A_17 : vector<512x256xf32>
    %get3A_18 = arith.constant 0 : index
    %get3A_19 = arith.constant 0 : index
    %get3A_20 = vector.load %arg5[%get3A_18, %get3A_19] : memref<256x256xf32, #tpu.memory_space<vmem>>, vector<256x256xf32>
    %dot_general3A_21 = arith.constant dense<0.000000e+00> : vector<512x256xf32>
    %dot_general3A_22 = tpu.matmul %div3A, %get3A_20, %dot_general3A_21 {dimension_numbers = #tpu.dot_dimension_numbers<[1], [0], [0], [1], [0, 0, 1, 1], [], []>, transpose_lhs_hint = false} : vector<512x256xf32>, vector<256x256xf32>, vector<512x256xf32> -> vector<512x256xf32>
    %get3A_23 = arith.constant 0 : index
    %get3A_24 = arith.constant 0 : index
    %get3A_25 = vector.load %arg6[%get3A_23, %get3A_24] : memref<1x256xf32, #tpu.memory_space<vmem>>, vector<1x256xf32>
    %add3A_26 = vector.broadcast %get3A_25 : vector<1x256xf32> to vector<512x256xf32>
    %add3A_27 = arith.addf %dot_general3A_22, %add3A_26 : vector<512x256xf32>
    %neg3A_28 = arith.constant 0.000000e+00 : f32
    %neg3A_29 = vector.broadcast %neg3A_28 : f32 to vector<512x256xf32>
    %neg3A_30 = arith.subf %neg3A_29, %add3A_27 : vector<512x256xf32>
    %exp3A_31 = math.exp %neg3A_30 : vector<512x256xf32>
    %add3A_32 = arith.constant 1.000000e+00 : f32
    %add3A_33 = vector.broadcast %add3A_32 : f32 to vector<512x256xf32>
    %add3A_34 = arith.addf %add3A_33, %exp3A_31 : vector<512x256xf32>
    %div3A_35 = arith.divf %add3A_27, %add3A_34 : vector<512x256xf32>
    %get3A_36 = arith.constant 0 : index
    %get3A_37 = arith.constant 0 : index
    %get3A_38 = vector.load %arg7[%get3A_36, %get3A_37] : memref<256x256xf32, #tpu.memory_space<vmem>>, vector<256x256xf32>
    %dot_general3A_39 = arith.constant dense<0.000000e+00> : vector<512x256xf32>
    %dot_general3A_40 = tpu.matmul %div3A_35, %get3A_38, %dot_general3A_39 {dimension_numbers = #tpu.dot_dimension_numbers<[1], [0], [0], [1], [0, 0, 1, 1], [], []>, transpose_lhs_hint = false} : vector<512x256xf32>, vector<256x256xf32>, vector<512x256xf32> -> vector<512x256xf32>
    %get3A_41 = arith.constant 0 : index
    %get3A_42 = arith.constant 0 : index
    %get3A_43 = vector.load %arg8[%get3A_41, %get3A_42] : memref<1x256xf32, #tpu.memory_space<vmem>>, vector<1x256xf32>
    %add3A_44 = vector.broadcast %get3A_43 : vector<1x256xf32> to vector<512x256xf32>
    %add3A_45 = arith.addf %dot_general3A_40, %add3A_44 : vector<512x256xf32>
    %swap3A = arith.constant 0 : index
    %swap3A_46 = arith.constant 0 : index
    %swap3A_47 = vector.load %arg9[%swap3A, %swap3A_46] : memref<512x256xf32, #tpu.memory_space<vmem>>, vector<512x256xf32>
    tpu.vector_store %arg9[%swap3A, %swap3A_46], %add3A_45 {strides = array<i32>} : memref<512x256xf32, #tpu.memory_space<vmem>>, vector<512x256xf32>,
    return
  }
  func.func @transform_0(%arg0: i32) -> (i32, i32) {
    %c0_i32 = arith.constant 0 : i32
    %c0_i32_0 = arith.constant 0 : i32
    return %arg0, %c0_i32 : i32, i32
  }
  func.func @transform_1(%arg0: i32) -> (i32, i32) {
    %c0_i32 = arith.constant 0 : i32
    %c0_i32_0 = arith.constant 0 : i32
    return %arg0, %c0_i32 : i32, i32
  }
  func.func @transform_2(%arg0: i32) -> (i32, i32) {
    %c0_i32 = arith.constant 0 : i32
    %c0_i32_0 = arith.constant 0 : i32
    return %arg0, %c0_i32 : i32, i32
  }
  func.func @transform_3(%arg0: i32) -> (i32, i32) {
    %c0_i32 = arith.constant 0 : i32
    %c0_i32_0 = arith.constant 0 : i32
    %c0_i32_1 = arith.constant 0 : i32
    return %c0_i32, %c0_i32_0 : i32, i32
  }
  func.func @transform_4(%arg0: i32) -> (i32, i32) {
    %c0_i32 = arith.constant 0 : i32
    %c0_i32_0 = arith.constant 0 : i32
    %c0_i32_1 = arith.constant 0 : i32
    return %c0_i32, %c0_i32_0 : i32, i32
  }
  func.func @transform_5(%arg0: i32) -> (i32, i32) {
    %c0_i32 = arith.constant 0 : i32
    %c0_i32_0 = arith.constant 0 : i32
    %c0_i32_1 = arith.constant 0 : i32
    return %c0_i32, %c0_i32_0 : i32, i32
  }
  func.func @transform_6(%arg0: i32) -> (i32, i32) {
    %c0_i32 = arith.constant 0 : i32
    %c0_i32_0 = arith.constant 0 : i32
    %c0_i32_1 = arith.constant 0 : i32
    return %c0_i32, %c0_i32_0 : i32, i32
  }
  func.func @transform_7(%arg0: i32) -> (i32, i32) {
    %c0_i32 = arith.constant 0 : i32
    %c0_i32_0 = arith.constant 0 : i32
    %c0_i32_1 = arith.constant 0 : i32
    return %c0_i32, %c0_i32_0 : i32, i32
  }
  func.func @transform_8(%arg0: i32) -> (i32, i32) {
    %c0_i32 = arith.constant 0 : i32
    %c0_i32_0 = arith.constant 0 : i32
    return %arg0, %c0_i32 : i32, i32
  }
}

module attributes {stable_mosaic.version = 14 : i64} {
  func.func @body(%arg0: i32, %arg1: memref<512x256xf32, #tpu.memory_space<vmem>>, %arg2: memref<512x256xf32, #tpu.memory_space<vmem>>, %arg3: memref<8x32xf32, #tpu.memory_space<vmem>>, %arg4: memref<256x256xf32, #tpu.memory_space<vmem>>, %arg5: memref<256x256xf32, #tpu.memory_space<vmem>>, %arg6: memref<1x256xf32, #tpu.memory_space<vmem>>, %arg7: memref<256x256xf32, #tpu.memory_space<vmem>>, %arg8: memref<1x256xf32, #tpu.memory_space<vmem>>, %arg9: memref<256x256xf32, #tpu.memory_space<vmem>>, %arg10: memref<1x256xf32, #tpu.memory_space<vmem>>, %arg11: memref<32x512xf32, #tpu.memory_space<vmem>>, %arg12: memref<1x512xf32, #tpu.memory_space<vmem>>, %arg13: memref<512x256xf32, #tpu.memory_space<vmem>>) attributes {dimension_semantics = [#tpu.dimension_semantics<arbitrary>], iteration_bounds = array<i64: 32>, scalar_prefetch = 0 : i64, scratch_operands = 0 : i64, tpu.core_type = #tpu.core_type<tc>, window_params = [{transform_indices = @transform_0, window_bounds = array<i64: 512, 256>}, {transform_indices = @transform_1, window_bounds = array<i64: 512, 256>}, {pipeline_mode = #tpu.pipeline_mode<synchronous>, transform_indices = @transform_2, window_bounds = array<i64: 8, 32>}, {pipeline_mode = #tpu.pipeline_mode<synchronous>, transform_indices = @transform_3, window_bounds = array<i64: 256, 256>}, {pipeline_mode = #tpu.pipeline_mode<synchronous>, transform_indices = @transform_4, window_bounds = array<i64: 256, 256>}, {pipeline_mode = #tpu.pipeline_mode<synchronous>, transform_indices = @transform_5, window_bounds = array<i64: 1, 256>}, {pipeline_mode = #tpu.pipeline_mode<synchronous>, transform_indices = @transform_6, window_bounds = array<i64: 256, 256>}, {pipeline_mode = #tpu.pipeline_mode<synchronous>, transform_indices = @transform_7, window_bounds = array<i64: 1, 256>}, {pipeline_mode = #tpu.pipeline_mode<synchronous>, transform_indices = @transform_8, window_bounds = array<i64: 256, 256>}, {pipeline_mode = #tpu.pipeline_mode<synchronous>, transform_indices = @transform_9, window_bounds = array<i64: 1, 256>}, {pipeline_mode = #tpu.pipeline_mode<synchronous>, transform_indices = @transform_10, window_bounds = array<i64: 32, 512>}, {pipeline_mode = #tpu.pipeline_mode<synchronous>, transform_indices = @transform_11, window_bounds = array<i64: 1, 512>}, {transform_indices = @transform_12, window_bounds = array<i64: 512, 256>}]} {
    %get3A = arith.constant 0 : index
    %get3A_0 = arith.constant 0 : index
    %get3A_1 = vector.load %arg3[%get3A, %get3A_0] : memref<8x32xf32, #tpu.memory_space<vmem>>, vector<8x32xf32>
    %get3A_2 = arith.constant 0 : index
    %get3A_3 = arith.constant 0 : index
    %get3A_4 = vector.load %arg11[%get3A_2, %get3A_3] : memref<32x512xf32, #tpu.memory_space<vmem>>, vector<32x512xf32>
    %dot_general3A = arith.constant dense<0.000000e+00> : vector<8x512xf32>
    %dot_general3A_5 = tpu.matmul %get3A_1, %get3A_4, %dot_general3A {dimension_numbers = #tpu.dot_dimension_numbers<[1], [0], [0], [1], [0, 0, 1, 1], [], []>, transpose_lhs_hint = false} : vector<8x32xf32>, vector<32x512xf32>, vector<8x512xf32> -> vector<8x512xf32>
    %get3A_6 = arith.constant 0 : index
    %get3A_7 = arith.constant 0 : index
    %get3A_8 = vector.load %arg12[%get3A_6, %get3A_7] : memref<1x512xf32, #tpu.memory_space<vmem>>, vector<1x512xf32>
    %add3A = vector.broadcast %get3A_8 : vector<1x512xf32> to vector<8x512xf32>
    %add3A_9 = arith.addf %dot_general3A_5, %add3A : vector<8x512xf32>
    %slice3A = vector.extract_strided_slice %add3A_9 {offsets = [0, 0], sizes = [1, 256], strides = [1, 1]} : vector<8x512xf32> to vector<1x256xf32>
    %slice3A_10 = vector.extract_strided_slice %add3A_9 {offsets = [0, 256], sizes = [1, 256], strides = [1, 1]} : vector<8x512xf32> to vector<1x256xf32>
    %get3A_11 = arith.constant 0 : index
    %get3A_12 = arith.constant 0 : index
    %get3A_13 = vector.load %arg1[%get3A_11, %get3A_12] : memref<512x256xf32, #tpu.memory_space<vmem>>, vector<512x256xf32>
    %get3A_14 = arith.constant 0 : index
    %get3A_15 = arith.constant 0 : index
    %get3A_16 = vector.load %arg4[%get3A_14, %get3A_15] : memref<256x256xf32, #tpu.memory_space<vmem>>, vector<256x256xf32>
    %dot_general3A_17 = arith.constant dense<0.000000e+00> : vector<512x256xf32>
    %dot_general3A_18 = tpu.matmul %get3A_13, %get3A_16, %dot_general3A_17 {dimension_numbers = #tpu.dot_dimension_numbers<[1], [0], [0], [1], [0, 0, 1, 1], [], []>, transpose_lhs_hint = false} : vector<512x256xf32>, vector<256x256xf32>, vector<512x256xf32> -> vector<512x256xf32>
    %get3A_19 = arith.constant 0 : index
    %get3A_20 = arith.constant 0 : index
    %get3A_21 = vector.load %arg2[%get3A_19, %get3A_20] : memref<512x256xf32, #tpu.memory_space<vmem>>, vector<512x256xf32>
    %get3A_22 = arith.constant 0 : index
    %get3A_23 = arith.constant 0 : index
    %get3A_24 = vector.load %arg5[%get3A_22, %get3A_23] : memref<256x256xf32, #tpu.memory_space<vmem>>, vector<256x256xf32>
    %dot_general3A_25 = arith.constant dense<0.000000e+00> : vector<512x256xf32>
    %dot_general3A_26 = tpu.matmul %get3A_21, %get3A_24, %dot_general3A_25 {dimension_numbers = #tpu.dot_dimension_numbers<[1], [0], [0], [1], [0, 0, 1, 1], [], []>, transpose_lhs_hint = false} : vector<512x256xf32>, vector<256x256xf32>, vector<512x256xf32> -> vector<512x256xf32>
    %add3A_27 = arith.addf %dot_general3A_18, %dot_general3A_26 : vector<512x256xf32>
    %get3A_28 = arith.constant 0 : index
    %get3A_29 = arith.constant 0 : index
    %get3A_30 = vector.load %arg6[%get3A_28, %get3A_29] : memref<1x256xf32, #tpu.memory_space<vmem>>, vector<1x256xf32>
    %add3A_31 = vector.broadcast %get3A_30 : vector<1x256xf32> to vector<512x256xf32>
    %add3A_32 = arith.addf %add3A_27, %add3A_31 : vector<512x256xf32>
    %neg3A = arith.constant 0.000000e+00 : f32
    %neg3A_33 = vector.broadcast %neg3A : f32 to vector<512x256xf32>
    %neg3A_34 = arith.subf %neg3A_33, %add3A_32 : vector<512x256xf32>
    %exp3A = math.exp %neg3A_34 : vector<512x256xf32>
    %add3A_35 = arith.constant 1.000000e+00 : f32
    %add3A_36 = vector.broadcast %add3A_35 : f32 to vector<512x256xf32>
    %add3A_37 = arith.addf %add3A_36, %exp3A : vector<512x256xf32>
    %div3A = arith.divf %add3A_32, %add3A_37 : vector<512x256xf32>
    %get3A_38 = arith.constant 0 : index
    %get3A_39 = arith.constant 0 : index
    %get3A_40 = vector.load %arg7[%get3A_38, %get3A_39] : memref<256x256xf32, #tpu.memory_space<vmem>>, vector<256x256xf32>
    %dot_general3A_41 = arith.constant dense<0.000000e+00> : vector<512x256xf32>
    %dot_general3A_42 = tpu.matmul %div3A, %get3A_40, %dot_general3A_41 {dimension_numbers = #tpu.dot_dimension_numbers<[1], [0], [0], [1], [0, 0, 1, 1], [], []>, transpose_lhs_hint = false} : vector<512x256xf32>, vector<256x256xf32>, vector<512x256xf32> -> vector<512x256xf32>
    %get3A_43 = arith.constant 0 : index
    %get3A_44 = arith.constant 0 : index
    %get3A_45 = vector.load %arg8[%get3A_43, %get3A_44] : memref<1x256xf32, #tpu.memory_space<vmem>>, vector<1x256xf32>
    %add3A_46 = vector.broadcast %get3A_45 : vector<1x256xf32> to vector<512x256xf32>
    %add3A_47 = arith.addf %dot_general3A_42, %add3A_46 : vector<512x256xf32>
    %neg3A_48 = arith.constant 0.000000e+00 : f32
    %neg3A_49 = vector.broadcast %neg3A_48 : f32 to vector<512x256xf32>
    %neg3A_50 = arith.subf %neg3A_49, %add3A_47 : vector<512x256xf32>
    %exp3A_51 = math.exp %neg3A_50 : vector<512x256xf32>
    %add3A_52 = arith.constant 1.000000e+00 : f32
    %add3A_53 = vector.broadcast %add3A_52 : f32 to vector<512x256xf32>
    %add3A_54 = arith.addf %add3A_53, %exp3A_51 : vector<512x256xf32>
    %div3A_55 = arith.divf %add3A_47, %add3A_54 : vector<512x256xf32>
    %get3A_56 = arith.constant 0 : index
    %get3A_57 = arith.constant 0 : index
    %get3A_58 = vector.load %arg9[%get3A_56, %get3A_57] : memref<256x256xf32, #tpu.memory_space<vmem>>, vector<256x256xf32>
    %dot_general3A_59 = arith.constant dense<0.000000e+00> : vector<512x256xf32>
    %dot_general3A_60 = tpu.matmul %div3A_55, %get3A_58, %dot_general3A_59 {dimension_numbers = #tpu.dot_dimension_numbers<[1], [0], [0], [1], [0, 0, 1, 1], [], []>, transpose_lhs_hint = false} : vector<512x256xf32>, vector<256x256xf32>, vector<512x256xf32> -> vector<512x256xf32>
    %get3A_61 = arith.constant 0 : index
    %get3A_62 = arith.constant 0 : index
    %get3A_63 = vector.load %arg10[%get3A_61, %get3A_62] : memref<1x256xf32, #tpu.memory_space<vmem>>, vector<1x256xf32>
    %add3A_64 = vector.broadcast %get3A_63 : vector<1x256xf32> to vector<512x256xf32>
    %add3A_65 = arith.addf %dot_general3A_60, %add3A_64 : vector<512x256xf32>
    %add3A_66 = arith.constant 1.000000e+00 : f32
    %add3A_67 = vector.broadcast %add3A_66 : f32 to vector<1x256xf32>
    %add3A_68 = arith.addf %add3A_67, %slice3A : vector<1x256xf32>
    %mul3A = vector.broadcast %add3A_68 : vector<1x256xf32> to vector<512x256xf32>
    %mul3A_69 = arith.mulf %add3A_65, %mul3A : vector<512x256xf32>
    %add3A_70 = arith.addf %get3A_13, %mul3A_69 : vector<512x256xf32>
    %add3A_71 = vector.broadcast %slice3A_10 : vector<1x256xf32> to vector<512x256xf32>
    %add3A_72 = arith.addf %add3A_70, %add3A_71 : vector<512x256xf32>
    %swap3A = arith.constant 0 : index
    %swap3A_73 = arith.constant 0 : index
    %swap3A_74 = vector.load %arg13[%swap3A, %swap3A_73] : memref<512x256xf32, #tpu.memory_space<vmem>>, vector<512x256xf32>
    tpu.vector_store %arg13[%swap3A, %swap3A_73], %add3A_72 {strides = array<i32>} : memref<512x256xf32, #tpu.memory_space<vmem>>, vector<512x256xf32>,
    return
  }
  func.func @transform_0(%arg0: i32) -> (i32, i32) {
    %c0_i32 = arith.constant 0 : i32
    %c0_i32_0 = arith.constant 0 : i32
    return %arg0, %c0_i32 : i32, i32
  }
  func.func @transform_1(%arg0: i32) -> (i32, i32) {
    %c0_i32 = arith.constant 0 : i32
    %c0_i32_0 = arith.constant 0 : i32
    return %arg0, %c0_i32 : i32, i32
  }
  func.func @transform_2(%arg0: i32) -> (i32, i32) {
    %c0_i32 = arith.constant 0 : i32
    %c0_i32_0 = arith.constant 0 : i32
    %c0_i32_1 = arith.constant 0 : i32
    return %c0_i32, %c0_i32_0 : i32, i32
  }
  func.func @transform_3(%arg0: i32) -> (i32, i32) {
    %c0_i32 = arith.constant 0 : i32
    %c0_i32_0 = arith.constant 0 : i32
    %c0_i32_1 = arith.constant 0 : i32
    return %c0_i32, %c0_i32_0 : i32, i32
  }
  func.func @transform_4(%arg0: i32) -> (i32, i32) {
    %c0_i32 = arith.constant 0 : i32
    %c0_i32_0 = arith.constant 0 : i32
    %c0_i32_1 = arith.constant 0 : i32
    return %c0_i32, %c0_i32_0 : i32, i32
  }
  func.func @transform_5(%arg0: i32) -> (i32, i32) {
    %c0_i32 = arith.constant 0 : i32
    %c0_i32_0 = arith.constant 0 : i32
    %c0_i32_1 = arith.constant 0 : i32
    return %c0_i32, %c0_i32_0 : i32, i32
  }
  func.func @transform_6(%arg0: i32) -> (i32, i32) {
    %c0_i32 = arith.constant 0 : i32
    %c0_i32_0 = arith.constant 0 : i32
    %c0_i32_1 = arith.constant 0 : i32
    return %c0_i32, %c0_i32_0 : i32, i32
  }
  func.func @transform_7(%arg0: i32) -> (i32, i32) {
    %c0_i32 = arith.constant 0 : i32
    %c0_i32_0 = arith.constant 0 : i32
    %c0_i32_1 = arith.constant 0 : i32
    return %c0_i32, %c0_i32_0 : i32, i32
  }
  func.func @transform_8(%arg0: i32) -> (i32, i32) {
    %c0_i32 = arith.constant 0 : i32
    %c0_i32_0 = arith.constant 0 : i32
    %c0_i32_1 = arith.constant 0 : i32
    return %c0_i32, %c0_i32_0 : i32, i32
  }
  func.func @transform_9(%arg0: i32) -> (i32, i32) {
    %c0_i32 = arith.constant 0 : i32
    %c0_i32_0 = arith.constant 0 : i32
    %c0_i32_1 = arith.constant 0 : i32
    return %c0_i32, %c0_i32_0 : i32, i32
  }
  func.func @transform_10(%arg0: i32) -> (i32, i32) {
    %c0_i32 = arith.constant 0 : i32
    %c0_i32_0 = arith.constant 0 : i32
    %c0_i32_1 = arith.constant 0 : i32
    return %c0_i32, %c0_i32_0 : i32, i32
  }
  func.func @transform_11(%arg0: i32) -> (i32, i32) {
    %c0_i32 = arith.constant 0 : i32
    %c0_i32_0 = arith.constant 0 : i32
    %c0_i32_1 = arith.constant 0 : i32
    return %c0_i32, %c0_i32_0 : i32, i32
  }
  func.func @transform_12(%arg0: i32) -> (i32, i32) {
    %c0_i32 = arith.constant 0 : i32
    %c0_i32_0 = arith.constant 0 : i32
    return %arg0, %c0_i32 : i32, i32
  }
}

module attributes {stable_mosaic.version = 14 : i64} {
  func.func @body(%arg0: i32, %arg1: memref<512x256xf32, #tpu.memory_space<vmem>>, %arg2: memref<256x256xf32, #tpu.memory_space<vmem>>, %arg3: memref<1x256xf32, #tpu.memory_space<vmem>>, %arg4: memref<256x256xf32, #tpu.memory_space<vmem>>, %arg5: memref<1x256xf32, #tpu.memory_space<vmem>>, %arg6: memref<256x32xf32, #tpu.memory_space<vmem>>, %arg7: memref<1x32xf32, #tpu.memory_space<vmem>>, %arg8: memref<512x32xf32, #tpu.memory_space<vmem>>) attributes {dimension_semantics = [#tpu.dimension_semantics<arbitrary>], iteration_bounds = array<i64: 32>, scalar_prefetch = 0 : i64, scratch_operands = 0 : i64, tpu.core_type = #tpu.core_type<tc>, window_params = [{transform_indices = @transform_0, window_bounds = array<i64: 512, 256>}, {pipeline_mode = #tpu.pipeline_mode<synchronous>, transform_indices = @transform_1, window_bounds = array<i64: 256, 256>}, {pipeline_mode = #tpu.pipeline_mode<synchronous>, transform_indices = @transform_2, window_bounds = array<i64: 1, 256>}, {pipeline_mode = #tpu.pipeline_mode<synchronous>, transform_indices = @transform_3, window_bounds = array<i64: 256, 256>}, {pipeline_mode = #tpu.pipeline_mode<synchronous>, transform_indices = @transform_4, window_bounds = array<i64: 1, 256>}, {pipeline_mode = #tpu.pipeline_mode<synchronous>, transform_indices = @transform_5, window_bounds = array<i64: 256, 32>}, {pipeline_mode = #tpu.pipeline_mode<synchronous>, transform_indices = @transform_6, window_bounds = array<i64: 1, 32>}, {transform_indices = @transform_7, window_bounds = array<i64: 512, 32>}]} {
    %get3A = arith.constant 0 : index
    %get3A_0 = arith.constant 0 : index
    %get3A_1 = vector.load %arg1[%get3A, %get3A_0] : memref<512x256xf32, #tpu.memory_space<vmem>>, vector<512x256xf32>
    %get3A_2 = arith.constant 0 : index
    %get3A_3 = arith.constant 0 : index
    %get3A_4 = vector.load %arg2[%get3A_2, %get3A_3] : memref<256x256xf32, #tpu.memory_space<vmem>>, vector<256x256xf32>
    %dot_general3A = arith.constant dense<0.000000e+00> : vector<512x256xf32>
    %dot_general3A_5 = tpu.matmul %get3A_1, %get3A_4, %dot_general3A {dimension_numbers = #tpu.dot_dimension_numbers<[1], [0], [0], [1], [0, 0, 1, 1], [], []>, transpose_lhs_hint = false} : vector<512x256xf32>, vector<256x256xf32>, vector<512x256xf32> -> vector<512x256xf32>
    %get3A_6 = arith.constant 0 : index
    %get3A_7 = arith.constant 0 : index
    %get3A_8 = vector.load %arg3[%get3A_6, %get3A_7] : memref<1x256xf32, #tpu.memory_space<vmem>>, vector<1x256xf32>
    %add3A = vector.broadcast %get3A_8 : vector<1x256xf32> to vector<512x256xf32>
    %add3A_9 = arith.addf %dot_general3A_5, %add3A : vector<512x256xf32>
    %neg3A = arith.constant 0.000000e+00 : f32
    %neg3A_10 = vector.broadcast %neg3A : f32 to vector<512x256xf32>
    %neg3A_11 = arith.subf %neg3A_10, %add3A_9 : vector<512x256xf32>
    %exp3A = math.exp %neg3A_11 : vector<512x256xf32>
    %add3A_12 = arith.constant 1.000000e+00 : f32
    %add3A_13 = vector.broadcast %add3A_12 : f32 to vector<512x256xf32>
    %add3A_14 = arith.addf %add3A_13, %exp3A : vector<512x256xf32>
    %div3A = arith.divf %add3A_9, %add3A_14 : vector<512x256xf32>
    %get3A_15 = arith.constant 0 : index
    %get3A_16 = arith.constant 0 : index
    %get3A_17 = vector.load %arg4[%get3A_15, %get3A_16] : memref<256x256xf32, #tpu.memory_space<vmem>>, vector<256x256xf32>
    %dot_general3A_18 = arith.constant dense<0.000000e+00> : vector<512x256xf32>
    %dot_general3A_19 = tpu.matmul %div3A, %get3A_17, %dot_general3A_18 {dimension_numbers = #tpu.dot_dimension_numbers<[1], [0], [0], [1], [0, 0, 1, 1], [], []>, transpose_lhs_hint = false} : vector<512x256xf32>, vector<256x256xf32>, vector<512x256xf32> -> vector<512x256xf32>
    %get3A_20 = arith.constant 0 : index
    %get3A_21 = arith.constant 0 : index
    %get3A_22 = vector.load %arg5[%get3A_20, %get3A_21] : memref<1x256xf32, #tpu.memory_space<vmem>>, vector<1x256xf32>
    %add3A_23 = vector.broadcast %get3A_22 : vector<1x256xf32> to vector<512x256xf32>
    %add3A_24 = arith.addf %dot_general3A_19, %add3A_23 : vector<512x256xf32>
    %neg3A_25 = arith.constant 0.000000e+00 : f32
    %neg3A_26 = vector.broadcast %neg3A_25 : f32 to vector<512x256xf32>
    %neg3A_27 = arith.subf %neg3A_26, %add3A_24 : vector<512x256xf32>
    %exp3A_28 = math.exp %neg3A_27 : vector<512x256xf32>
    %add3A_29 = arith.constant 1.000000e+00 : f32
    %add3A_30 = vector.broadcast %add3A_29 : f32 to vector<512x256xf32>
    %add3A_31 = arith.addf %add3A_30, %exp3A_28 : vector<512x256xf32>
    %div3A_32 = arith.divf %add3A_24, %add3A_31 : vector<512x256xf32>
    %get3A_33 = arith.constant 0 : index
    %get3A_34 = arith.constant 0 : index
    %get3A_35 = vector.load %arg6[%get3A_33, %get3A_34] : memref<256x32xf32, #tpu.memory_space<vmem>>, vector<256x32xf32>
    %dot_general3A_36 = arith.constant dense<0.000000e+00> : vector<512x32xf32>
    %dot_general3A_37 = tpu.matmul %div3A_32, %get3A_35, %dot_general3A_36 {dimension_numbers = #tpu.dot_dimension_numbers<[1], [0], [0], [1], [0, 0, 1, 1], [], []>, transpose_lhs_hint = false} : vector<512x256xf32>, vector<256x32xf32>, vector<512x32xf32> -> vector<512x32xf32>
    %get3A_38 = arith.constant 0 : index
    %get3A_39 = arith.constant 0 : index
    %get3A_40 = vector.load %arg7[%get3A_38, %get3A_39] : memref<1x32xf32, #tpu.memory_space<vmem>>, vector<1x32xf32>
    %add3A_41 = vector.broadcast %get3A_40 : vector<1x32xf32> to vector<512x32xf32>
    %add3A_42 = arith.addf %dot_general3A_37, %add3A_41 : vector<512x32xf32>
    %swap3A = arith.constant 0 : index
    %swap3A_43 = arith.constant 0 : index
    %swap3A_44 = vector.load %arg8[%swap3A, %swap3A_43] : memref<512x32xf32, #tpu.memory_space<vmem>>, vector<512x32xf32>
    tpu.vector_store %arg8[%swap3A, %swap3A_43], %add3A_42 {strides = array<i32>} : memref<512x32xf32, #tpu.memory_space<vmem>>, vector<512x32xf32>,
    return
  }
  func.func @transform_0(%arg0: i32) -> (i32, i32) {
    %c0_i32 = arith.constant 0 : i32
    %c0_i32_0 = arith.constant 0 : i32
    return %arg0, %c0_i32 : i32, i32
  }
  func.func @transform_1(%arg0: i32) -> (i32, i32) {
    %c0_i32 = arith.constant 0 : i32
    %c0_i32_0 = arith.constant 0 : i32
    %c0_i32_1 = arith.constant 0 : i32
    return %c0_i32, %c0_i32_0 : i32, i32
  }
  func.func @transform_2(%arg0: i32) -> (i32, i32) {
    %c0_i32 = arith.constant 0 : i32
    %c0_i32_0 = arith.constant 0 : i32
    %c0_i32_1 = arith.constant 0 : i32
    return %c0_i32, %c0_i32_0 : i32, i32
  }
  func.func @transform_3(%arg0: i32) -> (i32, i32) {
    %c0_i32 = arith.constant 0 : i32
    %c0_i32_0 = arith.constant 0 : i32
    %c0_i32_1 = arith.constant 0 : i32
    return %c0_i32, %c0_i32_0 : i32, i32
  }
  func.func @transform_4(%arg0: i32) -> (i32, i32) {
    %c0_i32 = arith.constant 0 : i32
    %c0_i32_0 = arith.constant 0 : i32
    %c0_i32_1 = arith.constant 0 : i32
    return %c0_i32, %c0_i32_0 : i32, i32
  }
  func.func @transform_5(%arg0: i32) -> (i32, i32) {
    %c0_i32 = arith.constant 0 : i32
    %c0_i32_0 = arith.constant 0 : i32
    %c0_i32_1 = arith.constant 0 : i32
    return %c0_i32, %c0_i32_0 : i32, i32
  }
  func.func @transform_6(%arg0: i32) -> (i32, i32) {
    %c0_i32 = arith.constant 0 : i32
    %c0_i32_0 = arith.constant 0 : i32
    %c0_i32_1 = arith.constant 0 : i32
    return %c0_i32, %c0_i32_0 : i32, i32
  }
  func.func @transform_7(%arg0: i32) -> (i32, i32) {
    %c0_i32 = arith.constant 0 : i32
    %c0_i32_0 = arith.constant 0 : i32
    return %arg0, %c0_i32 : i32, i32
  }
}

</mosaic_0001>

<sc_bundles>
// kernel: scatter_offload_async_start.1
scs
__scs_entry_jumppad:
0x0: {  	(pc) =	sbr.rel $0x88, $3  }
0x1: {  	(tag) =	ssettag $0x0;
	lr =	simm.s32 $0x1  }
0x2: {  	[smem:$0x3F42] =	sst lr;
	_ =	strace $0xD0000000  }
0x3: {  	_ = 	snop  }
0x4: {  	_ = 	snop  }
0x5: {  	_ = 	snop  }
0x6: {  	_ = 	snop  }
0x7: {  	_ = 	snop  }
__scs_overlays_trampoline_lowered:
0x8: {  	[smem:$0x3F51] =	sst s0  }
0x9: {  	[smem:$0x3F52] =	sst s1  }
0xa: {  	[smem:$0x3F53] =	sst s2  }
0xb: {  	[smem:$0x3F54] =	sst s3  }
0xc: {  	[smem:$0x3F55] =	sst s4  }
0xd: {  	[smem:$0x3F56] =	sst s5  }
0xe: {  	[smem:$0x3F57] =	sst s6  }
0xf: {  	[smem:$0x3F58] =	sst s7  }
0x10: {  	[smem:$0x3F59] =	sst s8  }
0x11: {  	[smem:$0x3F5A] =	sst s9;
	s0 =	simm.s32 @!p0 $0x0  }
0x12: {  	s1 =	sld [smem:$0x3F40];
	s0 =	simm.s32 @p0 $0x1  }
0x13: {  	[smem:$0x3F5B] =	sst s0;
	s0 =	simm.s32 @!p1 $0x0  }
0x14: {  	s2 =	sld [smem:$0x3F3F];
	s0 =	simm.s32 @p1 $0x1  }
0x15: {  	[smem:$0x3F5C] =	sst s0;
	s0 =	simm.s32 @!p2 $0x0  }
0x16: {  	s3 =	sld [smem:$0x3FDB];
	s0 =	simm.s32 @p2 $0x1  }
0x17: {  	s4 =	simm.s32 $0x1BF5;
	[smem:$0x3F5E] =	sst s0  }
0x18: {  	s0 =	sld [smem:$0x3F41];
	_ =	swait.ge [sflag:s4], $0x0  }
0x19: {  	s7 =	sld [smem:$0x3F42]  }
0x1a: {  	s8 =	sadd.s32 $0xFFFFE003, lr  }
0x1b: {  	s9 =	sadd.s32 $0xFFFFFEF7, lr;
	s5 =	simm.s32 $0xFFFFFFFF;
	p2 =	slt.u32 s8, $0xFFFFF086  }
0x1c: {  	p1 =	slt.u32 s9, $0xF7A;
	s5 =	simm.s32 @!p2 $0x0  }
0x1d: {  	s5 =	simm.s32 @p1 $0x1;
	p0 =	seq.s32 s7, s2  }
0x1e: {  	s7 =	smul.u32 @!p0 $0xF7A, s2;
	p2 =	seq.s32 @!p0 s5, $0x0  }
0x1f: {  	s9 =	smul.u32 $0xF7A, s1;
	s8 =	simm.s32 @!p0 $0x1BF5;
	p2 =	por !p2, p0  }
0x20: {  	[sflag:s8] =	ssyncset.s32 @!p0 $0xFFFFF086;
	s6 =	sadd.s32 @!p0 s3, s7;
	s7 =	simm.s32 @!p0 $0x108  }
0x21: {  	s3 =	sadd.s32 s3, s9;
	s6 =	sadd.s32 @!p0 $0x88, s6;
	s7 =	simm.s32 @p2 $0x1082  }
0x22: {  	[simem:s7], [sflag:s8] =	dma.local @!p0 [hbm:s6], $0xF7A  }
0x23: {  	s9 =	sor.u32 $0xD0000000, s2;
	s6 =	simm.s32 $0x108;
	_ =	swait.ge @!p0 [sflag:s8], $0x0  }
0x24: {  	s3 =	sadd.s32 $0x88, s3;
	s6 =	simm.s32 @!p1 $0x1082;
	[sflag:s4] =	ssyncset.s32 $0xFFFFF086  }
0x25: {  	[simem:s6], [sflag:s4] =	dma.local [hbm:s3], $0xF7A  }
0x26: {  	[smem:$0x3F42] =	sst s1;
	(tag) =	ssettag s2;
	_ =	strace s9  }
0x27: {  	s1 =	sld [smem:$0x3F52]  }
0x28: {  	s2 =	sld [smem:$0x3F53]  }
0x29: {  	s4 =	sld [smem:$0x3F55]  }
0x2a: {  	p0 =	seq.s32 s5, $0x0;
	s5 =	sld [smem:$0x3F56]  }
0x2b: {  	s6 =	sld [smem:$0x3F57]  }
0x2c: {  	s7 =	sld [smem:$0x3F58]  }
0x2d: {  	s3 =	simm.s32 $0x108;
	s8 =	sld [smem:$0x3F59]  }
0x2e: {  	s3 =	simm.s32 @!p0 $0x1082;
	s9 =	sld [smem:$0x3F5A]  }
0x2f: {  	lr =	sadd.s32 s0, s3;
	s0 =	sld [smem:$0x3F51]  }
0x30: {  	s3 =	sld [smem:$0x3F54]  }
0x31: {  	[smem:$0x3F5D] =	sst s10  }
0x32: {  	s10 =	sld [smem:$0x3F5B];
	_ =	sdelay $0x3  }
0x33: {  	p0 =	seq.s32 s10, $0x1;
	s10 =	sld [smem:$0x3F5D];
	_ =	sdelay $0x3  }
0x34: {  	[smem:$0x3F5D] =	sst s10  }
0x35: {  	s10 =	sld [smem:$0x3F5C];
	_ =	sdelay $0x3  }
0x36: {  	p1 =	seq.s32 s10, $0x1;
	s10 =	sld [smem:$0x3F5D];
	_ =	sdelay $0x3  }
0x37: {  	[smem:$0x3F5D] =	sst s10  }
0x38: {  	s10 =	sld [smem:$0x3F5E]  }
0x39: {  	_ = 	snop;
	(pc) =	sbr.ind lr, $3  }
0x3a: {  	_ = 	snop  }
0x3b: {  	_ = 	snop  }
0x3c: {  	p2 =	seq.s32 s10, $0x1;
	s10 =	sld [smem:$0x3F5D]  }
0x3d: {  	_ =	shalt  }
0x3e: {  	_ =	shalt  }
0x3f: {  	_ =	shalt  }
0x40: {  	_ =	shalt  }
0x41: {  	_ =	shalt  }
0x42: {  	_ =	shalt  }
0x43: {  	_ =	shalt  }
0x44: {  	_ =	shalt  }
0x45: {  	_ =	shalt  }
0x46: {  	_ =	shalt  }
0x47: {  	_ =	shalt  }
0x48: {  	_ =	shalt  }
0x49: {  	_ =	shalt  }
0x4a: {  	_ =	shalt  }
0x4b: {  	_ =	shalt  }
0x4c: {  	_ =	shalt  }
0x4d: {  	_ =	shalt  }
0x4e: {  	_ =	shalt  }
0x4f: {  	_ =	shalt  }
0x50: {  	_ =	shalt  }
0x51: {  	_ =	shalt  }
0x52: {  	_ =	shalt  }
0x53: {  	_ =	shalt  }
0x54: {  	_ =	shalt  }
0x55: {  	_ =	shalt  }
0x56: {  	_ =	shalt  }
0x57: {  	_ =	shalt  }
0x58: {  	_ =	shalt  }
0x59: {  	_ =	shalt  }
0x5a: {  	_ =	shalt  }
0x5b: {  	_ =	shalt  }
0x5c: {  	_ =	shalt  }
0x5d: {  	_ =	shalt  }
0x5e: {  	_ =	shalt  }
0x5f: {  	_ =	shalt  }
0x60: {  	_ =	shalt  }
0x61: {  	_ =	shalt  }
0x62: {  	_ =	shalt  }
0x63: {  	_ =	shalt  }
0x64: {  	_ =	shalt  }
0x65: {  	_ =	shalt  }
0x66: {  	_ =	shalt  }
0x67: {  	_ =	shalt  }
0x68: {  	_ =	shalt  }
0x69: {  	_ =	shalt  }
0x6a: {  	_ =	shalt  }
0x6b: {  	_ =	shalt  }
0x6c: {  	_ =	shalt  }
0x6d: {  	_ =	shalt  }
0x6e: {  	_ =	shalt  }
0x6f: {  	_ =	shalt  }
0x70: {  	_ =	shalt  }
0x71: {  	_ =	shalt  }
0x72: {  	_ =	shalt  }
0x73: {  	_ =	shalt  }
0x74: {  	_ =	shalt  }
0x75: {  	_ =	shalt  }
0x76: {  	_ =	shalt  }
0x77: {  	_ =	shalt  }
0x78: {  	_ =	shalt  }
0x79: {  	_ =	shalt  }
0x7a: {  	_ =	shalt  }
0x7b: {  	_ =	shalt  }
0x7c: {  	_ =	shalt  }
0x7d: {  	_ =	shalt  }
0x7e: {  	_ =	shalt  }
0x7f: {  	_ =	shalt  }
0x80: {  	_ =	shalt  }
0x81: {  	_ =	shalt  }
0x82: {  	_ =	shalt  }
0x83: {  	_ =	shalt  }
0x84: {  	_ =	shalt  }
0x85: {  	_ =	shalt  }
0x86: {  	_ =	shalt  }
0x87: {  	_ =	shalt  }
.Lfunc_end0:
.L_simem_size_0:
called_computation.1_lowered:
.L_overlay_start_0:
0x88: {  	s2 =	sld [smem:$0x3FD9]  }
0x89: {  	s3 =	sld [smem:$0x3FFE];
	_ =	sdelay $0x1  }
0x8a: {  	s1 =	srdreg.scid  }
0x8b: {  	s0 =	sand.u32 $0x1, s1  }
0x8c: {  	s15 =	sshll.u32 s0, $0xA;
	s2 =	sadd.s32 s3, s2  }
0x8d: {  	s2 =	sadd.s32 s2, s15  }
0x8e: {  	[smem:$0x3F69] =	sst s2  }
0x8f: {  	_ = 	snop  }
0x90: {  	(tm) =	ssettm $0x1  }
0x91: {  	s16 =	sld [smem:$0x3FFB];
	_ =	sdelay $0x3  }
0x92: {  	_ =	strace s16  }
0x93: {  	s2 =	sld [smem:$0x3FFC];
	_ =	sdelay $0x3  }
0x94: {  	_ =	strace s2  }
0x95: {  	s2 =	sld [smem:$0x3FFD];
	_ =	sdelay $0x3  }
0x96: {  	_ =	strace s2  }
0x97: {  	_ =	strace $0x8FFFFFFF  }
0x98: {  	s17 =	sld [smem:$0x3FDB];
	_ =	sdelay $0x1  }
0x99: {  	s18 =	simm.s32 $_scs_section_size  }
0x9a: {  	s4 =	simm.s32 $_size__tile_overlayer_lowered;
	s5 =	simm.s32 $_tile_overlayer_lowered  }
0x9b: {  	s21 =	simm.s32 $0x1BFF;
	s20 =	sshll.u32 s5, $0x1;
	s2 =	sadd.s32 s18, s17  }
0x9c: {  	s6 =	simm.s32 $0x0;
	s19 =	sshll.u32 s4, $0x1;
	s4 =	sadd.s32 s20, s2  }
0x9d: {  	[timem:s6], [sflag:s21] =	dma.local [hbm:s4], s19  }
0x9e: {  	_ =	swait.ge [sflag:s21], s19  }
0x9f: {  	s3 =	ssub.s32 $0x0, s19;
	[sflag:s21] =	ssyncset.done $0x0  }
0xa0: {  	[sflag:s21] =	ssyncadd.s32 s3;
	_ =	sdelay $0x1  }
0xa1: {  	s22 =	simm.s32 $0x1B8B  }
0xa2: {  	_ =	swait.ge [sflag:s22], $0x1  }
0xa3: {  	[sflag:s22] =	ssyncset.done $0x0  }
0xa4: {  	s23 =	sld [smem:$0x3FFE];
	[sflag:s22] =	ssyncadd.s32 $0xFFFFFFFF  }
0xa5: {  	s25 =	simm.s32 $0x1B8E;
	s24 =	sld [smem:$0x0]  }
0xa6: {  	s26 =	simm.s32 $execute0_lowered;
	[smem:$0x3FD2] =	sst s25  }
0xa7: {  	s5 =	sshll.u32 s26, $0x1;
	_ =	strace $0x80000049;
	[dreg:$0x1] =	wrdreg $0xFFFFFFFF  }
0xa8: {  	s28 =	simm.s32 $_size_execute0_lowered;
	s2 =	sadd.s32 s2, s5;
	[dreg:$0x0] =	wrdreg $0x0  }
0xa9: {  	s5 =	sshll.u32 s28, $0x1;
	[dreg:$0x2] =	wrdreg s2  }
0xaa: {  	[dreg:$0x3] =	wrdreg s5  }
0xab: {  	[dreg:$0x4] =	wrdreg $0xC0  }
0xac: {  	_ =	task [dreg:s6], $0x5FFFF  }
0xad: {  	[dreg:$0x1] =	wrdreg $0xFFFFFFFF  }
0xae: {  	[dreg:$0x0] =	wrdreg $0x60  }
0xaf: {  	[dreg:$0x2] =	wrdreg s23  }
0xb0: {  	[dreg:$0x3] =	wrdreg s1  }
0xb1: {  	[dreg:$0x4] =	wrdreg s24  }
0xb2: {  	[dreg:$0x5] =	wrdreg $0x9  }
0xb3: {  	_ =	task.clear_ibuf [dreg:s6], $0x6FFFF;
	_ =	strace $0x90000049  }
0xb4: {  	s29 =	simm.s32 $0x9;
	_ =	strace $0x8000004B  }
0xb5: {  	_ =	swait.ge [sflag:s29], $0x1  }
0xb6: {  	[sflag:s29] =	ssyncadd.s32 $0xFFFFFFFF  }
0xb7: {  	_ =	strace $0x9000004B  }
0xb8: {  	_ =	sfence  }
0xb9: {  	s30 =	sld [smem:$0x0];
	_ =	sdelay $0x2  }
0xba: {  	s31 =	sshll.u32 s1, $0xD;
	s1 =	sshrl.u32 s1, $0x2  }
0xbb: {  	s3 =	sand.u32 $0x4000, s31;
	s1 =	sadd.s32 s1, s30  }
0xbc: {  	s0 =	sor.u32 s3, s0;
	s1 =	sshll.u32 s1, $0x11  }
0xbd: {  	s0 =	sor.u32 s1, s0  }
0xbe: {  	s0 =	sadd.s32 $0x8F2B, s0  }
0xbf: {  	[sflag:s0] =	ssyncadd.remote.s32 $0x1  }
0xc0: {  	_ =	sfence.sel $0xFFFF  }
0xc1: {  	[dreg:$0x0] =	wrdreg $0xFFFFFFFF;
	(pc) =	sbr.abs _section_cstart, $3  }
0xc2: {  	[dreg:$0x1] =	wrdreg $0xFFFFFFFF  }
0xc3: {  	_ =	task.clear_ibuf [dreg:s6], $0x2FFFF;
	_ =	strace $0x9FFFFFFF  }
0xc4: {  	(tm) =	ssettm $0x7FFFFFFF  }
0xc5: {  	_ =	shalt  }
tec
execute0_lowered:
.L_overlay_start_1:
0x0: {  	(tag) =	ssettag $0x1  }
0x1: {  	s2 =	rddreg [dreg:$0x0]  }
0x2: {  	s3 =	rddreg [dreg:$0x1];
	_ =	strace $0x8000004A;
	s0 =	simm.s32 $0x1  }
0x3: {  	s5 =	simm.s32 $0x208;
	v0 =	vimm.s32 $0x0;
	[sflag:s0] =	ssyncpa.u1 $0x0  }
0x4: {  	[tilespmem:s5+$0x70] =	vst v0  }
0x5: {  	[tilespmem:s5+$0x60] =	vst v0  }
0x6: {  	[tilespmem:s5+$0x50] =	vst v0  }
0x7: {  	[tilespmem:s5+$0x40] =	vst v0  }
0x8: {  	[tilespmem:s5+$0x30] =	vst v0  }
0x9: {  	s1 =	sadd.s32 $0xE5C00, s2;
	s0 =	sadd.s32 $0xE2C00, s2;
	s6 =	sadd.s32 $0x4F2C00, s2;
	[tilespmem:s5+$0x20] =	vst v0  }
0xa: {  	s4 =	sadd.s32 $0xE4400, s2;
	s10 =	sand.u32 $0x1, s3;
	s2 =	simm.s32 $0x40;
	[tilespmem:s5+$0x10] =	vst v0  }
.LBB2_1:
0xb: {  	s2 =	sadd.s32 $0x40, s2;
	[tilespmem:s5+$0x0] =	vst v0;
	s5 =	sadd.s32 $0x80, s5  }
0xc: {  	p0 =	slt.u32 s2, $0x3880;
	[tilespmem:s5+$0x70] =	vst v0  }
0xd: {  	[tilespmem:s5+$0x60] =	vst v0  }
.Ltmp0:
0xe: {  	[tilespmem:s5+$0x50] =	vst v0;
	(pc) =	sbr.rel @p0 .LBB2_1-.Ltmp0, $4  }
0xf: {  	[tilespmem:s5+$0x40] =	vst v0  }
0x10: {  	[tilespmem:s5+$0x30] =	vst v0  }
0x11: {  	[tilespmem:s5+$0x20] =	vst v0  }
0x12: {  	[tilespmem:s5+$0x10] =	vst v0  }
0x13: {  	s11 =	stileid.u32  }
0x14: {  	s2 =	smul.u32 $0xD, s11  }
0x15: {  	s3 =	smin.u32 s11, $0xA  }
0x16: {  	s2 =	sadd.s32 s3, s2  }
0x17: {  	p0 =	slt.u32 s11, $0xA;
	s20 =	smul.u32 $0x70, s2;
	s2 =	simm.s32 $0x620  }
0x18: {  	s2 =	simm.s32 @!p0 $0x5B0  }
0x19: {  	s2 =	sadd.s32 s2, s20  }
0x1a: {  	s8 =	smin.u32 s2, $0x5F00  }
0x1b: {  	s2 =	ssub.s32 s8, s20  }
0x1c: {  	p0 =	sgt.s32 s2, $0x0  }
0x1d: {  	s26 =	simm.s32 $0x2;
	s2 =	simm.s32 @!p0 $0x0  }
0x1e: {  	s9 =	simm.s32 $0x9;
	s29 =	simm.s32 $0xA;
	s25 =	sand.u32 $0xFFF0, s2  }
0x1f: {  	s30 =	simm.s32 $0xB;
	s31 =	smul.u32 $0xBE0, s10;
	s3 =	sshrl.u32 s25, $0x4  }
0x20: {  	[dreg:$0x4] =	wrdreg s10;
	s12 =	simm.s32 $0x1;
	s3 =	smul.u32 $0x2493, s3  }
0x21: {  	s24 =	simm.s32 $0x0;
	p1 =	por $0x0, $0x0;
	s18 =	simm.s32 $0x80  }
0x22: {  	s19 =	simm.s32 $0x400;
	s17 =	simm.s32 $0xC;
	s3 =	sshrl.u32 s3, $0x10  }
0x23: {  	s21 =	simm.s32 $0x0;
	s23 =	simm.s32 $0x0;
	s28 =	smul.u32 $0x70, s3  }
.Ltmp1:
0x24: {  	[tilespmem:s5+$0x0] =	vst v0;
	v0 =	vimm.s32 $0xFFFFFFFF;
	[sflag:s26] =	ssyncpa.u1 $0x0;
	s16 =	sshll.u32 s11, $0x9;
	(pc) =	sbr.rel .LBB2_3-.Ltmp1, $4  }
0x25: {  	[tilespmem:$0xE408] =	vst v0;
	[sflag:s9] =	ssyncpa.u1 $0x0;
	p0 =	sne.s32 s2, s28;
	s2 =	simm.s32 $0x1  }
0x26: {  	s14 =	sadd.s32 s31, s4;
	[sflag:s29] =	ssyncpa.u1 $0x0;
	s2 =	simm.s32 @!p0 $0x0  }
0x27: {  	s15 =	sadd.s32 s31, s0;
	[sflag:s30] =	ssyncpa.u1 $0x0;
	s13 =	sadd.s32 s3, s2  }
0x28: {  	v0 =	vlaneseq.u32;
	s22 =	smov.u32 s20;
	p0 =	por $0x1, $0x1;
	s11 =	sadd.s32 $0x1, s13  }
.LBB2_24:
0x29: {  	s2 =	sshrl.u32 s4, $0x2  }
.LBB2_26:
0x2a: {  	_ =	swait.ge [sflag:s17], s2  }
0x2b: {  	s31 =	ssub.s32 $0x0, s2;
	v1 =	vmov s26;
	vm0 =	veq.s32 v0, $0x0;
	[sflag:s17] =	ssyncset.done $0x0  }
0x2c: {  	vm15 =	veq.s32 v0, $0x2;
	v1 =	vsel vm0, s0, v1;
	[sflag:s17] =	ssyncadd.s32 s31  }
0x2d: {  	v1 =	vsel vm15, s24, v1;
	[sflag:s17] =	ssyncpa.u1 $0x1  }
0x2e: {  	[tilespmem:$0xE408] =	vst v1  }
.LBB2_27:
0x2f: {  	s0 =	sadd.s32 $0x70, s22  }
0x30: {  	s2 =	smov.u32 s20;
	p2 =	slt.s32 s0, s8  }
0x31: {  	s2 =	smov.u32 @p2 s0;
	p2 =	sne.s32 s23, s11  }
.Ltmp2:
0x32: {  	_ = 	snop;
	(pc) =	sbr.rel @!p2 .LBB2_28-.Ltmp2, $4  }
0x33: {  	_ = 	snop  }
0x34: {  	s24 =	smov.u32 s21  }
0x35: {  	s31 =	sadd.s32 $0x1, s23;
	s21 =	smov.u32 s22;
	p0 =	por !p0, !p0  }
0x36: {  	p1 =	por !p1, !p1;
	s23 =	smov.u32 s31;
	s22 =	smov.u32 s2  }
.LBB2_3:
0x37: {  	p2 =	sge.u32 s23, s13  }
0x38: {  	s0 =	smulhi.u32 @!p2 $0xAAAAAAAB, s23  }
0x39: {  	s2 =	smov.u32 s22;
	p3 =	sgt.s32 @!p2 s22, $0x5E90  }
0x3a: {  	s3 =	sshra.s32 @!p2 s22, $0x1F;
	p3 =	por !p3, p2;
	s0 =	sshrl.u32 @!p2 s0, $0x1  }
0x3b: {  	s3 =	sand.u32 @!p2 s3, s22;
	s2 =	simm.s32 @p3 $0x5E90;
	s0 =	smul.u32 @!p2 $0x3, s0  }
0x3c: {  	s2 =	ssub.s32 @!p2 s2, s3  }
0x3d: {  	s2 =	sadd.s32 @!p2 $0xFFFFA170, s2;
	s0 =	ssub.s32 @!p2 s23, s0  }
0x3e: {  	s3 =	sshll.u32 @!p2 s2, $0x2;
	p3 =	sgt.s32 @!p2 s2, $0x6F;
	s0 =	smul.u32 @!p2 $0x1C0, s0  }
0x3f: {  	s4 =	sand.u32 @!p2 $0x7, s22;
	s2 =	ssub.s32 @!p2 $0x1C0, s3;
	p3 =	por !p3, p2  }
0x40: {  	s3 =	sshrl.u32 @!p2 s22, $0x3;
	s2 =	sshrl.u32 @!p2 s2, $0x2;
	s0 =	sshrl.u32 @!p2 s0, $0x2  }
0x41: {  	s3 =	sadd.s32 @!p2 s3, s14;
	s2 =	simm.s32 @!p3 $0x0;
	s0 =	sadd.s32 @!p2 $0x10448, s0  }
0x42: {  	[tilespmem:s0], [sflag:$0xA] =	stream.linear.gather @!p2 [hbm4b:s3+s4], s2, $0x38;
	[tilespmem:$0x1E678] =	vst v63  }
0x43: {  	s2 =	sadd.s32 $0xFFFFFFFF, s23  }
0x44: {  	p2 =	sge.u32 s2, s13  }
0x45: {  	p3 =	sgt.s32 @!p2 s21, $0x5E90  }
0x46: {  	s0 =	smov.u32 s21;
	s3 =	sshra.s32 @!p2 s21, $0x1F;
	p3 =	por !p3, p2  }
0x47: {  	s3 =	sand.u32 @!p2 s3, s21;
	s0 =	simm.s32 @p3 $0x5E90  }
0x48: {  	s0 =	ssub.s32 @!p2 s0, s3  }
0x49: {  	s0 =	sadd.s32 @!p2 $0xFFFFA170, s0  }
0x4a: {  	s3 =	sshll.u32 @!p2 s0, $0x2  }
0x4b: {  	p3 =	sgt.s32 @!p2 s0, $0x6F;
	s0 =	ssub.s32 @!p2 $0x1C0, s3  }
0x4c: {  	p3 =	por !p3, p2;
	s0 =	sshrl.u32 @!p2 s0, $0x2  }
0x4d: {  	s4 =	simm.s32 @!p2 $0xA;
	s3 =	sand.u32 @!p2 $0x1, s2;
	s0 =	simm.s32 @!p3 $0x0  }
0x4e: {  	s3 =	smul.u32 @!p2 $0x1C0, s3;
	_ =	swait.ge @!p2 [sflag:s4], s0  }
0x4f: {  	s5 =	ssub.s32 @!p2 $0x0, s0;
	[sflag:s4] =	ssyncset.done @!p2 $0x0  }
0x50: {  	s3 =	sshrl.u32 @!p2 s3, $0x2;
	[sflag:s4] =	ssyncadd.s32 @!p2 s5;
	s4 =	sshrl.u32 @!p2 s21, $0x3  }
0x51: {  	s3 =	sadd.s32 @!p2 $0x10598, s3;
	s5 =	sand.u32 @!p2 $0x7, s21;
	s4 =	sadd.s32 @!p2 s4, s15  }
0x52: {  	[tilespmem:s3], [sflag:$0xB] =	stream.linear.gather @!p2 [hbm4b:s4+s5], s0, $0x38;
	[tilespmem:$0x1E678] =	vst v63  }
0x53: {  	s0 =	ssub.s32 @!p2 $0x5F00, s21  }
0x54: {  	p3 =	slt.s32 @!p2 s0, $0x1  }
0x55: {  	p3 =	por p2, p3  }
.Ltmp3:
0x56: {  	_ = 	snop;
	(pc) =	sbr.rel @p3 .LBB2_9-.Ltmp3, $1  }
0x57: {  	_ =	sdelay $0x3  }
0x58: {  	s3 =	smulhi.u32 $0xAAAAAAAB, s2;
	_ =	sdelay $0x1  }
0x59: {  	s3 =	sshrl.u32 s3, $0x1  }
0x5a: {  	s3 =	smul.u32 $0x3, s3;
	_ =	sdelay $0x1  }
0x5b: {  	s30 =	ssub.s32 s2, s3  }
0x5c: {  	s4 =	simm.s32 $0x1;
	s2 =	smul.u32 $0x1C0, s30  }
.Ltmp4:
0x5d: {  	s4 =	simm.s32 @!p0 $0x0;
	(pc) =	sbr.rel .LBB2_6-.Ltmp4, $4  }
0x5e: {  	s31 =	smul.u32 $0x1C000, s4  }
0x5f: {  	p3 =	slt.s32 @!p2 s0, $0x70;
	s2 =	sshrl.u32 s2, $0x2  }
0x60: {  	p2 =	por !p3, p2;
	s3 =	sshrl.u32 s31, $0x2;
	s5 =	sadd.s32 $0x10448, s2  }
0x61: {  	s0 =	simm.s32 @p2 $0x70;
	s4 =	sor.u32 $0x10678, s3;
	s2 =	simm.s32 $0x0;
	v1 =	vmov s5  }
.LBB2_5:
0x62: {  	p2 =	sge.s32 s2, s0  }
.Ltmp5:
0x63: {  	_ = 	snop;
	(pc) =	sbr.rel @p2 .LBB2_9-.Ltmp5, $2  }
0x64: {  	_ =	sdelay $0x2  }
0x65: {  	s4 =	sadd.s32 $0x1000, s4  }
.LBB2_6:
0x66: {  	p2 =	sle.s32 s0, s2  }
.Ltmp6:
0x67: {  	_ = 	snop;
	(pc) =	sbr.rel @p2 .LBB2_5-.Ltmp6, $2  }
0x68: {  	_ =	sdelay $0x2  }
0x69: {  	s5 =	smov.u32 s2;
	s2 =	sadd.s32 $0x10, s2  }
0x6a: {  	s3 =	ssub.s32 s0, s5  }
0x6b: {  	p2 =	slt.s32 s3, $0x10  }
0x6c: {  	s3 =	simm.s32 @!p2 $0x10  }
0x6d: {  	v2 =	vmov s3  }
0x6e: {  	vm0 =	vgt.s32 v2, v0;
	_ =	sdelay $0x5  }
0x6f: {  	v2 =	vld.idx.msk [tilespmem:v1+s5+$0x0 ss:$0x1], vm0;
	_ =	sdelay $0x2  }
0x70: {  	p2 =	slt.s32 s2, s0;
	s3 =	smov.u32 s0  }
0x71: {  	s9 =	smov.u32 s4;
	s25 =	simm.s32 $0x0;
	s3 =	smov.u32 @p2 s2  }
.LBB2_8:
0x72: {  	(v2sf) =	vpush v2, s25;
	_ =	sdelay $0xe  }
0x73: {  	s25 =	sadd.s32 $0x1, s25;
	s10 =	spop (v2sf)  }
0x74: {  	s31 =	sadd.s32 s25, s5;
	s26 =	sshll.u32 s10, $0x8;
	s10 =	sshll.u32 s10, $0x7  }
0x75: {  	p2 =	slt.s32 s31, s3;
	s26 =	sand.u32 $0xFFFFF800, s26;
	s10 =	sand.u32 $0x380, s10  }
.Ltmp7:
0x76: {  	s10 =	sor.u32 s10, s26;
	(pc) =	sbr.rel @p2 .LBB2_8-.Ltmp7, $4  }
0x77: {  	s10 =	sshrl.u32 s10, $0x3  }
0x78: {  	s10 =	sadd.s32 s6, s10  }
0x79: {  	[tilespmem:s9], [sflag:$0x9] =	stream.strided.gather [hbm4b:s10+s18], $0x100, s19, s18, $0x38;
	[tilespmem:$0x1E678] =	vst v63  }
0x7a: {  	s9 =	sadd.s32 $0x100, s9  }
.Ltmp8:
0x7b: {  	_ = 	snop;
	(pc) =	sbr.rel .LBB2_5-.Ltmp8, $1  }
0x7c: {  	_ =	sdelay $0x3  }
.LBB2_9:
0x7d: {  	p2 =	slt.u32 s23, $0x2  }
.Ltmp9:
0x7e: {  	_ = 	snop;
	(pc) =	sbr.rel @p2 .LBB2_27-.Ltmp9, $1  }
0x7f: {  	_ =	sdelay $0x3  }
0x80: {  	p2 =	sgt.s32 s24, $0x5E90  }
0x81: {  	s0 =	smov.u32 s24;
	s2 =	sshra.s32 s24, $0x1F;
	s3 =	ssub.s32 $0x5F00, s24  }
0x82: {  	s0 =	simm.s32 @!p2 $0x5E90;
	s2 =	sand.u32 s2, s24;
	p2 =	slt.s32 s3, $0x70  }
0x83: {  	s0 =	ssub.s32 s0, s2;
	s3 =	simm.s32 @!p2 $0x70  }
0x84: {  	s0 =	sadd.s32 $0xFFFFA170, s0;
	s9 =	sshll.u32 s3, $0x8  }
0x85: {  	s26 =	simm.s32 $0x9;
	s10 =	sshll.u32 s0, $0x2;
	s2 =	sand.u32 $0x3FFFFF00, s9  }
0x86: {  	p2 =	sgt.s32 s0, $0x6F;
	s25 =	ssub.s32 $0x1C0, s10;
	_ =	swait.ge [sflag:s26], s2  }
0x87: {  	s2 =	ssub.s32 $0x0, s2;
	[sflag:s26] =	ssyncset.done $0x0;
	s0 =	sshrl.u32 s25, $0x2  }
0x88: {  	s29 =	simm.s32 $0xB;
	[sflag:s26] =	ssyncadd.s32 s2;
	s0 =	simm.s32 @p2 $0x0  }
0x89: {  	_ =	swait.ge [sflag:s29], s0  }
0x8a: {  	s0 =	ssub.s32 $0x0, s0;
	[sflag:s29] =	ssyncset.done $0x0  }
0x8b: {  	[sflag:s29] =	ssyncadd.s32 s0  }
0x8c: {  	v1 =	vld [tilespmem:$0xE408];
	_ =	sdelay $0x4  }
0x8d: {  	(v2sf) =	vpush v1, $0x0  }
0x8e: {  	(v2sf) =	vpush v1, $0x1  }
0x8f: {  	(v2sf) =	vpush v1, $0x2;
	_ =	sdelay $0x3  }
0x90: {  	s0 =	sadd.s32 $0x70, s24  }
0x91: {  	s2 =	ssub.s32 $0xBE00, s24;
	p2 =	slt.s32 s8, s0  }
0x92: {  	s0 =	smov.u32 @p2 s8;
	p2 =	sgt.s32 s2, $0x0  }
0x93: {  	s0 =	ssub.s32 s0, s24;
	s2 =	simm.s32 @!p2 $0x0  }
0x94: {  	p2 =	slt.s32 s2, s0  }
0x95: {  	s0 =	smov.u32 @p2 s2  }
0x96: {  	s4 =	simm.s32 $0x1;
	p2 =	slt.s32 s0, $0x1  }
.Ltmp10:
0x97: {  	s4 =	simm.s32 @!p1 $0x0;
	(pc) =	sbr.rel @p2 .LBB2_14-.Ltmp10, $4  }
0x98: {  	s30 =	smul.u32 $0x1C0, s4  }
0x99: {  	s5 =	spop (v2sf)  }
0x9a: {  	s31 =	sshrl.u32 s30, $0x2;
	s28 =	spop (v2sf)  }
0x9b: {  	s25 =	sadd.s32 $0x10598, s31;
	s24 =	spop (v2sf)  }
0x9c: {  	s2 =	smin.u32 s0, $0x10  }
0x9d: {  	v1 =	vmov s2  }
0x9e: {  	vm1 =	vgt.u32 v1, v0  }
0x9f: {  	p3 =	sgt.s32 s0, $0x10  }
.Ltmp11:
0xa0: {  	_ = 	snop;
	(pc) =	sbr.rel @!p3 .LBB2_13-.Ltmp11, $2  }
0xa1: {  	_ =	sdelay $0x2  }
0xa2: {  	s26 =	simm.s32 $0x10;
	s29 =	sadd.s32 $0xFFFFFFF0, s0;
	s2 =	smov.u32 s25;
	vm0 =	vmmov vm1;
	v1 =	vld.msk [tilespmem:s25+$0x0 ss:$0x1], vm1  }
.LBB2_12:
0xa3: {  	s3 =	smin.u32 s29, $0x10;
	s26 =	sadd.s32 $0x10, s26  }
0xa4: {  	v2 =	vmov s3;
	p3 =	slt.s32 s26, s0  }
0xa5: {  	vm1 =	vgt.u32 v2, v0;
	_ =	sdelay $0x1  }
0xa6: {  	v2 =	vshll.u32 v1, $0x5;
	v1 =	vshll.u32 v1, $0x4  }
.Ltmp12:
0xa7: {  	v2 =	vand.u32 $0xFFFFFF00, v2;
	v1 =	vand.u32 $0x70, v1;
	(pc) =	sbr.rel @p3 .LBB2_12-.Ltmp12, $4  }
0xa8: {  	v1 =	vor.u32 v1, v2  }
0xa9: {  	[tilespmem:s2+$0x0] =	vst.msk vm0, v1;
	s2 =	sadd.s32 $0x10, s2;
	vm0 =	vmmov vm1  }
0xaa: {  	v1 =	vld.msk [tilespmem:s2+$0x0 ss:$0x1], vm1  }
0xab: {  	s29 =	sadd.s32 $0xFFFFFFF0, s29  }
.LBB2_13:
0xac: {  	_ =	sdelay $0x3  }
0xad: {  	v2 =	vshll.u32 v1, $0x5;
	v1 =	vshll.u32 v1, $0x4  }
0xae: {  	v2 =	vand.u32 $0xFFFFFF00, v2;
	v1 =	vand.u32 $0x70, v1  }
0xaf: {  	v1 =	vor.u32 v1, v2  }
0xb0: {  	[tilespmem:s2+$0x0] =	vst.msk vm0, v1  }
.LBB2_14:
0xb1: {  	s2 =	sand.u32 $0x1, s23  }
0xb2: {  	s2 =	smul.u32 $0x70, s2  }
0xb3: {  	p3 =	sne.s32 s28, $0xFFFFFFFF  }
0xb4: {  	v1 =	vld.msk @!p3 [tilespmem:s2+$0x10598], $0x1;
	_ =	sdelay $0x4  }
0xb5: {  	(v2sf) =	vpush @!p3 v1, $0x0;
	_ =	sdelay $0xc  }
.Ltmp13:
0xb6: {  	_ = 	snop;
	(pc) =	sbr.rel @p2 .LBB2_25-.Ltmp13, $4  }
0xb7: {  	_ = 	snop  }
0xb8: {  	s31 =	spop @!p3 (v2sf)  }
0xb9: {  	s24 =	simm.s32 @!p3 $0x0;
	s26 =	smov.u32 s31  }
0xba: {  	[sflag:s17] =	ssyncpa.u1 $0x0;
	s31 =	smov.u32 @p3 s5;
	s26 =	smov.u32 @p3 s28  }
0xbb: {  	v1 =	vld.msk [tilespmem:s25+$0x0], $0x1;
	_ =	sdelay $0x4  }
0xbc: {  	(v2sf) =	vpush v1, $0x0;
	_ =	sdelay $0xe  }
0xbd: {  	s7 =	smov.u32 s11;
	s5 =	spop (v2sf)  }
0xbe: {  	s17 =	smov.u32 s15;
	s2 =	smul.u32 $0x1C000, s4;
	p2 =	seq.s32 s31, s5  }
0xbf: {  	s3 =	smov.u32 s31;
	s29 =	ssub.s32 $0x0, s0;
	p3 =	sgt.s32 @!p2 s31, $0x0  }
0xc0: {  	s30 =	simm.s32 $0x0;
	s2 =	sshrl.u32 s2, $0x2;
	p3 =	por !p3, p2  }
0xc1: {  	s0 =	sadd.s32 $0x1, s29;
	s28 =	sor.u32 $0x106F8, s2;
	s3 =	simm.s32 @p3 $0x0  }
0xc2: {  	s2 =	simm.s32 @!p2 $0x1;
	p3 =	seq.s32 s0, $0x0;
	s3 =	smin.u32 @!p2 s3, $0x7E870  }
.Ltmp14:
0xc3: {  	s4 =	simm.s32 @!p2 $0x7308;
	s9 =	sand.u32 @!p2 $0x7FFF8, s3;
	(pc) =	sbr.rel @p3 .LBB2_17-.Ltmp14, $4  }
0xc4: {  	s10 =	sadd.s32 @!p2 $0x80, s3;
	s11 =	sadd.s32 @!p2 s1, s9;
	s9 =	sand.u32 @!p2 $0x7, s3  }
0xc5: {  	[tilespmem:s4], [sflag:$0x2] =	stream.linear.gather @!p2 [hbm4b:s11+s9], $0x80, $0x38;
	[tilespmem:$0x1E678] =	vst v63  }
0xc6: {  	s15 =	smov.u32 s14;
	s2 =	smov.u32 @p2 s30;
	s4 =	sand.u32 @!p2 $0xFFFF8, s10  }
0xc7: {  	s3 =	simm.s32 @!p2 $0x7388;
	s10 =	sadd.s32 @!p2 s1, s4;
	s4 =	sadd.s32 $0x1, s25  }
.LBB2_16:
0xc8: {  	s11 =	smov.u32 s2  }
0xc9: {  	[tilespmem:s3], [sflag:$0x2] =	stream.linear.gather @!p2 [hbm4b:s10+s9], $0x80, $0x38;
	[tilespmem:$0x1E678] =	vst v63  }
0xca: {  	s0 =	sadd.s32 $0x1, s0;
	s9 =	smov.u32 s5;
	v1 =	vld.msk [tilespmem:s4+$0x0], $0x1  }
0xcb: {  	p3 =	seq.s32 s0, $0x0;
	_ =	sdelay $0x3  }
0xcc: {  	(v2sf) =	vpush v1, $0x0;
	_ =	sdelay $0xe  }
0xcd: {  	s5 =	spop (v2sf)  }
0xce: {  	p2 =	seq.s32 s9, s5  }
0xcf: {  	p4 =	sgt.s32 @!p2 s9, $0x0;
	s3 =	sshll.u32 @!p2 s2, $0xA;
	s2 =	sadd.s32 @!p2 $0x1, s2  }
0xd0: {  	p4 =	por !p4, p2;
	s3 =	sshra.s32 @!p2 s3, $0x2;
	s2 =	smov.u32 @p2 s11  }
0xd1: {  	s9 =	simm.s32 @p4 $0x0;
	s10 =	sadd.s32 @!p2 $0x7308, s3;
	s3 =	sadd.s32 @!p2 $0x7388, s3  }
.Ltmp15:
0xd2: {  	s9 =	smin.u32 @!p2 s9, $0x7E870;
	(pc) =	sbr.rel @!p3 .LBB2_16-.Ltmp15, $4  }
0xd3: {  	s11 =	sand.u32 @!p2 $0x7FFF8, s9;
	s14 =	sadd.s32 @!p2 $0x80, s9  }
0xd4: {  	s9 =	sand.u32 @!p2 $0x7, s9;
	s11 =	sadd.s32 @!p2 s1, s11;
	s14 =	sand.u32 @!p2 $0xFFFF8, s14  }
0xd5: {  	[tilespmem:s10], [sflag:$0x2] =	stream.linear.gather @!p2 [hbm4b:s11+s9], $0x80, $0x38;
	[tilespmem:$0x1E678] =	vst v63  }
0xd6: {  	s4 =	sadd.s32 $0x1, s4;
	s10 =	sadd.s32 @!p2 s1, s14  }
.LBB2_17:
0xd7: {  	[tilespmem:s3], [sflag:$0x2] =	stream.linear.gather @!p2 [hbm4b:s10+s9], $0x80, $0x38;
	[tilespmem:$0x1E678] =	vst v63  }
0xd8: {  	s0 =	sshll.u32 s2, $0x8  }
.Ltmp16:
0xd9: {  	s14 =	simm.s32 $0x2;
	s0 =	sand.u32 $0x3FFFFF00, s0;
	(pc) =	sbr.rel .LBB2_18-.Ltmp16, $4  }
0xda: {  	_ =	swait.ge [sflag:s14], s0  }
0xdb: {  	s0 =	ssub.s32 $0x0, s0;
	[sflag:s14] =	ssyncset.done $0x0  }
0xdc: {  	s4 =	simm.s32 $0x0;
	s11 =	smov.u32 s7;
	[sflag:s14] =	ssyncadd.s32 s0  }
0xdd: {  	s14 =	smov.u32 s15;
	s15 =	smov.u32 s17;
	s17 =	simm.s32 $0xC  }
.LBB2_19:
0xde: {  	v1 =	vld [tilespmem:s28+$0xFFFFFF80];
	_ =	sdelay $0x4  }
0xdf: {  	[tilespmem:s5+$0x208] =	vst.add.f32.msk $0xffff, v1  }
0xe0: {  	v1 =	vld [tilespmem:s28+$0xFFFFFF90];
	_ =	sdelay $0x4  }
0xe1: {  	[tilespmem:s5+$0x218] =	vst.add.f32.msk $0xffff, v1  }
0xe2: {  	v1 =	vld [tilespmem:s28+$0xFFFFFFA0];
	_ =	sdelay $0x4  }
0xe3: {  	[tilespmem:s5+$0x228] =	vst.add.f32.msk $0xffff, v1  }
0xe4: {  	v1 =	vld [tilespmem:s28+$0xFFFFFFB0];
	_ =	sdelay $0x4  }
0xe5: {  	[tilespmem:s5+$0x238] =	vst.add.f32.msk $0xffff, v1  }
0xe6: {  	v1 =	vld [tilespmem:s28+$0xFFFFFFC0];
	_ =	sdelay $0x4  }
0xe7: {  	[tilespmem:s5+$0x248] =	vst.add.f32.msk $0xffff, v1  }
0xe8: {  	v1 =	vld [tilespmem:s28+$0xFFFFFFD0];
	_ =	sdelay $0x4  }
0xe9: {  	[tilespmem:s5+$0x258] =	vst.add.f32.msk $0xffff, v1  }
0xea: {  	v1 =	vld [tilespmem:s28+$0xFFFFFFE0];
	_ =	sdelay $0x4  }
0xeb: {  	[tilespmem:s5+$0x268] =	vst.add.f32.msk $0xffff, v1  }
0xec: {  	v1 =	vld [tilespmem:s28+$0xFFFFFFF0];
	_ =	sdelay $0x4  }
0xed: {  	[tilespmem:s5+$0x278] =	vst.add.f32.msk $0xffff, v1  }
0xee: {  	v1 =	vld [tilespmem:s28+$0x0];
	_ =	sdelay $0x4  }
0xef: {  	[tilespmem:s5+$0x288] =	vst.add.f32.msk $0xffff, v1  }
0xf0: {  	v1 =	vld [tilespmem:s28+$0x10];
	_ =	sdelay $0x4  }
0xf1: {  	[tilespmem:s5+$0x298] =	vst.add.f32.msk $0xffff, v1  }
0xf2: {  	v1 =	vld [tilespmem:s28+$0x20];
	_ =	sdelay $0x4  }
0xf3: {  	[tilespmem:s5+$0x2A8] =	vst.add.f32.msk $0xffff, v1  }
0xf4: {  	v1 =	vld [tilespmem:s28+$0x30];
	_ =	sdelay $0x4  }
0xf5: {  	[tilespmem:s5+$0x2B8] =	vst.add.f32.msk $0xffff, v1  }
0xf6: {  	v1 =	vld [tilespmem:s28+$0x40];
	_ =	sdelay $0x4  }
0xf7: {  	[tilespmem:s5+$0x2C8] =	vst.add.f32.msk $0xffff, v1  }
0xf8: {  	v1 =	vld [tilespmem:s28+$0x50];
	_ =	sdelay $0x4  }
0xf9: {  	[tilespmem:s5+$0x2D8] =	vst.add.f32.msk $0xffff, v1  }
0xfa: {  	v1 =	vld [tilespmem:s28+$0x60];
	_ =	sdelay $0x4  }
0xfb: {  	[tilespmem:s5+$0x2E8] =	vst.add.f32.msk $0xffff, v1  }
0xfc: {  	v1 =	vld [tilespmem:s28+$0x70];
	_ =	sdelay $0x4  }
0xfd: {  	[tilespmem:s5+$0x2F8] =	vst.add.f32.msk $0xffff, v1  }
.LBB2_23:
0xfe: {  	s29 =	sadd.s32 $0x1, s29  }
0xff: {  	p2 =	seq.s32 s29, $0x0  }
.Ltmp17:
0x100: {  	_ = 	snop;
	(pc) =	sbr.rel @p2 .LBB2_24-.Ltmp17, $2  }
0x101: {  	_ =	sdelay $0x2  }
0x102: {  	s25 =	sadd.s32 $0x1, s25;
	s28 =	sadd.s32 $0x100, s28;
	s31 =	smov.u32 s0  }
.LBB2_18:
0x103: {  	v1 =	vld.msk [tilespmem:s25+$0x0], $0x1;
	_ =	sdelay $0x4  }
0x104: {  	(v2sf) =	vpush v1, $0x0;
	_ =	sdelay $0xe  }
0x105: {  	s0 =	spop (v2sf)  }
0x106: {  	p2 =	sne.s32 s31, s0  }
.Ltmp18:
0x107: {  	_ = 	snop;
	(pc) =	sbr.rel @!p2 .LBB2_19-.Ltmp18, $3  }
0x108: {  	_ =	sdelay $0x1  }
0x109: {  	s2 =	sshll.u32 s24, $0xA  }
0x10a: {  	s5 =	sshra.s32 s2, $0x2  }
0x10b: {  	p2 =	seq.s32 s31, s26  }
.Ltmp19:
0x10c: {  	_ = 	snop;
	(pc) =	sbr.rel @!p2 .LBB2_21-.Ltmp19, $1  }
0x10d: {  	_ =	sdelay $0x3  }
.Ltmp20:
0x10e: {  	s2 =	sadd.s32 $0x208, s5;
	(pc) =	sbr.rel .LBB2_22-.Ltmp20, $4  }
0x10f: {  	[spmem:s16] =	stream.linear.scatter [tilespmem:s2], [sflag:$0x1], $0x100, $0x38;
	[tilespmem:$0x1E678] =	vst v63  }
0x110: {  	_ =	swait.ge [sflag:s12], $0x100  }
0x111: {  	[sflag:s12] =	ssyncset.done $0x0  }
0x112: {  	[sflag:s12] =	ssyncadd.s32 $0xFFFFFF00  }
.LBB2_21:
0x113: {  	s2 =	sshll.u32 s30, $0xA  }
0x114: {  	s2 =	sshra.s32 s2, $0x2  }
0x115: {  	v1 =	vld [tilespmem:s2+$0x7308];
	_ =	sdelay $0x4  }
0x116: {  	[tilespmem:s5+$0x208] =	vst.add.f32.msk $0xffff, v1  }
0x117: {  	v1 =	vld [tilespmem:s2+$0x7318];
	_ =	sdelay $0x4  }
0x118: {  	[tilespmem:s5+$0x218] =	vst.add.f32.msk $0xffff, v1  }
0x119: {  	v1 =	vld [tilespmem:s2+$0x7328];
	_ =	sdelay $0x4  }
0x11a: {  	[tilespmem:s5+$0x228] =	vst.add.f32.msk $0xffff, v1  }
0x11b: {  	v1 =	vld [tilespmem:s2+$0x7338];
	_ =	sdelay $0x4  }
0x11c: {  	[tilespmem:s5+$0x238] =	vst.add.f32.msk $0xffff, v1  }
0x11d: {  	v1 =	vld [tilespmem:s2+$0x7348];
	_ =	sdelay $0x4  }
0x11e: {  	[tilespmem:s5+$0x248] =	vst.add.f32.msk $0xffff, v1  }
0x11f: {  	v1 =	vld [tilespmem:s2+$0x7358];
	_ =	sdelay $0x4  }
0x120: {  	[tilespmem:s5+$0x258] =	vst.add.f32.msk $0xffff, v1  }
0x121: {  	v1 =	vld [tilespmem:s2+$0x7368];
	_ =	sdelay $0x4  }
0x122: {  	[tilespmem:s5+$0x268] =	vst.add.f32.msk $0xffff, v1  }
0x123: {  	v1 =	vld [tilespmem:s2+$0x7378];
	_ =	sdelay $0x4  }
0x124: {  	[tilespmem:s5+$0x278] =	vst.add.f32.msk $0xffff, v1  }
0x125: {  	v1 =	vld [tilespmem:s2+$0x7388];
	_ =	sdelay $0x4  }
0x126: {  	[tilespmem:s5+$0x288] =	vst.add.f32.msk $0xffff, v1  }
0x127: {  	v1 =	vld [tilespmem:s2+$0x7398];
	_ =	sdelay $0x4  }
0x128: {  	[tilespmem:s5+$0x298] =	vst.add.f32.msk $0xffff, v1  }
0x129: {  	v1 =	vld [tilespmem:s2+$0x73A8];
	_ =	sdelay $0x4  }
0x12a: {  	[tilespmem:s5+$0x2A8] =	vst.add.f32.msk $0xffff, v1  }
0x12b: {  	v1 =	vld [tilespmem:s2+$0x73B8];
	_ =	sdelay $0x4  }
0x12c: {  	[tilespmem:s5+$0x2B8] =	vst.add.f32.msk $0xffff, v1  }
0x12d: {  	v1 =	vld [tilespmem:s2+$0x73C8];
	_ =	sdelay $0x4  }
0x12e: {  	[tilespmem:s5+$0x2C8] =	vst.add.f32.msk $0xffff, v1  }
0x12f: {  	v1 =	vld [tilespmem:s2+$0x73D8];
	_ =	sdelay $0x4  }
0x130: {  	[tilespmem:s5+$0x2D8] =	vst.add.f32.msk $0xffff, v1  }
0x131: {  	v1 =	vld [tilespmem:s2+$0x73E8];
	_ =	sdelay $0x4  }
0x132: {  	[tilespmem:s5+$0x2E8] =	vst.add.f32.msk $0xffff, v1  }
0x133: {  	v1 =	vld [tilespmem:s2+$0x73F8];
	_ =	sdelay $0x2  }
0x134: {  	p2 =	sgt.u32 s31, $0x7E870  }
0x135: {  	s2 =	sand.u32 @!p2 $0x7FFF8, s31  }
0x136: {  	s3 =	sadd.s32 $0x208, s5;
	s9 =	sand.u32 @!p2 $0x7, s31;
	s2 =	sadd.s32 @!p2 s1, s2;
	[tilespmem:s5+$0x2F8] =	vst.add.f32.msk $0xffff, v1  }
0x137: {  	[hbm4b:s2+s9] =	stream.linear.scatter @!p2 [tilespmem:s3], [sflag:$0xC], $0x80, $0x38;
	[tilespmem:$0x1E678] =	vst v63  }
0x138: {  	s2 =	sadd.s32 @!p2 $0x80, s31  }
0x139: {  	s2 =	sand.u32 @!p2 $0xFFFF8, s2  }
0x13a: {  	s3 =	sadd.s32 $0x288, s5;
	s2 =	sadd.s32 @!p2 s1, s2  }
0x13b: {  	[hbm4b:s2+s9] =	stream.linear.scatter @!p2 [tilespmem:s3], [sflag:$0xC], $0x80, $0x38;
	[tilespmem:$0x1E678] =	vst v63  }
0x13c: {  	s2 =	simm.s32 $0x0  }
0x13d: {  	s2 =	simm.s32 @!p2 $0x400  }
0x13e: {  	s4 =	sadd.s32 s2, s4  }
.LBB2_22:
0x13f: {  	s2 =	sadd.s32 $0x1, s24  }
0x140: {  	s3 =	sshrl.u32 s2, $0x4  }
0x141: {  	s3 =	smulhi.u32 $0x24924925, s3  }
0x142: {  	v1 =	vld [tilespmem:s28+$0xFFFFFF80]  }
0x143: {  	s3 =	smul.u32 $0x70, s3;
	_ =	sdelay $0x1  }
0x144: {  	s24 =	ssub.s32 s2, s3  }
0x145: {  	s2 =	sshll.u32 s24, $0x8  }
0x146: {  	[tilespmem:s2+$0x208] =	vst v1  }
0x147: {  	v1 =	vld [tilespmem:s28+$0xFFFFFF90];
	_ =	sdelay $0x4  }
0x148: {  	[tilespmem:s2+$0x218] =	vst v1  }
0x149: {  	v1 =	vld [tilespmem:s28+$0xFFFFFFA0];
	_ =	sdelay $0x4  }
0x14a: {  	[tilespmem:s2+$0x228] =	vst v1  }
0x14b: {  	v1 =	vld [tilespmem:s28+$0xFFFFFFB0];
	_ =	sdelay $0x4  }
0x14c: {  	[tilespmem:s2+$0x238] =	vst v1  }
0x14d: {  	v1 =	vld [tilespmem:s28+$0xFFFFFFC0];
	_ =	sdelay $0x4  }
0x14e: {  	[tilespmem:s2+$0x248] =	vst v1  }
0x14f: {  	v1 =	vld [tilespmem:s28+$0xFFFFFFD0];
	_ =	sdelay $0x4  }
0x150: {  	[tilespmem:s2+$0x258] =	vst v1  }
0x151: {  	v1 =	vld [tilespmem:s28+$0xFFFFFFE0];
	_ =	sdelay $0x4  }
0x152: {  	[tilespmem:s2+$0x268] =	vst v1  }
0x153: {  	v1 =	vld [tilespmem:s28+$0xFFFFFFF0];
	_ =	sdelay $0x4  }
0x154: {  	[tilespmem:s2+$0x278] =	vst v1  }
0x155: {  	v1 =	vld [tilespmem:s28+$0x0];
	_ =	sdelay $0x4  }
0x156: {  	[tilespmem:s2+$0x288] =	vst v1  }
0x157: {  	v1 =	vld [tilespmem:s28+$0x10];
	_ =	sdelay $0x4  }
0x158: {  	[tilespmem:s2+$0x298] =	vst v1  }
0x159: {  	v1 =	vld [tilespmem:s28+$0x20];
	_ =	sdelay $0x4  }
0x15a: {  	[tilespmem:s2+$0x2A8] =	vst v1  }
0x15b: {  	v1 =	vld [tilespmem:s28+$0x30];
	_ =	sdelay $0x4  }
0x15c: {  	[tilespmem:s2+$0x2B8] =	vst v1  }
0x15d: {  	v1 =	vld [tilespmem:s28+$0x40];
	_ =	sdelay $0x4  }
0x15e: {  	[tilespmem:s2+$0x2C8] =	vst v1  }
0x15f: {  	v1 =	vld [tilespmem:s28+$0x50];
	_ =	sdelay $0x4  }
0x160: {  	[tilespmem:s2+$0x2D8] =	vst v1  }
0x161: {  	v1 =	vld [tilespmem:s28+$0x60];
	_ =	sdelay $0x4  }
0x162: {  	[tilespmem:s2+$0x2E8] =	vst v1  }
0x163: {  	v1 =	vld [tilespmem:s28+$0x70]  }
.Ltmp21:
0x164: {  	_ = 	snop;
	(pc) =	sbr.rel .LBB2_23-.Ltmp21, $2  }
0x165: {  	_ =	sdelay $0x2  }
0x166: {  	s30 =	sadd.s32 $0x1, s30;
	[tilespmem:s2+$0x2F8] =	vst v1  }
.LBB2_25:
.Ltmp22:
0x167: {  	(pc) =	sbr.rel .LBB2_26-.Ltmp22, $4  }
0x168: {  	_ = 	snop  }
0x169: {  	s0 =	simm.s32 $0x2  }
0x16a: {  	_ =	swait.ge [sflag:s0], $0x0  }
0x16b: {  	s2 =	simm.s32 $0x0;
	[sflag:s0] =	ssyncset.done $0x0;
	s0 =	smov.u32 s31  }
.LBB2_28:
0x16c: {  	_ =	sfence.sel $0x180000  }
0x16d: {  	s0 =	simm.s32 $0x9;
	[bflag:$0x0] =	sbarrier.arrive $0xFFFF  }
0x16e: {  	s24 =	simm.s32 $0xA;
	[sflag:s0] =	ssyncpa.u1 $0x1  }
0x16f: {  	s25 =	simm.s32 $0xB;
	[sflag:s24] =	ssyncpa.u1 $0x1  }
0x170: {  	s26 =	simm.s32 $0x2;
	[sflag:s25] =	ssyncpa.u1 $0x1  }
0x171: {  	[sflag:s26] =	ssyncpa.u1 $0x1  }
0x172: {  	v0 =	vld [tilespmem:$0xE408];
	_ =	sdelay $0x4  }
0x173: {  	(v2sf) =	vpush v0, $0x0  }
0x174: {  	(v2sf) =	vpush v0, $0x1;
	_ =	sdelay $0x1  }
0x175: {  	(v2sf) =	vpush v0, $0x2;
	_ =	sdelay $0xb  }
0x176: {  	s0 =	spop (v2sf)  }
0x177: {  	s2 =	spop (v2sf)  }
0x178: {  	s3 =	smov.u32 s0;
	p0 =	sne.s32 s0, s2  }
0x179: {  	s4 =	spop (v2sf);
	s3 =	simm.s32 @!p0 $0xFFFFFFFF  }
0x17a: {  	v2 =	vimm.s32 $0x1;
	v3 =	vlaneseq.u32;
	p0 =	seq.s32 s4, $0xFFFFFFFF;
	v1 =	vmov s3  }
0x17b: {  	s15 =	stileid.u32;
	v0 =	vperm.xlane v0, v2;
	p1 =	sne.s32 @!p0 s0, s2;
	v1 =	vperm.xlane v1, v3  }
0x17c: {  	vm0 =	vcmask $0x3F04;
	s6 =	simm.s32 $0xE408;
	s0 =	simm.s32 @!p0 $0x1;
	p1 =	por !p1, p0  }
0x17d: {  	s3 =	sshll.u32 s15, $0x1;
	s2 =	sshll.u32 @!p0 s4, $0xA;
	s0 =	simm.s32 @p1 $0x0;
	v0 =	vsel vm0, v1, v0  }
0x17e: {  	s5 =	sor.u32 $0x2000, s3;
	s2 =	sshra.s32 @!p0 s2, $0x2;
	s0 =	sor.u32 @!p0 s0, s3;
	[tilespmem:$0xE408] =	vst v0  }
0x17f: {  	[spmem:s5] =	stream.linear.scatter [tilespmem:s6], [sflag:$0x1], $0x2, $0x38;
	[tilespmem:$0x1E678] =	vst v63  }
0x180: {  	s2 =	sadd.s32 @!p0 $0x208, s2;
	s0 =	sshll.u32 @!p0 s0, $0x8  }
0x181: {  	[spmem:s0] =	stream.linear.scatter @!p0 [tilespmem:s2], [sflag:$0x1], $0x100, $0x38;
	[tilespmem:$0x1E678] =	vst v63  }
0x182: {  	s0 =	simm.s32 @!p0 $0x102  }
0x183: {  	s28 =	simm.s32 $0x1;
	s0 =	simm.s32 @p0 $0x2  }
0x184: {  	_ =	swait.ge [sflag:s28], s0  }
0x185: {  	s0 =	ssub.s32 $0x0, s0;
	[sflag:s28] =	ssyncset.done $0x0  }
0x186: {  	p0 =	sne.s32 s15, $0x0;
	[sflag:s28] =	ssyncadd.s32 s0  }
.Ltmp23:
0x187: {  	_ =	sfence.stream.spmem;
	(pc) =	sbr.rel @p0 .LBB2_45-.Ltmp23, $4  }
0x188: {  	s29 =	simm.s32 $0x3;
	[bflag:$0x0] =	sbarrier.arrive $0xFFFF  }
0x189: {  	s30 =	simm.s32 $0x4;
	[sflag:s29] =	ssyncpa.u1 $0x1  }
0x18a: {  	s31 =	simm.s32 $0x3C;
	[sflag:s30] =	ssyncpa.u1 $0x1  }
0x18b: {  	s14 =	rddreg [dreg:$0x4];
	[sflag:s31] =	ssyncpa.u1 $0x1  }
0x18c: {  	_ =	sfence.stream.spmem;
	s0 =	simm.s32 $0x5  }
0x18d: {  	s2 =	simm.s32 $0x2000;
	s3 =	simm.s32 $0xE418;
	[sflag:s0] =	ssyncpa.u1 $0x0  }
0x18e: {  	[tilespmem:s3], [sflag:$0x5] =	stream.linear.gather [spmem:s2], $0x20, $0x38;
	[tilespmem:$0x1E678] =	vst v63  }
0x18f: {  	s26 =	simm.s32 $0x0;
	s28 =	simm.s32 $0xE438  }
0x190: {  	[tilespmem:s28], [sflag:$0x5] =	stream.linear.gather [spmem:s26], $0x2000, $0x38;
	[tilespmem:$0x1E678] =	vst v63  }
0x191: {  	_ =	swait.ge [sflag:s0], $0x2020  }
0x192: {  	[sflag:s0] =	ssyncset.done $0x0  }
0x193: {  	s29 =	simm.s32 $0x0;
	[sflag:s0] =	ssyncadd.s32 $0xFFFFDFE0  }
0x194: {  	v0 =	vld.msk [tilespmem:s29+$0xE418], $0x1;
	_ =	sdelay $0x1  }
0x195: {  	s30 =	simm.s32 $0x1  }
0x196: {  	v1 =	vld.msk [tilespmem:s30+$0xE418], $0x1;
	_ =	sdelay $0x1  }
0x197: {  	(v2sf) =	vpush v0, $0x0;
	_ =	sdelay $0x2  }
0x198: {  	(v2sf) =	vpush v1, $0x0;
	_ =	sdelay $0x2  }
0x199: {  	s31 =	simm.s32 $0x2  }
0x19a: {  	v0 =	vld.msk [tilespmem:s31+$0xE418], $0x1;
	_ =	sdelay $0x2  }
0x19b: {  	s2 =	simm.s32 $0xFFFFFFFF;
	s3 =	simm.s32 $0xFFFFFFFF;
	s0 =	simm.s32 $0xC  }
.LBB2_30:
0x19c: {  	s4 =	smov.u32 s3;
	s5 =	smov.u32 s2  }
0x19d: {  	s2 =	sshra.s32 s0, $0x2;
	p1 =	sne.s32 s0, $0x7C;
	s0 =	sadd.s32 $0x4, s0;
	(v2sf) =	vpush v0, $0x0  }
0x19e: {  	v0 =	vld.msk [tilespmem:s2+$0xE418], $0x1  }
.Ltmp24:
0x19f: {  	(pc) =	sbr.rel @p1 .LBB2_30-.Ltmp24, $4  }
0x1a0: {  	s3 =	spop (v2sf)  }
0x1a1: {  	p2 =	sne.s32 s5, $0xFFFFFFFF;
	s2 =	smov.u32 s3  }
0x1a2: {  	p3 =	seq.s32 s3, $0xFFFFFFFF;
	s2 =	smov.u32 @p2 s5  }
0x1a3: {  	s3 =	smov.u32 @p3 s4;
	s2 =	smov.u32 @p3 s5  }
0x1a4: {  	(v2sf) =	vpush v0, $0x0;
	_ =	sdelay $0x8  }
0x1a5: {  	s0 =	spop (v2sf)  }
0x1a6: {  	p1 =	sne.s32 s2, $0xFFFFFFFF;
	s9 =	simm.s32 $0x6;
	s4 =	smov.u32 s0  }
0x1a7: {  	s6 =	simm.s32 $0x0;
	p2 =	seq.s32 s0, $0xFFFFFFFF;
	s4 =	smov.u32 @p1 s2  }
0x1a8: {  	s10 =	simm.s32 $0xE308;
	s4 =	smov.u32 @p2 s2;
	s2 =	spop (v2sf)  }
0x1a9: {  	s0 =	smov.u32 @p2 s3;
	p1 =	sne.s32 s4, $0xFFFFFFFF;
	s5 =	smov.u32 s2  }
.Ltmp25:
0x1aa: {  	p2 =	seq.s32 s2, $0xFFFFFFFF;
	s5 =	smov.u32 @p1 s4;
	(pc) =	sbr.rel .LBB2_32-.Ltmp25, $4  }
0x1ab: {  	s11 =	simm.s32 $0xE388;
	s5 =	smov.u32 @p2 s4;
	s7 =	spop (v2sf)  }
0x1ac: {  	s12 =	simm.s32 $0x0;
	p1 =	sne.s32 s5, $0xFFFFFFFF;
	s8 =	smov.u32 s7  }
0x1ad: {  	s2 =	smov.u32 @p2 s0;
	p2 =	seq.s32 s7, $0xFFFFFFFF;
	s8 =	smov.u32 @p1 s5  }
0x1ae: {  	[sflag:s9] =	ssyncpa.u1 $0x0;
	s7 =	smov.u32 @p2 s2;
	s8 =	smov.u32 @p2 s5  }
.LBB2_38:
0x1af: {  	p1 =	sgt.u32 s0, $0x7E870  }
0x1b0: {  	p2 =	seq.s32 @!p1 s0, s8  }
0x1b1: {  	p1 =	por p1, p2  }
0x1b2: {  	p2 =	sne.s32 @!p1 s0, s7  }
0x1b3: {  	p1 =	por p1, !p2  }
0x1b4: {  	s0 =	sshll.u32 @p1 s12, $0xA  }
0x1b5: {  	s2 =	sand.u32 @!p1 $0x7FFF8, s0;
	s3 =	sand.u32 @!p1 $0x7, s0;
	s0 =	sadd.s32 @!p1 $0x80, s0  }
0x1b6: {  	s2 =	sadd.s32 @!p1 s1, s2;
	s0 =	sand.u32 @!p1 $0xFFFF8, s0  }
0x1b7: {  	[tilespmem:s10], [sflag:$0x6] =	stream.linear.gather @!p1 [hbm4b:s2+s3], $0x80, $0x38;
	[tilespmem:$0x1E678] =	vst v63  }
0x1b8: {  	s0 =	sadd.s32 @!p1 s1, s0  }
0x1b9: {  	[tilespmem:s11], [sflag:$0x6] =	stream.linear.gather @!p1 [hbm4b:s0+s3], $0x80, $0x38;
	[tilespmem:$0x1E678] =	vst v63  }
0x1ba: {  	_ =	swait.ge @!p1 [sflag:s9], $0x100  }
0x1bb: {  	[sflag:s9] =	ssyncset.done @!p1 $0x0  }
0x1bc: {  	[sflag:s9] =	ssyncadd.s32 @!p1 $0xFFFFFF00  }
0x1bd: {  	v1 =	vld @!p1 [tilespmem:$0xE308];
	_ =	sdelay $0x2  }
0x1be: {  	s0 =	sshll.u32 @!p1 s12, $0xA  }
0x1bf: {  	s2 =	sshrl.u32 @!p1 s0, $0x2  }
0x1c0: {  	[tilespmem:s2+$0xE438] =	vst.add.f32.msk @!p1 $0xffff, v1  }
0x1c1: {  	v1 =	vld @!p1 [tilespmem:$0xE318];
	_ =	sdelay $0x4  }
0x1c2: {  	[tilespmem:s2+$0xE448] =	vst.add.f32.msk @!p1 $0xffff, v1  }
0x1c3: {  	v1 =	vld @!p1 [tilespmem:$0xE328];
	_ =	sdelay $0x4  }
0x1c4: {  	[tilespmem:s2+$0xE458] =	vst.add.f32.msk @!p1 $0xffff, v1  }
0x1c5: {  	v1 =	vld @!p1 [tilespmem:$0xE338];
	_ =	sdelay $0x4  }
0x1c6: {  	[tilespmem:s2+$0xE468] =	vst.add.f32.msk @!p1 $0xffff, v1  }
0x1c7: {  	v1 =	vld @!p1 [tilespmem:$0xE348];
	_ =	sdelay $0x4  }
0x1c8: {  	[tilespmem:s2+$0xE478] =	vst.add.f32.msk @!p1 $0xffff, v1  }
0x1c9: {  	v1 =	vld @!p1 [tilespmem:$0xE358];
	_ =	sdelay $0x4  }
0x1ca: {  	[tilespmem:s2+$0xE488] =	vst.add.f32.msk @!p1 $0xffff, v1  }
0x1cb: {  	v1 =	vld @!p1 [tilespmem:$0xE368];
	_ =	sdelay $0x4  }
0x1cc: {  	[tilespmem:s2+$0xE498] =	vst.add.f32.msk @!p1 $0xffff, v1  }
0x1cd: {  	v1 =	vld @!p1 [tilespmem:$0xE378];
	_ =	sdelay $0x4  }
0x1ce: {  	[tilespmem:s2+$0xE4A8] =	vst.add.f32.msk @!p1 $0xffff, v1  }
0x1cf: {  	v1 =	vld @!p1 [tilespmem:$0xE388];
	_ =	sdelay $0x4  }
0x1d0: {  	[tilespmem:s2+$0xE4B8] =	vst.add.f32.msk @!p1 $0xffff, v1  }
0x1d1: {  	v1 =	vld @!p1 [tilespmem:$0xE398];
	_ =	sdelay $0x4  }
0x1d2: {  	[tilespmem:s2+$0xE4C8] =	vst.add.f32.msk @!p1 $0xffff, v1  }
0x1d3: {  	v1 =	vld @!p1 [tilespmem:$0xE3A8];
	_ =	sdelay $0x4  }
0x1d4: {  	[tilespmem:s2+$0xE4D8] =	vst.add.f32.msk @!p1 $0xffff, v1  }
0x1d5: {  	v1 =	vld @!p1 [tilespmem:$0xE3B8];
	_ =	sdelay $0x4  }
0x1d6: {  	[tilespmem:s2+$0xE4E8] =	vst.add.f32.msk @!p1 $0xffff, v1  }
0x1d7: {  	v1 =	vld @!p1 [tilespmem:$0xE3C8];
	_ =	sdelay $0x4  }
0x1d8: {  	[tilespmem:s2+$0xE4F8] =	vst.add.f32.msk @!p1 $0xffff, v1  }
0x1d9: {  	v1 =	vld @!p1 [tilespmem:$0xE3D8];
	_ =	sdelay $0x4  }
0x1da: {  	[tilespmem:s2+$0xE508] =	vst.add.f32.msk @!p1 $0xffff, v1  }
0x1db: {  	v1 =	vld @!p1 [tilespmem:$0xE3E8];
	_ =	sdelay $0x4  }
0x1dc: {  	[tilespmem:s2+$0xE518] =	vst.add.f32.msk @!p1 $0xffff, v1  }
0x1dd: {  	v1 =	vld @!p1 [tilespmem:$0xE3F8];
	_ =	sdelay $0x4  }
0x1de: {  	[tilespmem:s2+$0xE528] =	vst.add.f32.msk @!p1 $0xffff, v1  }
0x1df: {  	s0 =	sshrl.u32 s0, $0x2;
	[tilespmem:s6+$0xE418] =	vst.msk $0x1, v0  }
0x1e0: {  	v0 =	vld [tilespmem:s0+$0xE438];
	_ =	sdelay $0x2  }
0x1e1: {  	s31 =	sshll.u32 s6, $0xA  }
0x1e2: {  	s2 =	sshra.s32 s31, $0x2  }
0x1e3: {  	[tilespmem:s2+$0xE438] =	vst v0  }
0x1e4: {  	v0 =	vld [tilespmem:s0+$0xE448];
	_ =	sdelay $0x4  }
0x1e5: {  	[tilespmem:s2+$0xE448] =	vst v0  }
0x1e6: {  	v0 =	vld [tilespmem:s0+$0xE458];
	_ =	sdelay $0x4  }
0x1e7: {  	[tilespmem:s2+$0xE458] =	vst v0  }
0x1e8: {  	v0 =	vld [tilespmem:s0+$0xE468];
	_ =	sdelay $0x4  }
0x1e9: {  	[tilespmem:s2+$0xE468] =	vst v0  }
0x1ea: {  	v0 =	vld [tilespmem:s0+$0xE478];
	_ =	sdelay $0x4  }
0x1eb: {  	[tilespmem:s2+$0xE478] =	vst v0  }
0x1ec: {  	v0 =	vld [tilespmem:s0+$0xE488];
	_ =	sdelay $0x4  }
0x1ed: {  	[tilespmem:s2+$0xE488] =	vst v0  }
0x1ee: {  	v0 =	vld [tilespmem:s0+$0xE498];
	_ =	sdelay $0x4  }
0x1ef: {  	[tilespmem:s2+$0xE498] =	vst v0  }
0x1f0: {  	v0 =	vld [tilespmem:s0+$0xE4A8];
	_ =	sdelay $0x4  }
0x1f1: {  	[tilespmem:s2+$0xE4A8] =	vst v0  }
0x1f2: {  	v0 =	vld [tilespmem:s0+$0xE4B8];
	_ =	sdelay $0x4  }
0x1f3: {  	[tilespmem:s2+$0xE4B8] =	vst v0  }
0x1f4: {  	v0 =	vld [tilespmem:s0+$0xE4C8];
	_ =	sdelay $0x4  }
0x1f5: {  	[tilespmem:s2+$0xE4C8] =	vst v0  }
0x1f6: {  	v0 =	vld [tilespmem:s0+$0xE4D8];
	_ =	sdelay $0x4  }
0x1f7: {  	[tilespmem:s2+$0xE4D8] =	vst v0  }
0x1f8: {  	v0 =	vld [tilespmem:s0+$0xE4E8];
	_ =	sdelay $0x4  }
0x1f9: {  	[tilespmem:s2+$0xE4E8] =	vst v0  }
0x1fa: {  	v0 =	vld [tilespmem:s0+$0xE4F8];
	_ =	sdelay $0x4  }
0x1fb: {  	[tilespmem:s2+$0xE4F8] =	vst v0  }
0x1fc: {  	v0 =	vld [tilespmem:s0+$0xE508];
	_ =	sdelay $0x4  }
0x1fd: {  	[tilespmem:s2+$0xE508] =	vst v0  }
0x1fe: {  	v0 =	vld [tilespmem:s0+$0xE518];
	_ =	sdelay $0x4  }
0x1ff: {  	[tilespmem:s2+$0xE518] =	vst v0  }
0x200: {  	v0 =	vld [tilespmem:s0+$0xE528];
	_ =	sdelay $0x4  }
0x201: {  	s6 =	sadd.s32 $0x1, s6;
	[tilespmem:s2+$0xE528] =	vst v0  }
.LBB2_39:
0x202: {  	s12 =	sadd.s32 $0x1, s12  }
0x203: {  	p1 =	sne.s32 s12, $0x20  }
.Ltmp26:
0x204: {  	_ = 	snop;
	(pc) =	sbr.rel @!p1 .LBB2_40-.Ltmp26, $1  }
0x205: {  	_ =	sdelay $0x3  }
.LBB2_32:
0x206: {  	v0 =	vld.msk [tilespmem:s12+$0xE418], $0x1;
	_ =	sdelay $0x4  }
0x207: {  	(v2sf) =	vpush v0, $0x0;
	_ =	sdelay $0xe  }
0x208: {  	s0 =	spop (v2sf)  }
0x209: {  	p1 =	seq.s32 s0, $0xFFFFFFFF  }
.Ltmp27:
0x20a: {  	_ = 	snop;
	(pc) =	sbr.rel @p1 .LBB2_39-.Ltmp27, $1  }
0x20b: {  	_ =	sdelay $0x3  }
0x20c: {  	p1 =	slt.s32 s6, $0x1  }
.Ltmp28:
0x20d: {  	_ = 	snop;
	(pc) =	sbr.rel @p1 .LBB2_38-.Ltmp28, $1  }
0x20e: {  	_ =	sdelay $0x3  }
0x20f: {  	s4 =	simm.s32 $0xE418;
	p1 =	por $0x0, $0x0  }
0x210: {  	v1 =	vld.msk @!p1 [tilespmem:s4+$0x0], $0x1;
	_ =	sdelay $0x4  }
0x211: {  	(v2sf) =	vpush @!p1 v1, $0x0;
	_ =	sdelay $0xd  }
0x212: {  	p3 =	sne.s32 s6, $0x1  }
.Ltmp29:
0x213: {  	s2 =	spop @!p1 (v2sf);
	(pc) =	sbr.rel @!p3 .LBB2_36-.Ltmp29, $4  }
0x214: {  	p2 =	seq.s32 @!p1 s0, s2  }
0x215: {  	s5 =	simm.s32 $0x0;
	p2 =	por !p2, p1  }
0x216: {  	s2 =	simm.s32 $0xFFFFFFFF;
	s5 =	simm.s32 @p2 $0xFFFFFFFF  }
0x217: {  	s13 =	simm.s32 $0x1;
	s5 =	smov.u32 @p1 s2  }
.LBB2_35:
0x218: {  	s2 =	smov.u32 s5;
	p1 =	sne.s32 s5, $0xFFFFFFFF  }
0x219: {  	s4 =	sadd.s32 $0x1, s4;
	s5 =	smov.u32 s13;
	s13 =	sadd.s32 $0x1, s13  }
0x21a: {  	p2 =	sne.s32 s6, s13;
	v1 =	vld.msk @!p1 [tilespmem:s4+$0x0], $0x1;
	_ =	sdelay $0x4  }
0x21b: {  	(v2sf) =	vpush @!p1 v1, $0x0;
	_ =	sdelay $0xe  }
.Ltmp30:
0x21c: {  	s3 =	spop @!p1 (v2sf);
	(pc) =	sbr.rel @p2 .LBB2_35-.Ltmp30, $4  }
0x21d: {  	p3 =	seq.s32 @!p1 s0, s3  }
0x21e: {  	p3 =	por !p3, p1  }
0x21f: {  	s5 =	simm.s32 @p3 $0xFFFFFFFF  }
0x220: {  	s5 =	smov.u32 @p1 s2  }
.LBB2_36:
0x221: {  	p1 =	seq.s32 s5, $0xFFFFFFFF  }
.Ltmp31:
0x222: {  	_ = 	snop;
	(pc) =	sbr.rel @p1 .LBB2_38-.Ltmp31, $1  }
0x223: {  	_ =	sdelay $0x3  }
0x224: {  	s0 =	sshll.u32 s12, $0x8  }
0x225: {  	s0 =	sand.u32 $0x3FFFFF00, s0  }
0x226: {  	v0 =	vld [tilespmem:s0+$0xE438];
	_ =	sdelay $0x2  }
0x227: {  	s2 =	sshll.u32 s5, $0xA  }
0x228: {  	s2 =	sshra.s32 s2, $0x2  }
0x229: {  	[tilespmem:s2+$0xE438] =	vst.add.f32.msk $0xffff, v0  }
0x22a: {  	v0 =	vld [tilespmem:s0+$0xE448];
	_ =	sdelay $0x4  }
0x22b: {  	[tilespmem:s2+$0xE448] =	vst.add.f32.msk $0xffff, v0  }
0x22c: {  	v0 =	vld [tilespmem:s0+$0xE458];
	_ =	sdelay $0x4  }
0x22d: {  	[tilespmem:s2+$0xE458] =	vst.add.f32.msk $0xffff, v0  }
0x22e: {  	v0 =	vld [tilespmem:s0+$0xE468];
	_ =	sdelay $0x4  }
0x22f: {  	[tilespmem:s2+$0xE468] =	vst.add.f32.msk $0xffff, v0  }
0x230: {  	v0 =	vld [tilespmem:s0+$0xE478];
	_ =	sdelay $0x4  }
0x231: {  	[tilespmem:s2+$0xE478] =	vst.add.f32.msk $0xffff, v0  }
0x232: {  	v0 =	vld [tilespmem:s0+$0xE488];
	_ =	sdelay $0x4  }
0x233: {  	[tilespmem:s2+$0xE488] =	vst.add.f32.msk $0xffff, v0  }
0x234: {  	v0 =	vld [tilespmem:s0+$0xE498];
	_ =	sdelay $0x4  }
0x235: {  	[tilespmem:s2+$0xE498] =	vst.add.f32.msk $0xffff, v0  }
0x236: {  	v0 =	vld [tilespmem:s0+$0xE4A8];
	_ =	sdelay $0x4  }
0x237: {  	[tilespmem:s2+$0xE4A8] =	vst.add.f32.msk $0xffff, v0  }
0x238: {  	v0 =	vld [tilespmem:s0+$0xE4B8];
	_ =	sdelay $0x4  }
0x239: {  	[tilespmem:s2+$0xE4B8] =	vst.add.f32.msk $0xffff, v0  }
0x23a: {  	v0 =	vld [tilespmem:s0+$0xE4C8];
	_ =	sdelay $0x4  }
0x23b: {  	[tilespmem:s2+$0xE4C8] =	vst.add.f32.msk $0xffff, v0  }
0x23c: {  	v0 =	vld [tilespmem:s0+$0xE4D8];
	_ =	sdelay $0x4  }
0x23d: {  	[tilespmem:s2+$0xE4D8] =	vst.add.f32.msk $0xffff, v0  }
0x23e: {  	v0 =	vld [tilespmem:s0+$0xE4E8];
	_ =	sdelay $0x4  }
0x23f: {  	[tilespmem:s2+$0xE4E8] =	vst.add.f32.msk $0xffff, v0  }
0x240: {  	v0 =	vld [tilespmem:s0+$0xE4F8];
	_ =	sdelay $0x4  }
0x241: {  	[tilespmem:s2+$0xE4F8] =	vst.add.f32.msk $0xffff, v0  }
0x242: {  	v0 =	vld [tilespmem:s0+$0xE508];
	_ =	sdelay $0x4  }
0x243: {  	[tilespmem:s2+$0xE508] =	vst.add.f32.msk $0xffff, v0  }
0x244: {  	v0 =	vld [tilespmem:s0+$0xE518];
	_ =	sdelay $0x4  }
0x245: {  	[tilespmem:s2+$0xE518] =	vst.add.f32.msk $0xffff, v0  }
0x246: {  	v0 =	vld [tilespmem:s0+$0xE528]  }
.Ltmp32:
0x247: {  	_ = 	snop;
	(pc) =	sbr.rel .LBB2_39-.Ltmp32, $2  }
0x248: {  	_ =	sdelay $0x2  }
0x249: {  	[tilespmem:s2+$0xE528] =	vst.add.f32.msk $0xffff, v0  }
.LBB2_40:
0x24a: {  	s0 =	simm.s32 $0x6;
	p1 =	seq.s32 s6, $0x0  }
0x24b: {  	[sflag:s0] =	ssyncpa.u1 $0x1;
	v0 =	vimm.s32 @p1 $0xFFFFFFFF  }
0x24c: {  	s0 =	sadd.s32 $0xFFFFFFFF, s6;
	[tilespmem:$0x10438] =	vst @p1 v0  }
0x24d: {  	v0 =	vld.msk @!p1 [tilespmem:s0+$0xE418], $0x1;
	_ =	sdelay $0x1  }
0x24e: {  	v1 =	vld.msk @!p1 [tilespmem:$0xE418], $0x1;
	_ =	sdelay $0x2  }
0x24f: {  	p2 =	seq.s32 @!p1 s0, $0x0;
	v0 =	vbroadcast @!p1 v0, $0x0  }
0x250: {  	vm0 =	vmmov @!p1 $0x1;
	p2 =	por !p2, p1  }
0x251: {  	v1 =	vnsel @!p1 vm0, $0xFFFFFFFF, v1;
	vm0 =	vcmask @!p1 $0x308;
	v0 =	vpsel !p2, $0xFFFFFFFF, v0  }
0x252: {  	p2 =	sne.s32 @!p1 s8, s7;
	v0 =	vsel @!p1 vm0, v1, v0  }
0x253: {  	s2 =	simm.s32 @!p1 $0xE438;
	s3 =	simm.s32 @!p1 $0x0;
	p3 =	por !p2, p1;
	[tilespmem:$0x10438] =	vst @!p1 v0  }
0x254: {  	[spmem:s3] =	stream.linear.scatter @!p1 [tilespmem:s2], [sflag:$0x1], $0x100, $0x38;
	[tilespmem:$0x1E678] =	vst v63  }
0x255: {  	s2 =	sshll.u32 @!p3 s0, $0xA  }
0x256: {  	s2 =	sshra.s32 @!p3 s2, $0x2  }
0x257: {  	s3 =	simm.s32 @!p3 $0x100;
	s2 =	sadd.s32 @!p3 $0xE438, s2  }
0x258: {  	[spmem:s3] =	stream.linear.scatter @!p3 [tilespmem:s2], [sflag:$0x1], $0x100, $0x38;
	[tilespmem:$0x1E678] =	vst v63  }
0x259: {  	s2 =	simm.s32 @!p3 $0x1  }
0x25a: {  	_ =	swait.ge @!p3 [sflag:s2], $0x200  }
0x25b: {  	p1 =	por p2, p1;
	[sflag:s2] =	ssyncset.done @!p3 $0x0  }
0x25c: {  	[sflag:s2] =	ssyncadd.s32 @!p3 $0xFFFFFE00;
	s2 =	simm.s32 @!p1 $0x1  }
0x25d: {  	_ =	swait.ge @!p1 [sflag:s2], $0x100  }
0x25e: {  	s29 =	simm.s32 $0x10438;
	[sflag:s2] =	ssyncset.done @!p1 $0x0  }
0x25f: {  	s30 =	simm.s32 $0x2000;
	s31 =	simm.s32 $0x1;
	[sflag:s2] =	ssyncadd.s32 @!p1 $0xFFFFFF00  }
0x260: {  	[spmem:s30] =	stream.linear.scatter [tilespmem:s29], [sflag:$0x1], $0x10, $0x38;
	[tilespmem:$0x1E678] =	vst v63  }
0x261: {  	_ =	swait.ge [sflag:s31], $0x10  }
0x262: {  	[sflag:s31] =	ssyncset.done $0x0  }
0x263: {  	p1 =	seq.s32 s14, $0x0;
	s9 =	rddreg [dreg:$0x1];
	[sflag:s31] =	ssyncadd.s32 $0xFFFFFFF0  }
0x264: {  	s3 =	sshll.u32 @p1 s9, $0xE;
	s8 =	rddreg [dreg:$0x2]  }
0x265: {  	s2 =	sadd.s32 @p1 $0x15C3C, s3;
	s3 =	sshll.u32 @p1 s8, $0x11  }
0x266: {  	_ =	sfence.stream.spmem;
	s2 =	sor.u32 @p1 s3, s2  }
0x267: {  	[sflag:s2] =	ssyncadd.remote.s32 @p1 $0x1;
	s2 =	simm.s32 @p1 $0x4  }
0x268: {  	s4 =	simm.s32 @!p1 $0x3C;
	s3 =	sand.u32 $0xFFFFFFFE, s9;
	_ =	swait.ge @p1 [sflag:s2], $0x42  }
0x269: {  	s5 =	simm.s32 @!p1 $0x0;
	s3 =	sadd.s32 @!p1 $0x4, s3;
	[sflag:s2] =	ssyncset.done @p1 $0x0  }
0x26a: {  	s7 =	simm.s32 @!p1 $0x200;
	[sflag:s2] =	ssyncadd.s32 @p1 $0xFFFFFFBE;
	s2 =	sshll.u32 @!p1 s3, $0x1A  }
0x26b: {  	s3 =	sshll.u32 @!p1 s3, $0xD;
	s2 =	sor.u32 @!p1 s2, s8;
	_ =	swait.eq @!p1 [sflag:s4], $0x1  }
0x26c: {  	s3 =	sor.u32 @!p1 $0x1C04, s3;
	s4 =	simm.s32 @!p1 $0x1C03;
	s2 =	sor.u32 @!p1 $0x80004000, s2  }
0x26d: {  	[spmem:s7], [sflag:s3] =	dma.general @!p1 [spmem:s5], [sflag:s4], length:$0x40, [dreg:$0x0], stride_count:$0x0, ici_dest:s2, dma_misc:DstOpCode:WRITE  }
0x26e: {  	p2 =	slt.s32 s0, $0x2;
	s5 =	simm.s32 @!p1 $0x400;
	s7 =	simm.s32 @!p1 $0x402  }
0x26f: {  	[spmem:s7], [sflag:s3] =	dma.general @!p1 [spmem:s5], [sflag:s4], length:$0x2, [dreg:$0x0], stride_count:$0x0, ici_dest:s2, dma_misc:DstOpCode:WRITE  }
.Ltmp33:
0x270: {  	s2 =	simm.s32 @!p1 $0x3;
	(pc) =	sbr.rel @p2 .LBB2_44-.Ltmp33, $4  }
0x271: {  	s3 =	sshll.u32 @!p1 s9, $0xE;
	_ =	swait.ge @!p1 [sflag:s2], $0x42  }
0x272: {  	s4 =	sshll.u32 @!p1 s8, $0x11;
	s3 =	sadd.s32 @!p1 $0x11C3C, s3;
	[sflag:s2] =	ssyncset.done @!p1 $0x0  }
0x273: {  	[sflag:s2] =	ssyncadd.s32 @!p1 $0xFFFFFFBE;
	s2 =	sor.u32 @!p1 s4, s3  }
0x274: {  	s0 =	simm.s32 $0x0;
	[sflag:s2] =	ssyncadd.remote.s32 @!p1 $0xFFFFFFFF  }
0x275: {  	s0 =	simm.s32 $0xE419  }
0x276: {  	v0 =	vld.msk [tilespmem:s0+$0x0], $0x1;
	_ =	sdelay $0x4  }
0x277: {  	(v2sf) =	vpush v0, $0x0;
	_ =	sdelay $0xd  }
0x278: {  	s31 =	sadd.s32 $0xFFFFFFFE, s6  }
0x279: {  	s6 =	simm.s32 $0x0;
	s0 =	sadd.s32 $0xFFFFFFFF, s31;
	s2 =	spop (v2sf)  }
0x27a: {  	s3 =	simm.s32 $0xE538;
	p1 =	sne.s32 s0, $0x0;
	p2 =	sgt.u32 s2, $0x7E870  }
.Ltmp34:
0x27b: {  	s4 =	simm.s32 $0xE638;
	s5 =	sand.u32 @!p2 $0x7FFF8, s2;
	(pc) =	sbr.rel @!p1 .LBB2_43-.Ltmp34, $4  }
0x27c: {  	s7 =	sadd.s32 @!p2 $0x80, s2;
	s2 =	sand.u32 @!p2 $0x7, s2;
	s6 =	simm.s32 @!p2 $0x400  }
0x27d: {  	s5 =	sadd.s32 @!p2 s1, s5;
	s7 =	sand.u32 @!p2 $0xFFFF8, s7;
	s6 =	sadd.s32 $0x0, s6  }
0x27e: {  	[hbm4b:s5+s2] =	stream.linear.scatter @!p2 [tilespmem:s3], [sflag:$0x5], $0x80, $0x38;
	[tilespmem:$0x1E678] =	vst v63  }
0x27f: {  	s5 =	simm.s32 $0xE41A;
	s3 =	simm.s32 @!p2 $0xE5B8;
	s7 =	sadd.s32 @!p2 s1, s7  }
.LBB2_42:
0x280: {  	[hbm4b:s7+s2] =	stream.linear.scatter @!p2 [tilespmem:s3], [sflag:$0x5], $0x80, $0x38;
	[tilespmem:$0x1E678] =	vst v63  }
0x281: {  	s0 =	sadd.s32 $0xFFFFFFFF, s0;
	s3 =	smov.u32 s4;
	v0 =	vld.msk [tilespmem:s5+$0x0], $0x1  }
0x282: {  	p1 =	sne.s32 s0, $0x0;
	_ =	sdelay $0x3  }
0x283: {  	(v2sf) =	vpush v0, $0x0;
	_ =	sdelay $0xe  }
0x284: {  	s4 =	sadd.s32 $0x100, s4;
	s8 =	simm.s32 $0x0;
	s2 =	spop (v2sf)  }
.Ltmp35:
0x285: {  	s5 =	sadd.s32 $0x1, s5;
	p2 =	sgt.u32 s2, $0x7E870;
	(pc) =	sbr.rel @p1 .LBB2_42-.Ltmp35, $4  }
0x286: {  	s8 =	simm.s32 @!p2 $0x400;
	s7 =	sand.u32 @!p2 $0x7FFF8, s2;
	s9 =	sadd.s32 @!p2 $0x80, s2  }
0x287: {  	s2 =	sand.u32 @!p2 $0x7, s2;
	s7 =	sadd.s32 @!p2 s1, s7;
	s9 =	sand.u32 @!p2 $0xFFFF8, s9  }
0x288: {  	[hbm4b:s7+s2] =	stream.linear.scatter @!p2 [tilespmem:s3], [sflag:$0x5], $0x80, $0x38;
	[tilespmem:$0x1E678] =	vst v63  }
0x289: {  	s6 =	sadd.s32 s6, s8;
	s3 =	sadd.s32 @!p2 $0x80, s3;
	s7 =	sadd.s32 @!p2 s1, s9  }
.LBB2_43:
0x28a: {  	[hbm4b:s7+s2] =	stream.linear.scatter @!p2 [tilespmem:s3], [sflag:$0x5], $0x80, $0x38;
	[tilespmem:$0x1E678] =	vst v63  }
0x28b: {  	s0 =	sshrl.u32 s6, $0x2  }
.LBB2_44:
0x28c: {  	s2 =	simm.s32 $0x5  }
0x28d: {  	_ =	swait.ge [sflag:s2], s0  }
0x28e: {  	s31 =	ssub.s32 $0x0, s0;
	[sflag:s2] =	ssyncset.done $0x0  }
0x28f: {  	[sflag:s2] =	ssyncadd.s32 s31  }
0x290: {  	[sflag:s2] =	ssyncpa.u1 $0x1  }
.LBB2_45:
0x291: {  	s0 =	sor.u32 s14, s15  }
0x292: {  	p1 =	sne.s32 s0, $0x0  }
.Ltmp36:
0x293: {  	_ = 	snop;
	(pc) =	sbr.rel @p1 .LBB2_60-.Ltmp36, $3  }
0x294: {  	_ =	sdelay $0x1  }
0x295: {  	[bflag:$0x0] =	sbarrier.arrive $0xFFFF  }
0x296: {  	_ =	sfence  }
0x297: {  	s0 =	simm.s32 $0x7  }
0x298: {  	s2 =	simm.s32 $0x2000;
	s3 =	simm.s32 $0xE418;
	[sflag:s0] =	ssyncpa.u1 $0x0  }
0x299: {  	[tilespmem:s3], [sflag:$0x7] =	stream.linear.gather [spmem:s2], $0x20, $0x38;
	[tilespmem:$0x1E678] =	vst v63  }
0x29a: {  	s30 =	simm.s32 $0xE438;
	s2 =	simm.s32 $0x0  }
0x29b: {  	[tilespmem:s30], [sflag:$0x7] =	stream.linear.gather [spmem:s2], $0x2000, $0x38;
	[tilespmem:$0x1E678] =	vst v63  }
.Ltmp37:
0x29c: {  	_ = 	snop;
	(pc) =	sbr.rel .LBB2_47-.Ltmp37, $4  }
0x29d: {  	_ =	swait.ge [sflag:s0], $0x2020  }
0x29e: {  	[sflag:s0] =	ssyncset.done $0x0  }
0x29f: {  	s31 =	simm.s32 $0x8;
	[sflag:s0] =	ssyncadd.s32 $0xFFFFDFE0  }
0x2a0: {  	s3 =	simm.s32 $0x0;
	[sflag:s31] =	ssyncpa.u1 $0x0  }
.LBB2_53:
0x2a1: {  	p1 =	slt.u32 s0, $0x7E871  }
0x2a2: {  	s4 =	sand.u32 @p1 $0x7FFF8, s0;
	s5 =	sand.u32 @p1 $0x7, s0;
	s0 =	sadd.s32 @p1 $0x80, s0  }
0x2a3: {  	s6 =	simm.s32 @p1 $0xE308;
	s4 =	sadd.s32 @p1 s1, s4;
	s0 =	sand.u32 @p1 $0xFFFF8, s0  }
0x2a4: {  	[tilespmem:s6], [sflag:$0x8] =	stream.linear.gather @p1 [hbm4b:s4+s5], $0x80, $0x38;
	[tilespmem:$0x1E678] =	vst v63  }
0x2a5: {  	s0 =	sadd.s32 @p1 s1, s0;
	s4 =	simm.s32 @p1 $0xE388  }
0x2a6: {  	[tilespmem:s4], [sflag:$0x8] =	stream.linear.gather @p1 [hbm4b:s0+s5], $0x80, $0x38;
	[tilespmem:$0x1E678] =	vst v63  }
0x2a7: {  	s0 =	simm.s32 @p1 $0x8  }
0x2a8: {  	_ =	swait.ge @p1 [sflag:s0], $0x100  }
0x2a9: {  	[sflag:s0] =	ssyncset.done @p1 $0x0  }
0x2aa: {  	[sflag:s0] =	ssyncadd.s32 @p1 $0xFFFFFF00  }
0x2ab: {  	v1 =	vld @p1 [tilespmem:$0xE308];
	_ =	sdelay $0x2  }
0x2ac: {  	s0 =	sshll.u32 @p1 s3, $0xA  }
0x2ad: {  	s4 =	sshrl.u32 @p1 s0, $0x2  }
0x2ae: {  	[tilespmem:s4+$0xE438] =	vst.add.f32.msk @p1 $0xffff, v1  }
0x2af: {  	v1 =	vld @p1 [tilespmem:$0xE318];
	_ =	sdelay $0x4  }
0x2b0: {  	[tilespmem:s4+$0xE448] =	vst.add.f32.msk @p1 $0xffff, v1  }
0x2b1: {  	v1 =	vld @p1 [tilespmem:$0xE328];
	_ =	sdelay $0x4  }
0x2b2: {  	[tilespmem:s4+$0xE458] =	vst.add.f32.msk @p1 $0xffff, v1  }
0x2b3: {  	v1 =	vld @p1 [tilespmem:$0xE338];
	_ =	sdelay $0x4  }
0x2b4: {  	[tilespmem:s4+$0xE468] =	vst.add.f32.msk @p1 $0xffff, v1  }
0x2b5: {  	v1 =	vld @p1 [tilespmem:$0xE348];
	_ =	sdelay $0x4  }
0x2b6: {  	[tilespmem:s4+$0xE478] =	vst.add.f32.msk @p1 $0xffff, v1  }
0x2b7: {  	v1 =	vld @p1 [tilespmem:$0xE358];
	_ =	sdelay $0x4  }
0x2b8: {  	[tilespmem:s4+$0xE488] =	vst.add.f32.msk @p1 $0xffff, v1  }
0x2b9: {  	v1 =	vld @p1 [tilespmem:$0xE368];
	_ =	sdelay $0x4  }
0x2ba: {  	[tilespmem:s4+$0xE498] =	vst.add.f32.msk @p1 $0xffff, v1  }
0x2bb: {  	v1 =	vld @p1 [tilespmem:$0xE378];
	_ =	sdelay $0x4  }
0x2bc: {  	[tilespmem:s4+$0xE4A8] =	vst.add.f32.msk @p1 $0xffff, v1  }
0x2bd: {  	v1 =	vld @p1 [tilespmem:$0xE388];
	_ =	sdelay $0x4  }
0x2be: {  	[tilespmem:s4+$0xE4B8] =	vst.add.f32.msk @p1 $0xffff, v1  }
0x2bf: {  	v1 =	vld @p1 [tilespmem:$0xE398];
	_ =	sdelay $0x4  }
0x2c0: {  	[tilespmem:s4+$0xE4C8] =	vst.add.f32.msk @p1 $0xffff, v1  }
0x2c1: {  	v1 =	vld @p1 [tilespmem:$0xE3A8];
	_ =	sdelay $0x4  }
0x2c2: {  	[tilespmem:s4+$0xE4D8] =	vst.add.f32.msk @p1 $0xffff, v1  }
0x2c3: {  	v1 =	vld @p1 [tilespmem:$0xE3B8];
	_ =	sdelay $0x4  }
0x2c4: {  	[tilespmem:s4+$0xE4E8] =	vst.add.f32.msk @p1 $0xffff, v1  }
0x2c5: {  	v1 =	vld @p1 [tilespmem:$0xE3C8];
	_ =	sdelay $0x4  }
0x2c6: {  	[tilespmem:s4+$0xE4F8] =	vst.add.f32.msk @p1 $0xffff, v1  }
0x2c7: {  	v1 =	vld @p1 [tilespmem:$0xE3D8];
	_ =	sdelay $0x4  }
0x2c8: {  	[tilespmem:s4+$0xE508] =	vst.add.f32.msk @p1 $0xffff, v1  }
0x2c9: {  	v1 =	vld @p1 [tilespmem:$0xE3E8];
	_ =	sdelay $0x4  }
0x2ca: {  	[tilespmem:s4+$0xE518] =	vst.add.f32.msk @p1 $0xffff, v1  }
0x2cb: {  	v1 =	vld @p1 [tilespmem:$0xE3F8];
	_ =	sdelay $0x3  }
0x2cc: {  	s5 =	sshll.u32 @!p1 s3, $0xA  }
0x2cd: {  	s5 =	smov.u32 @p1 s0;
	[tilespmem:s4+$0xE528] =	vst.add.f32.msk @p1 $0xffff, v1  }
0x2ce: {  	s0 =	sshrl.u32 s5, $0x2;
	[tilespmem:s2+$0xE418] =	vst.msk $0x1, v0  }
0x2cf: {  	v0 =	vld [tilespmem:s0+$0xE438];
	_ =	sdelay $0x2  }
0x2d0: {  	s31 =	sshll.u32 s2, $0xA  }
0x2d1: {  	s4 =	sshra.s32 s31, $0x2  }
0x2d2: {  	[tilespmem:s4+$0xE438] =	vst v0  }
0x2d3: {  	v0 =	vld [tilespmem:s0+$0xE448];
	_ =	sdelay $0x4  }
0x2d4: {  	[tilespmem:s4+$0xE448] =	vst v0  }
0x2d5: {  	v0 =	vld [tilespmem:s0+$0xE458];
	_ =	sdelay $0x4  }
0x2d6: {  	[tilespmem:s4+$0xE458] =	vst v0  }
0x2d7: {  	v0 =	vld [tilespmem:s0+$0xE468];
	_ =	sdelay $0x4  }
0x2d8: {  	[tilespmem:s4+$0xE468] =	vst v0  }
0x2d9: {  	v0 =	vld [tilespmem:s0+$0xE478];
	_ =	sdelay $0x4  }
0x2da: {  	[tilespmem:s4+$0xE478] =	vst v0  }
0x2db: {  	v0 =	vld [tilespmem:s0+$0xE488];
	_ =	sdelay $0x4  }
0x2dc: {  	[tilespmem:s4+$0xE488] =	vst v0  }
0x2dd: {  	v0 =	vld [tilespmem:s0+$0xE498];
	_ =	sdelay $0x4  }
0x2de: {  	[tilespmem:s4+$0xE498] =	vst v0  }
0x2df: {  	v0 =	vld [tilespmem:s0+$0xE4A8];
	_ =	sdelay $0x4  }
0x2e0: {  	[tilespmem:s4+$0xE4A8] =	vst v0  }
0x2e1: {  	v0 =	vld [tilespmem:s0+$0xE4B8];
	_ =	sdelay $0x4  }
0x2e2: {  	[tilespmem:s4+$0xE4B8] =	vst v0  }
0x2e3: {  	v0 =	vld [tilespmem:s0+$0xE4C8];
	_ =	sdelay $0x4  }
0x2e4: {  	[tilespmem:s4+$0xE4C8] =	vst v0  }
0x2e5: {  	v0 =	vld [tilespmem:s0+$0xE4D8];
	_ =	sdelay $0x4  }
0x2e6: {  	[tilespmem:s4+$0xE4D8] =	vst v0  }
0x2e7: {  	v0 =	vld [tilespmem:s0+$0xE4E8];
	_ =	sdelay $0x4  }
0x2e8: {  	[tilespmem:s4+$0xE4E8] =	vst v0  }
0x2e9: {  	v0 =	vld [tilespmem:s0+$0xE4F8];
	_ =	sdelay $0x4  }
0x2ea: {  	[tilespmem:s4+$0xE4F8] =	vst v0  }
0x2eb: {  	v0 =	vld [tilespmem:s0+$0xE508];
	_ =	sdelay $0x4  }
0x2ec: {  	[tilespmem:s4+$0xE508] =	vst v0  }
0x2ed: {  	v0 =	vld [tilespmem:s0+$0xE518];
	_ =	sdelay $0x4  }
0x2ee: {  	[tilespmem:s4+$0xE518] =	vst v0  }
0x2ef: {  	v0 =	vld [tilespmem:s0+$0xE528];
	_ =	sdelay $0x4  }
0x2f0: {  	s2 =	sadd.s32 $0x1, s2;
	[tilespmem:s4+$0xE528] =	vst v0  }
.LBB2_54:
0x2f1: {  	s3 =	sadd.s32 $0x1, s3  }
0x2f2: {  	p1 =	sne.s32 s3, $0x20  }
.Ltmp38:
0x2f3: {  	_ = 	snop;
	(pc) =	sbr.rel @!p1 .LBB2_55-.Ltmp38, $1  }
0x2f4: {  	_ =	sdelay $0x3  }
.LBB2_47:
0x2f5: {  	v0 =	vld.msk [tilespmem:s3+$0xE418], $0x1;
	_ =	sdelay $0x4  }
0x2f6: {  	(v2sf) =	vpush v0, $0x0;
	_ =	sdelay $0xe  }
0x2f7: {  	s0 =	spop (v2sf)  }
0x2f8: {  	p1 =	seq.s32 s0, $0xFFFFFFFF  }
.Ltmp39:
0x2f9: {  	_ = 	snop;
	(pc) =	sbr.rel @p1 .LBB2_54-.Ltmp39, $1  }
0x2fa: {  	_ =	sdelay $0x3  }
0x2fb: {  	p1 =	slt.s32 s2, $0x1  }
.Ltmp40:
0x2fc: {  	_ = 	snop;
	(pc) =	sbr.rel @p1 .LBB2_53-.Ltmp40, $1  }
0x2fd: {  	_ =	sdelay $0x3  }
0x2fe: {  	s4 =	simm.s32 $0xE418;
	p1 =	por $0x0, $0x0  }
0x2ff: {  	v1 =	vld.msk @!p1 [tilespmem:s4+$0x0], $0x1;
	_ =	sdelay $0x4  }
0x300: {  	(v2sf) =	vpush @!p1 v1, $0x0;
	_ =	sdelay $0xd  }
0x301: {  	p3 =	sne.s32 s2, $0x1  }
.Ltmp41:
0x302: {  	s5 =	spop @!p1 (v2sf);
	(pc) =	sbr.rel @!p3 .LBB2_51-.Ltmp41, $4  }
0x303: {  	p2 =	seq.s32 @!p1 s0, s5  }
0x304: {  	s5 =	simm.s32 $0x0;
	p2 =	por !p2, p1  }
0x305: {  	s7 =	simm.s32 $0xFFFFFFFF;
	s5 =	simm.s32 @p2 $0xFFFFFFFF  }
0x306: {  	s6 =	simm.s32 $0x1;
	s5 =	smov.u32 @p1 s7  }
.LBB2_50:
0x307: {  	s7 =	smov.u32 s5;
	p1 =	sne.s32 s5, $0xFFFFFFFF  }
0x308: {  	s4 =	sadd.s32 $0x1, s4;
	s5 =	smov.u32 s6;
	s6 =	sadd.s32 $0x1, s6  }
0x309: {  	p2 =	sne.s32 s2, s6;
	v1 =	vld.msk @!p1 [tilespmem:s4+$0x0], $0x1;
	_ =	sdelay $0x4  }
0x30a: {  	(v2sf) =	vpush @!p1 v1, $0x0;
	_ =	sdelay $0xe  }
.Ltmp42:
0x30b: {  	s8 =	spop @!p1 (v2sf);
	(pc) =	sbr.rel @p2 .LBB2_50-.Ltmp42, $4  }
0x30c: {  	p3 =	seq.s32 @!p1 s0, s8  }
0x30d: {  	p3 =	por !p3, p1  }
0x30e: {  	s5 =	simm.s32 @p3 $0xFFFFFFFF  }
0x30f: {  	s5 =	smov.u32 @p1 s7  }
.LBB2_51:
0x310: {  	p1 =	seq.s32 s5, $0xFFFFFFFF  }
.Ltmp43:
0x311: {  	_ = 	snop;
	(pc) =	sbr.rel @p1 .LBB2_53-.Ltmp43, $1  }
0x312: {  	_ =	sdelay $0x3  }
0x313: {  	s0 =	sshll.u32 s3, $0x8  }
0x314: {  	s0 =	sand.u32 $0x3FFFFF00, s0  }
0x315: {  	v0 =	vld [tilespmem:s0+$0xE438];
	_ =	sdelay $0x2  }
0x316: {  	s4 =	sshll.u32 s5, $0xA  }
0x317: {  	s4 =	sshra.s32 s4, $0x2  }
0x318: {  	[tilespmem:s4+$0xE438] =	vst.add.f32.msk $0xffff, v0  }
0x319: {  	v0 =	vld [tilespmem:s0+$0xE448];
	_ =	sdelay $0x4  }
0x31a: {  	[tilespmem:s4+$0xE448] =	vst.add.f32.msk $0xffff, v0  }
0x31b: {  	v0 =	vld [tilespmem:s0+$0xE458];
	_ =	sdelay $0x4  }
0x31c: {  	[tilespmem:s4+$0xE458] =	vst.add.f32.msk $0xffff, v0  }
0x31d: {  	v0 =	vld [tilespmem:s0+$0xE468];
	_ =	sdelay $0x4  }
0x31e: {  	[tilespmem:s4+$0xE468] =	vst.add.f32.msk $0xffff, v0  }
0x31f: {  	v0 =	vld [tilespmem:s0+$0xE478];
	_ =	sdelay $0x4  }
0x320: {  	[tilespmem:s4+$0xE478] =	vst.add.f32.msk $0xffff, v0  }
0x321: {  	v0 =	vld [tilespmem:s0+$0xE488];
	_ =	sdelay $0x4  }
0x322: {  	[tilespmem:s4+$0xE488] =	vst.add.f32.msk $0xffff, v0  }
0x323: {  	v0 =	vld [tilespmem:s0+$0xE498];
	_ =	sdelay $0x4  }
0x324: {  	[tilespmem:s4+$0xE498] =	vst.add.f32.msk $0xffff, v0  }
0x325: {  	v0 =	vld [tilespmem:s0+$0xE4A8];
	_ =	sdelay $0x4  }
0x326: {  	[tilespmem:s4+$0xE4A8] =	vst.add.f32.msk $0xffff, v0  }
0x327: {  	v0 =	vld [tilespmem:s0+$0xE4B8];
	_ =	sdelay $0x4  }
0x328: {  	[tilespmem:s4+$0xE4B8] =	vst.add.f32.msk $0xffff, v0  }
0x329: {  	v0 =	vld [tilespmem:s0+$0xE4C8];
	_ =	sdelay $0x4  }
0x32a: {  	[tilespmem:s4+$0xE4C8] =	vst.add.f32.msk $0xffff, v0  }
0x32b: {  	v0 =	vld [tilespmem:s0+$0xE4D8];
	_ =	sdelay $0x4  }
0x32c: {  	[tilespmem:s4+$0xE4D8] =	vst.add.f32.msk $0xffff, v0  }
0x32d: {  	v0 =	vld [tilespmem:s0+$0xE4E8];
	_ =	sdelay $0x4  }
0x32e: {  	[tilespmem:s4+$0xE4E8] =	vst.add.f32.msk $0xffff, v0  }
0x32f: {  	v0 =	vld [tilespmem:s0+$0xE4F8];
	_ =	sdelay $0x4  }
0x330: {  	[tilespmem:s4+$0xE4F8] =	vst.add.f32.msk $0xffff, v0  }
0x331: {  	v0 =	vld [tilespmem:s0+$0xE508];
	_ =	sdelay $0x4  }
0x332: {  	[tilespmem:s4+$0xE508] =	vst.add.f32.msk $0xffff, v0  }
0x333: {  	v0 =	vld [tilespmem:s0+$0xE518];
	_ =	sdelay $0x4  }
0x334: {  	[tilespmem:s4+$0xE518] =	vst.add.f32.msk $0xffff, v0  }
0x335: {  	v0 =	vld [tilespmem:s0+$0xE528]  }
.Ltmp44:
0x336: {  	_ = 	snop;
	(pc) =	sbr.rel .LBB2_54-.Ltmp44, $2  }
0x337: {  	_ =	sdelay $0x2  }
0x338: {  	[tilespmem:s4+$0xE528] =	vst.add.f32.msk $0xffff, v0  }
.LBB2_55:
0x339: {  	p1 =	slt.s32 s2, $0x1  }
.Ltmp45:
0x33a: {  	_ = 	snop;
	(pc) =	sbr.rel @p1 .LBB2_59-.Ltmp45, $3  }
0x33b: {  	_ =	sdelay $0x1  }
0x33c: {  	s0 =	simm.s32 $0x8  }
0x33d: {  	s4 =	simm.s32 $0x0;
	[sflag:s0] =	ssyncpa.u1 $0x1  }
0x33e: {  	s0 =	simm.s32 $0xE418  }
0x33f: {  	v0 =	vld.msk [tilespmem:s0+$0x0], $0x1;
	_ =	sdelay $0x4  }
0x340: {  	(v2sf) =	vpush v0, $0x0;
	_ =	sdelay $0xe  }
0x341: {  	s0 =	sadd.s32 $0xFFFFFFFF, s2;
	s3 =	spop (v2sf)  }
0x342: {  	s6 =	simm.s32 $0xE438;
	p1 =	sne.s32 s0, $0x0;
	p2 =	sgt.u32 s3, $0x7E870  }
.Ltmp46:
0x343: {  	s2 =	simm.s32 $0xE538;
	s5 =	sand.u32 @!p2 $0x7FFF8, s3;
	(pc) =	sbr.rel @!p1 .LBB2_58-.Ltmp46, $4  }
0x344: {  	s7 =	sadd.s32 @!p2 $0x80, s3;
	s4 =	simm.s32 @!p2 $0x400;
	s8 =	sadd.s32 @!p2 s1, s5  }
0x345: {  	s5 =	sand.u32 @!p2 $0x7, s3;
	s3 =	simm.s32 $0xE419;
	s7 =	sand.u32 @!p2 $0xFFFF8, s7  }
0x346: {  	[hbm4b:s8+s5] =	stream.linear.scatter @!p2 [tilespmem:s6], [sflag:$0x7], $0x80, $0x38;
	[tilespmem:$0x1E678] =	vst v63  }
0x347: {  	s4 =	sadd.s32 $0x0, s4;
	s6 =	simm.s32 @!p2 $0xE4B8;
	s7 =	sadd.s32 @!p2 s1, s7  }
.LBB2_57:
0x348: {  	[hbm4b:s7+s5] =	stream.linear.scatter @!p2 [tilespmem:s6], [sflag:$0x7], $0x80, $0x38;
	[tilespmem:$0x1E678] =	vst v63  }
0x349: {  	s0 =	sadd.s32 $0xFFFFFFFF, s0;
	s6 =	smov.u32 s2;
	v0 =	vld.msk [tilespmem:s3+$0x0], $0x1  }
0x34a: {  	p1 =	sne.s32 s0, $0x0;
	_ =	sdelay $0x3  }
0x34b: {  	(v2sf) =	vpush v0, $0x0;
	_ =	sdelay $0xe  }
0x34c: {  	s2 =	sadd.s32 $0x100, s2;
	s8 =	simm.s32 $0x0;
	s5 =	spop (v2sf)  }
.Ltmp47:
0x34d: {  	s3 =	sadd.s32 $0x1, s3;
	p2 =	sgt.u32 s5, $0x7E870;
	(pc) =	sbr.rel @p1 .LBB2_57-.Ltmp47, $4  }
0x34e: {  	s8 =	simm.s32 @!p2 $0x400;
	s7 =	sand.u32 @!p2 $0x7FFF8, s5;
	s9 =	sadd.s32 @!p2 $0x80, s5  }
0x34f: {  	s5 =	sand.u32 @!p2 $0x7, s5;
	s7 =	sadd.s32 @!p2 s1, s7;
	s9 =	sand.u32 @!p2 $0xFFFF8, s9  }
0x350: {  	[hbm4b:s7+s5] =	stream.linear.scatter @!p2 [tilespmem:s6], [sflag:$0x7], $0x80, $0x38;
	[tilespmem:$0x1E678] =	vst v63  }
0x351: {  	s4 =	sadd.s32 s4, s8;
	s6 =	sadd.s32 @!p2 $0x80, s6;
	s7 =	sadd.s32 @!p2 s1, s9  }
.LBB2_58:
0x352: {  	[hbm4b:s7+s5] =	stream.linear.scatter @!p2 [tilespmem:s6], [sflag:$0x7], $0x80, $0x38;
	[tilespmem:$0x1E678] =	vst v63  }
0x353: {  	s4 =	sshrl.u32 s4, $0x2  }
.LBB2_59:
0x354: {  	s0 =	simm.s32 $0x7  }
0x355: {  	_ =	swait.ge [sflag:s0], s4  }
0x356: {  	s1 =	ssub.s32 $0x0, s4;
	[sflag:s0] =	ssyncset.done $0x0  }
0x357: {  	[sflag:s0] =	ssyncadd.s32 s1  }
0x358: {  	[sflag:s0] =	ssyncpa.u1 $0x1  }
.LBB2_60:
0x359: {  	_ =	sfence;
	s0 =	simm.s32 $0x1  }
0x35a: {  	[sflag:s0] =	ssyncpa.u1 $0x1  }
0x35b: {  	_ =	strace $0x9000004A  }
0x35c: {  	[bflag:$0x2] =	sbarrier.arrive $0xFFFF  }
0x35d: {  	s0 =	rddreg [dreg:$0x3]  }
0x35e: {  	s0 =	sadd.s32 @!p0 $0x100000, s0  }
0x35f: {  	[sflag:s0] =	ssyncadd.tile.s32 @!p0 $0x1;
	_ =	shalt  }
.Lfunc_end2:
_tile_overlayer_lowered:
.L_overlay_start_2:
0x360: {  	(tag) =	ssettag $0x2  }
0x361: {  	s0 =	rddreg [dreg:$0x0];
	s2 =	stileid.u32  }
0x362: {  	s1 =	rddreg [dreg:$0x1];
	p0 =	sne.s32 s2, $0x0  }
0x363: {  	s3 =	rddreg [dreg:$0x2];
	[bflag:$0x3] =	sbarrier.arrive $0xFFFF;
	s2 =	simm.s32 @!p0 $0x1C01  }
0x364: {  	[timem:s3], [sflag:s2] =	dma.local @!p0 [hbm:s0], s1  }
0x365: {  	s0 =	simm.s32 @!p0 $0x1  }
0x366: {  	_ =	swait.ge @!p0 [sflag:s0], s1  }
0x367: {  	s1 =	ssub.s32 @!p0 $0x0, s1;
	[sflag:s0] =	ssyncset.done @!p0 $0x0  }
0x368: {  	[sflag:s0] =	ssyncadd.s32 @!p0 s1  }
0x369: {  	[bflag:$0x3] =	sbarrier.arrive $0xFFFF  }
0x36a: {  	_ =	shalt  }

// kernel: scatter_offload_async_start
scs
__scs_entry_jumppad:
0x0: {  	(pc) =	sbr.rel $0x88, $3  }
0x1: {  	(tag) =	ssettag $0x0;
	lr =	simm.s32 $0x1  }
0x2: {  	[smem:$0x3F42] =	sst lr;
	_ =	strace $0xD0000000  }
0x3: {  	_ = 	snop  }
0x4: {  	_ = 	snop  }
0x5: {  	_ = 	snop  }
0x6: {  	_ = 	snop  }
0x7: {  	_ = 	snop  }
__scs_overlays_trampoline_lowered:
0x8: {  	[smem:$0x3F51] =	sst s0  }
0x9: {  	[smem:$0x3F52] =	sst s1  }
0xa: {  	[smem:$0x3F53] =	sst s2  }
0xb: {  	[smem:$0x3F54] =	sst s3  }
0xc: {  	[smem:$0x3F55] =	sst s4  }
0xd: {  	[smem:$0x3F56] =	sst s5  }
0xe: {  	[smem:$0x3F57] =	sst s6  }
0xf: {  	[smem:$0x3F58] =	sst s7  }
0x10: {  	[smem:$0x3F59] =	sst s8  }
0x11: {  	[smem:$0x3F5A] =	sst s9;
	s0 =	simm.s32 @!p0 $0x0  }
0x12: {  	s1 =	sld [smem:$0x3F40];
	s0 =	simm.s32 @p0 $0x1  }
0x13: {  	[smem:$0x3F5B] =	sst s0;
	s0 =	simm.s32 @!p1 $0x0  }
0x14: {  	s2 =	sld [smem:$0x3F3F];
	s0 =	simm.s32 @p1 $0x1  }
0x15: {  	[smem:$0x3F5C] =	sst s0;
	s0 =	simm.s32 @!p2 $0x0  }
0x16: {  	s3 =	sld [smem:$0x3FDB];
	s0 =	simm.s32 @p2 $0x1  }
0x17: {  	s4 =	simm.s32 $0x1BF5;
	[smem:$0x3F5E] =	sst s0  }
0x18: {  	s0 =	sld [smem:$0x3F41];
	_ =	swait.ge [sflag:s4], $0x0  }
0x19: {  	s7 =	sld [smem:$0x3F42]  }
0x1a: {  	s8 =	sadd.s32 $0xFFFFE003, lr  }
0x1b: {  	s9 =	sadd.s32 $0xFFFFFEF7, lr;
	s5 =	simm.s32 $0xFFFFFFFF;
	p2 =	slt.u32 s8, $0xFFFFF086  }
0x1c: {  	p1 =	slt.u32 s9, $0xF7A;
	s5 =	simm.s32 @!p2 $0x0  }
0x1d: {  	s5 =	simm.s32 @p1 $0x1;
	p0 =	seq.s32 s7, s2  }
0x1e: {  	s7 =	smul.u32 @!p0 $0xF7A, s2;
	p2 =	seq.s32 @!p0 s5, $0x0  }
0x1f: {  	s9 =	smul.u32 $0xF7A, s1;
	s8 =	simm.s32 @!p0 $0x1BF5;
	p2 =	por !p2, p0  }
0x20: {  	[sflag:s8] =	ssyncset.s32 @!p0 $0xFFFFF086;
	s6 =	sadd.s32 @!p0 s3, s7;
	s7 =	simm.s32 @!p0 $0x108  }
0x21: {  	s3 =	sadd.s32 s3, s9;
	s6 =	sadd.s32 @!p0 $0x88, s6;
	s7 =	simm.s32 @p2 $0x1082  }
0x22: {  	[simem:s7], [sflag:s8] =	dma.local @!p0 [hbm:s6], $0xF7A  }
0x23: {  	s9 =	sor.u32 $0xD0000000, s2;
	s6 =	simm.s32 $0x108;
	_ =	swait.ge @!p0 [sflag:s8], $0x0  }
0x24: {  	s3 =	sadd.s32 $0x88, s3;
	s6 =	simm.s32 @!p1 $0x1082;
	[sflag:s4] =	ssyncset.s32 $0xFFFFF086  }
0x25: {  	[simem:s6], [sflag:s4] =	dma.local [hbm:s3], $0xF7A  }
0x26: {  	[smem:$0x3F42] =	sst s1;
	(tag) =	ssettag s2;
	_ =	strace s9  }
0x27: {  	s1 =	sld [smem:$0x3F52]  }
0x28: {  	s2 =	sld [smem:$0x3F53]  }
0x29: {  	s4 =	sld [smem:$0x3F55]  }
0x2a: {  	p0 =	seq.s32 s5, $0x0;
	s5 =	sld [smem:$0x3F56]  }
0x2b: {  	s6 =	sld [smem:$0x3F57]  }
0x2c: {  	s7 =	sld [smem:$0x3F58]  }
0x2d: {  	s3 =	simm.s32 $0x108;
	s8 =	sld [smem:$0x3F59]  }
0x2e: {  	s3 =	simm.s32 @!p0 $0x1082;
	s9 =	sld [smem:$0x3F5A]  }
0x2f: {  	lr =	sadd.s32 s0, s3;
	s0 =	sld [smem:$0x3F51]  }
0x30: {  	s3 =	sld [smem:$0x3F54]  }
0x31: {  	[smem:$0x3F5D] =	sst s10  }
0x32: {  	s10 =	sld [smem:$0x3F5B];
	_ =	sdelay $0x3  }
0x33: {  	p0 =	seq.s32 s10, $0x1;
	s10 =	sld [smem:$0x3F5D];
	_ =	sdelay $0x3  }
0x34: {  	[smem:$0x3F5D] =	sst s10  }
0x35: {  	s10 =	sld [smem:$0x3F5C];
	_ =	sdelay $0x3  }
0x36: {  	p1 =	seq.s32 s10, $0x1;
	s10 =	sld [smem:$0x3F5D];
	_ =	sdelay $0x3  }
0x37: {  	[smem:$0x3F5D] =	sst s10  }
0x38: {  	s10 =	sld [smem:$0x3F5E]  }
0x39: {  	_ = 	snop;
	(pc) =	sbr.ind lr, $3  }
0x3a: {  	_ = 	snop  }
0x3b: {  	_ = 	snop  }
0x3c: {  	p2 =	seq.s32 s10, $0x1;
	s10 =	sld [smem:$0x3F5D]  }
0x3d: {  	_ =	shalt  }
0x3e: {  	_ =	shalt  }
0x3f: {  	_ =	shalt  }
0x40: {  	_ =	shalt  }
0x41: {  	_ =	shalt  }
0x42: {  	_ =	shalt  }
0x43: {  	_ =	shalt  }
0x44: {  	_ =	shalt  }
0x45: {  	_ =	shalt  }
0x46: {  	_ =	shalt  }
0x47: {  	_ =	shalt  }
0x48: {  	_ =	shalt  }
0x49: {  	_ =	shalt  }
0x4a: {  	_ =	shalt  }
0x4b: {  	_ =	shalt  }
0x4c: {  	_ =	shalt  }
0x4d: {  	_ =	shalt  }
0x4e: {  	_ =	shalt  }
0x4f: {  	_ =	shalt  }
0x50: {  	_ =	shalt  }
0x51: {  	_ =	shalt  }
0x52: {  	_ =	shalt  }
0x53: {  	_ =	shalt  }
0x54: {  	_ =	shalt  }
0x55: {  	_ =	shalt  }
0x56: {  	_ =	shalt  }
0x57: {  	_ =	shalt  }
0x58: {  	_ =	shalt  }
0x59: {  	_ =	shalt  }
0x5a: {  	_ =	shalt  }
0x5b: {  	_ =	shalt  }
0x5c: {  	_ =	shalt  }
0x5d: {  	_ =	shalt  }
0x5e: {  	_ =	shalt  }
0x5f: {  	_ =	shalt  }
0x60: {  	_ =	shalt  }
0x61: {  	_ =	shalt  }
0x62: {  	_ =	shalt  }
0x63: {  	_ =	shalt  }
0x64: {  	_ =	shalt  }
0x65: {  	_ =	shalt  }
0x66: {  	_ =	shalt  }
0x67: {  	_ =	shalt  }
0x68: {  	_ =	shalt  }
0x69: {  	_ =	shalt  }
0x6a: {  	_ =	shalt  }
0x6b: {  	_ =	shalt  }
0x6c: {  	_ =	shalt  }
0x6d: {  	_ =	shalt  }
0x6e: {  	_ =	shalt  }
0x6f: {  	_ =	shalt  }
0x70: {  	_ =	shalt  }
0x71: {  	_ =	shalt  }
0x72: {  	_ =	shalt  }
0x73: {  	_ =	shalt  }
0x74: {  	_ =	shalt  }
0x75: {  	_ =	shalt  }
0x76: {  	_ =	shalt  }
0x77: {  	_ =	shalt  }
0x78: {  	_ =	shalt  }
0x79: {  	_ =	shalt  }
0x7a: {  	_ =	shalt  }
0x7b: {  	_ =	shalt  }
0x7c: {  	_ =	shalt  }
0x7d: {  	_ =	shalt  }
0x7e: {  	_ =	shalt  }
0x7f: {  	_ =	shalt  }
0x80: {  	_ =	shalt  }
0x81: {  	_ =	shalt  }
0x82: {  	_ =	shalt  }
0x83: {  	_ =	shalt  }
0x84: {  	_ =	shalt  }
0x85: {  	_ =	shalt  }
0x86: {  	_ =	shalt  }
0x87: {  	_ =	shalt  }
.Lfunc_end0:
.L_simem_size_0:
called_computation_lowered:
.L_overlay_start_0:
0x88: {  	s2 =	sld [smem:$0x3FD9]  }
0x89: {  	s3 =	sld [smem:$0x3FFE];
	_ =	sdelay $0x1  }
0x8a: {  	s1 =	srdreg.scid  }
0x8b: {  	s0 =	sand.u32 $0x1, s1  }
0x8c: {  	s15 =	sshll.u32 s0, $0xA;
	s2 =	sadd.s32 s3, s2  }
0x8d: {  	s2 =	sadd.s32 s2, s15  }
0x8e: {  	[smem:$0x3F69] =	sst s2  }
0x8f: {  	_ = 	snop  }
0x90: {  	(tm) =	ssettm $0x1  }
0x91: {  	s16 =	sld [smem:$0x3FFB];
	_ =	sdelay $0x3  }
0x92: {  	_ =	strace s16  }
0x93: {  	s2 =	sld [smem:$0x3FFC];
	_ =	sdelay $0x3  }
0x94: {  	_ =	strace s2  }
0x95: {  	s2 =	sld [smem:$0x3FFD];
	_ =	sdelay $0x3  }
0x96: {  	_ =	strace s2  }
0x97: {  	_ =	strace $0x8FFFFFFF  }
0x98: {  	s17 =	sld [smem:$0x3FDB];
	_ =	sdelay $0x1  }
0x99: {  	s18 =	simm.s32 $_scs_section_size  }
0x9a: {  	s4 =	simm.s32 $_size__tile_overlayer_lowered;
	s5 =	simm.s32 $_tile_overlayer_lowered  }
0x9b: {  	s21 =	simm.s32 $0x1BFF;
	s20 =	sshll.u32 s5, $0x1;
	s2 =	sadd.s32 s18, s17  }
0x9c: {  	s6 =	simm.s32 $0x0;
	s19 =	sshll.u32 s4, $0x1;
	s4 =	sadd.s32 s20, s2  }
0x9d: {  	[timem:s6], [sflag:s21] =	dma.local [hbm:s4], s19  }
0x9e: {  	_ =	swait.ge [sflag:s21], s19  }
0x9f: {  	s3 =	ssub.s32 $0x0, s19;
	[sflag:s21] =	ssyncset.done $0x0  }
0xa0: {  	[sflag:s21] =	ssyncadd.s32 s3;
	_ =	sdelay $0x1  }
0xa1: {  	s22 =	simm.s32 $0x1B8B  }
0xa2: {  	_ =	swait.ge [sflag:s22], $0x1  }
0xa3: {  	[sflag:s22] =	ssyncset.done $0x0  }
0xa4: {  	s23 =	sld [smem:$0x3FFE];
	[sflag:s22] =	ssyncadd.s32 $0xFFFFFFFF  }
0xa5: {  	s25 =	simm.s32 $0x1B8E;
	s24 =	sld [smem:$0x0]  }
0xa6: {  	s26 =	simm.s32 $execute0_lowered;
	[smem:$0x3FD2] =	sst s25  }
0xa7: {  	s5 =	sshll.u32 s26, $0x1;
	_ =	strace $0x80000046;
	[dreg:$0x1] =	wrdreg $0xFFFFFFFF  }
0xa8: {  	s28 =	simm.s32 $_size_execute0_lowered;
	s2 =	sadd.s32 s2, s5;
	[dreg:$0x0] =	wrdreg $0x0  }
0xa9: {  	s5 =	sshll.u32 s28, $0x1;
	[dreg:$0x2] =	wrdreg s2  }
0xaa: {  	[dreg:$0x3] =	wrdreg s5  }
0xab: {  	[dreg:$0x4] =	wrdreg $0xC0  }
0xac: {  	_ =	task [dreg:s6], $0x5FFFF  }
0xad: {  	[dreg:$0x1] =	wrdreg $0xFFFFFFFF  }
0xae: {  	[dreg:$0x0] =	wrdreg $0x60  }
0xaf: {  	[dreg:$0x2] =	wrdreg s23  }
0xb0: {  	[dreg:$0x3] =	wrdreg s1  }
0xb1: {  	[dreg:$0x4] =	wrdreg s24  }
0xb2: {  	[dreg:$0x5] =	wrdreg $0x9  }
0xb3: {  	_ =	task.clear_ibuf [dreg:s6], $0x6FFFF;
	_ =	strace $0x90000046  }
0xb4: {  	s29 =	simm.s32 $0x9;
	_ =	strace $0x80000048  }
0xb5: {  	_ =	swait.ge [sflag:s29], $0x1  }
0xb6: {  	[sflag:s29] =	ssyncadd.s32 $0xFFFFFFFF  }
0xb7: {  	_ =	strace $0x90000048  }
0xb8: {  	_ =	sfence  }
0xb9: {  	s30 =	sld [smem:$0x0];
	_ =	sdelay $0x2  }
0xba: {  	s31 =	sshll.u32 s1, $0xD;
	s1 =	sshrl.u32 s1, $0x2  }
0xbb: {  	s3 =	sand.u32 $0x4000, s31;
	s1 =	sadd.s32 s1, s30  }
0xbc: {  	s0 =	sor.u32 s3, s0;
	s1 =	sshll.u32 s1, $0x11  }
0xbd: {  	s0 =	sor.u32 s1, s0  }
0xbe: {  	s0 =	sadd.s32 $0x8F2B, s0  }
0xbf: {  	[sflag:s0] =	ssyncadd.remote.s32 $0x1  }
0xc0: {  	_ =	sfence.sel $0xFFFF  }
0xc1: {  	[dreg:$0x0] =	wrdreg $0xFFFFFFFF;
	(pc) =	sbr.abs _section_cstart, $3  }
0xc2: {  	[dreg:$0x1] =	wrdreg $0xFFFFFFFF  }
0xc3: {  	_ =	task.clear_ibuf [dreg:s6], $0x2FFFF;
	_ =	strace $0x9FFFFFFF  }
0xc4: {  	(tm) =	ssettm $0x7FFFFFFF  }
0xc5: {  	_ =	shalt  }
tec
execute0_lowered:
.L_overlay_start_1:
0x0: {  	(tag) =	ssettag $0x1  }
0x1: {  	s2 =	rddreg [dreg:$0x0]  }
0x2: {  	s3 =	rddreg [dreg:$0x1];
	_ =	strace $0x80000047;
	s0 =	simm.s32 $0x1  }
0x3: {  	s9 =	simm.s32 $0x208;
	v0 =	vimm.s32 $0x0;
	[sflag:s0] =	ssyncpa.u1 $0x0  }
0x4: {  	[tilespmem:s9+$0x70] =	vst v0  }
0x5: {  	[tilespmem:s9+$0x60] =	vst v0  }
0x6: {  	[tilespmem:s9+$0x50] =	vst v0  }
0x7: {  	[tilespmem:s9+$0x40] =	vst v0  }
0x8: {  	s1 =	sadd.s32 $0x90A00, s2;
	s0 =	sadd.s32 $0x2B4C00, s2;
	[tilespmem:s9+$0x30] =	vst v0  }
0x9: {  	s6 =	sadd.s32 $0x6B8C00, s2;
	s3 =	sand.u32 $0x1, s3;
	s4 =	sadd.s32 $0x2B6C00, s2;
	[tilespmem:s9+$0x20] =	vst v0  }
0xa: {  	s2 =	simm.s32 $0x40;
	[dreg:$0x4] =	wrdreg s3;
	s5 =	sshll.u32 s3, $0xC;
	[tilespmem:s9+$0x10] =	vst v0  }
.LBB2_1:
0xb: {  	s2 =	sadd.s32 $0x40, s2;
	[tilespmem:s9+$0x0] =	vst v0;
	s9 =	sadd.s32 $0x80, s9  }
0xc: {  	p0 =	slt.u32 s2, $0x3880;
	[tilespmem:s9+$0x70] =	vst v0  }
0xd: {  	[tilespmem:s9+$0x60] =	vst v0  }
.Ltmp0:
0xe: {  	[tilespmem:s9+$0x50] =	vst v0;
	(pc) =	sbr.rel @p0 .LBB2_1-.Ltmp0, $4  }
0xf: {  	[tilespmem:s9+$0x40] =	vst v0  }
0x10: {  	[tilespmem:s9+$0x30] =	vst v0  }
0x11: {  	[tilespmem:s9+$0x20] =	vst v0  }
0x12: {  	[tilespmem:s9+$0x10] =	vst v0  }
0x13: {  	s11 =	stileid.u32  }
0x14: {  	s2 =	smul.u32 $0x12, s11  }
0x15: {  	s3 =	smin.u32 s11, $0x5  }
0x16: {  	s2 =	sadd.s32 s3, s2  }
0x17: {  	p0 =	slt.u32 s11, $0x5;
	s20 =	smul.u32 $0x70, s2;
	s2 =	simm.s32 $0x850  }
0x18: {  	s2 =	simm.s32 @!p0 $0x7E0  }
0x19: {  	s2 =	sadd.s32 s2, s20  }
0x1a: {  	s8 =	smin.u32 s2, $0x8000  }
0x1b: {  	s2 =	ssub.s32 s8, s20  }
0x1c: {  	p0 =	sgt.s32 s2, $0x0  }
0x1d: {  	s2 =	simm.s32 @!p0 $0x0  }
0x1e: {  	s28 =	simm.s32 $0x2;
	s26 =	sand.u32 $0xFFF0, s2  }
0x1f: {  	s10 =	simm.s32 $0x9;
	s30 =	simm.s32 $0xA;
	s3 =	sshrl.u32 s26, $0x4  }
0x20: {  	s31 =	simm.s32 $0xB;
	s12 =	simm.s32 $0x1;
	s3 =	smul.u32 $0x2493, s3  }
0x21: {  	s14 =	sadd.s32 s5, s4;
	s15 =	sadd.s32 s5, s0;
	s24 =	simm.s32 $0x0  }
0x22: {  	p1 =	por $0x0, $0x0;
	s18 =	simm.s32 $0x80;
	s3 =	sshrl.u32 s3, $0x10  }
0x23: {  	s19 =	simm.s32 $0x400;
	s17 =	simm.s32 $0xC;
	s29 =	smul.u32 $0x70, s3  }
.Ltmp1:
0x24: {  	[tilespmem:s9+$0x0] =	vst v0;
	v0 =	vimm.s32 $0xFFFFFFFF;
	s21 =	simm.s32 $0x0;
	[sflag:s28] =	ssyncpa.u1 $0x0;
	(pc) =	sbr.rel .LBB2_3-.Ltmp1, $4  }
0x25: {  	[tilespmem:$0xE408] =	vst v0;
	[sflag:s10] =	ssyncpa.u1 $0x0;
	p0 =	sne.s32 s2, s29;
	s2 =	simm.s32 $0x1  }
0x26: {  	s23 =	simm.s32 $0x0;
	[sflag:s30] =	ssyncpa.u1 $0x0;
	s2 =	simm.s32 @!p0 $0x0  }
0x27: {  	s16 =	sshll.u32 s11, $0x9;
	[sflag:s31] =	ssyncpa.u1 $0x0;
	s13 =	sadd.s32 s3, s2  }
0x28: {  	v0 =	vlaneseq.u32;
	s22 =	smov.u32 s20;
	p0 =	por $0x1, $0x1;
	s11 =	sadd.s32 $0x1, s13  }
.LBB2_24:
0x29: {  	s2 =	sshrl.u32 s4, $0x2  }
.LBB2_26:
0x2a: {  	_ =	swait.ge [sflag:s17], s2  }
0x2b: {  	s31 =	ssub.s32 $0x0, s2;
	v1 =	vmov s26;
	vm0 =	veq.s32 v0, $0x0;
	[sflag:s17] =	ssyncset.done $0x0  }
0x2c: {  	vm15 =	veq.s32 v0, $0x2;
	v1 =	vsel vm0, s0, v1;
	[sflag:s17] =	ssyncadd.s32 s31  }
0x2d: {  	v1 =	vsel vm15, s24, v1;
	[sflag:s17] =	ssyncpa.u1 $0x1  }
0x2e: {  	[tilespmem:$0xE408] =	vst v1  }
.LBB2_27:
0x2f: {  	s0 =	sadd.s32 $0x70, s22  }
0x30: {  	s2 =	smov.u32 s20;
	p2 =	slt.s32 s0, s8  }
0x31: {  	s2 =	smov.u32 @p2 s0;
	p2 =	sne.s32 s23, s11  }
.Ltmp2:
0x32: {  	_ = 	snop;
	(pc) =	sbr.rel @!p2 .LBB2_28-.Ltmp2, $4  }
0x33: {  	_ = 	snop  }
0x34: {  	s24 =	smov.u32 s21  }
0x35: {  	s31 =	sadd.s32 $0x1, s23;
	s21 =	smov.u32 s22;
	p0 =	por !p0, !p0  }
0x36: {  	p1 =	por !p1, !p1;
	s23 =	smov.u32 s31;
	s22 =	smov.u32 s2  }
.LBB2_3:
0x37: {  	p2 =	sge.u32 s23, s13  }
0x38: {  	s0 =	smulhi.u32 @!p2 $0xAAAAAAAB, s23  }
0x39: {  	s2 =	smov.u32 s22;
	p3 =	sgt.s32 @!p2 s22, $0x7F90  }
0x3a: {  	s3 =	sshra.s32 @!p2 s22, $0x1F;
	p3 =	por !p3, p2;
	s0 =	sshrl.u32 @!p2 s0, $0x1  }
0x3b: {  	s3 =	sand.u32 @!p2 s3, s22;
	s2 =	simm.s32 @p3 $0x7F90;
	s0 =	smul.u32 @!p2 $0x3, s0  }
0x3c: {  	s2 =	ssub.s32 @!p2 s2, s3  }
0x3d: {  	s2 =	sadd.s32 @!p2 $0xFFFF8070, s2;
	s0 =	ssub.s32 @!p2 s23, s0  }
0x3e: {  	s3 =	sshll.u32 @!p2 s2, $0x2;
	p3 =	sgt.s32 @!p2 s2, $0x6F;
	s0 =	smul.u32 @!p2 $0x1C0, s0  }
0x3f: {  	s4 =	sand.u32 @!p2 $0x7, s22;
	s2 =	ssub.s32 @!p2 $0x1C0, s3;
	p3 =	por !p3, p2  }
0x40: {  	s3 =	sshrl.u32 @!p2 s22, $0x3;
	s2 =	sshrl.u32 @!p2 s2, $0x2;
	s0 =	sshrl.u32 @!p2 s0, $0x2  }
0x41: {  	s3 =	sadd.s32 @!p2 s3, s14;
	s2 =	simm.s32 @!p3 $0x0;
	s0 =	sadd.s32 @!p2 $0x10448, s0  }
0x42: {  	[tilespmem:s0], [sflag:$0xA] =	stream.linear.gather @!p2 [hbm4b:s3+s4], s2, $0x38;
	[tilespmem:$0x1E678] =	vst v63  }
0x43: {  	s2 =	sadd.s32 $0xFFFFFFFF, s23  }
0x44: {  	p2 =	sge.u32 s2, s13  }
0x45: {  	p3 =	sgt.s32 @!p2 s21, $0x7F90  }
0x46: {  	s0 =	smov.u32 s21;
	s3 =	sshra.s32 @!p2 s21, $0x1F;
	p3 =	por !p3, p2  }
0x47: {  	s3 =	sand.u32 @!p2 s3, s21;
	s0 =	simm.s32 @p3 $0x7F90  }
0x48: {  	s0 =	ssub.s32 @!p2 s0, s3  }
0x49: {  	s0 =	sadd.s32 @!p2 $0xFFFF8070, s0  }
0x4a: {  	s3 =	sshll.u32 @!p2 s0, $0x2  }
0x4b: {  	p3 =	sgt.s32 @!p2 s0, $0x6F;
	s0 =	ssub.s32 @!p2 $0x1C0, s3  }
0x4c: {  	p3 =	por !p3, p2;
	s0 =	sshrl.u32 @!p2 s0, $0x2  }
0x4d: {  	s4 =	simm.s32 @!p2 $0xA;
	s3 =	sand.u32 @!p2 $0x1, s2;
	s0 =	simm.s32 @!p3 $0x0  }
0x4e: {  	s3 =	smul.u32 @!p2 $0x1C0, s3;
	_ =	swait.ge @!p2 [sflag:s4], s0  }
0x4f: {  	s5 =	ssub.s32 @!p2 $0x0, s0;
	[sflag:s4] =	ssyncset.done @!p2 $0x0  }
0x50: {  	s3 =	sshrl.u32 @!p2 s3, $0x2;
	[sflag:s4] =	ssyncadd.s32 @!p2 s5;
	s4 =	sshrl.u32 @!p2 s21, $0x3  }
0x51: {  	s3 =	sadd.s32 @!p2 $0x10598, s3;
	s5 =	sand.u32 @!p2 $0x7, s21;
	s4 =	sadd.s32 @!p2 s4, s15  }
0x52: {  	[tilespmem:s3], [sflag:$0xB] =	stream.linear.gather @!p2 [hbm4b:s4+s5], s0, $0x38;
	[tilespmem:$0x1E678] =	vst v63  }
0x53: {  	s0 =	ssub.s32 @!p2 $0x8000, s21  }
0x54: {  	p3 =	slt.s32 @!p2 s0, $0x1  }
0x55: {  	p3 =	por p2, p3  }
.Ltmp3:
0x56: {  	_ = 	snop;
	(pc) =	sbr.rel @p3 .LBB2_9-.Ltmp3, $1  }
0x57: {  	_ =	sdelay $0x3  }
0x58: {  	s3 =	smulhi.u32 $0xAAAAAAAB, s2;
	_ =	sdelay $0x1  }
0x59: {  	s3 =	sshrl.u32 s3, $0x1  }
0x5a: {  	s3 =	smul.u32 $0x3, s3;
	_ =	sdelay $0x1  }
0x5b: {  	s30 =	ssub.s32 s2, s3  }
0x5c: {  	s4 =	simm.s32 $0x1;
	s2 =	smul.u32 $0x1C0, s30  }
.Ltmp4:
0x5d: {  	s4 =	simm.s32 @!p0 $0x0;
	(pc) =	sbr.rel .LBB2_6-.Ltmp4, $4  }
0x5e: {  	s31 =	smul.u32 $0x1C000, s4  }
0x5f: {  	p3 =	slt.s32 @!p2 s0, $0x70;
	s2 =	sshrl.u32 s2, $0x2  }
0x60: {  	p2 =	por !p3, p2;
	s3 =	sshrl.u32 s31, $0x2;
	s5 =	sadd.s32 $0x10448, s2  }
0x61: {  	s0 =	simm.s32 @p2 $0x70;
	s4 =	sor.u32 $0x10678, s3;
	s2 =	simm.s32 $0x0;
	v1 =	vmov s5  }
.LBB2_5:
0x62: {  	p2 =	sge.s32 s2, s0  }
.Ltmp5:
0x63: {  	_ = 	snop;
	(pc) =	sbr.rel @p2 .LBB2_9-.Ltmp5, $2  }
0x64: {  	_ =	sdelay $0x2  }
0x65: {  	s4 =	sadd.s32 $0x1000, s4  }
.LBB2_6:
0x66: {  	p2 =	sle.s32 s0, s2  }
.Ltmp6:
0x67: {  	_ = 	snop;
	(pc) =	sbr.rel @p2 .LBB2_5-.Ltmp6, $2  }
0x68: {  	_ =	sdelay $0x2  }
0x69: {  	s5 =	smov.u32 s2;
	s2 =	sadd.s32 $0x10, s2  }
0x6a: {  	s3 =	ssub.s32 s0, s5  }
0x6b: {  	p2 =	slt.s32 s3, $0x10  }
0x6c: {  	s3 =	simm.s32 @!p2 $0x10  }
0x6d: {  	v2 =	vmov s3  }
0x6e: {  	vm0 =	vgt.s32 v2, v0;
	_ =	sdelay $0x5  }
0x6f: {  	v2 =	vld.idx.msk [tilespmem:v1+s5+$0x0 ss:$0x1], vm0;
	_ =	sdelay $0x2  }
0x70: {  	p2 =	slt.s32 s2, s0;
	s3 =	smov.u32 s0  }
0x71: {  	s9 =	smov.u32 s4;
	s25 =	simm.s32 $0x0;
	s3 =	smov.u32 @p2 s2  }
.LBB2_8:
0x72: {  	(v2sf) =	vpush v2, s25;
	_ =	sdelay $0xe  }
0x73: {  	s25 =	sadd.s32 $0x1, s25;
	s10 =	spop (v2sf)  }
0x74: {  	s31 =	sadd.s32 s25, s5;
	s26 =	sshll.u32 s10, $0x8;
	s10 =	sshll.u32 s10, $0x7  }
0x75: {  	p2 =	slt.s32 s31, s3;
	s26 =	sand.u32 $0xFFFFF800, s26;
	s10 =	sand.u32 $0x380, s10  }
.Ltmp7:
0x76: {  	s10 =	sor.u32 s10, s26;
	(pc) =	sbr.rel @p2 .LBB2_8-.Ltmp7, $4  }
0x77: {  	s10 =	sshrl.u32 s10, $0x3  }
0x78: {  	s10 =	sadd.s32 s6, s10  }
0x79: {  	[tilespmem:s9], [sflag:$0x9] =	stream.strided.gather [hbm4b:s10+s18], $0x100, s19, s18, $0x38;
	[tilespmem:$0x1E678] =	vst v63  }
0x7a: {  	s9 =	sadd.s32 $0x100, s9  }
.Ltmp8:
0x7b: {  	_ = 	snop;
	(pc) =	sbr.rel .LBB2_5-.Ltmp8, $1  }
0x7c: {  	_ =	sdelay $0x3  }
.LBB2_9:
0x7d: {  	p2 =	slt.u32 s23, $0x2  }
.Ltmp9:
0x7e: {  	_ = 	snop;
	(pc) =	sbr.rel @p2 .LBB2_27-.Ltmp9, $1  }
0x7f: {  	_ =	sdelay $0x3  }
0x80: {  	p2 =	sgt.s32 s24, $0x7F90  }
0x81: {  	s0 =	smov.u32 s24;
	s2 =	sshra.s32 s24, $0x1F;
	s3 =	ssub.s32 $0x8000, s24  }
0x82: {  	s0 =	simm.s32 @!p2 $0x7F90;
	s2 =	sand.u32 s2, s24;
	p2 =	slt.s32 s3, $0x70  }
0x83: {  	s0 =	ssub.s32 s0, s2;
	s3 =	simm.s32 @!p2 $0x70  }
0x84: {  	s0 =	sadd.s32 $0xFFFF8070, s0;
	s9 =	sshll.u32 s3, $0x8  }
0x85: {  	s26 =	simm.s32 $0x9;
	s10 =	sshll.u32 s0, $0x2;
	s2 =	sand.u32 $0x3FFFFF00, s9  }
0x86: {  	p2 =	sgt.s32 s0, $0x6F;
	s25 =	ssub.s32 $0x1C0, s10;
	_ =	swait.ge [sflag:s26], s2  }
0x87: {  	s2 =	ssub.s32 $0x0, s2;
	[sflag:s26] =	ssyncset.done $0x0;
	s0 =	sshrl.u32 s25, $0x2  }
0x88: {  	s29 =	simm.s32 $0xB;
	[sflag:s26] =	ssyncadd.s32 s2;
	s0 =	simm.s32 @p2 $0x0  }
0x89: {  	_ =	swait.ge [sflag:s29], s0  }
0x8a: {  	s0 =	ssub.s32 $0x0, s0;
	[sflag:s29] =	ssyncset.done $0x0  }
0x8b: {  	[sflag:s29] =	ssyncadd.s32 s0  }
0x8c: {  	v1 =	vld [tilespmem:$0xE408];
	_ =	sdelay $0x4  }
0x8d: {  	(v2sf) =	vpush v1, $0x0  }
0x8e: {  	(v2sf) =	vpush v1, $0x1  }
0x8f: {  	(v2sf) =	vpush v1, $0x2;
	_ =	sdelay $0x3  }
0x90: {  	s0 =	sadd.s32 $0x70, s24  }
0x91: {  	s2 =	ssub.s32 $0x10000, s24;
	p2 =	slt.s32 s8, s0  }
0x92: {  	s0 =	smov.u32 @p2 s8;
	p2 =	sgt.s32 s2, $0x0  }
0x93: {  	s0 =	ssub.s32 s0, s24;
	s2 =	simm.s32 @!p2 $0x0  }
0x94: {  	p2 =	slt.s32 s2, s0  }
0x95: {  	s0 =	smov.u32 @p2 s2  }
0x96: {  	s4 =	simm.s32 $0x1;
	p2 =	slt.s32 s0, $0x1  }
.Ltmp10:
0x97: {  	s4 =	simm.s32 @!p1 $0x0;
	(pc) =	sbr.rel @p2 .LBB2_14-.Ltmp10, $4  }
0x98: {  	s30 =	smul.u32 $0x1C0, s4  }
0x99: {  	s5 =	spop (v2sf)  }
0x9a: {  	s31 =	sshrl.u32 s30, $0x2;
	s28 =	spop (v2sf)  }
0x9b: {  	s25 =	sadd.s32 $0x10598, s31;
	s24 =	spop (v2sf)  }
0x9c: {  	s2 =	smin.u32 s0, $0x10  }
0x9d: {  	v1 =	vmov s2  }
0x9e: {  	vm1 =	vgt.u32 v1, v0  }
0x9f: {  	p3 =	sgt.s32 s0, $0x10  }
.Ltmp11:
0xa0: {  	_ = 	snop;
	(pc) =	sbr.rel @!p3 .LBB2_13-.Ltmp11, $2  }
0xa1: {  	_ =	sdelay $0x2  }
0xa2: {  	s26 =	simm.s32 $0x10;
	s29 =	sadd.s32 $0xFFFFFFF0, s0;
	s2 =	smov.u32 s25;
	vm0 =	vmmov vm1;
	v1 =	vld.msk [tilespmem:s25+$0x0 ss:$0x1], vm1  }
.LBB2_12:
0xa3: {  	s3 =	smin.u32 s29, $0x10;
	s26 =	sadd.s32 $0x10, s26  }
0xa4: {  	v2 =	vmov s3;
	p3 =	slt.s32 s26, s0  }
0xa5: {  	vm1 =	vgt.u32 v2, v0;
	_ =	sdelay $0x1  }
0xa6: {  	v2 =	vshll.u32 v1, $0x5;
	v1 =	vshll.u32 v1, $0x4  }
.Ltmp12:
0xa7: {  	v2 =	vand.u32 $0xFFFFFF00, v2;
	v1 =	vand.u32 $0x70, v1;
	(pc) =	sbr.rel @p3 .LBB2_12-.Ltmp12, $4  }
0xa8: {  	v1 =	vor.u32 v1, v2  }
0xa9: {  	[tilespmem:s2+$0x0] =	vst.msk vm0, v1;
	s2 =	sadd.s32 $0x10, s2;
	vm0 =	vmmov vm1  }
0xaa: {  	v1 =	vld.msk [tilespmem:s2+$0x0 ss:$0x1], vm1  }
0xab: {  	s29 =	sadd.s32 $0xFFFFFFF0, s29  }
.LBB2_13:
0xac: {  	_ =	sdelay $0x3  }
0xad: {  	v2 =	vshll.u32 v1, $0x5;
	v1 =	vshll.u32 v1, $0x4  }
0xae: {  	v2 =	vand.u32 $0xFFFFFF00, v2;
	v1 =	vand.u32 $0x70, v1  }
0xaf: {  	v1 =	vor.u32 v1, v2  }
0xb0: {  	[tilespmem:s2+$0x0] =	vst.msk vm0, v1  }
.LBB2_14:
0xb1: {  	s2 =	sand.u32 $0x1, s23  }
0xb2: {  	s2 =	smul.u32 $0x70, s2  }
0xb3: {  	p3 =	sne.s32 s28, $0xFFFFFFFF  }
0xb4: {  	v1 =	vld.msk @!p3 [tilespmem:s2+$0x10598], $0x1;
	_ =	sdelay $0x4  }
0xb5: {  	(v2sf) =	vpush @!p3 v1, $0x0;
	_ =	sdelay $0xc  }
.Ltmp13:
0xb6: {  	_ = 	snop;
	(pc) =	sbr.rel @p2 .LBB2_25-.Ltmp13, $4  }
0xb7: {  	_ = 	snop  }
0xb8: {  	s31 =	spop @!p3 (v2sf)  }
0xb9: {  	s24 =	simm.s32 @!p3 $0x0;
	s26 =	smov.u32 s31  }
0xba: {  	[sflag:s17] =	ssyncpa.u1 $0x0;
	s31 =	smov.u32 @p3 s5;
	s26 =	smov.u32 @p3 s28  }
0xbb: {  	v1 =	vld.msk [tilespmem:s25+$0x0], $0x1;
	_ =	sdelay $0x4  }
0xbc: {  	(v2sf) =	vpush v1, $0x0;
	_ =	sdelay $0xe  }
0xbd: {  	s7 =	smov.u32 s11;
	s5 =	spop (v2sf)  }
0xbe: {  	s17 =	smov.u32 s15;
	s2 =	smul.u32 $0x1C000, s4;
	p2 =	seq.s32 s31, s5  }
0xbf: {  	s3 =	smov.u32 s31;
	s29 =	ssub.s32 $0x0, s0;
	p3 =	sgt.s32 @!p2 s31, $0x0  }
0xc0: {  	s30 =	simm.s32 $0x0;
	s2 =	sshrl.u32 s2, $0x2;
	p3 =	por !p3, p2  }
0xc1: {  	s0 =	sadd.s32 $0x1, s29;
	s28 =	sor.u32 $0x106F8, s2;
	s3 =	simm.s32 @p3 $0x0  }
0xc2: {  	s2 =	simm.s32 @!p2 $0x1;
	p3 =	seq.s32 s0, $0x0;
	s3 =	smin.u32 @!p2 s3, $0x50070  }
.Ltmp14:
0xc3: {  	s4 =	simm.s32 @!p2 $0x7308;
	s9 =	sand.u32 @!p2 $0x7FFF8, s3;
	(pc) =	sbr.rel @p3 .LBB2_17-.Ltmp14, $4  }
0xc4: {  	s10 =	sadd.s32 @!p2 $0x80, s3;
	s11 =	sadd.s32 @!p2 s1, s9;
	s9 =	sand.u32 @!p2 $0x7, s3  }
0xc5: {  	[tilespmem:s4], [sflag:$0x2] =	stream.linear.gather @!p2 [hbm4b:s11+s9], $0x80, $0x38;
	[tilespmem:$0x1E678] =	vst v63  }
0xc6: {  	s15 =	smov.u32 s14;
	s2 =	smov.u32 @p2 s30;
	s4 =	sand.u32 @!p2 $0xFFFF8, s10  }
0xc7: {  	s3 =	simm.s32 @!p2 $0x7388;
	s10 =	sadd.s32 @!p2 s1, s4;
	s4 =	sadd.s32 $0x1, s25  }
.LBB2_16:
0xc8: {  	s11 =	smov.u32 s2  }
0xc9: {  	[tilespmem:s3], [sflag:$0x2] =	stream.linear.gather @!p2 [hbm4b:s10+s9], $0x80, $0x38;
	[tilespmem:$0x1E678] =	vst v63  }
0xca: {  	s0 =	sadd.s32 $0x1, s0;
	s9 =	smov.u32 s5;
	v1 =	vld.msk [tilespmem:s4+$0x0], $0x1  }
0xcb: {  	p3 =	seq.s32 s0, $0x0;
	_ =	sdelay $0x3  }
0xcc: {  	(v2sf) =	vpush v1, $0x0;
	_ =	sdelay $0xe  }
0xcd: {  	s5 =	spop (v2sf)  }
0xce: {  	p2 =	seq.s32 s9, s5  }
0xcf: {  	p4 =	sgt.s32 @!p2 s9, $0x0;
	s3 =	sshll.u32 @!p2 s2, $0xA;
	s2 =	sadd.s32 @!p2 $0x1, s2  }
0xd0: {  	p4 =	por !p4, p2;
	s3 =	sshra.s32 @!p2 s3, $0x2;
	s2 =	smov.u32 @p2 s11  }
0xd1: {  	s9 =	simm.s32 @p4 $0x0;
	s10 =	sadd.s32 @!p2 $0x7308, s3;
	s3 =	sadd.s32 @!p2 $0x7388, s3  }
.Ltmp15:
0xd2: {  	s9 =	smin.u32 @!p2 s9, $0x50070;
	(pc) =	sbr.rel @!p3 .LBB2_16-.Ltmp15, $4  }
0xd3: {  	s11 =	sand.u32 @!p2 $0x7FFF8, s9;
	s14 =	sadd.s32 @!p2 $0x80, s9  }
0xd4: {  	s9 =	sand.u32 @!p2 $0x7, s9;
	s11 =	sadd.s32 @!p2 s1, s11;
	s14 =	sand.u32 @!p2 $0xFFFF8, s14  }
0xd5: {  	[tilespmem:s10], [sflag:$0x2] =	stream.linear.gather @!p2 [hbm4b:s11+s9], $0x80, $0x38;
	[tilespmem:$0x1E678] =	vst v63  }
0xd6: {  	s4 =	sadd.s32 $0x1, s4;
	s10 =	sadd.s32 @!p2 s1, s14  }
.LBB2_17:
0xd7: {  	[tilespmem:s3], [sflag:$0x2] =	stream.linear.gather @!p2 [hbm4b:s10+s9], $0x80, $0x38;
	[tilespmem:$0x1E678] =	vst v63  }
0xd8: {  	s0 =	sshll.u32 s2, $0x8  }
.Ltmp16:
0xd9: {  	s14 =	simm.s32 $0x2;
	s0 =	sand.u32 $0x3FFFFF00, s0;
	(pc) =	sbr.rel .LBB2_18-.Ltmp16, $4  }
0xda: {  	_ =	swait.ge [sflag:s14], s0  }
0xdb: {  	s0 =	ssub.s32 $0x0, s0;
	[sflag:s14] =	ssyncset.done $0x0  }
0xdc: {  	s4 =	simm.s32 $0x0;
	s11 =	smov.u32 s7;
	[sflag:s14] =	ssyncadd.s32 s0  }
0xdd: {  	s14 =	smov.u32 s15;
	s15 =	smov.u32 s17;
	s17 =	simm.s32 $0xC  }
.LBB2_19:
0xde: {  	v1 =	vld [tilespmem:s28+$0xFFFFFF80];
	_ =	sdelay $0x4  }
0xdf: {  	[tilespmem:s5+$0x208] =	vst.add.f32.msk $0xffff, v1  }
0xe0: {  	v1 =	vld [tilespmem:s28+$0xFFFFFF90];
	_ =	sdelay $0x4  }
0xe1: {  	[tilespmem:s5+$0x218] =	vst.add.f32.msk $0xffff, v1  }
0xe2: {  	v1 =	vld [tilespmem:s28+$0xFFFFFFA0];
	_ =	sdelay $0x4  }
0xe3: {  	[tilespmem:s5+$0x228] =	vst.add.f32.msk $0xffff, v1  }
0xe4: {  	v1 =	vld [tilespmem:s28+$0xFFFFFFB0];
	_ =	sdelay $0x4  }
0xe5: {  	[tilespmem:s5+$0x238] =	vst.add.f32.msk $0xffff, v1  }
0xe6: {  	v1 =	vld [tilespmem:s28+$0xFFFFFFC0];
	_ =	sdelay $0x4  }
0xe7: {  	[tilespmem:s5+$0x248] =	vst.add.f32.msk $0xffff, v1  }
0xe8: {  	v1 =	vld [tilespmem:s28+$0xFFFFFFD0];
	_ =	sdelay $0x4  }
0xe9: {  	[tilespmem:s5+$0x258] =	vst.add.f32.msk $0xffff, v1  }
0xea: {  	v1 =	vld [tilespmem:s28+$0xFFFFFFE0];
	_ =	sdelay $0x4  }
0xeb: {  	[tilespmem:s5+$0x268] =	vst.add.f32.msk $0xffff, v1  }
0xec: {  	v1 =	vld [tilespmem:s28+$0xFFFFFFF0];
	_ =	sdelay $0x4  }
0xed: {  	[tilespmem:s5+$0x278] =	vst.add.f32.msk $0xffff, v1  }
0xee: {  	v1 =	vld [tilespmem:s28+$0x0];
	_ =	sdelay $0x4  }
0xef: {  	[tilespmem:s5+$0x288] =	vst.add.f32.msk $0xffff, v1  }
0xf0: {  	v1 =	vld [tilespmem:s28+$0x10];
	_ =	sdelay $0x4  }
0xf1: {  	[tilespmem:s5+$0x298] =	vst.add.f32.msk $0xffff, v1  }
0xf2: {  	v1 =	vld [tilespmem:s28+$0x20];
	_ =	sdelay $0x4  }
0xf3: {  	[tilespmem:s5+$0x2A8] =	vst.add.f32.msk $0xffff, v1  }
0xf4: {  	v1 =	vld [tilespmem:s28+$0x30];
	_ =	sdelay $0x4  }
0xf5: {  	[tilespmem:s5+$0x2B8] =	vst.add.f32.msk $0xffff, v1  }
0xf6: {  	v1 =	vld [tilespmem:s28+$0x40];
	_ =	sdelay $0x4  }
0xf7: {  	[tilespmem:s5+$0x2C8] =	vst.add.f32.msk $0xffff, v1  }
0xf8: {  	v1 =	vld [tilespmem:s28+$0x50];
	_ =	sdelay $0x4  }
0xf9: {  	[tilespmem:s5+$0x2D8] =	vst.add.f32.msk $0xffff, v1  }
0xfa: {  	v1 =	vld [tilespmem:s28+$0x60];
	_ =	sdelay $0x4  }
0xfb: {  	[tilespmem:s5+$0x2E8] =	vst.add.f32.msk $0xffff, v1  }
0xfc: {  	v1 =	vld [tilespmem:s28+$0x70];
	_ =	sdelay $0x4  }
0xfd: {  	[tilespmem:s5+$0x2F8] =	vst.add.f32.msk $0xffff, v1  }
.LBB2_23:
0xfe: {  	s29 =	sadd.s32 $0x1, s29  }
0xff: {  	p2 =	seq.s32 s29, $0x0  }
.Ltmp17:
0x100: {  	_ = 	snop;
	(pc) =	sbr.rel @p2 .LBB2_24-.Ltmp17, $2  }
0x101: {  	_ =	sdelay $0x2  }
0x102: {  	s25 =	sadd.s32 $0x1, s25;
	s28 =	sadd.s32 $0x100, s28;
	s31 =	smov.u32 s0  }
.LBB2_18:
0x103: {  	v1 =	vld.msk [tilespmem:s25+$0x0], $0x1;
	_ =	sdelay $0x4  }
0x104: {  	(v2sf) =	vpush v1, $0x0;
	_ =	sdelay $0xe  }
0x105: {  	s0 =	spop (v2sf)  }
0x106: {  	p2 =	sne.s32 s31, s0  }
.Ltmp18:
0x107: {  	_ = 	snop;
	(pc) =	sbr.rel @!p2 .LBB2_19-.Ltmp18, $3  }
0x108: {  	_ =	sdelay $0x1  }
0x109: {  	s2 =	sshll.u32 s24, $0xA  }
0x10a: {  	s5 =	sshra.s32 s2, $0x2  }
0x10b: {  	p2 =	seq.s32 s31, s26  }
.Ltmp19:
0x10c: {  	_ = 	snop;
	(pc) =	sbr.rel @!p2 .LBB2_21-.Ltmp19, $1  }
0x10d: {  	_ =	sdelay $0x3  }
.Ltmp20:
0x10e: {  	s2 =	sadd.s32 $0x208, s5;
	(pc) =	sbr.rel .LBB2_22-.Ltmp20, $4  }
0x10f: {  	[spmem:s16] =	stream.linear.scatter [tilespmem:s2], [sflag:$0x1], $0x100, $0x38;
	[tilespmem:$0x1E678] =	vst v63  }
0x110: {  	_ =	swait.ge [sflag:s12], $0x100  }
0x111: {  	[sflag:s12] =	ssyncset.done $0x0  }
0x112: {  	[sflag:s12] =	ssyncadd.s32 $0xFFFFFF00  }
.LBB2_21:
0x113: {  	s2 =	sshll.u32 s30, $0xA  }
0x114: {  	s2 =	sshra.s32 s2, $0x2  }
0x115: {  	v1 =	vld [tilespmem:s2+$0x7308];
	_ =	sdelay $0x4  }
0x116: {  	[tilespmem:s5+$0x208] =	vst.add.f32.msk $0xffff, v1  }
0x117: {  	v1 =	vld [tilespmem:s2+$0x7318];
	_ =	sdelay $0x4  }
0x118: {  	[tilespmem:s5+$0x218] =	vst.add.f32.msk $0xffff, v1  }
0x119: {  	v1 =	vld [tilespmem:s2+$0x7328];
	_ =	sdelay $0x4  }
0x11a: {  	[tilespmem:s5+$0x228] =	vst.add.f32.msk $0xffff, v1  }
0x11b: {  	v1 =	vld [tilespmem:s2+$0x7338];
	_ =	sdelay $0x4  }
0x11c: {  	[tilespmem:s5+$0x238] =	vst.add.f32.msk $0xffff, v1  }
0x11d: {  	v1 =	vld [tilespmem:s2+$0x7348];
	_ =	sdelay $0x4  }
0x11e: {  	[tilespmem:s5+$0x248] =	vst.add.f32.msk $0xffff, v1  }
0x11f: {  	v1 =	vld [tilespmem:s2+$0x7358];
	_ =	sdelay $0x4  }
0x120: {  	[tilespmem:s5+$0x258] =	vst.add.f32.msk $0xffff, v1  }
0x121: {  	v1 =	vld [tilespmem:s2+$0x7368];
	_ =	sdelay $0x4  }
0x122: {  	[tilespmem:s5+$0x268] =	vst.add.f32.msk $0xffff, v1  }
0x123: {  	v1 =	vld [tilespmem:s2+$0x7378];
	_ =	sdelay $0x4  }
0x124: {  	[tilespmem:s5+$0x278] =	vst.add.f32.msk $0xffff, v1  }
0x125: {  	v1 =	vld [tilespmem:s2+$0x7388];
	_ =	sdelay $0x4  }
0x126: {  	[tilespmem:s5+$0x288] =	vst.add.f32.msk $0xffff, v1  }
0x127: {  	v1 =	vld [tilespmem:s2+$0x7398];
	_ =	sdelay $0x4  }
0x128: {  	[tilespmem:s5+$0x298] =	vst.add.f32.msk $0xffff, v1  }
0x129: {  	v1 =	vld [tilespmem:s2+$0x73A8];
	_ =	sdelay $0x4  }
0x12a: {  	[tilespmem:s5+$0x2A8] =	vst.add.f32.msk $0xffff, v1  }
0x12b: {  	v1 =	vld [tilespmem:s2+$0x73B8];
	_ =	sdelay $0x4  }
0x12c: {  	[tilespmem:s5+$0x2B8] =	vst.add.f32.msk $0xffff, v1  }
0x12d: {  	v1 =	vld [tilespmem:s2+$0x73C8];
	_ =	sdelay $0x4  }
0x12e: {  	[tilespmem:s5+$0x2C8] =	vst.add.f32.msk $0xffff, v1  }
0x12f: {  	v1 =	vld [tilespmem:s2+$0x73D8];
	_ =	sdelay $0x4  }
0x130: {  	[tilespmem:s5+$0x2D8] =	vst.add.f32.msk $0xffff, v1  }
0x131: {  	v1 =	vld [tilespmem:s2+$0x73E8];
	_ =	sdelay $0x4  }
0x132: {  	[tilespmem:s5+$0x2E8] =	vst.add.f32.msk $0xffff, v1  }
0x133: {  	v1 =	vld [tilespmem:s2+$0x73F8];
	_ =	sdelay $0x2  }
0x134: {  	p2 =	sgt.u32 s31, $0x50070  }
0x135: {  	s2 =	sand.u32 @!p2 $0x7FFF8, s31  }
0x136: {  	s3 =	sadd.s32 $0x208, s5;
	s9 =	sand.u32 @!p2 $0x7, s31;
	s2 =	sadd.s32 @!p2 s1, s2;
	[tilespmem:s5+$0x2F8] =	vst.add.f32.msk $0xffff, v1  }
0x137: {  	[hbm4b:s2+s9] =	stream.linear.scatter @!p2 [tilespmem:s3], [sflag:$0xC], $0x80, $0x38;
	[tilespmem:$0x1E678] =	vst v63  }
0x138: {  	s2 =	sadd.s32 @!p2 $0x80, s31  }
0x139: {  	s2 =	sand.u32 @!p2 $0xFFFF8, s2  }
0x13a: {  	s3 =	sadd.s32 $0x288, s5;
	s2 =	sadd.s32 @!p2 s1, s2  }
0x13b: {  	[hbm4b:s2+s9] =	stream.linear.scatter @!p2 [tilespmem:s3], [sflag:$0xC], $0x80, $0x38;
	[tilespmem:$0x1E678] =	vst v63  }
0x13c: {  	s2 =	simm.s32 $0x0  }
0x13d: {  	s2 =	simm.s32 @!p2 $0x400  }
0x13e: {  	s4 =	sadd.s32 s2, s4  }
.LBB2_22:
0x13f: {  	s2 =	sadd.s32 $0x1, s24  }
0x140: {  	s3 =	sshrl.u32 s2, $0x4  }
0x141: {  	s3 =	smulhi.u32 $0x24924925, s3  }
0x142: {  	v1 =	vld [tilespmem:s28+$0xFFFFFF80]  }
0x143: {  	s3 =	smul.u32 $0x70, s3;
	_ =	sdelay $0x1  }
0x144: {  	s24 =	ssub.s32 s2, s3  }
0x145: {  	s2 =	sshll.u32 s24, $0x8  }
0x146: {  	[tilespmem:s2+$0x208] =	vst v1  }
0x147: {  	v1 =	vld [tilespmem:s28+$0xFFFFFF90];
	_ =	sdelay $0x4  }
0x148: {  	[tilespmem:s2+$0x218] =	vst v1  }
0x149: {  	v1 =	vld [tilespmem:s28+$0xFFFFFFA0];
	_ =	sdelay $0x4  }
0x14a: {  	[tilespmem:s2+$0x228] =	vst v1  }
0x14b: {  	v1 =	vld [tilespmem:s28+$0xFFFFFFB0];
	_ =	sdelay $0x4  }
0x14c: {  	[tilespmem:s2+$0x238] =	vst v1  }
0x14d: {  	v1 =	vld [tilespmem:s28+$0xFFFFFFC0];
	_ =	sdelay $0x4  }
0x14e: {  	[tilespmem:s2+$0x248] =	vst v1  }
0x14f: {  	v1 =	vld [tilespmem:s28+$0xFFFFFFD0];
	_ =	sdelay $0x4  }
0x150: {  	[tilespmem:s2+$0x258] =	vst v1  }
0x151: {  	v1 =	vld [tilespmem:s28+$0xFFFFFFE0];
	_ =	sdelay $0x4  }
0x152: {  	[tilespmem:s2+$0x268] =	vst v1  }
0x153: {  	v1 =	vld [tilespmem:s28+$0xFFFFFFF0];
	_ =	sdelay $0x4  }
0x154: {  	[tilespmem:s2+$0x278] =	vst v1  }
0x155: {  	v1 =	vld [tilespmem:s28+$0x0];
	_ =	sdelay $0x4  }
0x156: {  	[tilespmem:s2+$0x288] =	vst v1  }
0x157: {  	v1 =	vld [tilespmem:s28+$0x10];
	_ =	sdelay $0x4  }
0x158: {  	[tilespmem:s2+$0x298] =	vst v1  }
0x159: {  	v1 =	vld [tilespmem:s28+$0x20];
	_ =	sdelay $0x4  }
0x15a: {  	[tilespmem:s2+$0x2A8] =	vst v1  }
0x15b: {  	v1 =	vld [tilespmem:s28+$0x30];
	_ =	sdelay $0x4  }
0x15c: {  	[tilespmem:s2+$0x2B8] =	vst v1  }
0x15d: {  	v1 =	vld [tilespmem:s28+$0x40];
	_ =	sdelay $0x4  }
0x15e: {  	[tilespmem:s2+$0x2C8] =	vst v1  }
0x15f: {  	v1 =	vld [tilespmem:s28+$0x50];
	_ =	sdelay $0x4  }
0x160: {  	[tilespmem:s2+$0x2D8] =	vst v1  }
0x161: {  	v1 =	vld [tilespmem:s28+$0x60];
	_ =	sdelay $0x4  }
0x162: {  	[tilespmem:s2+$0x2E8] =	vst v1  }
0x163: {  	v1 =	vld [tilespmem:s28+$0x70]  }
.Ltmp21:
0x164: {  	_ = 	snop;
	(pc) =	sbr.rel .LBB2_23-.Ltmp21, $2  }
0x165: {  	_ =	sdelay $0x2  }
0x166: {  	s30 =	sadd.s32 $0x1, s30;
	[tilespmem:s2+$0x2F8] =	vst v1  }
.LBB2_25:
.Ltmp22:
0x167: {  	(pc) =	sbr.rel .LBB2_26-.Ltmp22, $4  }
0x168: {  	_ = 	snop  }
0x169: {  	s0 =	simm.s32 $0x2  }
0x16a: {  	_ =	swait.ge [sflag:s0], $0x0  }
0x16b: {  	s2 =	simm.s32 $0x0;
	[sflag:s0] =	ssyncset.done $0x0;
	s0 =	smov.u32 s31  }
.LBB2_28:
0x16c: {  	_ =	sfence.sel $0x180000  }
0x16d: {  	s0 =	simm.s32 $0x9;
	[bflag:$0x0] =	sbarrier.arrive $0xFFFF  }
0x16e: {  	s24 =	simm.s32 $0xA;
	[sflag:s0] =	ssyncpa.u1 $0x1  }
0x16f: {  	s25 =	simm.s32 $0xB;
	[sflag:s24] =	ssyncpa.u1 $0x1  }
0x170: {  	s26 =	simm.s32 $0x2;
	[sflag:s25] =	ssyncpa.u1 $0x1  }
0x171: {  	[sflag:s26] =	ssyncpa.u1 $0x1  }
0x172: {  	v0 =	vld [tilespmem:$0xE408];
	_ =	sdelay $0x4  }
0x173: {  	(v2sf) =	vpush v0, $0x0  }
0x174: {  	(v2sf) =	vpush v0, $0x1;
	_ =	sdelay $0x1  }
0x175: {  	(v2sf) =	vpush v0, $0x2;
	_ =	sdelay $0xb  }
0x176: {  	s0 =	spop (v2sf)  }
0x177: {  	s2 =	spop (v2sf)  }
0x178: {  	s3 =	smov.u32 s0;
	p0 =	sne.s32 s0, s2  }
0x179: {  	s4 =	spop (v2sf);
	s3 =	simm.s32 @!p0 $0xFFFFFFFF  }
0x17a: {  	v2 =	vimm.s32 $0x1;
	v3 =	vlaneseq.u32;
	p0 =	seq.s32 s4, $0xFFFFFFFF;
	v1 =	vmov s3  }
0x17b: {  	s15 =	stileid.u32;
	v0 =	vperm.xlane v0, v2;
	p1 =	sne.s32 @!p0 s0, s2;
	v1 =	vperm.xlane v1, v3  }
0x17c: {  	vm0 =	vcmask $0x3F04;
	s6 =	simm.s32 $0xE408;
	s0 =	simm.s32 @!p0 $0x1;
	p1 =	por !p1, p0  }
0x17d: {  	s3 =	sshll.u32 s15, $0x1;
	s2 =	sshll.u32 @!p0 s4, $0xA;
	s0 =	simm.s32 @p1 $0x0;
	v0 =	vsel vm0, v1, v0  }
0x17e: {  	s5 =	sor.u32 $0x2000, s3;
	s2 =	sshra.s32 @!p0 s2, $0x2;
	s0 =	sor.u32 @!p0 s0, s3;
	[tilespmem:$0xE408] =	vst v0  }
0x17f: {  	[spmem:s5] =	stream.linear.scatter [tilespmem:s6], [sflag:$0x1], $0x2, $0x38;
	[tilespmem:$0x1E678] =	vst v63  }
0x180: {  	s2 =	sadd.s32 @!p0 $0x208, s2;
	s0 =	sshll.u32 @!p0 s0, $0x8  }
0x181: {  	[spmem:s0] =	stream.linear.scatter @!p0 [tilespmem:s2], [sflag:$0x1], $0x100, $0x38;
	[tilespmem:$0x1E678] =	vst v63  }
0x182: {  	s0 =	simm.s32 @!p0 $0x102  }
0x183: {  	s28 =	simm.s32 $0x1;
	s0 =	simm.s32 @p0 $0x2  }
0x184: {  	_ =	swait.ge [sflag:s28], s0  }
0x185: {  	s0 =	ssub.s32 $0x0, s0;
	[sflag:s28] =	ssyncset.done $0x0  }
0x186: {  	p0 =	sne.s32 s15, $0x0;
	[sflag:s28] =	ssyncadd.s32 s0  }
.Ltmp23:
0x187: {  	_ =	sfence.stream.spmem;
	(pc) =	sbr.rel @p0 .LBB2_45-.Ltmp23, $4  }
0x188: {  	s29 =	simm.s32 $0x3;
	[bflag:$0x0] =	sbarrier.arrive $0xFFFF  }
0x189: {  	s30 =	simm.s32 $0x4;
	[sflag:s29] =	ssyncpa.u1 $0x1  }
0x18a: {  	s31 =	simm.s32 $0x3C;
	[sflag:s30] =	ssyncpa.u1 $0x1  }
0x18b: {  	s14 =	rddreg [dreg:$0x4];
	[sflag:s31] =	ssyncpa.u1 $0x1  }
0x18c: {  	_ =	sfence.stream.spmem;
	s0 =	simm.s32 $0x5  }
0x18d: {  	s2 =	simm.s32 $0x2000;
	s3 =	simm.s32 $0xE418;
	[sflag:s0] =	ssyncpa.u1 $0x0  }
0x18e: {  	[tilespmem:s3], [sflag:$0x5] =	stream.linear.gather [spmem:s2], $0x20, $0x38;
	[tilespmem:$0x1E678] =	vst v63  }
0x18f: {  	s26 =	simm.s32 $0x0;
	s28 =	simm.s32 $0xE438  }
0x190: {  	[tilespmem:s28], [sflag:$0x5] =	stream.linear.gather [spmem:s26], $0x2000, $0x38;
	[tilespmem:$0x1E678] =	vst v63  }
0x191: {  	_ =	swait.ge [sflag:s0], $0x2020  }
0x192: {  	[sflag:s0] =	ssyncset.done $0x0  }
0x193: {  	s29 =	simm.s32 $0x0;
	[sflag:s0] =	ssyncadd.s32 $0xFFFFDFE0  }
0x194: {  	v0 =	vld.msk [tilespmem:s29+$0xE418], $0x1;
	_ =	sdelay $0x1  }
0x195: {  	s30 =	simm.s32 $0x1  }
0x196: {  	v1 =	vld.msk [tilespmem:s30+$0xE418], $0x1;
	_ =	sdelay $0x1  }
0x197: {  	(v2sf) =	vpush v0, $0x0;
	_ =	sdelay $0x2  }
0x198: {  	(v2sf) =	vpush v1, $0x0;
	_ =	sdelay $0x2  }
0x199: {  	s31 =	simm.s32 $0x2  }
0x19a: {  	v0 =	vld.msk [tilespmem:s31+$0xE418], $0x1;
	_ =	sdelay $0x2  }
0x19b: {  	s2 =	simm.s32 $0xFFFFFFFF;
	s3 =	simm.s32 $0xFFFFFFFF;
	s0 =	simm.s32 $0xC  }
.LBB2_30:
0x19c: {  	s4 =	smov.u32 s3;
	s5 =	smov.u32 s2  }
0x19d: {  	s2 =	sshra.s32 s0, $0x2;
	p1 =	sne.s32 s0, $0x7C;
	s0 =	sadd.s32 $0x4, s0;
	(v2sf) =	vpush v0, $0x0  }
0x19e: {  	v0 =	vld.msk [tilespmem:s2+$0xE418], $0x1  }
.Ltmp24:
0x19f: {  	(pc) =	sbr.rel @p1 .LBB2_30-.Ltmp24, $4  }
0x1a0: {  	s3 =	spop (v2sf)  }
0x1a1: {  	p2 =	sne.s32 s5, $0xFFFFFFFF;
	s2 =	smov.u32 s3  }
0x1a2: {  	p3 =	seq.s32 s3, $0xFFFFFFFF;
	s2 =	smov.u32 @p2 s5  }
0x1a3: {  	s3 =	smov.u32 @p3 s4;
	s2 =	smov.u32 @p3 s5  }
0x1a4: {  	(v2sf) =	vpush v0, $0x0;
	_ =	sdelay $0x8  }
0x1a5: {  	s0 =	spop (v2sf)  }
0x1a6: {  	p1 =	sne.s32 s2, $0xFFFFFFFF;
	s9 =	simm.s32 $0x6;
	s4 =	smov.u32 s0  }
0x1a7: {  	s6 =	simm.s32 $0x0;
	p2 =	seq.s32 s0, $0xFFFFFFFF;
	s4 =	smov.u32 @p1 s2  }
0x1a8: {  	s10 =	simm.s32 $0xE308;
	s4 =	smov.u32 @p2 s2;
	s2 =	spop (v2sf)  }
0x1a9: {  	s0 =	smov.u32 @p2 s3;
	p1 =	sne.s32 s4, $0xFFFFFFFF;
	s5 =	smov.u32 s2  }
.Ltmp25:
0x1aa: {  	p2 =	seq.s32 s2, $0xFFFFFFFF;
	s5 =	smov.u32 @p1 s4;
	(pc) =	sbr.rel .LBB2_32-.Ltmp25, $4  }
0x1ab: {  	s11 =	simm.s32 $0xE388;
	s5 =	smov.u32 @p2 s4;
	s7 =	spop (v2sf)  }
0x1ac: {  	s12 =	simm.s32 $0x0;
	p1 =	sne.s32 s5, $0xFFFFFFFF;
	s8 =	smov.u32 s7  }
0x1ad: {  	s2 =	smov.u32 @p2 s0;
	p2 =	seq.s32 s7, $0xFFFFFFFF;
	s8 =	smov.u32 @p1 s5  }
0x1ae: {  	[sflag:s9] =	ssyncpa.u1 $0x0;
	s7 =	smov.u32 @p2 s2;
	s8 =	smov.u32 @p2 s5  }
.LBB2_38:
0x1af: {  	p1 =	sgt.u32 s0, $0x50070  }
0x1b0: {  	p2 =	seq.s32 @!p1 s0, s8  }
0x1b1: {  	p1 =	por p1, p2  }
0x1b2: {  	p2 =	sne.s32 @!p1 s0, s7  }
0x1b3: {  	p1 =	por p1, !p2  }
0x1b4: {  	s0 =	sshll.u32 @p1 s12, $0xA  }
0x1b5: {  	s2 =	sand.u32 @!p1 $0x7FFF8, s0;
	s3 =	sand.u32 @!p1 $0x7, s0;
	s0 =	sadd.s32 @!p1 $0x80, s0  }
0x1b6: {  	s2 =	sadd.s32 @!p1 s1, s2;
	s0 =	sand.u32 @!p1 $0xFFFF8, s0  }
0x1b7: {  	[tilespmem:s10], [sflag:$0x6] =	stream.linear.gather @!p1 [hbm4b:s2+s3], $0x80, $0x38;
	[tilespmem:$0x1E678] =	vst v63  }
0x1b8: {  	s0 =	sadd.s32 @!p1 s1, s0  }
0x1b9: {  	[tilespmem:s11], [sflag:$0x6] =	stream.linear.gather @!p1 [hbm4b:s0+s3], $0x80, $0x38;
	[tilespmem:$0x1E678] =	vst v63  }
0x1ba: {  	_ =	swait.ge @!p1 [sflag:s9], $0x100  }
0x1bb: {  	[sflag:s9] =	ssyncset.done @!p1 $0x0  }
0x1bc: {  	[sflag:s9] =	ssyncadd.s32 @!p1 $0xFFFFFF00  }
0x1bd: {  	v1 =	vld @!p1 [tilespmem:$0xE308];
	_ =	sdelay $0x2  }
0x1be: {  	s0 =	sshll.u32 @!p1 s12, $0xA  }
0x1bf: {  	s2 =	sshrl.u32 @!p1 s0, $0x2  }
0x1c0: {  	[tilespmem:s2+$0xE438] =	vst.add.f32.msk @!p1 $0xffff, v1  }
0x1c1: {  	v1 =	vld @!p1 [tilespmem:$0xE318];
	_ =	sdelay $0x4  }
0x1c2: {  	[tilespmem:s2+$0xE448] =	vst.add.f32.msk @!p1 $0xffff, v1  }
0x1c3: {  	v1 =	vld @!p1 [tilespmem:$0xE328];
	_ =	sdelay $0x4  }
0x1c4: {  	[tilespmem:s2+$0xE458] =	vst.add.f32.msk @!p1 $0xffff, v1  }
0x1c5: {  	v1 =	vld @!p1 [tilespmem:$0xE338];
	_ =	sdelay $0x4  }
0x1c6: {  	[tilespmem:s2+$0xE468] =	vst.add.f32.msk @!p1 $0xffff, v1  }
0x1c7: {  	v1 =	vld @!p1 [tilespmem:$0xE348];
	_ =	sdelay $0x4  }
0x1c8: {  	[tilespmem:s2+$0xE478] =	vst.add.f32.msk @!p1 $0xffff, v1  }
0x1c9: {  	v1 =	vld @!p1 [tilespmem:$0xE358];
	_ =	sdelay $0x4  }
0x1ca: {  	[tilespmem:s2+$0xE488] =	vst.add.f32.msk @!p1 $0xffff, v1  }
0x1cb: {  	v1 =	vld @!p1 [tilespmem:$0xE368];
	_ =	sdelay $0x4  }
0x1cc: {  	[tilespmem:s2+$0xE498] =	vst.add.f32.msk @!p1 $0xffff, v1  }
0x1cd: {  	v1 =	vld @!p1 [tilespmem:$0xE378];
	_ =	sdelay $0x4  }
0x1ce: {  	[tilespmem:s2+$0xE4A8] =	vst.add.f32.msk @!p1 $0xffff, v1  }
0x1cf: {  	v1 =	vld @!p1 [tilespmem:$0xE388];
	_ =	sdelay $0x4  }
0x1d0: {  	[tilespmem:s2+$0xE4B8] =	vst.add.f32.msk @!p1 $0xffff, v1  }
0x1d1: {  	v1 =	vld @!p1 [tilespmem:$0xE398];
	_ =	sdelay $0x4  }
0x1d2: {  	[tilespmem:s2+$0xE4C8] =	vst.add.f32.msk @!p1 $0xffff, v1  }
0x1d3: {  	v1 =	vld @!p1 [tilespmem:$0xE3A8];
	_ =	sdelay $0x4  }
0x1d4: {  	[tilespmem:s2+$0xE4D8] =	vst.add.f32.msk @!p1 $0xffff, v1  }
0x1d5: {  	v1 =	vld @!p1 [tilespmem:$0xE3B8];
	_ =	sdelay $0x4  }
0x1d6: {  	[tilespmem:s2+$0xE4E8] =	vst.add.f32.msk @!p1 $0xffff, v1  }
0x1d7: {  	v1 =	vld @!p1 [tilespmem:$0xE3C8];
	_ =	sdelay $0x4  }
0x1d8: {  	[tilespmem:s2+$0xE4F8] =	vst.add.f32.msk @!p1 $0xffff, v1  }
0x1d9: {  	v1 =	vld @!p1 [tilespmem:$0xE3D8];
	_ =	sdelay $0x4  }
0x1da: {  	[tilespmem:s2+$0xE508] =	vst.add.f32.msk @!p1 $0xffff, v1  }
0x1db: {  	v1 =	vld @!p1 [tilespmem:$0xE3E8];
	_ =	sdelay $0x4  }
0x1dc: {  	[tilespmem:s2+$0xE518] =	vst.add.f32.msk @!p1 $0xffff, v1  }
0x1dd: {  	v1 =	vld @!p1 [tilespmem:$0xE3F8];
	_ =	sdelay $0x4  }
0x1de: {  	[tilespmem:s2+$0xE528] =	vst.add.f32.msk @!p1 $0xffff, v1  }
0x1df: {  	s0 =	sshrl.u32 s0, $0x2;
	[tilespmem:s6+$0xE418] =	vst.msk $0x1, v0  }
0x1e0: {  	v0 =	vld [tilespmem:s0+$0xE438];
	_ =	sdelay $0x2  }
0x1e1: {  	s31 =	sshll.u32 s6, $0xA  }
0x1e2: {  	s2 =	sshra.s32 s31, $0x2  }
0x1e3: {  	[tilespmem:s2+$0xE438] =	vst v0  }
0x1e4: {  	v0 =	vld [tilespmem:s0+$0xE448];
	_ =	sdelay $0x4  }
0x1e5: {  	[tilespmem:s2+$0xE448] =	vst v0  }
0x1e6: {  	v0 =	vld [tilespmem:s0+$0xE458];
	_ =	sdelay $0x4  }
0x1e7: {  	[tilespmem:s2+$0xE458] =	vst v0  }
0x1e8: {  	v0 =	vld [tilespmem:s0+$0xE468];
	_ =	sdelay $0x4  }
0x1e9: {  	[tilespmem:s2+$0xE468] =	vst v0  }
0x1ea: {  	v0 =	vld [tilespmem:s0+$0xE478];
	_ =	sdelay $0x4  }
0x1eb: {  	[tilespmem:s2+$0xE478] =	vst v0  }
0x1ec: {  	v0 =	vld [tilespmem:s0+$0xE488];
	_ =	sdelay $0x4  }
0x1ed: {  	[tilespmem:s2+$0xE488] =	vst v0  }
0x1ee: {  	v0 =	vld [tilespmem:s0+$0xE498];
	_ =	sdelay $0x4  }
0x1ef: {  	[tilespmem:s2+$0xE498] =	vst v0  }
0x1f0: {  	v0 =	vld [tilespmem:s0+$0xE4A8];
	_ =	sdelay $0x4  }
0x1f1: {  	[tilespmem:s2+$0xE4A8] =	vst v0  }
0x1f2: {  	v0 =	vld [tilespmem:s0+$0xE4B8];
	_ =	sdelay $0x4  }
0x1f3: {  	[tilespmem:s2+$0xE4B8] =	vst v0  }
0x1f4: {  	v0 =	vld [tilespmem:s0+$0xE4C8];
	_ =	sdelay $0x4  }
0x1f5: {  	[tilespmem:s2+$0xE4C8] =	vst v0  }
0x1f6: {  	v0 =	vld [tilespmem:s0+$0xE4D8];
	_ =	sdelay $0x4  }
0x1f7: {  	[tilespmem:s2+$0xE4D8] =	vst v0  }
0x1f8: {  	v0 =	vld [tilespmem:s0+$0xE4E8];
	_ =	sdelay $0x4  }
0x1f9: {  	[tilespmem:s2+$0xE4E8] =	vst v0  }
0x1fa: {  	v0 =	vld [tilespmem:s0+$0xE4F8];
	_ =	sdelay $0x4  }
0x1fb: {  	[tilespmem:s2+$0xE4F8] =	vst v0  }
0x1fc: {  	v0 =	vld [tilespmem:s0+$0xE508];
	_ =	sdelay $0x4  }
0x1fd: {  	[tilespmem:s2+$0xE508] =	vst v0  }
0x1fe: {  	v0 =	vld [tilespmem:s0+$0xE518];
	_ =	sdelay $0x4  }
0x1ff: {  	[tilespmem:s2+$0xE518] =	vst v0  }
0x200: {  	v0 =	vld [tilespmem:s0+$0xE528];
	_ =	sdelay $0x4  }
0x201: {  	s6 =	sadd.s32 $0x1, s6;
	[tilespmem:s2+$0xE528] =	vst v0  }
.LBB2_39:
0x202: {  	s12 =	sadd.s32 $0x1, s12  }
0x203: {  	p1 =	sne.s32 s12, $0x20  }
.Ltmp26:
0x204: {  	_ = 	snop;
	(pc) =	sbr.rel @!p1 .LBB2_40-.Ltmp26, $1  }
0x205: {  	_ =	sdelay $0x3  }
.LBB2_32:
0x206: {  	v0 =	vld.msk [tilespmem:s12+$0xE418], $0x1;
	_ =	sdelay $0x4  }
0x207: {  	(v2sf) =	vpush v0, $0x0;
	_ =	sdelay $0xe  }
0x208: {  	s0 =	spop (v2sf)  }
0x209: {  	p1 =	seq.s32 s0, $0xFFFFFFFF  }
.Ltmp27:
0x20a: {  	_ = 	snop;
	(pc) =	sbr.rel @p1 .LBB2_39-.Ltmp27, $1  }
0x20b: {  	_ =	sdelay $0x3  }
0x20c: {  	p1 =	slt.s32 s6, $0x1  }
.Ltmp28:
0x20d: {  	_ = 	snop;
	(pc) =	sbr.rel @p1 .LBB2_38-.Ltmp28, $1  }
0x20e: {  	_ =	sdelay $0x3  }
0x20f: {  	s4 =	simm.s32 $0xE418;
	p1 =	por $0x0, $0x0  }
0x210: {  	v1 =	vld.msk @!p1 [tilespmem:s4+$0x0], $0x1;
	_ =	sdelay $0x4  }
0x211: {  	(v2sf) =	vpush @!p1 v1, $0x0;
	_ =	sdelay $0xd  }
0x212: {  	p3 =	sne.s32 s6, $0x1  }
.Ltmp29:
0x213: {  	s2 =	spop @!p1 (v2sf);
	(pc) =	sbr.rel @!p3 .LBB2_36-.Ltmp29, $4  }
0x214: {  	p2 =	seq.s32 @!p1 s0, s2  }
0x215: {  	s5 =	simm.s32 $0x0;
	p2 =	por !p2, p1  }
0x216: {  	s2 =	simm.s32 $0xFFFFFFFF;
	s5 =	simm.s32 @p2 $0xFFFFFFFF  }
0x217: {  	s13 =	simm.s32 $0x1;
	s5 =	smov.u32 @p1 s2  }
.LBB2_35:
0x218: {  	s2 =	smov.u32 s5;
	p1 =	sne.s32 s5, $0xFFFFFFFF  }
0x219: {  	s4 =	sadd.s32 $0x1, s4;
	s5 =	smov.u32 s13;
	s13 =	sadd.s32 $0x1, s13  }
0x21a: {  	p2 =	sne.s32 s6, s13;
	v1 =	vld.msk @!p1 [tilespmem:s4+$0x0], $0x1;
	_ =	sdelay $0x4  }
0x21b: {  	(v2sf) =	vpush @!p1 v1, $0x0;
	_ =	sdelay $0xe  }
.Ltmp30:
0x21c: {  	s3 =	spop @!p1 (v2sf);
	(pc) =	sbr.rel @p2 .LBB2_35-.Ltmp30, $4  }
0x21d: {  	p3 =	seq.s32 @!p1 s0, s3  }
0x21e: {  	p3 =	por !p3, p1  }
0x21f: {  	s5 =	simm.s32 @p3 $0xFFFFFFFF  }
0x220: {  	s5 =	smov.u32 @p1 s2  }
.LBB2_36:
0x221: {  	p1 =	seq.s32 s5, $0xFFFFFFFF  }
.Ltmp31:
0x222: {  	_ = 	snop;
	(pc) =	sbr.rel @p1 .LBB2_38-.Ltmp31, $1  }
0x223: {  	_ =	sdelay $0x3  }
0x224: {  	s0 =	sshll.u32 s12, $0x8  }
0x225: {  	s0 =	sand.u32 $0x3FFFFF00, s0  }
0x226: {  	v0 =	vld [tilespmem:s0+$0xE438];
	_ =	sdelay $0x2  }
0x227: {  	s2 =	sshll.u32 s5, $0xA  }
0x228: {  	s2 =	sshra.s32 s2, $0x2  }
0x229: {  	[tilespmem:s2+$0xE438] =	vst.add.f32.msk $0xffff, v0  }
0x22a: {  	v0 =	vld [tilespmem:s0+$0xE448];
	_ =	sdelay $0x4  }
0x22b: {  	[tilespmem:s2+$0xE448] =	vst.add.f32.msk $0xffff, v0  }
0x22c: {  	v0 =	vld [tilespmem:s0+$0xE458];
	_ =	sdelay $0x4  }
0x22d: {  	[tilespmem:s2+$0xE458] =	vst.add.f32.msk $0xffff, v0  }
0x22e: {  	v0 =	vld [tilespmem:s0+$0xE468];
	_ =	sdelay $0x4  }
0x22f: {  	[tilespmem:s2+$0xE468] =	vst.add.f32.msk $0xffff, v0  }
0x230: {  	v0 =	vld [tilespmem:s0+$0xE478];
	_ =	sdelay $0x4  }
0x231: {  	[tilespmem:s2+$0xE478] =	vst.add.f32.msk $0xffff, v0  }
0x232: {  	v0 =	vld [tilespmem:s0+$0xE488];
	_ =	sdelay $0x4  }
0x233: {  	[tilespmem:s2+$0xE488] =	vst.add.f32.msk $0xffff, v0  }
0x234: {  	v0 =	vld [tilespmem:s0+$0xE498];
	_ =	sdelay $0x4  }
0x235: {  	[tilespmem:s2+$0xE498] =	vst.add.f32.msk $0xffff, v0  }
0x236: {  	v0 =	vld [tilespmem:s0+$0xE4A8];
	_ =	sdelay $0x4  }
0x237: {  	[tilespmem:s2+$0xE4A8] =	vst.add.f32.msk $0xffff, v0  }
0x238: {  	v0 =	vld [tilespmem:s0+$0xE4B8];
	_ =	sdelay $0x4  }
0x239: {  	[tilespmem:s2+$0xE4B8] =	vst.add.f32.msk $0xffff, v0  }
0x23a: {  	v0 =	vld [tilespmem:s0+$0xE4C8];
	_ =	sdelay $0x4  }
0x23b: {  	[tilespmem:s2+$0xE4C8] =	vst.add.f32.msk $0xffff, v0  }
0x23c: {  	v0 =	vld [tilespmem:s0+$0xE4D8];
	_ =	sdelay $0x4  }
0x23d: {  	[tilespmem:s2+$0xE4D8] =	vst.add.f32.msk $0xffff, v0  }
0x23e: {  	v0 =	vld [tilespmem:s0+$0xE4E8];
	_ =	sdelay $0x4  }
0x23f: {  	[tilespmem:s2+$0xE4E8] =	vst.add.f32.msk $0xffff, v0  }
0x240: {  	v0 =	vld [tilespmem:s0+$0xE4F8];
	_ =	sdelay $0x4  }
0x241: {  	[tilespmem:s2+$0xE4F8] =	vst.add.f32.msk $0xffff, v0  }
0x242: {  	v0 =	vld [tilespmem:s0+$0xE508];
	_ =	sdelay $0x4  }
0x243: {  	[tilespmem:s2+$0xE508] =	vst.add.f32.msk $0xffff, v0  }
0x244: {  	v0 =	vld [tilespmem:s0+$0xE518];
	_ =	sdelay $0x4  }
0x245: {  	[tilespmem:s2+$0xE518] =	vst.add.f32.msk $0xffff, v0  }
0x246: {  	v0 =	vld [tilespmem:s0+$0xE528]  }
.Ltmp32:
0x247: {  	_ = 	snop;
	(pc) =	sbr.rel .LBB2_39-.Ltmp32, $2  }
0x248: {  	_ =	sdelay $0x2  }
0x249: {  	[tilespmem:s2+$0xE528] =	vst.add.f32.msk $0xffff, v0  }
.LBB2_40:
0x24a: {  	s0 =	simm.s32 $0x6;
	p1 =	seq.s32 s6, $0x0  }
0x24b: {  	[sflag:s0] =	ssyncpa.u1 $0x1;
	v0 =	vimm.s32 @p1 $0xFFFFFFFF  }
0x24c: {  	s0 =	sadd.s32 $0xFFFFFFFF, s6;
	[tilespmem:$0x10438] =	vst @p1 v0  }
0x24d: {  	v0 =	vld.msk @!p1 [tilespmem:s0+$0xE418], $0x1;
	_ =	sdelay $0x1  }
0x24e: {  	v1 =	vld.msk @!p1 [tilespmem:$0xE418], $0x1;
	_ =	sdelay $0x2  }
0x24f: {  	p2 =	seq.s32 @!p1 s0, $0x0;
	v0 =	vbroadcast @!p1 v0, $0x0  }
0x250: {  	vm0 =	vmmov @!p1 $0x1;
	p2 =	por !p2, p1  }
0x251: {  	v1 =	vnsel @!p1 vm0, $0xFFFFFFFF, v1;
	vm0 =	vcmask @!p1 $0x308;
	v0 =	vpsel !p2, $0xFFFFFFFF, v0  }
0x252: {  	p2 =	sne.s32 @!p1 s8, s7;
	v0 =	vsel @!p1 vm0, v1, v0  }
0x253: {  	s2 =	simm.s32 @!p1 $0xE438;
	s3 =	simm.s32 @!p1 $0x0;
	p3 =	por !p2, p1;
	[tilespmem:$0x10438] =	vst @!p1 v0  }
0x254: {  	[spmem:s3] =	stream.linear.scatter @!p1 [tilespmem:s2], [sflag:$0x1], $0x100, $0x38;
	[tilespmem:$0x1E678] =	vst v63  }
0x255: {  	s2 =	sshll.u32 @!p3 s0, $0xA  }
0x256: {  	s2 =	sshra.s32 @!p3 s2, $0x2  }
0x257: {  	s3 =	simm.s32 @!p3 $0x100;
	s2 =	sadd.s32 @!p3 $0xE438, s2  }
0x258: {  	[spmem:s3] =	stream.linear.scatter @!p3 [tilespmem:s2], [sflag:$0x1], $0x100, $0x38;
	[tilespmem:$0x1E678] =	vst v63  }
0x259: {  	s2 =	simm.s32 @!p3 $0x1  }
0x25a: {  	_ =	swait.ge @!p3 [sflag:s2], $0x200  }
0x25b: {  	p1 =	por p2, p1;
	[sflag:s2] =	ssyncset.done @!p3 $0x0  }
0x25c: {  	[sflag:s2] =	ssyncadd.s32 @!p3 $0xFFFFFE00;
	s2 =	simm.s32 @!p1 $0x1  }
0x25d: {  	_ =	swait.ge @!p1 [sflag:s2], $0x100  }
0x25e: {  	s29 =	simm.s32 $0x10438;
	[sflag:s2] =	ssyncset.done @!p1 $0x0  }
0x25f: {  	s30 =	simm.s32 $0x2000;
	s31 =	simm.s32 $0x1;
	[sflag:s2] =	ssyncadd.s32 @!p1 $0xFFFFFF00  }
0x260: {  	[spmem:s30] =	stream.linear.scatter [tilespmem:s29], [sflag:$0x1], $0x10, $0x38;
	[tilespmem:$0x1E678] =	vst v63  }
0x261: {  	_ =	swait.ge [sflag:s31], $0x10  }
0x262: {  	[sflag:s31] =	ssyncset.done $0x0  }
0x263: {  	p1 =	seq.s32 s14, $0x0;
	s9 =	rddreg [dreg:$0x1];
	[sflag:s31] =	ssyncadd.s32 $0xFFFFFFF0  }
0x264: {  	s3 =	sshll.u32 @p1 s9, $0xE;
	s8 =	rddreg [dreg:$0x2]  }
0x265: {  	s2 =	sadd.s32 @p1 $0x15C3C, s3;
	s3 =	sshll.u32 @p1 s8, $0x11  }
0x266: {  	_ =	sfence.stream.spmem;
	s2 =	sor.u32 @p1 s3, s2  }
0x267: {  	[sflag:s2] =	ssyncadd.remote.s32 @p1 $0x1;
	s2 =	simm.s32 @p1 $0x4  }
0x268: {  	s4 =	simm.s32 @!p1 $0x3C;
	s3 =	sand.u32 $0xFFFFFFFE, s9;
	_ =	swait.ge @p1 [sflag:s2], $0x42  }
0x269: {  	s5 =	simm.s32 @!p1 $0x0;
	s3 =	sadd.s32 @!p1 $0x4, s3;
	[sflag:s2] =	ssyncset.done @p1 $0x0  }
0x26a: {  	s7 =	simm.s32 @!p1 $0x200;
	[sflag:s2] =	ssyncadd.s32 @p1 $0xFFFFFFBE;
	s2 =	sshll.u32 @!p1 s3, $0x1A  }
0x26b: {  	s3 =	sshll.u32 @!p1 s3, $0xD;
	s2 =	sor.u32 @!p1 s2, s8;
	_ =	swait.eq @!p1 [sflag:s4], $0x1  }
0x26c: {  	s3 =	sor.u32 @!p1 $0x1C04, s3;
	s4 =	simm.s32 @!p1 $0x1C03;
	s2 =	sor.u32 @!p1 $0x80004000, s2  }
0x26d: {  	[spmem:s7], [sflag:s3] =	dma.general @!p1 [spmem:s5], [sflag:s4], length:$0x40, [dreg:$0x0], stride_count:$0x0, ici_dest:s2, dma_misc:DstOpCode:WRITE  }
0x26e: {  	p2 =	slt.s32 s0, $0x2;
	s5 =	simm.s32 @!p1 $0x400;
	s7 =	simm.s32 @!p1 $0x402  }
0x26f: {  	[spmem:s7], [sflag:s3] =	dma.general @!p1 [spmem:s5], [sflag:s4], length:$0x2, [dreg:$0x0], stride_count:$0x0, ici_dest:s2, dma_misc:DstOpCode:WRITE  }
.Ltmp33:
0x270: {  	s2 =	simm.s32 @!p1 $0x3;
	(pc) =	sbr.rel @p2 .LBB2_44-.Ltmp33, $4  }
0x271: {  	s3 =	sshll.u32 @!p1 s9, $0xE;
	_ =	swait.ge @!p1 [sflag:s2], $0x42  }
0x272: {  	s4 =	sshll.u32 @!p1 s8, $0x11;
	s3 =	sadd.s32 @!p1 $0x11C3C, s3;
	[sflag:s2] =	ssyncset.done @!p1 $0x0  }
0x273: {  	[sflag:s2] =	ssyncadd.s32 @!p1 $0xFFFFFFBE;
	s2 =	sor.u32 @!p1 s4, s3  }
0x274: {  	s0 =	simm.s32 $0x0;
	[sflag:s2] =	ssyncadd.remote.s32 @!p1 $0xFFFFFFFF  }
0x275: {  	s0 =	simm.s32 $0xE419  }
0x276: {  	v0 =	vld.msk [tilespmem:s0+$0x0], $0x1;
	_ =	sdelay $0x4  }
0x277: {  	(v2sf) =	vpush v0, $0x0;
	_ =	sdelay $0xd  }
0x278: {  	s31 =	sadd.s32 $0xFFFFFFFE, s6  }
0x279: {  	s6 =	simm.s32 $0x0;
	s0 =	sadd.s32 $0xFFFFFFFF, s31;
	s2 =	spop (v2sf)  }
0x27a: {  	s3 =	simm.s32 $0xE538;
	p1 =	sne.s32 s0, $0x0;
	p2 =	sgt.u32 s2, $0x50070  }
.Ltmp34:
0x27b: {  	s4 =	simm.s32 $0xE638;
	s5 =	sand.u32 @!p2 $0x7FFF8, s2;
	(pc) =	sbr.rel @!p1 .LBB2_43-.Ltmp34, $4  }
0x27c: {  	s7 =	sadd.s32 @!p2 $0x80, s2;
	s2 =	sand.u32 @!p2 $0x7, s2;
	s6 =	simm.s32 @!p2 $0x400  }
0x27d: {  	s5 =	sadd.s32 @!p2 s1, s5;
	s7 =	sand.u32 @!p2 $0xFFFF8, s7;
	s6 =	sadd.s32 $0x0, s6  }
0x27e: {  	[hbm4b:s5+s2] =	stream.linear.scatter @!p2 [tilespmem:s3], [sflag:$0x5], $0x80, $0x38;
	[tilespmem:$0x1E678] =	vst v63  }
0x27f: {  	s5 =	simm.s32 $0xE41A;
	s3 =	simm.s32 @!p2 $0xE5B8;
	s7 =	sadd.s32 @!p2 s1, s7  }
.LBB2_42:
0x280: {  	[hbm4b:s7+s2] =	stream.linear.scatter @!p2 [tilespmem:s3], [sflag:$0x5], $0x80, $0x38;
	[tilespmem:$0x1E678] =	vst v63  }
0x281: {  	s0 =	sadd.s32 $0xFFFFFFFF, s0;
	s3 =	smov.u32 s4;
	v0 =	vld.msk [tilespmem:s5+$0x0], $0x1  }
0x282: {  	p1 =	sne.s32 s0, $0x0;
	_ =	sdelay $0x3  }
0x283: {  	(v2sf) =	vpush v0, $0x0;
	_ =	sdelay $0xe  }
0x284: {  	s4 =	sadd.s32 $0x100, s4;
	s8 =	simm.s32 $0x0;
	s2 =	spop (v2sf)  }
.Ltmp35:
0x285: {  	s5 =	sadd.s32 $0x1, s5;
	p2 =	sgt.u32 s2, $0x50070;
	(pc) =	sbr.rel @p1 .LBB2_42-.Ltmp35, $4  }
0x286: {  	s8 =	simm.s32 @!p2 $0x400;
	s7 =	sand.u32 @!p2 $0x7FFF8, s2;
	s9 =	sadd.s32 @!p2 $0x80, s2  }
0x287: {  	s2 =	sand.u32 @!p2 $0x7, s2;
	s7 =	sadd.s32 @!p2 s1, s7;
	s9 =	sand.u32 @!p2 $0xFFFF8, s9  }
0x288: {  	[hbm4b:s7+s2] =	stream.linear.scatter @!p2 [tilespmem:s3], [sflag:$0x5], $0x80, $0x38;
	[tilespmem:$0x1E678] =	vst v63  }
0x289: {  	s6 =	sadd.s32 s6, s8;
	s3 =	sadd.s32 @!p2 $0x80, s3;
	s7 =	sadd.s32 @!p2 s1, s9  }
.LBB2_43:
0x28a: {  	[hbm4b:s7+s2] =	stream.linear.scatter @!p2 [tilespmem:s3], [sflag:$0x5], $0x80, $0x38;
	[tilespmem:$0x1E678] =	vst v63  }
0x28b: {  	s0 =	sshrl.u32 s6, $0x2  }
.LBB2_44:
0x28c: {  	s2 =	simm.s32 $0x5  }
0x28d: {  	_ =	swait.ge [sflag:s2], s0  }
0x28e: {  	s31 =	ssub.s32 $0x0, s0;
	[sflag:s2] =	ssyncset.done $0x0  }
0x28f: {  	[sflag:s2] =	ssyncadd.s32 s31  }
0x290: {  	[sflag:s2] =	ssyncpa.u1 $0x1  }
.LBB2_45:
0x291: {  	s0 =	sor.u32 s14, s15  }
0x292: {  	p1 =	sne.s32 s0, $0x0  }
.Ltmp36:
0x293: {  	_ = 	snop;
	(pc) =	sbr.rel @p1 .LBB2_60-.Ltmp36, $3  }
0x294: {  	_ =	sdelay $0x1  }
0x295: {  	[bflag:$0x0] =	sbarrier.arrive $0xFFFF  }
0x296: {  	_ =	sfence  }
0x297: {  	s0 =	simm.s32 $0x7  }
0x298: {  	s2 =	simm.s32 $0x2000;
	s3 =	simm.s32 $0xE418;
	[sflag:s0] =	ssyncpa.u1 $0x0  }
0x299: {  	[tilespmem:s3], [sflag:$0x7] =	stream.linear.gather [spmem:s2], $0x20, $0x38;
	[tilespmem:$0x1E678] =	vst v63  }
0x29a: {  	s30 =	simm.s32 $0xE438;
	s2 =	simm.s32 $0x0  }
0x29b: {  	[tilespmem:s30], [sflag:$0x7] =	stream.linear.gather [spmem:s2], $0x2000, $0x38;
	[tilespmem:$0x1E678] =	vst v63  }
.Ltmp37:
0x29c: {  	_ = 	snop;
	(pc) =	sbr.rel .LBB2_47-.Ltmp37, $4  }
0x29d: {  	_ =	swait.ge [sflag:s0], $0x2020  }
0x29e: {  	[sflag:s0] =	ssyncset.done $0x0  }
0x29f: {  	s31 =	simm.s32 $0x8;
	[sflag:s0] =	ssyncadd.s32 $0xFFFFDFE0  }
0x2a0: {  	s3 =	simm.s32 $0x0;
	[sflag:s31] =	ssyncpa.u1 $0x0  }
.LBB2_53:
0x2a1: {  	p1 =	slt.u32 s0, $0x50071  }
0x2a2: {  	s4 =	sand.u32 @p1 $0x7FFF8, s0;
	s5 =	sand.u32 @p1 $0x7, s0;
	s0 =	sadd.s32 @p1 $0x80, s0  }
0x2a3: {  	s6 =	simm.s32 @p1 $0xE308;
	s4 =	sadd.s32 @p1 s1, s4;
	s0 =	sand.u32 @p1 $0xFFFF8, s0  }
0x2a4: {  	[tilespmem:s6], [sflag:$0x8] =	stream.linear.gather @p1 [hbm4b:s4+s5], $0x80, $0x38;
	[tilespmem:$0x1E678] =	vst v63  }
0x2a5: {  	s0 =	sadd.s32 @p1 s1, s0;
	s4 =	simm.s32 @p1 $0xE388  }
0x2a6: {  	[tilespmem:s4], [sflag:$0x8] =	stream.linear.gather @p1 [hbm4b:s0+s5], $0x80, $0x38;
	[tilespmem:$0x1E678] =	vst v63  }
0x2a7: {  	s0 =	simm.s32 @p1 $0x8  }
0x2a8: {  	_ =	swait.ge @p1 [sflag:s0], $0x100  }
0x2a9: {  	[sflag:s0] =	ssyncset.done @p1 $0x0  }
0x2aa: {  	[sflag:s0] =	ssyncadd.s32 @p1 $0xFFFFFF00  }
0x2ab: {  	v1 =	vld @p1 [tilespmem:$0xE308];
	_ =	sdelay $0x2  }
0x2ac: {  	s0 =	sshll.u32 @p1 s3, $0xA  }
0x2ad: {  	s4 =	sshrl.u32 @p1 s0, $0x2  }
0x2ae: {  	[tilespmem:s4+$0xE438] =	vst.add.f32.msk @p1 $0xffff, v1  }
0x2af: {  	v1 =	vld @p1 [tilespmem:$0xE318];
	_ =	sdelay $0x4  }
0x2b0: {  	[tilespmem:s4+$0xE448] =	vst.add.f32.msk @p1 $0xffff, v1  }
0x2b1: {  	v1 =	vld @p1 [tilespmem:$0xE328];
	_ =	sdelay $0x4  }
0x2b2: {  	[tilespmem:s4+$0xE458] =	vst.add.f32.msk @p1 $0xffff, v1  }
0x2b3: {  	v1 =	vld @p1 [tilespmem:$0xE338];
	_ =	sdelay $0x4  }
0x2b4: {  	[tilespmem:s4+$0xE468] =	vst.add.f32.msk @p1 $0xffff, v1  }
0x2b5: {  	v1 =	vld @p1 [tilespmem:$0xE348];
	_ =	sdelay $0x4  }
0x2b6: {  	[tilespmem:s4+$0xE478] =	vst.add.f32.msk @p1 $0xffff, v1  }
0x2b7: {  	v1 =	vld @p1 [tilespmem:$0xE358];
	_ =	sdelay $0x4  }
0x2b8: {  	[tilespmem:s4+$0xE488] =	vst.add.f32.msk @p1 $0xffff, v1  }
0x2b9: {  	v1 =	vld @p1 [tilespmem:$0xE368];
	_ =	sdelay $0x4  }
0x2ba: {  	[tilespmem:s4+$0xE498] =	vst.add.f32.msk @p1 $0xffff, v1  }
0x2bb: {  	v1 =	vld @p1 [tilespmem:$0xE378];
	_ =	sdelay $0x4  }
0x2bc: {  	[tilespmem:s4+$0xE4A8] =	vst.add.f32.msk @p1 $0xffff, v1  }
0x2bd: {  	v1 =	vld @p1 [tilespmem:$0xE388];
	_ =	sdelay $0x4  }
0x2be: {  	[tilespmem:s4+$0xE4B8] =	vst.add.f32.msk @p1 $0xffff, v1  }
0x2bf: {  	v1 =	vld @p1 [tilespmem:$0xE398];
	_ =	sdelay $0x4  }
0x2c0: {  	[tilespmem:s4+$0xE4C8] =	vst.add.f32.msk @p1 $0xffff, v1  }
0x2c1: {  	v1 =	vld @p1 [tilespmem:$0xE3A8];
	_ =	sdelay $0x4  }
0x2c2: {  	[tilespmem:s4+$0xE4D8] =	vst.add.f32.msk @p1 $0xffff, v1  }
0x2c3: {  	v1 =	vld @p1 [tilespmem:$0xE3B8];
	_ =	sdelay $0x4  }
0x2c4: {  	[tilespmem:s4+$0xE4E8] =	vst.add.f32.msk @p1 $0xffff, v1  }
0x2c5: {  	v1 =	vld @p1 [tilespmem:$0xE3C8];
	_ =	sdelay $0x4  }
0x2c6: {  	[tilespmem:s4+$0xE4F8] =	vst.add.f32.msk @p1 $0xffff, v1  }
0x2c7: {  	v1 =	vld @p1 [tilespmem:$0xE3D8];
	_ =	sdelay $0x4  }
0x2c8: {  	[tilespmem:s4+$0xE508] =	vst.add.f32.msk @p1 $0xffff, v1  }
0x2c9: {  	v1 =	vld @p1 [tilespmem:$0xE3E8];
	_ =	sdelay $0x4  }
0x2ca: {  	[tilespmem:s4+$0xE518] =	vst.add.f32.msk @p1 $0xffff, v1  }
0x2cb: {  	v1 =	vld @p1 [tilespmem:$0xE3F8];
	_ =	sdelay $0x3  }
0x2cc: {  	s5 =	sshll.u32 @!p1 s3, $0xA  }
0x2cd: {  	s5 =	smov.u32 @p1 s0;
	[tilespmem:s4+$0xE528] =	vst.add.f32.msk @p1 $0xffff, v1  }
0x2ce: {  	s0 =	sshrl.u32 s5, $0x2;
	[tilespmem:s2+$0xE418] =	vst.msk $0x1, v0  }
0x2cf: {  	v0 =	vld [tilespmem:s0+$0xE438];
	_ =	sdelay $0x2  }
0x2d0: {  	s31 =	sshll.u32 s2, $0xA  }
0x2d1: {  	s4 =	sshra.s32 s31, $0x2  }
0x2d2: {  	[tilespmem:s4+$0xE438] =	vst v0  }
0x2d3: {  	v0 =	vld [tilespmem:s0+$0xE448];
	_ =	sdelay $0x4  }
0x2d4: {  	[tilespmem:s4+$0xE448] =	vst v0  }
0x2d5: {  	v0 =	vld [tilespmem:s0+$0xE458];
	_ =	sdelay $0x4  }
0x2d6: {  	[tilespmem:s4+$0xE458] =	vst v0  }
0x2d7: {  	v0 =	vld [tilespmem:s0+$0xE468];
	_ =	sdelay $0x4  }
0x2d8: {  	[tilespmem:s4+$0xE468] =	vst v0  }
0x2d9: {  	v0 =	vld [tilespmem:s0+$0xE478];
	_ =	sdelay $0x4  }
0x2da: {  	[tilespmem:s4+$0xE478] =	vst v0  }
0x2db: {  	v0 =	vld [tilespmem:s0+$0xE488];
	_ =	sdelay $0x4  }
0x2dc: {  	[tilespmem:s4+$0xE488] =	vst v0  }
0x2dd: {  	v0 =	vld [tilespmem:s0+$0xE498];
	_ =	sdelay $0x4  }
0x2de: {  	[tilespmem:s4+$0xE498] =	vst v0  }
0x2df: {  	v0 =	vld [tilespmem:s0+$0xE4A8];
	_ =	sdelay $0x4  }
0x2e0: {  	[tilespmem:s4+$0xE4A8] =	vst v0  }
0x2e1: {  	v0 =	vld [tilespmem:s0+$0xE4B8];
	_ =	sdelay $0x4  }
0x2e2: {  	[tilespmem:s4+$0xE4B8] =	vst v0  }
0x2e3: {  	v0 =	vld [tilespmem:s0+$0xE4C8];
	_ =	sdelay $0x4  }
0x2e4: {  	[tilespmem:s4+$0xE4C8] =	vst v0  }
0x2e5: {  	v0 =	vld [tilespmem:s0+$0xE4D8];
	_ =	sdelay $0x4  }
0x2e6: {  	[tilespmem:s4+$0xE4D8] =	vst v0  }
0x2e7: {  	v0 =	vld [tilespmem:s0+$0xE4E8];
	_ =	sdelay $0x4  }
0x2e8: {  	[tilespmem:s4+$0xE4E8] =	vst v0  }
0x2e9: {  	v0 =	vld [tilespmem:s0+$0xE4F8];
	_ =	sdelay $0x4  }
0x2ea: {  	[tilespmem:s4+$0xE4F8] =	vst v0  }
0x2eb: {  	v0 =	vld [tilespmem:s0+$0xE508];
	_ =	sdelay $0x4  }
0x2ec: {  	[tilespmem:s4+$0xE508] =	vst v0  }
0x2ed: {  	v0 =	vld [tilespmem:s0+$0xE518];
	_ =	sdelay $0x4  }
0x2ee: {  	[tilespmem:s4+$0xE518] =	vst v0  }
0x2ef: {  	v0 =	vld [tilespmem:s0+$0xE528];
	_ =	sdelay $0x4  }
0x2f0: {  	s2 =	sadd.s32 $0x1, s2;
	[tilespmem:s4+$0xE528] =	vst v0  }
.LBB2_54:
0x2f1: {  	s3 =	sadd.s32 $0x1, s3  }
0x2f2: {  	p1 =	sne.s32 s3, $0x20  }
.Ltmp38:
0x2f3: {  	_ = 	snop;
	(pc) =	sbr.rel @!p1 .LBB2_55-.Ltmp38, $1  }
0x2f4: {  	_ =	sdelay $0x3  }
.LBB2_47:
0x2f5: {  	v0 =	vld.msk [tilespmem:s3+$0xE418], $0x1;
	_ =	sdelay $0x4  }
0x2f6: {  	(v2sf) =	vpush v0, $0x0;
	_ =	sdelay $0xe  }
0x2f7: {  	s0 =	spop (v2sf)  }
0x2f8: {  	p1 =	seq.s32 s0, $0xFFFFFFFF  }
.Ltmp39:
0x2f9: {  	_ = 	snop;
	(pc) =	sbr.rel @p1 .LBB2_54-.Ltmp39, $1  }
0x2fa: {  	_ =	sdelay $0x3  }
0x2fb: {  	p1 =	slt.s32 s2, $0x1  }
.Ltmp40:
0x2fc: {  	_ = 	snop;
	(pc) =	sbr.rel @p1 .LBB2_53-.Ltmp40, $1  }
0x2fd: {  	_ =	sdelay $0x3  }
0x2fe: {  	s4 =	simm.s32 $0xE418;
	p1 =	por $0x0, $0x0  }
0x2ff: {  	v1 =	vld.msk @!p1 [tilespmem:s4+$0x0], $0x1;
	_ =	sdelay $0x4  }
0x300: {  	(v2sf) =	vpush @!p1 v1, $0x0;
	_ =	sdelay $0xd  }
0x301: {  	p3 =	sne.s32 s2, $0x1  }
.Ltmp41:
0x302: {  	s5 =	spop @!p1 (v2sf);
	(pc) =	sbr.rel @!p3 .LBB2_51-.Ltmp41, $4  }
0x303: {  	p2 =	seq.s32 @!p1 s0, s5  }
0x304: {  	s5 =	simm.s32 $0x0;
	p2 =	por !p2, p1  }
0x305: {  	s7 =	simm.s32 $0xFFFFFFFF;
	s5 =	simm.s32 @p2 $0xFFFFFFFF  }
0x306: {  	s6 =	simm.s32 $0x1;
	s5 =	smov.u32 @p1 s7  }
.LBB2_50:
0x307: {  	s7 =	smov.u32 s5;
	p1 =	sne.s32 s5, $0xFFFFFFFF  }
0x308: {  	s4 =	sadd.s32 $0x1, s4;
	s5 =	smov.u32 s6;
	s6 =	sadd.s32 $0x1, s6  }
0x309: {  	p2 =	sne.s32 s2, s6;
	v1 =	vld.msk @!p1 [tilespmem:s4+$0x0], $0x1;
	_ =	sdelay $0x4  }
0x30a: {  	(v2sf) =	vpush @!p1 v1, $0x0;
	_ =	sdelay $0xe  }
.Ltmp42:
0x30b: {  	s8 =	spop @!p1 (v2sf);
	(pc) =	sbr.rel @p2 .LBB2_50-.Ltmp42, $4  }
0x30c: {  	p3 =	seq.s32 @!p1 s0, s8  }
0x30d: {  	p3 =	por !p3, p1  }
0x30e: {  	s5 =	simm.s32 @p3 $0xFFFFFFFF  }
0x30f: {  	s5 =	smov.u32 @p1 s7  }
.LBB2_51:
0x310: {  	p1 =	seq.s32 s5, $0xFFFFFFFF  }
.Ltmp43:
0x311: {  	_ = 	snop;
	(pc) =	sbr.rel @p1 .LBB2_53-.Ltmp43, $1  }
0x312: {  	_ =	sdelay $0x3  }
0x313: {  	s0 =	sshll.u32 s3, $0x8  }
0x314: {  	s0 =	sand.u32 $0x3FFFFF00, s0  }
0x315: {  	v0 =	vld [tilespmem:s0+$0xE438];
	_ =	sdelay $0x2  }
0x316: {  	s4 =	sshll.u32 s5, $0xA  }
0x317: {  	s4 =	sshra.s32 s4, $0x2  }
0x318: {  	[tilespmem:s4+$0xE438] =	vst.add.f32.msk $0xffff, v0  }
0x319: {  	v0 =	vld [tilespmem:s0+$0xE448];
	_ =	sdelay $0x4  }
0x31a: {  	[tilespmem:s4+$0xE448] =	vst.add.f32.msk $0xffff, v0  }
0x31b: {  	v0 =	vld [tilespmem:s0+$0xE458];
	_ =	sdelay $0x4  }
0x31c: {  	[tilespmem:s4+$0xE458] =	vst.add.f32.msk $0xffff, v0  }
0x31d: {  	v0 =	vld [tilespmem:s0+$0xE468];
	_ =	sdelay $0x4  }
0x31e: {  	[tilespmem:s4+$0xE468] =	vst.add.f32.msk $0xffff, v0  }
0x31f: {  	v0 =	vld [tilespmem:s0+$0xE478];
	_ =	sdelay $0x4  }
0x320: {  	[tilespmem:s4+$0xE478] =	vst.add.f32.msk $0xffff, v0  }
0x321: {  	v0 =	vld [tilespmem:s0+$0xE488];
	_ =	sdelay $0x4  }
0x322: {  	[tilespmem:s4+$0xE488] =	vst.add.f32.msk $0xffff, v0  }
0x323: {  	v0 =	vld [tilespmem:s0+$0xE498];
	_ =	sdelay $0x4  }
0x324: {  	[tilespmem:s4+$0xE498] =	vst.add.f32.msk $0xffff, v0  }
0x325: {  	v0 =	vld [tilespmem:s0+$0xE4A8];
	_ =	sdelay $0x4  }
0x326: {  	[tilespmem:s4+$0xE4A8] =	vst.add.f32.msk $0xffff, v0  }
0x327: {  	v0 =	vld [tilespmem:s0+$0xE4B8];
	_ =	sdelay $0x4  }
0x328: {  	[tilespmem:s4+$0xE4B8] =	vst.add.f32.msk $0xffff, v0  }
0x329: {  	v0 =	vld [tilespmem:s0+$0xE4C8];
	_ =	sdelay $0x4  }
0x32a: {  	[tilespmem:s4+$0xE4C8] =	vst.add.f32.msk $0xffff, v0  }
0x32b: {  	v0 =	vld [tilespmem:s0+$0xE4D8];
	_ =	sdelay $0x4  }
0x32c: {  	[tilespmem:s4+$0xE4D8] =	vst.add.f32.msk $0xffff, v0  }
0x32d: {  	v0 =	vld [tilespmem:s0+$0xE4E8];
	_ =	sdelay $0x4  }
0x32e: {  	[tilespmem:s4+$0xE4E8] =	vst.add.f32.msk $0xffff, v0  }
0x32f: {  	v0 =	vld [tilespmem:s0+$0xE4F8];
	_ =	sdelay $0x4  }
0x330: {  	[tilespmem:s4+$0xE4F8] =	vst.add.f32.msk $0xffff, v0  }
0x331: {  	v0 =	vld [tilespmem:s0+$0xE508];
	_ =	sdelay $0x4  }
0x332: {  	[tilespmem:s4+$0xE508] =	vst.add.f32.msk $0xffff, v0  }
0x333: {  	v0 =	vld [tilespmem:s0+$0xE518];
	_ =	sdelay $0x4  }
0x334: {  	[tilespmem:s4+$0xE518] =	vst.add.f32.msk $0xffff, v0  }
0x335: {  	v0 =	vld [tilespmem:s0+$0xE528]  }
.Ltmp44:
0x336: {  	_ = 	snop;
	(pc) =	sbr.rel .LBB2_54-.Ltmp44, $2  }
0x337: {  	_ =	sdelay $0x2  }
0x338: {  	[tilespmem:s4+$0xE528] =	vst.add.f32.msk $0xffff, v0  }
.LBB2_55:
0x339: {  	p1 =	slt.s32 s2, $0x1  }
.Ltmp45:
0x33a: {  	_ = 	snop;
	(pc) =	sbr.rel @p1 .LBB2_59-.Ltmp45, $3  }
0x33b: {  	_ =	sdelay $0x1  }
0x33c: {  	s0 =	simm.s32 $0x8  }
0x33d: {  	s4 =	simm.s32 $0x0;
	[sflag:s0] =	ssyncpa.u1 $0x1  }
0x33e: {  	s0 =	simm.s32 $0xE418  }
0x33f: {  	v0 =	vld.msk [tilespmem:s0+$0x0], $0x1;
	_ =	sdelay $0x4  }
0x340: {  	(v2sf) =	vpush v0, $0x0;
	_ =	sdelay $0xe  }
0x341: {  	s0 =	sadd.s32 $0xFFFFFFFF, s2;
	s3 =	spop (v2sf)  }
0x342: {  	s6 =	simm.s32 $0xE438;
	p1 =	sne.s32 s0, $0x0;
	p2 =	sgt.u32 s3, $0x50070  }
.Ltmp46:
0x343: {  	s2 =	simm.s32 $0xE538;
	s5 =	sand.u32 @!p2 $0x7FFF8, s3;
	(pc) =	sbr.rel @!p1 .LBB2_58-.Ltmp46, $4  }
0x344: {  	s7 =	sadd.s32 @!p2 $0x80, s3;
	s4 =	simm.s32 @!p2 $0x400;
	s8 =	sadd.s32 @!p2 s1, s5  }
0x345: {  	s5 =	sand.u32 @!p2 $0x7, s3;
	s3 =	simm.s32 $0xE419;
	s7 =	sand.u32 @!p2 $0xFFFF8, s7  }
0x346: {  	[hbm4b:s8+s5] =	stream.linear.scatter @!p2 [tilespmem:s6], [sflag:$0x7], $0x80, $0x38;
	[tilespmem:$0x1E678] =	vst v63  }
0x347: {  	s4 =	sadd.s32 $0x0, s4;
	s6 =	simm.s32 @!p2 $0xE4B8;
	s7 =	sadd.s32 @!p2 s1, s7  }
.LBB2_57:
0x348: {  	[hbm4b:s7+s5] =	stream.linear.scatter @!p2 [tilespmem:s6], [sflag:$0x7], $0x80, $0x38;
	[tilespmem:$0x1E678] =	vst v63  }
0x349: {  	s0 =	sadd.s32 $0xFFFFFFFF, s0;
	s6 =	smov.u32 s2;
	v0 =	vld.msk [tilespmem:s3+$0x0], $0x1  }
0x34a: {  	p1 =	sne.s32 s0, $0x0;
	_ =	sdelay $0x3  }
0x34b: {  	(v2sf) =	vpush v0, $0x0;
	_ =	sdelay $0xe  }
0x34c: {  	s2 =	sadd.s32 $0x100, s2;
	s8 =	simm.s32 $0x0;
	s5 =	spop (v2sf)  }
.Ltmp47:
0x34d: {  	s3 =	sadd.s32 $0x1, s3;
	p2 =	sgt.u32 s5, $0x50070;
	(pc) =	sbr.rel @p1 .LBB2_57-.Ltmp47, $4  }
0x34e: {  	s8 =	simm.s32 @!p2 $0x400;
	s7 =	sand.u32 @!p2 $0x7FFF8, s5;
	s9 =	sadd.s32 @!p2 $0x80, s5  }
0x34f: {  	s5 =	sand.u32 @!p2 $0x7, s5;
	s7 =	sadd.s32 @!p2 s1, s7;
	s9 =	sand.u32 @!p2 $0xFFFF8, s9  }
0x350: {  	[hbm4b:s7+s5] =	stream.linear.scatter @!p2 [tilespmem:s6], [sflag:$0x7], $0x80, $0x38;
	[tilespmem:$0x1E678] =	vst v63  }
0x351: {  	s4 =	sadd.s32 s4, s8;
	s6 =	sadd.s32 @!p2 $0x80, s6;
	s7 =	sadd.s32 @!p2 s1, s9  }
.LBB2_58:
0x352: {  	[hbm4b:s7+s5] =	stream.linear.scatter @!p2 [tilespmem:s6], [sflag:$0x7], $0x80, $0x38;
	[tilespmem:$0x1E678] =	vst v63  }
0x353: {  	s4 =	sshrl.u32 s4, $0x2  }
.LBB2_59:
0x354: {  	s0 =	simm.s32 $0x7  }
0x355: {  	_ =	swait.ge [sflag:s0], s4  }
0x356: {  	s1 =	ssub.s32 $0x0, s4;
	[sflag:s0] =	ssyncset.done $0x0  }
0x357: {  	[sflag:s0] =	ssyncadd.s32 s1  }
0x358: {  	[sflag:s0] =	ssyncpa.u1 $0x1  }
.LBB2_60:
0x359: {  	_ =	sfence;
	s0 =	simm.s32 $0x1  }
0x35a: {  	[sflag:s0] =	ssyncpa.u1 $0x1  }
0x35b: {  	_ =	strace $0x90000047  }
0x35c: {  	[bflag:$0x2] =	sbarrier.arrive $0xFFFF  }
0x35d: {  	s0 =	rddreg [dreg:$0x3]  }
0x35e: {  	s0 =	sadd.s32 @!p0 $0x100000, s0  }
0x35f: {  	[sflag:s0] =	ssyncadd.tile.s32 @!p0 $0x1;
	_ =	shalt  }
.Lfunc_end2:
_tile_overlayer_lowered:
.L_overlay_start_2:
0x360: {  	(tag) =	ssettag $0x2  }
0x361: {  	s0 =	rddreg [dreg:$0x0];
	s2 =	stileid.u32  }
0x362: {  	s1 =	rddreg [dreg:$0x1];
	p0 =	sne.s32 s2, $0x0  }
0x363: {  	s3 =	rddreg [dreg:$0x2];
	[bflag:$0x3] =	sbarrier.arrive $0xFFFF;
	s2 =	simm.s32 @!p0 $0x1C01  }
0x364: {  	[timem:s3], [sflag:s2] =	dma.local @!p0 [hbm:s0], s1  }
0x365: {  	s0 =	simm.s32 @!p0 $0x1  }
0x366: {  	_ =	swait.ge @!p0 [sflag:s0], s1  }
0x367: {  	s1 =	ssub.s32 @!p0 $0x0, s1;
	[sflag:s0] =	ssyncset.done @!p0 $0x0  }
0x368: {  	[sflag:s0] =	ssyncadd.s32 @!p0 s1  }
0x369: {  	[bflag:$0x3] =	sbarrier.arrive $0xFFFF  }
0x36a: {  	_ =	shalt  }

</sc_bundles>
